<compile_context>
chip_gen: v7x
topology: tpu7x:2x2x1
jax: 0.10.2.dev20260603
libtpu: 0.0.44.dev20260713+nightly
codegen_flags: <defaults>
</compile_context>

<pallas_src>
import functools

import jax
import jax.numpy as jnp
from jax import lax
from jax.experimental import pallas as pl
from jax.experimental.pallas import tpu as pltpu
from jax.experimental.pallas import tpu_sc as plsc

N = 10000
NP = 10240
E = 320000
NG = 64

NC = 2
NS = 16
CS = 125
ROWS = E // CS
RPS = ROWS // NS
KB = 32
RPD = (E // CS) // (NC * NS)
RPW = NP // NS
RB = 1024
GRID = NP // RB

_HIGHEST = lax.Precision.HIGHEST


def _dot(a, b):
    return lax.dot_general(a, b, (((1,), (0,)), ((), ())),
                           preferred_element_type=jnp.float32,
                           precision=_HIGHEST)


def _mesh():
    return plsc.VectorSubcoreMesh(core_axis_name="c", subcore_axis_name="s")



def _sc_degree(dst2, zeros16):
    @functools.partial(
        pl.kernel,
        out_type=(jax.ShapeDtypeStruct((NP, 16), jnp.float32),
                  jax.ShapeDtypeStruct((NP, 16), jnp.float32)),
        mesh=_mesh(),
        scratch_types=[
            pltpu.VMEM((RPD, CS), jnp.int32),
            pltpu.VMEM((CS, 16), jnp.float32),
            pltpu.VMEM_SHARED((NP, 16), jnp.float32),
            pltpu.SemaphoreType.DMA,
        ],
    )
    def deg_kernel(dst_hbm, z_hbm, dp0_hbm, dp1_hbm, dstb, ones_v, acc, sem):
        c = lax.axis_index("c")
        s = lax.axis_index("s")

        @pl.loop(0, CS)
        def _(i):
            ones_v[i, :] = jnp.full((16,), 1.0, jnp.float32)

        pltpu.async_copy(z_hbm.at[pl.ds(s * RPW, RPW)],
                         acc.at[pl.ds(s * RPW, RPW)], sem).wait()
        row0 = c * (ROWS // NC) + s * RPD
        pltpu.sync_copy(dst_hbm.at[pl.ds(row0, RPD)], dstb)
        plsc.subcore_barrier()

        @pl.loop(0, RPD)
        def _(j):
            pltpu.sync_copy(ones_v, acc.at[dstb.at[j]], add=True)

        plsc.subcore_barrier()

        @pl.when(c == 0)
        def _():
            pltpu.sync_copy(acc.at[pl.ds(s * RPW, RPW)],
                            dp0_hbm.at[pl.ds(s * RPW, RPW)])

        @pl.when(c == 1)
        def _():
            pltpu.sync_copy(acc.at[pl.ds(s * RPW, RPW)],
                            dp1_hbm.at[pl.ds(s * RPW, RPW)])

    return deg_kernel(dst2, zeros16)



def _sc_scatter(src2, dst2, m0, m1):
    @functools.partial(
        pl.kernel,
        out_type=(jax.ShapeDtypeStruct((NP, 128), jnp.float32),
                  jax.ShapeDtypeStruct((NP, 128), jnp.float32)),
        mesh=_mesh(),
        scratch_types=[
            pltpu.VMEM((KB, CS), jnp.int32),
            pltpu.VMEM((KB, CS), jnp.int32),
            pltpu.VMEM((128, 128), jnp.float32),
            pltpu.VMEM((128, 128), jnp.float32),
            pltpu.VMEM_SHARED((NP, 128), jnp.float32),
            pltpu.SemaphoreType.DMA,
            pltpu.SemaphoreType.DMA,
        ],
    )
    def scat_kernel(src_hbm, dst_hbm, m0_hbm, m1_hbm,
                    a0_hbm, a1_hbm, srcb, dstb, msgs0, msgs1, acc,
                    gsem0, gsem1):
        c = lax.axis_index("c")
        s = lax.axis_index("s")

        @pl.loop(0, 128)
        def _(i):
            msgs0[i, pl.ds(0, 16)] = jnp.zeros((16,), jnp.float32)
            msgs0[i, pl.ds(16, 16)] = jnp.zeros((16,), jnp.float32)
            msgs0[i, pl.ds(32, 16)] = jnp.zeros((16,), jnp.float32)
            msgs0[i, pl.ds(48, 16)] = jnp.zeros((16,), jnp.float32)
            msgs0[i, pl.ds(64, 16)] = jnp.zeros((16,), jnp.float32)
            msgs0[i, pl.ds(80, 16)] = jnp.zeros((16,), jnp.float32)
            msgs0[i, pl.ds(96, 16)] = jnp.zeros((16,), jnp.float32)
            msgs0[i, pl.ds(112, 16)] = jnp.zeros((16,), jnp.float32)

        @pl.loop(0, RPW // 128)
        def _(r):
            pltpu.sync_copy(msgs0, acc.at[pl.ds(s * RPW + r * 128, 128)])

        plsc.subcore_barrier()

        @pl.loop(0, RPS // KB)
        def _(b):
            row0 = s * RPS + b * KB
            pltpu.sync_copy(src_hbm.at[pl.ds(row0, KB)], srcb)
            pltpu.sync_copy(dst_hbm.at[pl.ds(row0, KB)], dstb)

            def pairs(m_hbm):
                def gissue(j_, buf, sem):
                    pltpu.async_copy(m_hbm.at[srcb.at[j_]],
                                     buf.at[pl.ds(0, CS)], sem)

                def gwait(j_, buf, sem):
                    pltpu.make_async_copy(m_hbm.at[srcb.at[j_]],
                                          buf.at[pl.ds(0, CS)], sem).wait()

                def scat(j_, buf):
                    pltpu.sync_copy(buf.at[pl.ds(0, CS)],
                                    acc.at[dstb.at[j_]], add=True)

                gissue(0, msgs0, gsem0)
                gissue(1, msgs1, gsem1)

                @pl.loop(0, KB // 2 - 1)
                def _(j2):
                    j = 2 * j2
                    gwait(j, msgs0, gsem0)
                    scat(j, msgs0)
                    gissue(j + 2, msgs0, gsem0)
                    gwait(j + 1, msgs1, gsem1)
                    scat(j + 1, msgs1)
                    gissue(j + 3, msgs1, gsem1)

                gwait(KB - 2, msgs0, gsem0)
                scat(KB - 2, msgs0)
                gwait(KB - 1, msgs1, gsem1)
                scat(KB - 1, msgs1)

            @pl.when(c == 0)
            def _():
                pairs(m0_hbm)

            @pl.when(c == 1)
            def _():
                pairs(m1_hbm)

        plsc.subcore_barrier()

        @pl.when(c == 0)
        def _():
            pltpu.sync_copy(acc.at[pl.ds(s * RPW, RPW)],
                            a0_hbm.at[pl.ds(s * RPW, RPW)])

        @pl.when(c == 1)
        def _():
            pltpu.sync_copy(acc.at[pl.ds(s * RPW, RPW)],
                            a1_hbm.at[pl.ds(s * RPW, RPW)])

    return scat_kernel(src2, dst2, m0, m1)



def _dinv_block(dp0_ref, dp1_ref):
    deg = dp0_ref[:, 0:1] + dp1_ref[:, 0:1] + 1.0
    return lax.rsqrt(deg)


def _tc_matmul1(x, W1):
    f_in = x.shape[1]
    f_h = W1.shape[1]

    def body(x_ref, w_ref, h_ref):
        h_ref[...] = _dot(x_ref[...], w_ref[...])

    return pl.pallas_call(
        body,
        grid=(GRID,),
        in_specs=[
            pl.BlockSpec((RB, f_in), lambda i: (i, 0)),
            pl.BlockSpec((f_in, f_h), lambda i: (0, 0)),
        ],
        out_specs=pl.BlockSpec((RB, f_h), lambda i: (i, 0)),
        out_shape=jax.ShapeDtypeStruct((NP, f_h), jnp.float32),
    )(x, W1)


def _tc_scale1(h, dp0, dp1):
    def body(h_ref, dp0_ref, dp1_ref, o0_ref, o1_ref):
        dinv = _dinv_block(dp0_ref, dp1_ref)
        m = h_ref[...] * dinv
        o0_ref[...] = m[:, :128]
        o1_ref[...] = m[:, 128:]

    return pl.pallas_call(
        body,
        grid=(GRID,),
        in_specs=[
            pl.BlockSpec((RB, 256), lambda i: (i, 0)),
            pl.BlockSpec((RB, 16), lambda i: (i, 0)),
            pl.BlockSpec((RB, 16), lambda i: (i, 0)),
        ],
        out_specs=[
            pl.BlockSpec((RB, 128), lambda i: (i, 0)),
            pl.BlockSpec((RB, 128), lambda i: (i, 0)),
        ],
        out_shape=[jax.ShapeDtypeStruct((NP, 128), jnp.float32),
                   jax.ShapeDtypeStruct((NP, 128), jnp.float32)],
    )(h, dp0, dp1)


def _tc_mid(a0, a1, m0, m1, dp0, dp1, b, W):
    f_h = W.shape[1]

    def body(a0_ref, a1_ref, m0_ref, m1_ref, dp0_ref, dp1_ref, b_ref, w_ref,
             o0_ref, o1_ref):
        dinv = _dinv_block(dp0_ref, dp1_ref)
        act0 = jnp.maximum((a0_ref[...] + m0_ref[...]) * dinv
                           + b_ref[:, :128], 0.0)
        act1 = jnp.maximum((a1_ref[...] + m1_ref[...]) * dinv
                           + b_ref[:, 128:], 0.0)
        h = _dot(act0, w_ref[:128, :]) + _dot(act1, w_ref[128:, :])
        m = h * dinv
        o0_ref[...] = m[:, :128]
        o1_ref[...] = m[:, 128:]

    return pl.pallas_call(
        body,
        grid=(GRID,),
        in_specs=[
            pl.BlockSpec((RB, 128), lambda i: (i, 0)),
            pl.BlockSpec((RB, 128), lambda i: (i, 0)),
            pl.BlockSpec((RB, 128), lambda i: (i, 0)),
            pl.BlockSpec((RB, 128), lambda i: (i, 0)),
            pl.BlockSpec((RB, 16), lambda i: (i, 0)),
            pl.BlockSpec((RB, 16), lambda i: (i, 0)),
            pl.BlockSpec((1, 256), lambda i: (0, 0)),
            pl.BlockSpec((256, f_h), lambda i: (0, 0)),
        ],
        out_specs=[
            pl.BlockSpec((RB, 128), lambda i: (i, 0)),
            pl.BlockSpec((RB, 128), lambda i: (i, 0)),
        ],
        out_shape=[jax.ShapeDtypeStruct((NP, 128), jnp.float32),
                   jax.ShapeDtypeStruct((NP, 128), jnp.float32)],
    )(a0, a1, m0, m1, dp0, dp1, b, W)


def _tc_final(a0, a1, m0, m1, dp0, dp1, b, bid, Wh, bh):
    f_out = Wh.shape[1]

    def body(a0_ref, a1_ref, m0_ref, m1_ref, dp0_ref, dp1_ref, b_ref, bid_ref,
             wh_ref, bh_ref, o_ref, p0_ref, p1_ref):
        i = pl.program_id(0)

        @pl.when(i == 0)
        def _():
            p0_ref[...] = jnp.zeros_like(p0_ref)
            p1_ref[...] = jnp.zeros_like(p1_ref)

        dinv = _dinv_block(dp0_ref, dp1_ref)
        act0 = jnp.maximum((a0_ref[...] + m0_ref[...]) * dinv
                           + b_ref[:, :128], 0.0)
        act1 = jnp.maximum((a1_ref[...] + m1_ref[...]) * dinv
                           + b_ref[:, 128:], 0.0)
        groups = lax.broadcasted_iota(jnp.int32, (1, NG), 1)
        onehot = (bid_ref[...] == groups).astype(jnp.float32)
        pool = lambda oh, a: lax.dot_general(
            oh, a, (((0,), (0,)), ((), ())),
            preferred_element_type=jnp.float32, precision=_HIGHEST)
        p0_ref[...] += pool(onehot, act0)
        p1_ref[...] += pool(onehot, act1)

        @pl.when(i == GRID - 1)
        def _():
            o_ref[...] = (_dot(p0_ref[...], wh_ref[:128, :])
                          + _dot(p1_ref[...], wh_ref[128:, :])
                          + bh_ref[...])

    return pl.pallas_call(
        body,
        grid=(GRID,),
        in_specs=[
            pl.BlockSpec((RB, 128), lambda i: (i, 0)),
            pl.BlockSpec((RB, 128), lambda i: (i, 0)),
            pl.BlockSpec((RB, 128), lambda i: (i, 0)),
            pl.BlockSpec((RB, 128), lambda i: (i, 0)),
            pl.BlockSpec((RB, 16), lambda i: (i, 0)),
            pl.BlockSpec((RB, 16), lambda i: (i, 0)),
            pl.BlockSpec((1, 256), lambda i: (0, 0)),
            pl.BlockSpec((RB, 1), lambda i: (i, 0)),
            pl.BlockSpec((256, f_out), lambda i: (0, 0)),
            pl.BlockSpec((1, f_out), lambda i: (0, 0)),
        ],
        out_specs=pl.BlockSpec((NG, f_out), lambda i: (0, 0)),
        out_shape=jax.ShapeDtypeStruct((NG, f_out), jnp.float32),
        scratch_shapes=[pltpu.VMEM((NG, 128), jnp.float32),
                        pltpu.VMEM((NG, 128), jnp.float32)],
    )(a0, a1, m0, m1, dp0, dp1, b, bid, Wh, bh)



def kernel(x, edge_index, edge_attr, batch_ids, W1, b1, W2, b2, W3, b3,
           Wh, bh):
    src = edge_index[0].reshape(ROWS, CS)
    dst = edge_index[1].reshape(ROWS, CS)
    zeros16 = jnp.zeros((NP, 16), jnp.float32)
    x = jnp.pad(x, ((0, NP - N), (0, 0)))
    bid = jnp.concatenate(
        [batch_ids, jnp.full((NP - N,), NG, batch_ids.dtype)]).reshape(NP, 1)
    b1r = b1.reshape(1, -1)
    b2r = b2.reshape(1, -1)
    b3r = b3.reshape(1, -1)
    bhr = bh.reshape(1, -1)

    dp0, dp1 = _sc_degree(dst, zeros16)
    h1 = _tc_matmul1(x, W1)

    m0, m1 = _tc_scale1(h1, dp0, dp1)
    a0, a1 = _sc_scatter(src, dst, m0, m1)

    m0, m1 = _tc_mid(a0, a1, m0, m1, dp0, dp1, b1r, W2)
    a0, a1 = _sc_scatter(src, dst, m0, m1)

    m0, m1 = _tc_mid(a0, a1, m0, m1, dp0, dp1, b2r, W3)
    a0, a1 = _sc_scatter(src, dst, m0, m1)

    return _tc_final(a0, a1, m0, m1, dp0, dp1, b3r, bid, Wh, bhr)

# --- scband reference (transcript-rebuilt; emitter-appended) ---
"""Pipeline reference for scband-simple-mpnn-18279380812414 (READ-ONLY COPY).

The authoritative reference and input builder live on the scoring server;
editing this copy changes nothing except your own understanding.
"""

import jax, jax.numpy as jnp
import numpy as np

N = 10000
E = 320000
F_IN = 128
F_H = 256
F_OUT = 128
NG = 64


def setup_inputs(seed: int = 0) -> dict:
    key = jax.random.key(seed)
    ks = jax.random.split(key, 16)
    x = jax.random.normal(ks[0], (N, F_IN), dtype=jnp.float32)
    edge_index = jax.random.randint(ks[1], (2, E), 0, N, dtype=jnp.int32)
    edge_attr = jax.random.normal(ks[2], (E, 4), dtype=jnp.float32)
    batch_ids = jnp.sort(jax.random.randint(ks[3], (N,), 0, NG, dtype=jnp.int32))
    W1 = jax.random.normal(ks[4], (F_IN, F_H), dtype=jnp.float32) / np.sqrt(F_IN)
    b1 = jnp.zeros((F_H,), dtype=jnp.float32)
    W2 = jax.random.normal(ks[5], (F_H, F_H), dtype=jnp.float32) / np.sqrt(F_H)
    b2 = jnp.zeros((F_H,), dtype=jnp.float32)
    W3 = jax.random.normal(ks[6], (F_H, F_H), dtype=jnp.float32) / np.sqrt(F_H)
    b3 = jnp.zeros((F_H,), dtype=jnp.float32)
    Wh = jax.random.normal(ks[7], (F_H, F_OUT), dtype=jnp.float32) / np.sqrt(F_H)
    bh = jnp.zeros((F_OUT,), dtype=jnp.float32)
    return {"x": x, "edge_index": edge_index, "edge_attr": edge_attr,
            "batch_ids": batch_ids, "W1": W1, "b1": b1, "W2": W2, "b2": b2,
            "W3": W3, "b3": b3, "Wh": Wh, "bh": bh}


def _gcn_conv(x, src, dst, W, b):
    # PyG GCNConv: linear transform, symmetric normalization with self-loops, scatter-add
    h = x @ W
    loop = jnp.arange(N, dtype=src.dtype)
    src_sl = jnp.concatenate([src, loop])
    dst_sl = jnp.concatenate([dst, loop])
    deg = jnp.zeros((N,), dtype=jnp.float32).at[dst_sl].add(1.0)
    dinv = jax.lax.rsqrt(jnp.clip(deg, 1.0, None))
    norm = dinv[src_sl] * dinv[dst_sl]
    msg = h[src_sl] * norm[:, None]
    out = jnp.zeros((N, W.shape[1]), dtype=jnp.float32).at[dst_sl].add(msg)
    return out + b


def reference(x, edge_index, edge_attr, batch_ids, W1, b1, W2, b2, W3, b3, Wh, bh):
    # dropout in eval mode -> identity; embedder is Identity; edge_attr unused by GCNConv
    src = edge_index[0]
    dst = edge_index[1]
    h = _gcn_conv(x, src, dst, W1, b1)
    h = jax.nn.relu(h)
    h = _gcn_conv(h, src, dst, W2, b2)
    h = jax.nn.relu(h)
    h = _gcn_conv(h, src, dst, W3, b3)
    h = jax.nn.relu(h)
    pooled = jax.ops.segment_sum(h, batch_ids, num_segments=NG)  # global_add_pool
    out = pooled @ Wh + bh
    return out

if __name__ == "__main__":
    import jax
    _d = setup_inputs()
    print(jax.jit(kernel)(*tuple(_d.values())))

</pallas_src>

<mosaic_0001>
#map = affine_map<(d0, d1) -> (0, 0)>
module attributes {stable_mosaic.version = 14 : i64} {
  func.func @deg_kernel(%arg0: i32, %arg1: i32, %arg2: memref<2560x125xi32, #tpu.memory_space<hbm>>, %arg3: memref<10240x16xf32, #tpu.memory_space<hbm>>, %arg4: memref<10240x16xf32, #tpu.memory_space<hbm>>, %arg5: memref<10240x16xf32, #tpu.memory_space<hbm>>, %arg6: memref<80x125xi32, #tpu.memory_space<vmem>>, %arg7: memref<125x16xf32, #tpu.memory_space<vmem>>, %arg8: memref<10240x16xf32, #tpu.memory_space<vmem_shared>>, %arg9: memref<!tpu.dma_semaphore, #tpu.memory_space<semaphore_mem>>) attributes {dimension_semantics = [#tpu.dimension_semantics<core_parallel>, #tpu.dimension_semantics<subcore_parallel>], iteration_bounds = array<i64: 2, 16>, scalar_prefetch = 0 : i64, scratch_operands = 4 : i64, tpu.core_type = #tpu.core_type<sc_vector_subcore>, window_params = [{transform_indices = #map}, {transform_indices = #map}, {transform_indices = #map}, {transform_indices = #map}]} {
    %scan3A = arith.constant 0 : i32
    %scan3A_0 = arith.constant 125 : i32
    %scan3A_1 = arith.addi %scan3A, %scan3A_0 : i32
    %scan3A_2 = arith.constant 1 : i32
    scf.for %scan3A_30 = %scan3A to %scan3A_1 step %scan3A_2  : i32 {
      %mul3A_31 = arith.constant 1 : i32
      %mul3A_32 = arith.muli %scan3A_30, %mul3A_31 : i32
      %add3A_33 = arith.constant 0 : i32
      %add3A_34 = arith.addi %add3A_33, %mul3A_32 : i32
      %broadcast_in_dim3A = arith.constant 1.000000e+00 : f32
      %broadcast_in_dim3A_35 = vector.broadcast %broadcast_in_dim3A : f32 to vector<16xf32>
      %swap3A = arith.index_cast %add3A_34 : i32 to index
      %swap3A_36 = arith.constant 0 : index
      %swap3A_37 = tpu.vector_load %arg7[%swap3A, %swap3A_36] {strides = array<i32>} : memref<125x16xf32, #tpu.memory_space<vmem>>, vector<1x16xf32>,
      %swap3A_38 = vector.shape_cast %swap3A_37 : vector<1x16xf32> to vector<16xf32>
      %swap3A_39 = vector.shape_cast %broadcast_in_dim3A_35 : vector<16xf32> to vector<1x16xf32>
      tpu.vector_store %arg7[%swap3A, %swap3A_36], %swap3A_39 {strides = array<i32>} : memref<125x16xf32, #tpu.memory_space<vmem>>, vector<1x16xf32>,
    }
    %scan3A_3 = arith.constant 125 : i32
    %mul3A = arith.constant 640 : i32
    %mul3A_4 = arith.muli %arg1, %mul3A : i32
    %mul3A_5 = arith.constant 640 : i32
    %mul3A_6 = arith.muli %arg1, %mul3A_5 : i32
    %dma_start3A = arith.constant 0 : i32
    %dma_start3A_7 = tpu.memref_slice %arg8[%mul3A_6, %dma_start3A] : memref<10240x16xf32, #tpu.memory_space<vmem_shared>> -> memref<640x16xf32, #tpu.memory_space<vmem_shared>>
    %dma_start3A_8 = arith.constant 0 : i32
    %dma_start3A_9 = tpu.memref_slice %arg3[%mul3A_4, %dma_start3A_8] : memref<10240x16xf32, #tpu.memory_space<hbm>> -> memref<640x16xf32, #tpu.memory_space<hbm>>
    tpu.enqueue_dma source(%dma_start3A_9 : memref<640x16xf32, #tpu.memory_space<hbm>>) target(%dma_start3A_7 : memref<640x16xf32, #tpu.memory_space<vmem_shared>>) target_semaphore(%arg9 : memref<!tpu.dma_semaphore, #tpu.memory_space<semaphore_mem>>)
    %dma_wait3A = arith.constant 0 : i32
    %dma_wait3A_10 = tpu.memref_slice %arg8[%mul3A_6, %dma_wait3A] : memref<10240x16xf32, #tpu.memory_space<vmem_shared>> -> memref<640x16xf32, #tpu.memory_space<vmem_shared>>
    %dma_wait3A_11 = arith.constant 0 : i32
    %dma_wait3A_12 = tpu.memref_slice %arg3[%mul3A_4, %dma_wait3A_11] : memref<10240x16xf32, #tpu.memory_space<hbm>> -> memref<640x16xf32, #tpu.memory_space<hbm>>
    tpu.wait_dma2 semaphore(%arg9 : memref<!tpu.dma_semaphore, #tpu.memory_space<semaphore_mem>>) src(%dma_wait3A_12 : memref<640x16xf32, #tpu.memory_space<hbm>>) dst(%dma_wait3A_10 : memref<640x16xf32, #tpu.memory_space<vmem_shared>>)
    %mul3A_13 = arith.constant 1280 : i32
    %mul3A_14 = arith.muli %arg0, %mul3A_13 : i32
    %mul3A_15 = arith.constant 80 : i32
    %mul3A_16 = arith.muli %arg1, %mul3A_15 : i32
    %add3A = arith.addi %mul3A_14, %mul3A_16 : i32
    "tpu.region"() ({
      %run_scoped3A = tpu.sem_alloc : memref<!tpu.dma_semaphore, #tpu.memory_space<semaphore_mem>>
      %dma_start3A_30 = arith.constant 0 : i32
      %dma_start3A_31 = tpu.memref_slice %arg2[%add3A, %dma_start3A_30] : memref<2560x125xi32, #tpu.memory_space<hbm>> -> memref<80x125xi32, #tpu.memory_space<hbm>>
      %dma_start3A_32 = arith.constant 0 : i32
      %dma_start3A_33 = tpu.memref_slice %arg2[%add3A, %dma_start3A_32] : memref<2560x125xi32, #tpu.memory_space<hbm>> -> memref<80x125xi32, #tpu.memory_space<hbm>>
      tpu.enqueue_dma source(%dma_start3A_33 : memref<80x125xi32, #tpu.memory_space<hbm>>) target(%arg6 : memref<80x125xi32, #tpu.memory_space<vmem>>) target_semaphore(%run_scoped3A : memref<!tpu.dma_semaphore, #tpu.memory_space<semaphore_mem>>)
      %dma_wait3A_34 = arith.constant 0 : i32
      %dma_wait3A_35 = tpu.memref_slice %arg2[%add3A, %dma_wait3A_34] : memref<2560x125xi32, #tpu.memory_space<hbm>> -> memref<80x125xi32, #tpu.memory_space<hbm>>
      %dma_wait3A_36 = arith.constant 0 : i32
      %dma_wait3A_37 = tpu.memref_slice %arg2[%add3A, %dma_wait3A_36] : memref<2560x125xi32, #tpu.memory_space<hbm>> -> memref<80x125xi32, #tpu.memory_space<hbm>>
      tpu.wait_dma2 semaphore(%run_scoped3A : memref<!tpu.dma_semaphore, #tpu.memory_space<semaphore_mem>>) src(%dma_wait3A_37 : memref<80x125xi32, #tpu.memory_space<hbm>>) dst(%arg6 : memref<80x125xi32, #tpu.memory_space<vmem>>)
      tpu.yield
    }) : () -> ()
    %barrier3A = arith.constant 0 : index
    tpu.barrier barrier_id(%barrier3A)
    %scan3A_17 = arith.constant 0 : i32
    %scan3A_18 = arith.constant 80 : i32
    %scan3A_19 = arith.addi %scan3A_17, %scan3A_18 : i32
    %scan3A_20 = arith.constant 1 : i32
    scf.for %scan3A_30 = %scan3A_17 to %scan3A_19 step %scan3A_20  : i32 {
      %mul3A_31 = arith.constant 1 : i32
      %mul3A_32 = arith.muli %scan3A_30, %mul3A_31 : i32
      %add3A_33 = arith.constant 0 : i32
      %add3A_34 = arith.addi %add3A_33, %mul3A_32 : i32
      "tpu.region"() ({
        %run_scoped3A = tpu.sem_alloc : memref<!tpu.dma_semaphore, #tpu.memory_space<semaphore_mem>>
        %dma_start3A_35 = arith.constant 0 : i32
        %dma_start3A_36 = tpu.memref_slice %arg6[%add3A_34, %dma_start3A_35] : memref<80x125xi32, #tpu.memory_space<vmem>> -> memref<1x125xi32, #tpu.memory_space<vmem>>
        %dma_start3A_37 = tpu.memref_squeeze %dma_start3A_36 : memref<1x125xi32, #tpu.memory_space<vmem>> -> memref<125xi32, #tpu.memory_space<vmem>>
        %dma_start3A_38 = arith.constant 0 : i32
        %dma_start3A_39 = arith.constant 0 : i32
        %dma_start3A_40 = tpu.memref_slice %arg8[%dma_start3A_38, %dma_start3A_39] : memref<10240x16xf32, #tpu.memory_space<vmem_shared>> -> memref<10240x16xf32, #tpu.memory_space<vmem_shared>>
        tpu.enqueue_indirect_dma source(%arg7 : memref<125x16xf32, #tpu.memory_space<vmem>>) target(%dma_start3A_40 : memref<10240x16xf32, #tpu.memory_space<vmem_shared>>) offsets(%dma_start3A_37 : memref<125xi32, #tpu.memory_space<vmem>>) semaphore(%run_scoped3A : memref<!tpu.dma_semaphore, #tpu.memory_space<semaphore_mem>>) {add = true}
        %dma_wait3A_41 = arith.constant 0 : i32
        %dma_wait3A_42 = tpu.memref_slice %arg6[%add3A_34, %dma_wait3A_41] : memref<80x125xi32, #tpu.memory_space<vmem>> -> memref<1x125xi32, #tpu.memory_space<vmem>>
        %dma_wait3A_43 = tpu.memref_squeeze %dma_wait3A_42 : memref<1x125xi32, #tpu.memory_space<vmem>> -> memref<125xi32, #tpu.memory_space<vmem>>
        %dma_wait3A_44 = arith.constant 0 : i32
        %dma_wait3A_45 = arith.constant 0 : i32
        %dma_wait3A_46 = tpu.memref_slice %arg8[%dma_wait3A_44, %dma_wait3A_45] : memref<10240x16xf32, #tpu.memory_space<vmem_shared>> -> memref<10240x16xf32, #tpu.memory_space<vmem_shared>>
        tpu.wait_indirect_dma semaphore(%run_scoped3A : memref<!tpu.dma_semaphore, #tpu.memory_space<semaphore_mem>>) src(%arg7 : memref<125x16xf32, #tpu.memory_space<vmem>>) dst(%dma_wait3A_46 : memref<10240x16xf32, #tpu.memory_space<vmem_shared>>)
        tpu.yield
      }) : () -> ()
    }
    %scan3A_21 = arith.constant 80 : i32
    %barrier3A_22 = arith.constant 0 : index
    tpu.barrier barrier_id(%barrier3A_22)
    %eq3A = arith.constant 0 : i32
    %eq3A_23 = arith.cmpi eq, %arg0, %eq3A : i32
    %convert_element_type3A = arith.extui %eq3A_23 : i1 to i32
    %cond3A = arith.constant 0 : i32
    %cond3A_24 = arith.cmpi ne, %convert_element_type3A, %cond3A : i32
    scf.if %cond3A_24 {
      %mul3A_30 = arith.constant 640 : i32
      %mul3A_31 = arith.muli %arg1, %mul3A_30 : i32
      %mul3A_32 = arith.constant 640 : i32
      %mul3A_33 = arith.muli %arg1, %mul3A_32 : i32
      "tpu.region"() ({
        %run_scoped3A = tpu.sem_alloc : memref<!tpu.dma_semaphore, #tpu.memory_space<semaphore_mem>>
        %dma_start3A_34 = arith.constant 0 : i32
        %dma_start3A_35 = tpu.memref_slice %arg4[%mul3A_33, %dma_start3A_34] : memref<10240x16xf32, #tpu.memory_space<hbm>> -> memref<640x16xf32, #tpu.memory_space<hbm>>
        %dma_start3A_36 = arith.constant 0 : i32
        %dma_start3A_37 = tpu.memref_slice %arg8[%mul3A_31, %dma_start3A_36] : memref<10240x16xf32, #tpu.memory_space<vmem_shared>> -> memref<640x16xf32, #tpu.memory_space<vmem_shared>>
        tpu.enqueue_dma source(%dma_start3A_37 : memref<640x16xf32, #tpu.memory_space<vmem_shared>>) target(%dma_start3A_35 : memref<640x16xf32, #tpu.memory_space<hbm>>) target_semaphore(%run_scoped3A : memref<!tpu.dma_semaphore, #tpu.memory_space<semaphore_mem>>)
        %dma_wait3A_38 = arith.constant 0 : i32
        %dma_wait3A_39 = tpu.memref_slice %arg4[%mul3A_33, %dma_wait3A_38] : memref<10240x16xf32, #tpu.memory_space<hbm>> -> memref<640x16xf32, #tpu.memory_space<hbm>>
        %dma_wait3A_40 = arith.constant 0 : i32
        %dma_wait3A_41 = tpu.memref_slice %arg8[%mul3A_31, %dma_wait3A_40] : memref<10240x16xf32, #tpu.memory_space<vmem_shared>> -> memref<640x16xf32, #tpu.memory_space<vmem_shared>>
        tpu.wait_dma2 semaphore(%run_scoped3A : memref<!tpu.dma_semaphore, #tpu.memory_space<semaphore_mem>>) src(%dma_wait3A_41 : memref<640x16xf32, #tpu.memory_space<vmem_shared>>) dst(%dma_wait3A_39 : memref<640x16xf32, #tpu.memory_space<hbm>>)
        tpu.yield
      }) : () -> ()
    } else {
    }
    %eq3A_25 = arith.constant 1 : i32
    %eq3A_26 = arith.cmpi eq, %arg0, %eq3A_25 : i32
    %convert_element_type3A_27 = arith.extui %eq3A_26 : i1 to i32
    %cond3A_28 = arith.constant 0 : i32
    %cond3A_29 = arith.cmpi ne, %convert_element_type3A_27, %cond3A_28 : i32
    scf.if %cond3A_29 {
      %mul3A_30 = arith.constant 640 : i32
      %mul3A_31 = arith.muli %arg1, %mul3A_30 : i32
      %mul3A_32 = arith.constant 640 : i32
      %mul3A_33 = arith.muli %arg1, %mul3A_32 : i32
      "tpu.region"() ({
        %run_scoped3A = tpu.sem_alloc : memref<!tpu.dma_semaphore, #tpu.memory_space<semaphore_mem>>
        %dma_start3A_34 = arith.constant 0 : i32
        %dma_start3A_35 = tpu.memref_slice %arg5[%mul3A_33, %dma_start3A_34] : memref<10240x16xf32, #tpu.memory_space<hbm>> -> memref<640x16xf32, #tpu.memory_space<hbm>>
        %dma_start3A_36 = arith.constant 0 : i32
        %dma_start3A_37 = tpu.memref_slice %arg8[%mul3A_31, %dma_start3A_36] : memref<10240x16xf32, #tpu.memory_space<vmem_shared>> -> memref<640x16xf32, #tpu.memory_space<vmem_shared>>
        tpu.enqueue_dma source(%dma_start3A_37 : memref<640x16xf32, #tpu.memory_space<vmem_shared>>) target(%dma_start3A_35 : memref<640x16xf32, #tpu.memory_space<hbm>>) target_semaphore(%run_scoped3A : memref<!tpu.dma_semaphore, #tpu.memory_space<semaphore_mem>>)
        %dma_wait3A_38 = arith.constant 0 : i32
        %dma_wait3A_39 = tpu.memref_slice %arg5[%mul3A_33, %dma_wait3A_38] : memref<10240x16xf32, #tpu.memory_space<hbm>> -> memref<640x16xf32, #tpu.memory_space<hbm>>
        %dma_wait3A_40 = arith.constant 0 : i32
        %dma_wait3A_41 = tpu.memref_slice %arg8[%mul3A_31, %dma_wait3A_40] : memref<10240x16xf32, #tpu.memory_space<vmem_shared>> -> memref<640x16xf32, #tpu.memory_space<vmem_shared>>
        tpu.wait_dma2 semaphore(%run_scoped3A : memref<!tpu.dma_semaphore, #tpu.memory_space<semaphore_mem>>) src(%dma_wait3A_41 : memref<640x16xf32, #tpu.memory_space<vmem_shared>>) dst(%dma_wait3A_39 : memref<640x16xf32, #tpu.memory_space<hbm>>)
        tpu.yield
      }) : () -> ()
    } else {
    }
    return
  }
}

#map = affine_map<(d0, d1) -> (0, 0)>
module attributes {stable_mosaic.version = 14 : i64} {
  func.func @scat_kernel(%arg0: i32, %arg1: i32, %arg2: memref<2560x125xi32, #tpu.memory_space<hbm>>, %arg3: memref<2560x125xi32, #tpu.memory_space<hbm>>, %arg4: memref<10240x128xf32, #tpu.memory_space<hbm>>, %arg5: memref<10240x128xf32, #tpu.memory_space<hbm>>, %arg6: memref<10240x128xf32, #tpu.memory_space<hbm>>, %arg7: memref<10240x128xf32, #tpu.memory_space<hbm>>, %arg8: memref<32x125xi32, #tpu.memory_space<vmem>>, %arg9: memref<32x125xi32, #tpu.memory_space<vmem>>, %arg10: memref<128x128xf32, #tpu.memory_space<vmem>>, %arg11: memref<128x128xf32, #tpu.memory_space<vmem>>, %arg12: memref<10240x128xf32, #tpu.memory_space<vmem_shared>>, %arg13: memref<!tpu.dma_semaphore, #tpu.memory_space<semaphore_mem>>, %arg14: memref<!tpu.dma_semaphore, #tpu.memory_space<semaphore_mem>>) attributes {dimension_semantics = [#tpu.dimension_semantics<core_parallel>, #tpu.dimension_semantics<subcore_parallel>], iteration_bounds = array<i64: 2, 16>, scalar_prefetch = 0 : i64, scratch_operands = 7 : i64, tpu.core_type = #tpu.core_type<sc_vector_subcore>, window_params = [{transform_indices = #map}, {transform_indices = #map}, {transform_indices = #map}, {transform_indices = #map}, {transform_indices = #map}, {transform_indices = #map}]} {
    %scan3A = arith.constant 0 : i32
    %scan3A_0 = arith.constant 128 : i32
    %scan3A_1 = arith.addi %scan3A, %scan3A_0 : i32
    %scan3A_2 = arith.constant 1 : i32
    scf.for %scan3A_22 = %scan3A to %scan3A_1 step %scan3A_2  : i32 {
      %mul3A = arith.constant 1 : i32
      %mul3A_23 = arith.muli %scan3A_22, %mul3A : i32
      %add3A = arith.constant 0 : i32
      %add3A_24 = arith.addi %add3A, %mul3A_23 : i32
      %broadcast_in_dim3A = arith.constant 0.000000e+00 : f32
      %broadcast_in_dim3A_25 = vector.broadcast %broadcast_in_dim3A : f32 to vector<16xf32>
      %swap3A = arith.index_cast %add3A_24 : i32 to index
      %swap3A_26 = arith.constant 0 : index
      %swap3A_27 = tpu.vector_load %arg10[%swap3A, %swap3A_26] {strides = array<i32>} : memref<128x128xf32, #tpu.memory_space<vmem>>, vector<1x16xf32>,
      %swap3A_28 = vector.shape_cast %swap3A_27 : vector<1x16xf32> to vector<16xf32>
      %swap3A_29 = vector.shape_cast %broadcast_in_dim3A_25 : vector<16xf32> to vector<1x16xf32>
      tpu.vector_store %arg10[%swap3A, %swap3A_26], %swap3A_29 {strides = array<i32>} : memref<128x128xf32, #tpu.memory_space<vmem>>, vector<1x16xf32>,
      %broadcast_in_dim3A_30 = arith.constant 0.000000e+00 : f32
      %broadcast_in_dim3A_31 = vector.broadcast %broadcast_in_dim3A_30 : f32 to vector<16xf32>
      %swap3A_32 = arith.index_cast %add3A_24 : i32 to index
      %swap3A_33 = arith.constant 16 : index
      %swap3A_34 = tpu.vector_load %arg10[%swap3A_32, %swap3A_33] {strides = array<i32>} : memref<128x128xf32, #tpu.memory_space<vmem>>, vector<1x16xf32>,
      %swap3A_35 = vector.shape_cast %swap3A_34 : vector<1x16xf32> to vector<16xf32>
      %swap3A_36 = vector.shape_cast %broadcast_in_dim3A_31 : vector<16xf32> to vector<1x16xf32>
      tpu.vector_store %arg10[%swap3A_32, %swap3A_33], %swap3A_36 {strides = array<i32>} : memref<128x128xf32, #tpu.memory_space<vmem>>, vector<1x16xf32>,
      %broadcast_in_dim3A_37 = arith.constant 0.000000e+00 : f32
      %broadcast_in_dim3A_38 = vector.broadcast %broadcast_in_dim3A_37 : f32 to vector<16xf32>
      %swap3A_39 = arith.index_cast %add3A_24 : i32 to index
      %swap3A_40 = arith.constant 32 : index
      %swap3A_41 = tpu.vector_load %arg10[%swap3A_39, %swap3A_40] {strides = array<i32>} : memref<128x128xf32, #tpu.memory_space<vmem>>, vector<1x16xf32>,
      %swap3A_42 = vector.shape_cast %swap3A_41 : vector<1x16xf32> to vector<16xf32>
      %swap3A_43 = vector.shape_cast %broadcast_in_dim3A_38 : vector<16xf32> to vector<1x16xf32>
      tpu.vector_store %arg10[%swap3A_39, %swap3A_40], %swap3A_43 {strides = array<i32>} : memref<128x128xf32, #tpu.memory_space<vmem>>, vector<1x16xf32>,
      %broadcast_in_dim3A_44 = arith.constant 0.000000e+00 : f32
      %broadcast_in_dim3A_45 = vector.broadcast %broadcast_in_dim3A_44 : f32 to vector<16xf32>
      %swap3A_46 = arith.index_cast %add3A_24 : i32 to index
      %swap3A_47 = arith.constant 48 : index
      %swap3A_48 = tpu.vector_load %arg10[%swap3A_46, %swap3A_47] {strides = array<i32>} : memref<128x128xf32, #tpu.memory_space<vmem>>, vector<1x16xf32>,
      %swap3A_49 = vector.shape_cast %swap3A_48 : vector<1x16xf32> to vector<16xf32>
      %swap3A_50 = vector.shape_cast %broadcast_in_dim3A_45 : vector<16xf32> to vector<1x16xf32>
      tpu.vector_store %arg10[%swap3A_46, %swap3A_47], %swap3A_50 {strides = array<i32>} : memref<128x128xf32, #tpu.memory_space<vmem>>, vector<1x16xf32>,
      %broadcast_in_dim3A_51 = arith.constant 0.000000e+00 : f32
      %broadcast_in_dim3A_52 = vector.broadcast %broadcast_in_dim3A_51 : f32 to vector<16xf32>
      %swap3A_53 = arith.index_cast %add3A_24 : i32 to index
      %swap3A_54 = arith.constant 64 : index
      %swap3A_55 = tpu.vector_load %arg10[%swap3A_53, %swap3A_54] {strides = array<i32>} : memref<128x128xf32, #tpu.memory_space<vmem>>, vector<1x16xf32>,
      %swap3A_56 = vector.shape_cast %swap3A_55 : vector<1x16xf32> to vector<16xf32>
      %swap3A_57 = vector.shape_cast %broadcast_in_dim3A_52 : vector<16xf32> to vector<1x16xf32>
      tpu.vector_store %arg10[%swap3A_53, %swap3A_54], %swap3A_57 {strides = array<i32>} : memref<128x128xf32, #tpu.memory_space<vmem>>, vector<1x16xf32>,
      %broadcast_in_dim3A_58 = arith.constant 0.000000e+00 : f32
      %broadcast_in_dim3A_59 = vector.broadcast %broadcast_in_dim3A_58 : f32 to vector<16xf32>
      %swap3A_60 = arith.index_cast %add3A_24 : i32 to index
      %swap3A_61 = arith.constant 80 : index
      %swap3A_62 = tpu.vector_load %arg10[%swap3A_60, %swap3A_61] {strides = array<i32>} : memref<128x128xf32, #tpu.memory_space<vmem>>, vector<1x16xf32>,
      %swap3A_63 = vector.shape_cast %swap3A_62 : vector<1x16xf32> to vector<16xf32>
      %swap3A_64 = vector.shape_cast %broadcast_in_dim3A_59 : vector<16xf32> to vector<1x16xf32>
      tpu.vector_store %arg10[%swap3A_60, %swap3A_61], %swap3A_64 {strides = array<i32>} : memref<128x128xf32, #tpu.memory_space<vmem>>, vector<1x16xf32>,
      %broadcast_in_dim3A_65 = arith.constant 0.000000e+00 : f32
      %broadcast_in_dim3A_66 = vector.broadcast %broadcast_in_dim3A_65 : f32 to vector<16xf32>
      %swap3A_67 = arith.index_cast %add3A_24 : i32 to index
      %swap3A_68 = arith.constant 96 : index
      %swap3A_69 = tpu.vector_load %arg10[%swap3A_67, %swap3A_68] {strides = array<i32>} : memref<128x128xf32, #tpu.memory_space<vmem>>, vector<1x16xf32>,
      %swap3A_70 = vector.shape_cast %swap3A_69 : vector<1x16xf32> to vector<16xf32>
      %swap3A_71 = vector.shape_cast %broadcast_in_dim3A_66 : vector<16xf32> to vector<1x16xf32>
      tpu.vector_store %arg10[%swap3A_67, %swap3A_68], %swap3A_71 {strides = array<i32>} : memref<128x128xf32, #tpu.memory_space<vmem>>, vector<1x16xf32>,
      %broadcast_in_dim3A_72 = arith.constant 0.000000e+00 : f32
      %broadcast_in_dim3A_73 = vector.broadcast %broadcast_in_dim3A_72 : f32 to vector<16xf32>
      %swap3A_74 = arith.index_cast %add3A_24 : i32 to index
      %swap3A_75 = arith.constant 112 : index
      %swap3A_76 = tpu.vector_load %arg10[%swap3A_74, %swap3A_75] {strides = array<i32>} : memref<128x128xf32, #tpu.memory_space<vmem>>, vector<1x16xf32>,
      %swap3A_77 = vector.shape_cast %swap3A_76 : vector<1x16xf32> to vector<16xf32>
      %swap3A_78 = vector.shape_cast %broadcast_in_dim3A_73 : vector<16xf32> to vector<1x16xf32>
      tpu.vector_store %arg10[%swap3A_74, %swap3A_75], %swap3A_78 {strides = array<i32>} : memref<128x128xf32, #tpu.memory_space<vmem>>, vector<1x16xf32>,
    }
    %scan3A_3 = arith.constant 128 : i32
    %scan3A_4 = arith.constant 0 : i32
    %scan3A_5 = arith.constant 5 : i32
    %scan3A_6 = arith.addi %scan3A_4, %scan3A_5 : i32
    %scan3A_7 = arith.constant 1 : i32
    scf.for %scan3A_22 = %scan3A_4 to %scan3A_6 step %scan3A_7  : i32 {
      %mul3A = arith.constant 1 : i32
      %mul3A_23 = arith.muli %scan3A_22, %mul3A : i32
      %add3A = arith.constant 0 : i32
      %add3A_24 = arith.addi %add3A, %mul3A_23 : i32
      %mul3A_25 = arith.constant 640 : i32
      %mul3A_26 = arith.muli %arg1, %mul3A_25 : i32
      %mul3A_27 = arith.constant 128 : i32
      %mul3A_28 = arith.muli %add3A_24, %mul3A_27 : i32
      %add3A_29 = arith.addi %mul3A_26, %mul3A_28 : i32
      "tpu.region"() ({
        %run_scoped3A = tpu.sem_alloc : memref<!tpu.dma_semaphore, #tpu.memory_space<semaphore_mem>>
        %dma_start3A = arith.constant 0 : i32
        %dma_start3A_30 = tpu.memref_slice %arg12[%add3A_29, %dma_start3A] : memref<10240x128xf32, #tpu.memory_space<vmem_shared>> -> memref<128x128xf32, #tpu.memory_space<vmem_shared>>
        %dma_start3A_31 = arith.constant 0 : i32
        %dma_start3A_32 = tpu.memref_slice %arg12[%add3A_29, %dma_start3A_31] : memref<10240x128xf32, #tpu.memory_space<vmem_shared>> -> memref<128x128xf32, #tpu.memory_space<vmem_shared>>
        tpu.enqueue_dma source(%arg10 : memref<128x128xf32, #tpu.memory_space<vmem>>) target(%dma_start3A_32 : memref<128x128xf32, #tpu.memory_space<vmem_shared>>) target_semaphore(%run_scoped3A : memref<!tpu.dma_semaphore, #tpu.memory_space<semaphore_mem>>)
        %dma_wait3A = arith.constant 0 : i32
        %dma_wait3A_33 = tpu.memref_slice %arg12[%add3A_29, %dma_wait3A] : memref<10240x128xf32, #tpu.memory_space<vmem_shared>> -> memref<128x128xf32, #tpu.memory_space<vmem_shared>>
        %dma_wait3A_34 = arith.constant 0 : i32
        %dma_wait3A_35 = tpu.memref_slice %arg12[%add3A_29, %dma_wait3A_34] : memref<10240x128xf32, #tpu.memory_space<vmem_shared>> -> memref<128x128xf32, #tpu.memory_space<vmem_shared>>
        tpu.wait_dma2 semaphore(%run_scoped3A : memref<!tpu.dma_semaphore, #tpu.memory_space<semaphore_mem>>) src(%arg10 : memref<128x128xf32, #tpu.memory_space<vmem>>) dst(%dma_wait3A_35 : memref<128x128xf32, #tpu.memory_space<vmem_shared>>)
        tpu.yield
      }) : () -> ()
    }
    %scan3A_8 = arith.constant 5 : i32
    %barrier3A = arith.constant 0 : index
    tpu.barrier barrier_id(%barrier3A)
    %scan3A_9 = arith.constant 0 : i32
    %scan3A_10 = arith.constant 5 : i32
    %scan3A_11 = arith.addi %scan3A_9, %scan3A_10 : i32
    %scan3A_12 = arith.constant 1 : i32
    scf.for %scan3A_22 = %scan3A_9 to %scan3A_11 step %scan3A_12  : i32 {
      %mul3A = arith.constant 1 : i32
      %mul3A_23 = arith.muli %scan3A_22, %mul3A : i32
      %add3A = arith.constant 0 : i32
      %add3A_24 = arith.addi %add3A, %mul3A_23 : i32
      %mul3A_25 = arith.constant 160 : i32
      %mul3A_26 = arith.muli %arg1, %mul3A_25 : i32
      %mul3A_27 = arith.constant 32 : i32
      %mul3A_28 = arith.muli %add3A_24, %mul3A_27 : i32
      %add3A_29 = arith.addi %mul3A_26, %mul3A_28 : i32
      "tpu.region"() ({
        %run_scoped3A = tpu.sem_alloc : memref<!tpu.dma_semaphore, #tpu.memory_space<semaphore_mem>>
        %dma_start3A = arith.constant 0 : i32
        %dma_start3A_40 = tpu.memref_slice %arg2[%add3A_29, %dma_start3A] : memref<2560x125xi32, #tpu.memory_space<hbm>> -> memref<32x125xi32, #tpu.memory_space<hbm>>
        %dma_start3A_41 = arith.constant 0 : i32
        %dma_start3A_42 = tpu.memref_slice %arg2[%add3A_29, %dma_start3A_41] : memref<2560x125xi32, #tpu.memory_space<hbm>> -> memref<32x125xi32, #tpu.memory_space<hbm>>
        tpu.enqueue_dma source(%dma_start3A_42 : memref<32x125xi32, #tpu.memory_space<hbm>>) target(%arg8 : memref<32x125xi32, #tpu.memory_space<vmem>>) target_semaphore(%run_scoped3A : memref<!tpu.dma_semaphore, #tpu.memory_space<semaphore_mem>>)
        %dma_wait3A = arith.constant 0 : i32
        %dma_wait3A_43 = tpu.memref_slice %arg2[%add3A_29, %dma_wait3A] : memref<2560x125xi32, #tpu.memory_space<hbm>> -> memref<32x125xi32, #tpu.memory_space<hbm>>
        %dma_wait3A_44 = arith.constant 0 : i32
        %dma_wait3A_45 = tpu.memref_slice %arg2[%add3A_29, %dma_wait3A_44] : memref<2560x125xi32, #tpu.memory_space<hbm>> -> memref<32x125xi32, #tpu.memory_space<hbm>>
        tpu.wait_dma2 semaphore(%run_scoped3A : memref<!tpu.dma_semaphore, #tpu.memory_space<semaphore_mem>>) src(%dma_wait3A_45 : memref<32x125xi32, #tpu.memory_space<hbm>>) dst(%arg8 : memref<32x125xi32, #tpu.memory_space<vmem>>)
        tpu.yield
      }) : () -> ()
      "tpu.region"() ({
        %run_scoped3A = tpu.sem_alloc : memref<!tpu.dma_semaphore, #tpu.memory_space<semaphore_mem>>
        %dma_start3A = arith.constant 0 : i32
        %dma_start3A_40 = tpu.memref_slice %arg3[%add3A_29, %dma_start3A] : memref<2560x125xi32, #tpu.memory_space<hbm>> -> memref<32x125xi32, #tpu.memory_space<hbm>>
        %dma_start3A_41 = arith.constant 0 : i32
        %dma_start3A_42 = tpu.memref_slice %arg3[%add3A_29, %dma_start3A_41] : memref<2560x125xi32, #tpu.memory_space<hbm>> -> memref<32x125xi32, #tpu.memory_space<hbm>>
        tpu.enqueue_dma source(%dma_start3A_42 : memref<32x125xi32, #tpu.memory_space<hbm>>) target(%arg9 : memref<32x125xi32, #tpu.memory_space<vmem>>) target_semaphore(%run_scoped3A : memref<!tpu.dma_semaphore, #tpu.memory_space<semaphore_mem>>)
        %dma_wait3A = arith.constant 0 : i32
        %dma_wait3A_43 = tpu.memref_slice %arg3[%add3A_29, %dma_wait3A] : memref<2560x125xi32, #tpu.memory_space<hbm>> -> memref<32x125xi32, #tpu.memory_space<hbm>>
        %dma_wait3A_44 = arith.constant 0 : i32
        %dma_wait3A_45 = tpu.memref_slice %arg3[%add3A_29, %dma_wait3A_44] : memref<2560x125xi32, #tpu.memory_space<hbm>> -> memref<32x125xi32, #tpu.memory_space<hbm>>
        tpu.wait_dma2 semaphore(%run_scoped3A : memref<!tpu.dma_semaphore, #tpu.memory_space<semaphore_mem>>) src(%dma_wait3A_45 : memref<32x125xi32, #tpu.memory_space<hbm>>) dst(%arg9 : memref<32x125xi32, #tpu.memory_space<vmem>>)
        tpu.yield
      }) : () -> ()
      %eq3A_30 = arith.constant 0 : i32
      %eq3A_31 = arith.cmpi eq, %arg0, %eq3A_30 : i32
      %convert_element_type3A_32 = arith.extui %eq3A_31 : i1 to i32
      %cond3A_33 = arith.constant 0 : i32
      %cond3A_34 = arith.cmpi ne, %convert_element_type3A_32, %cond3A_33 : i32
      scf.if %cond3A_34 {
        %dma_start3A = arith.constant 0 : i32
        %dma_start3A_40 = arith.constant 0 : i32
        %dma_start3A_41 = arith.constant 0 : i32
        %dma_start3A_42 = tpu.memref_slice %arg10[%dma_start3A_40, %dma_start3A_41] : memref<128x128xf32, #tpu.memory_space<vmem>> -> memref<125x128xf32, #tpu.memory_space<vmem>>
        %dma_start3A_43 = arith.constant 0 : i32
        %dma_start3A_44 = tpu.memref_slice %arg8[%dma_start3A, %dma_start3A_43] : memref<32x125xi32, #tpu.memory_space<vmem>> -> memref<1x125xi32, #tpu.memory_space<vmem>>
        %dma_start3A_45 = tpu.memref_squeeze %dma_start3A_44 : memref<1x125xi32, #tpu.memory_space<vmem>> -> memref<125xi32, #tpu.memory_space<vmem>>
        %dma_start3A_46 = arith.constant 0 : i32
        %dma_start3A_47 = arith.constant 0 : i32
        %dma_start3A_48 = tpu.memref_slice %arg4[%dma_start3A_46, %dma_start3A_47] : memref<10240x128xf32, #tpu.memory_space<hbm>> -> memref<10240x128xf32, #tpu.memory_space<hbm>>
        tpu.enqueue_indirect_dma source(%dma_start3A_48 : memref<10240x128xf32, #tpu.memory_space<hbm>>) target(%dma_start3A_42 : memref<125x128xf32, #tpu.memory_space<vmem>>) offsets(%dma_start3A_45 : memref<125xi32, #tpu.memory_space<vmem>>) semaphore(%arg13 : memref<!tpu.dma_semaphore, #tpu.memory_space<semaphore_mem>>)
        %dma_start3A_49 = arith.constant 1 : i32
        %dma_start3A_50 = arith.constant 0 : i32
        %dma_start3A_51 = arith.constant 0 : i32
        %dma_start3A_52 = tpu.memref_slice %arg11[%dma_start3A_50, %dma_start3A_51] : memref<128x128xf32, #tpu.memory_space<vmem>> -> memref<125x128xf32, #tpu.memory_space<vmem>>
        %dma_start3A_53 = arith.constant 0 : i32
        %dma_start3A_54 = tpu.memref_slice %arg8[%dma_start3A_49, %dma_start3A_53] : memref<32x125xi32, #tpu.memory_space<vmem>> -> memref<1x125xi32, #tpu.memory_space<vmem>>
        %dma_start3A_55 = tpu.memref_squeeze %dma_start3A_54 : memref<1x125xi32, #tpu.memory_space<vmem>> -> memref<125xi32, #tpu.memory_space<vmem>>
        %dma_start3A_56 = arith.constant 0 : i32
        %dma_start3A_57 = arith.constant 0 : i32
        %dma_start3A_58 = tpu.memref_slice %arg4[%dma_start3A_56, %dma_start3A_57] : memref<10240x128xf32, #tpu.memory_space<hbm>> -> memref<10240x128xf32, #tpu.memory_space<hbm>>
        tpu.enqueue_indirect_dma source(%dma_start3A_58 : memref<10240x128xf32, #tpu.memory_space<hbm>>) target(%dma_start3A_52 : memref<125x128xf32, #tpu.memory_space<vmem>>) offsets(%dma_start3A_55 : memref<125xi32, #tpu.memory_space<vmem>>) semaphore(%arg14 : memref<!tpu.dma_semaphore, #tpu.memory_space<semaphore_mem>>)
        %scan3A_59 = arith.constant 0 : i32
        %scan3A_60 = arith.constant 15 : i32
        %scan3A_61 = arith.addi %scan3A_59, %scan3A_60 : i32
        %scan3A_62 = arith.constant 1 : i32
        scf.for %scan3A_84 = %scan3A_59 to %scan3A_61 step %scan3A_62  : i32 {
          %mul3A_85 = arith.constant 1 : i32
          %mul3A_86 = arith.muli %scan3A_84, %mul3A_85 : i32
          %add3A_87 = arith.constant 0 : i32
          %add3A_88 = arith.addi %add3A_87, %mul3A_86 : i32
          %mul3A_89 = arith.constant 2 : i32
          %mul3A_90 = arith.muli %mul3A_89, %add3A_88 : i32
          %dma_wait3A_91 = arith.constant 0 : i32
          %dma_wait3A_92 = arith.constant 0 : i32
          %dma_wait3A_93 = tpu.memref_slice %arg10[%dma_wait3A_91, %dma_wait3A_92] : memref<128x128xf32, #tpu.memory_space<vmem>> -> memref<125x128xf32, #tpu.memory_space<vmem>>
          %dma_wait3A_94 = arith.constant 0 : i32
          %dma_wait3A_95 = tpu.memref_slice %arg8[%mul3A_90, %dma_wait3A_94] : memref<32x125xi32, #tpu.memory_space<vmem>> -> memref<1x125xi32, #tpu.memory_space<vmem>>
          %dma_wait3A_96 = tpu.memref_squeeze %dma_wait3A_95 : memref<1x125xi32, #tpu.memory_space<vmem>> -> memref<125xi32, #tpu.memory_space<vmem>>
          %dma_wait3A_97 = arith.constant 0 : i32
          %dma_wait3A_98 = arith.constant 0 : i32
          %dma_wait3A_99 = tpu.memref_slice %arg4[%dma_wait3A_97, %dma_wait3A_98] : memref<10240x128xf32, #tpu.memory_space<hbm>> -> memref<10240x128xf32, #tpu.memory_space<hbm>>
          tpu.wait_indirect_dma semaphore(%arg13 : memref<!tpu.dma_semaphore, #tpu.memory_space<semaphore_mem>>) src(%dma_wait3A_99 : memref<10240x128xf32, #tpu.memory_space<hbm>>) dst(%dma_wait3A_93 : memref<125x128xf32, #tpu.memory_space<vmem>>)
          "tpu.region"() ({
            %run_scoped3A_135 = tpu.sem_alloc : memref<!tpu.dma_semaphore, #tpu.memory_space<semaphore_mem>>
            %dma_start3A_136 = arith.constant 0 : i32
            %dma_start3A_137 = arith.constant 0 : i32
            %dma_start3A_138 = tpu.memref_slice %arg10[%dma_start3A_136, %dma_start3A_137] : memref<128x128xf32, #tpu.memory_space<vmem>> -> memref<125x128xf32, #tpu.memory_space<vmem>>
            %dma_start3A_139 = arith.constant 0 : i32
            %dma_start3A_140 = tpu.memref_slice %arg9[%mul3A_90, %dma_start3A_139] : memref<32x125xi32, #tpu.memory_space<vmem>> -> memref<1x125xi32, #tpu.memory_space<vmem>>
            %dma_start3A_141 = tpu.memref_squeeze %dma_start3A_140 : memref<1x125xi32, #tpu.memory_space<vmem>> -> memref<125xi32, #tpu.memory_space<vmem>>
            %dma_start3A_142 = arith.constant 0 : i32
            %dma_start3A_143 = arith.constant 0 : i32
            %dma_start3A_144 = tpu.memref_slice %arg12[%dma_start3A_142, %dma_start3A_143] : memref<10240x128xf32, #tpu.memory_space<vmem_shared>> -> memref<10240x128xf32, #tpu.memory_space<vmem_shared>>
            tpu.enqueue_indirect_dma source(%dma_start3A_138 : memref<125x128xf32, #tpu.memory_space<vmem>>) target(%dma_start3A_144 : memref<10240x128xf32, #tpu.memory_space<vmem_shared>>) offsets(%dma_start3A_141 : memref<125xi32, #tpu.memory_space<vmem>>) semaphore(%run_scoped3A_135 : memref<!tpu.dma_semaphore, #tpu.memory_space<semaphore_mem>>) {add = true}
            %dma_wait3A_145 = arith.constant 0 : i32
            %dma_wait3A_146 = arith.constant 0 : i32
            %dma_wait3A_147 = tpu.memref_slice %arg10[%dma_wait3A_145, %dma_wait3A_146] : memref<128x128xf32, #tpu.memory_space<vmem>> -> memref<125x128xf32, #tpu.memory_space<vmem>>
            %dma_wait3A_148 = arith.constant 0 : i32
            %dma_wait3A_149 = tpu.memref_slice %arg9[%mul3A_90, %dma_wait3A_148] : memref<32x125xi32, #tpu.memory_space<vmem>> -> memref<1x125xi32, #tpu.memory_space<vmem>>
            %dma_wait3A_150 = tpu.memref_squeeze %dma_wait3A_149 : memref<1x125xi32, #tpu.memory_space<vmem>> -> memref<125xi32, #tpu.memory_space<vmem>>
            %dma_wait3A_151 = arith.constant 0 : i32
            %dma_wait3A_152 = arith.constant 0 : i32
            %dma_wait3A_153 = tpu.memref_slice %arg12[%dma_wait3A_151, %dma_wait3A_152] : memref<10240x128xf32, #tpu.memory_space<vmem_shared>> -> memref<10240x128xf32, #tpu.memory_space<vmem_shared>>
            tpu.wait_indirect_dma semaphore(%run_scoped3A_135 : memref<!tpu.dma_semaphore, #tpu.memory_space<semaphore_mem>>) src(%dma_wait3A_147 : memref<125x128xf32, #tpu.memory_space<vmem>>) dst(%dma_wait3A_153 : memref<10240x128xf32, #tpu.memory_space<vmem_shared>>)
            tpu.yield
          }) : () -> ()
          %add3A_100 = arith.constant 2 : i32
          %add3A_101 = arith.addi %mul3A_90, %add3A_100 : i32
          %dma_start3A_102 = arith.constant 0 : i32
          %dma_start3A_103 = arith.constant 0 : i32
          %dma_start3A_104 = tpu.memref_slice %arg10[%dma_start3A_102, %dma_start3A_103] : memref<128x128xf32, #tpu.memory_space<vmem>> -> memref<125x128xf32, #tpu.memory_space<vmem>>
          %dma_start3A_105 = arith.constant 0 : i32
          %dma_start3A_106 = tpu.memref_slice %arg8[%add3A_101, %dma_start3A_105] : memref<32x125xi32, #tpu.memory_space<vmem>> -> memref<1x125xi32, #tpu.memory_space<vmem>>
          %dma_start3A_107 = tpu.memref_squeeze %dma_start3A_106 : memref<1x125xi32, #tpu.memory_space<vmem>> -> memref<125xi32, #tpu.memory_space<vmem>>
          %dma_start3A_108 = arith.constant 0 : i32
          %dma_start3A_109 = arith.constant 0 : i32
          %dma_start3A_110 = tpu.memref_slice %arg4[%dma_start3A_108, %dma_start3A_109] : memref<10240x128xf32, #tpu.memory_space<hbm>> -> memref<10240x128xf32, #tpu.memory_space<hbm>>
          tpu.enqueue_indirect_dma source(%dma_start3A_110 : memref<10240x128xf32, #tpu.memory_space<hbm>>) target(%dma_start3A_104 : memref<125x128xf32, #tpu.memory_space<vmem>>) offsets(%dma_start3A_107 : memref<125xi32, #tpu.memory_space<vmem>>) semaphore(%arg13 : memref<!tpu.dma_semaphore, #tpu.memory_space<semaphore_mem>>)
          %add3A_111 = arith.constant 1 : i32
          %add3A_112 = arith.addi %mul3A_90, %add3A_111 : i32
          %dma_wait3A_113 = arith.constant 0 : i32
          %dma_wait3A_114 = arith.constant 0 : i32
          %dma_wait3A_115 = tpu.memref_slice %arg11[%dma_wait3A_113, %dma_wait3A_114] : memref<128x128xf32, #tpu.memory_space<vmem>> -> memref<125x128xf32, #tpu.memory_space<vmem>>
          %dma_wait3A_116 = arith.constant 0 : i32
          %dma_wait3A_117 = tpu.memref_slice %arg8[%add3A_112, %dma_wait3A_116] : memref<32x125xi32, #tpu.memory_space<vmem>> -> memref<1x125xi32, #tpu.memory_space<vmem>>
          %dma_wait3A_118 = tpu.memref_squeeze %dma_wait3A_117 : memref<1x125xi32, #tpu.memory_space<vmem>> -> memref<125xi32, #tpu.memory_space<vmem>>
          %dma_wait3A_119 = arith.constant 0 : i32
          %dma_wait3A_120 = arith.constant 0 : i32
          %dma_wait3A_121 = tpu.memref_slice %arg4[%dma_wait3A_119, %dma_wait3A_120] : memref<10240x128xf32, #tpu.memory_space<hbm>> -> memref<10240x128xf32, #tpu.memory_space<hbm>>
          tpu.wait_indirect_dma semaphore(%arg14 : memref<!tpu.dma_semaphore, #tpu.memory_space<semaphore_mem>>) src(%dma_wait3A_121 : memref<10240x128xf32, #tpu.memory_space<hbm>>) dst(%dma_wait3A_115 : memref<125x128xf32, #tpu.memory_space<vmem>>)
          %add3A_122 = arith.constant 1 : i32
          %add3A_123 = arith.addi %mul3A_90, %add3A_122 : i32
          "tpu.region"() ({
            %run_scoped3A_135 = tpu.sem_alloc : memref<!tpu.dma_semaphore, #tpu.memory_space<semaphore_mem>>
            %dma_start3A_136 = arith.constant 0 : i32
            %dma_start3A_137 = arith.constant 0 : i32
            %dma_start3A_138 = tpu.memref_slice %arg11[%dma_start3A_136, %dma_start3A_137] : memref<128x128xf32, #tpu.memory_space<vmem>> -> memref<125x128xf32, #tpu.memory_space<vmem>>
            %dma_start3A_139 = arith.constant 0 : i32
            %dma_start3A_140 = tpu.memref_slice %arg9[%add3A_123, %dma_start3A_139] : memref<32x125xi32, #tpu.memory_space<vmem>> -> memref<1x125xi32, #tpu.memory_space<vmem>>
            %dma_start3A_141 = tpu.memref_squeeze %dma_start3A_140 : memref<1x125xi32, #tpu.memory_space<vmem>> -> memref<125xi32, #tpu.memory_space<vmem>>
            %dma_start3A_142 = arith.constant 0 : i32
            %dma_start3A_143 = arith.constant 0 : i32
            %dma_start3A_144 = tpu.memref_slice %arg12[%dma_start3A_142, %dma_start3A_143] : memref<10240x128xf32, #tpu.memory_space<vmem_shared>> -> memref<10240x128xf32, #tpu.memory_space<vmem_shared>>
            tpu.enqueue_indirect_dma source(%dma_start3A_138 : memref<125x128xf32, #tpu.memory_space<vmem>>) target(%dma_start3A_144 : memref<10240x128xf32, #tpu.memory_space<vmem_shared>>) offsets(%dma_start3A_141 : memref<125xi32, #tpu.memory_space<vmem>>) semaphore(%run_scoped3A_135 : memref<!tpu.dma_semaphore, #tpu.memory_space<semaphore_mem>>) {add = true}
            %dma_wait3A_145 = arith.constant 0 : i32
            %dma_wait3A_146 = arith.constant 0 : i32
            %dma_wait3A_147 = tpu.memref_slice %arg11[%dma_wait3A_145, %dma_wait3A_146] : memref<128x128xf32, #tpu.memory_space<vmem>> -> memref<125x128xf32, #tpu.memory_space<vmem>>
            %dma_wait3A_148 = arith.constant 0 : i32
            %dma_wait3A_149 = tpu.memref_slice %arg9[%add3A_123, %dma_wait3A_148] : memref<32x125xi32, #tpu.memory_space<vmem>> -> memref<1x125xi32, #tpu.memory_space<vmem>>
            %dma_wait3A_150 = tpu.memref_squeeze %dma_wait3A_149 : memref<1x125xi32, #tpu.memory_space<vmem>> -> memref<125xi32, #tpu.memory_space<vmem>>
            %dma_wait3A_151 = arith.constant 0 : i32
            %dma_wait3A_152 = arith.constant 0 : i32
            %dma_wait3A_153 = tpu.memref_slice %arg12[%dma_wait3A_151, %dma_wait3A_152] : memref<10240x128xf32, #tpu.memory_space<vmem_shared>> -> memref<10240x128xf32, #tpu.memory_space<vmem_shared>>
            tpu.wait_indirect_dma semaphore(%run_scoped3A_135 : memref<!tpu.dma_semaphore, #tpu.memory_space<semaphore_mem>>) src(%dma_wait3A_147 : memref<125x128xf32, #tpu.memory_space<vmem>>) dst(%dma_wait3A_153 : memref<10240x128xf32, #tpu.memory_space<vmem_shared>>)
            tpu.yield
          }) : () -> ()
          %add3A_124 = arith.constant 3 : i32
          %add3A_125 = arith.addi %mul3A_90, %add3A_124 : i32
          %dma_start3A_126 = arith.constant 0 : i32
          %dma_start3A_127 = arith.constant 0 : i32
          %dma_start3A_128 = tpu.memref_slice %arg11[%dma_start3A_126, %dma_start3A_127] : memref<128x128xf32, #tpu.memory_space<vmem>> -> memref<125x128xf32, #tpu.memory_space<vmem>>
          %dma_start3A_129 = arith.constant 0 : i32
          %dma_start3A_130 = tpu.memref_slice %arg8[%add3A_125, %dma_start3A_129] : memref<32x125xi32, #tpu.memory_space<vmem>> -> memref<1x125xi32, #tpu.memory_space<vmem>>
          %dma_start3A_131 = tpu.memref_squeeze %dma_start3A_130 : memref<1x125xi32, #tpu.memory_space<vmem>> -> memref<125xi32, #tpu.memory_space<vmem>>
          %dma_start3A_132 = arith.constant 0 : i32
          %dma_start3A_133 = arith.constant 0 : i32
          %dma_start3A_134 = tpu.memref_slice %arg4[%dma_start3A_132, %dma_start3A_133] : memref<10240x128xf32, #tpu.memory_space<hbm>> -> memref<10240x128xf32, #tpu.memory_space<hbm>>
          tpu.enqueue_indirect_dma source(%dma_start3A_134 : memref<10240x128xf32, #tpu.memory_space<hbm>>) target(%dma_start3A_128 : memref<125x128xf32, #tpu.memory_space<vmem>>) offsets(%dma_start3A_131 : memref<125xi32, #tpu.memory_space<vmem>>) semaphore(%arg14 : memref<!tpu.dma_semaphore, #tpu.memory_space<semaphore_mem>>)
        }
        %scan3A_63 = arith.constant 15 : i32
        %dma_wait3A = arith.constant 30 : i32
        %dma_wait3A_64 = arith.constant 0 : i32
        %dma_wait3A_65 = arith.constant 0 : i32
        %dma_wait3A_66 = tpu.memref_slice %arg10[%dma_wait3A_64, %dma_wait3A_65] : memref<128x128xf32, #tpu.memory_space<vmem>> -> memref<125x128xf32, #tpu.memory_space<vmem>>
        %dma_wait3A_67 = arith.constant 0 : i32
        %dma_wait3A_68 = tpu.memref_slice %arg8[%dma_wait3A, %dma_wait3A_67] : memref<32x125xi32, #tpu.memory_space<vmem>> -> memref<1x125xi32, #tpu.memory_space<vmem>>
        %dma_wait3A_69 = tpu.memref_squeeze %dma_wait3A_68 : memref<1x125xi32, #tpu.memory_space<vmem>> -> memref<125xi32, #tpu.memory_space<vmem>>
        %dma_wait3A_70 = arith.constant 0 : i32
        %dma_wait3A_71 = arith.constant 0 : i32
        %dma_wait3A_72 = tpu.memref_slice %arg4[%dma_wait3A_70, %dma_wait3A_71] : memref<10240x128xf32, #tpu.memory_space<hbm>> -> memref<10240x128xf32, #tpu.memory_space<hbm>>
        tpu.wait_indirect_dma semaphore(%arg13 : memref<!tpu.dma_semaphore, #tpu.memory_space<semaphore_mem>>) src(%dma_wait3A_72 : memref<10240x128xf32, #tpu.memory_space<hbm>>) dst(%dma_wait3A_66 : memref<125x128xf32, #tpu.memory_space<vmem>>)
        %run_scoped3A = arith.constant 30 : i32
        "tpu.region"() ({
          %run_scoped3A_84 = tpu.sem_alloc : memref<!tpu.dma_semaphore, #tpu.memory_space<semaphore_mem>>
          %dma_start3A_85 = arith.constant 0 : i32
          %dma_start3A_86 = arith.constant 0 : i32
          %dma_start3A_87 = tpu.memref_slice %arg10[%dma_start3A_85, %dma_start3A_86] : memref<128x128xf32, #tpu.memory_space<vmem>> -> memref<125x128xf32, #tpu.memory_space<vmem>>
          %dma_start3A_88 = arith.constant 0 : i32
          %dma_start3A_89 = tpu.memref_slice %arg9[%run_scoped3A, %dma_start3A_88] : memref<32x125xi32, #tpu.memory_space<vmem>> -> memref<1x125xi32, #tpu.memory_space<vmem>>
          %dma_start3A_90 = tpu.memref_squeeze %dma_start3A_89 : memref<1x125xi32, #tpu.memory_space<vmem>> -> memref<125xi32, #tpu.memory_space<vmem>>
          %dma_start3A_91 = arith.constant 0 : i32
          %dma_start3A_92 = arith.constant 0 : i32
          %dma_start3A_93 = tpu.memref_slice %arg12[%dma_start3A_91, %dma_start3A_92] : memref<10240x128xf32, #tpu.memory_space<vmem_shared>> -> memref<10240x128xf32, #tpu.memory_space<vmem_shared>>
          tpu.enqueue_indirect_dma source(%dma_start3A_87 : memref<125x128xf32, #tpu.memory_space<vmem>>) target(%dma_start3A_93 : memref<10240x128xf32, #tpu.memory_space<vmem_shared>>) offsets(%dma_start3A_90 : memref<125xi32, #tpu.memory_space<vmem>>) semaphore(%run_scoped3A_84 : memref<!tpu.dma_semaphore, #tpu.memory_space<semaphore_mem>>) {add = true}
          %dma_wait3A_94 = arith.constant 0 : i32
          %dma_wait3A_95 = arith.constant 0 : i32
          %dma_wait3A_96 = tpu.memref_slice %arg10[%dma_wait3A_94, %dma_wait3A_95] : memref<128x128xf32, #tpu.memory_space<vmem>> -> memref<125x128xf32, #tpu.memory_space<vmem>>
          %dma_wait3A_97 = arith.constant 0 : i32
          %dma_wait3A_98 = tpu.memref_slice %arg9[%run_scoped3A, %dma_wait3A_97] : memref<32x125xi32, #tpu.memory_space<vmem>> -> memref<1x125xi32, #tpu.memory_space<vmem>>
          %dma_wait3A_99 = tpu.memref_squeeze %dma_wait3A_98 : memref<1x125xi32, #tpu.memory_space<vmem>> -> memref<125xi32, #tpu.memory_space<vmem>>
          %dma_wait3A_100 = arith.constant 0 : i32
          %dma_wait3A_101 = arith.constant 0 : i32
          %dma_wait3A_102 = tpu.memref_slice %arg12[%dma_wait3A_100, %dma_wait3A_101] : memref<10240x128xf32, #tpu.memory_space<vmem_shared>> -> memref<10240x128xf32, #tpu.memory_space<vmem_shared>>
          tpu.wait_indirect_dma semaphore(%run_scoped3A_84 : memref<!tpu.dma_semaphore, #tpu.memory_space<semaphore_mem>>) src(%dma_wait3A_96 : memref<125x128xf32, #tpu.memory_space<vmem>>) dst(%dma_wait3A_102 : memref<10240x128xf32, #tpu.memory_space<vmem_shared>>)
          tpu.yield
        }) : () -> ()
        %dma_wait3A_73 = arith.constant 31 : i32
        %dma_wait3A_74 = arith.constant 0 : i32
        %dma_wait3A_75 = arith.constant 0 : i32
        %dma_wait3A_76 = tpu.memref_slice %arg11[%dma_wait3A_74, %dma_wait3A_75] : memref<128x128xf32, #tpu.memory_space<vmem>> -> memref<125x128xf32, #tpu.memory_space<vmem>>
        %dma_wait3A_77 = arith.constant 0 : i32
        %dma_wait3A_78 = tpu.memref_slice %arg8[%dma_wait3A_73, %dma_wait3A_77] : memref<32x125xi32, #tpu.memory_space<vmem>> -> memref<1x125xi32, #tpu.memory_space<vmem>>
        %dma_wait3A_79 = tpu.memref_squeeze %dma_wait3A_78 : memref<1x125xi32, #tpu.memory_space<vmem>> -> memref<125xi32, #tpu.memory_space<vmem>>
        %dma_wait3A_80 = arith.constant 0 : i32
        %dma_wait3A_81 = arith.constant 0 : i32
        %dma_wait3A_82 = tpu.memref_slice %arg4[%dma_wait3A_80, %dma_wait3A_81] : memref<10240x128xf32, #tpu.memory_space<hbm>> -> memref<10240x128xf32, #tpu.memory_space<hbm>>
        tpu.wait_indirect_dma semaphore(%arg14 : memref<!tpu.dma_semaphore, #tpu.memory_space<semaphore_mem>>) src(%dma_wait3A_82 : memref<10240x128xf32, #tpu.memory_space<hbm>>) dst(%dma_wait3A_76 : memref<125x128xf32, #tpu.memory_space<vmem>>)
        %run_scoped3A_83 = arith.constant 31 : i32
        "tpu.region"() ({
          %run_scoped3A_84 = tpu.sem_alloc : memref<!tpu.dma_semaphore, #tpu.memory_space<semaphore_mem>>
          %dma_start3A_85 = arith.constant 0 : i32
          %dma_start3A_86 = arith.constant 0 : i32
          %dma_start3A_87 = tpu.memref_slice %arg11[%dma_start3A_85, %dma_start3A_86] : memref<128x128xf32, #tpu.memory_space<vmem>> -> memref<125x128xf32, #tpu.memory_space<vmem>>
          %dma_start3A_88 = arith.constant 0 : i32
          %dma_start3A_89 = tpu.memref_slice %arg9[%run_scoped3A_83, %dma_start3A_88] : memref<32x125xi32, #tpu.memory_space<vmem>> -> memref<1x125xi32, #tpu.memory_space<vmem>>
          %dma_start3A_90 = tpu.memref_squeeze %dma_start3A_89 : memref<1x125xi32, #tpu.memory_space<vmem>> -> memref<125xi32, #tpu.memory_space<vmem>>
          %dma_start3A_91 = arith.constant 0 : i32
          %dma_start3A_92 = arith.constant 0 : i32
          %dma_start3A_93 = tpu.memref_slice %arg12[%dma_start3A_91, %dma_start3A_92] : memref<10240x128xf32, #tpu.memory_space<vmem_shared>> -> memref<10240x128xf32, #tpu.memory_space<vmem_shared>>
          tpu.enqueue_indirect_dma source(%dma_start3A_87 : memref<125x128xf32, #tpu.memory_space<vmem>>) target(%dma_start3A_93 : memref<10240x128xf32, #tpu.memory_space<vmem_shared>>) offsets(%dma_start3A_90 : memref<125xi32, #tpu.memory_space<vmem>>) semaphore(%run_scoped3A_84 : memref<!tpu.dma_semaphore, #tpu.memory_space<semaphore_mem>>) {add = true}
          %dma_wait3A_94 = arith.constant 0 : i32
          %dma_wait3A_95 = arith.constant 0 : i32
          %dma_wait3A_96 = tpu.memref_slice %arg11[%dma_wait3A_94, %dma_wait3A_95] : memref<128x128xf32, #tpu.memory_space<vmem>> -> memref<125x128xf32, #tpu.memory_space<vmem>>
          %dma_wait3A_97 = arith.constant 0 : i32
          %dma_wait3A_98 = tpu.memref_slice %arg9[%run_scoped3A_83, %dma_wait3A_97] : memref<32x125xi32, #tpu.memory_space<vmem>> -> memref<1x125xi32, #tpu.memory_space<vmem>>
          %dma_wait3A_99 = tpu.memref_squeeze %dma_wait3A_98 : memref<1x125xi32, #tpu.memory_space<vmem>> -> memref<125xi32, #tpu.memory_space<vmem>>
          %dma_wait3A_100 = arith.constant 0 : i32
          %dma_wait3A_101 = arith.constant 0 : i32
          %dma_wait3A_102 = tpu.memref_slice %arg12[%dma_wait3A_100, %dma_wait3A_101] : memref<10240x128xf32, #tpu.memory_space<vmem_shared>> -> memref<10240x128xf32, #tpu.memory_space<vmem_shared>>
          tpu.wait_indirect_dma semaphore(%run_scoped3A_84 : memref<!tpu.dma_semaphore, #tpu.memory_space<semaphore_mem>>) src(%dma_wait3A_96 : memref<125x128xf32, #tpu.memory_space<vmem>>) dst(%dma_wait3A_102 : memref<10240x128xf32, #tpu.memory_space<vmem_shared>>)
          tpu.yield
        }) : () -> ()
      } else {
      }
      %eq3A_35 = arith.constant 1 : i32
      %eq3A_36 = arith.cmpi eq, %arg0, %eq3A_35 : i32
      %convert_element_type3A_37 = arith.extui %eq3A_36 : i1 to i32
      %cond3A_38 = arith.constant 0 : i32
      %cond3A_39 = arith.cmpi ne, %convert_element_type3A_37, %cond3A_38 : i32
      scf.if %cond3A_39 {
        %dma_start3A = arith.constant 0 : i32
        %dma_start3A_40 = arith.constant 0 : i32
        %dma_start3A_41 = arith.constant 0 : i32
        %dma_start3A_42 = tpu.memref_slice %arg10[%dma_start3A_40, %dma_start3A_41] : memref<128x128xf32, #tpu.memory_space<vmem>> -> memref<125x128xf32, #tpu.memory_space<vmem>>
        %dma_start3A_43 = arith.constant 0 : i32
        %dma_start3A_44 = tpu.memref_slice %arg8[%dma_start3A, %dma_start3A_43] : memref<32x125xi32, #tpu.memory_space<vmem>> -> memref<1x125xi32, #tpu.memory_space<vmem>>
        %dma_start3A_45 = tpu.memref_squeeze %dma_start3A_44 : memref<1x125xi32, #tpu.memory_space<vmem>> -> memref<125xi32, #tpu.memory_space<vmem>>
        %dma_start3A_46 = arith.constant 0 : i32
        %dma_start3A_47 = arith.constant 0 : i32
        %dma_start3A_48 = tpu.memref_slice %arg5[%dma_start3A_46, %dma_start3A_47] : memref<10240x128xf32, #tpu.memory_space<hbm>> -> memref<10240x128xf32, #tpu.memory_space<hbm>>
        tpu.enqueue_indirect_dma source(%dma_start3A_48 : memref<10240x128xf32, #tpu.memory_space<hbm>>) target(%dma_start3A_42 : memref<125x128xf32, #tpu.memory_space<vmem>>) offsets(%dma_start3A_45 : memref<125xi32, #tpu.memory_space<vmem>>) semaphore(%arg13 : memref<!tpu.dma_semaphore, #tpu.memory_space<semaphore_mem>>)
        %dma_start3A_49 = arith.constant 1 : i32
        %dma_start3A_50 = arith.constant 0 : i32
        %dma_start3A_51 = arith.constant 0 : i32
        %dma_start3A_52 = tpu.memref_slice %arg11[%dma_start3A_50, %dma_start3A_51] : memref<128x128xf32, #tpu.memory_space<vmem>> -> memref<125x128xf32, #tpu.memory_space<vmem>>
        %dma_start3A_53 = arith.constant 0 : i32
        %dma_start3A_54 = tpu.memref_slice %arg8[%dma_start3A_49, %dma_start3A_53] : memref<32x125xi32, #tpu.memory_space<vmem>> -> memref<1x125xi32, #tpu.memory_space<vmem>>
        %dma_start3A_55 = tpu.memref_squeeze %dma_start3A_54 : memref<1x125xi32, #tpu.memory_space<vmem>> -> memref<125xi32, #tpu.memory_space<vmem>>
        %dma_start3A_56 = arith.constant 0 : i32
        %dma_start3A_57 = arith.constant 0 : i32
        %dma_start3A_58 = tpu.memref_slice %arg5[%dma_start3A_56, %dma_start3A_57] : memref<10240x128xf32, #tpu.memory_space<hbm>> -> memref<10240x128xf32, #tpu.memory_space<hbm>>
        tpu.enqueue_indirect_dma source(%dma_start3A_58 : memref<10240x128xf32, #tpu.memory_space<hbm>>) target(%dma_start3A_52 : memref<125x128xf32, #tpu.memory_space<vmem>>) offsets(%dma_start3A_55 : memref<125xi32, #tpu.memory_space<vmem>>) semaphore(%arg14 : memref<!tpu.dma_semaphore, #tpu.memory_space<semaphore_mem>>)
        %scan3A_59 = arith.constant 0 : i32
        %scan3A_60 = arith.constant 15 : i32
        %scan3A_61 = arith.addi %scan3A_59, %scan3A_60 : i32
        %scan3A_62 = arith.constant 1 : i32
        scf.for %scan3A_84 = %scan3A_59 to %scan3A_61 step %scan3A_62  : i32 {
          %mul3A_85 = arith.constant 1 : i32
          %mul3A_86 = arith.muli %scan3A_84, %mul3A_85 : i32
          %add3A_87 = arith.constant 0 : i32
          %add3A_88 = arith.addi %add3A_87, %mul3A_86 : i32
          %mul3A_89 = arith.constant 2 : i32
          %mul3A_90 = arith.muli %mul3A_89, %add3A_88 : i32
          %dma_wait3A_91 = arith.constant 0 : i32
          %dma_wait3A_92 = arith.constant 0 : i32
          %dma_wait3A_93 = tpu.memref_slice %arg10[%dma_wait3A_91, %dma_wait3A_92] : memref<128x128xf32, #tpu.memory_space<vmem>> -> memref<125x128xf32, #tpu.memory_space<vmem>>
          %dma_wait3A_94 = arith.constant 0 : i32
          %dma_wait3A_95 = tpu.memref_slice %arg8[%mul3A_90, %dma_wait3A_94] : memref<32x125xi32, #tpu.memory_space<vmem>> -> memref<1x125xi32, #tpu.memory_space<vmem>>
          %dma_wait3A_96 = tpu.memref_squeeze %dma_wait3A_95 : memref<1x125xi32, #tpu.memory_space<vmem>> -> memref<125xi32, #tpu.memory_space<vmem>>
          %dma_wait3A_97 = arith.constant 0 : i32
          %dma_wait3A_98 = arith.constant 0 : i32
          %dma_wait3A_99 = tpu.memref_slice %arg5[%dma_wait3A_97, %dma_wait3A_98] : memref<10240x128xf32, #tpu.memory_space<hbm>> -> memref<10240x128xf32, #tpu.memory_space<hbm>>
          tpu.wait_indirect_dma semaphore(%arg13 : memref<!tpu.dma_semaphore, #tpu.memory_space<semaphore_mem>>) src(%dma_wait3A_99 : memref<10240x128xf32, #tpu.memory_space<hbm>>) dst(%dma_wait3A_93 : memref<125x128xf32, #tpu.memory_space<vmem>>)
          "tpu.region"() ({
            %run_scoped3A_135 = tpu.sem_alloc : memref<!tpu.dma_semaphore, #tpu.memory_space<semaphore_mem>>
            %dma_start3A_136 = arith.constant 0 : i32
            %dma_start3A_137 = arith.constant 0 : i32
            %dma_start3A_138 = tpu.memref_slice %arg10[%dma_start3A_136, %dma_start3A_137] : memref<128x128xf32, #tpu.memory_space<vmem>> -> memref<125x128xf32, #tpu.memory_space<vmem>>
            %dma_start3A_139 = arith.constant 0 : i32
            %dma_start3A_140 = tpu.memref_slice %arg9[%mul3A_90, %dma_start3A_139] : memref<32x125xi32, #tpu.memory_space<vmem>> -> memref<1x125xi32, #tpu.memory_space<vmem>>
            %dma_start3A_141 = tpu.memref_squeeze %dma_start3A_140 : memref<1x125xi32, #tpu.memory_space<vmem>> -> memref<125xi32, #tpu.memory_space<vmem>>
            %dma_start3A_142 = arith.constant 0 : i32
            %dma_start3A_143 = arith.constant 0 : i32
            %dma_start3A_144 = tpu.memref_slice %arg12[%dma_start3A_142, %dma_start3A_143] : memref<10240x128xf32, #tpu.memory_space<vmem_shared>> -> memref<10240x128xf32, #tpu.memory_space<vmem_shared>>
            tpu.enqueue_indirect_dma source(%dma_start3A_138 : memref<125x128xf32, #tpu.memory_space<vmem>>) target(%dma_start3A_144 : memref<10240x128xf32, #tpu.memory_space<vmem_shared>>) offsets(%dma_start3A_141 : memref<125xi32, #tpu.memory_space<vmem>>) semaphore(%run_scoped3A_135 : memref<!tpu.dma_semaphore, #tpu.memory_space<semaphore_mem>>) {add = true}
            %dma_wait3A_145 = arith.constant 0 : i32
            %dma_wait3A_146 = arith.constant 0 : i32
            %dma_wait3A_147 = tpu.memref_slice %arg10[%dma_wait3A_145, %dma_wait3A_146] : memref<128x128xf32, #tpu.memory_space<vmem>> -> memref<125x128xf32, #tpu.memory_space<vmem>>
            %dma_wait3A_148 = arith.constant 0 : i32
            %dma_wait3A_149 = tpu.memref_slice %arg9[%mul3A_90, %dma_wait3A_148] : memref<32x125xi32, #tpu.memory_space<vmem>> -> memref<1x125xi32, #tpu.memory_space<vmem>>
            %dma_wait3A_150 = tpu.memref_squeeze %dma_wait3A_149 : memref<1x125xi32, #tpu.memory_space<vmem>> -> memref<125xi32, #tpu.memory_space<vmem>>
            %dma_wait3A_151 = arith.constant 0 : i32
            %dma_wait3A_152 = arith.constant 0 : i32
            %dma_wait3A_153 = tpu.memref_slice %arg12[%dma_wait3A_151, %dma_wait3A_152] : memref<10240x128xf32, #tpu.memory_space<vmem_shared>> -> memref<10240x128xf32, #tpu.memory_space<vmem_shared>>
            tpu.wait_indirect_dma semaphore(%run_scoped3A_135 : memref<!tpu.dma_semaphore, #tpu.memory_space<semaphore_mem>>) src(%dma_wait3A_147 : memref<125x128xf32, #tpu.memory_space<vmem>>) dst(%dma_wait3A_153 : memref<10240x128xf32, #tpu.memory_space<vmem_shared>>)
            tpu.yield
          }) : () -> ()
          %add3A_100 = arith.constant 2 : i32
          %add3A_101 = arith.addi %mul3A_90, %add3A_100 : i32
          %dma_start3A_102 = arith.constant 0 : i32
          %dma_start3A_103 = arith.constant 0 : i32
          %dma_start3A_104 = tpu.memref_slice %arg10[%dma_start3A_102, %dma_start3A_103] : memref<128x128xf32, #tpu.memory_space<vmem>> -> memref<125x128xf32, #tpu.memory_space<vmem>>
          %dma_start3A_105 = arith.constant 0 : i32
          %dma_start3A_106 = tpu.memref_slice %arg8[%add3A_101, %dma_start3A_105] : memref<32x125xi32, #tpu.memory_space<vmem>> -> memref<1x125xi32, #tpu.memory_space<vmem>>
          %dma_start3A_107 = tpu.memref_squeeze %dma_start3A_106 : memref<1x125xi32, #tpu.memory_space<vmem>> -> memref<125xi32, #tpu.memory_space<vmem>>
          %dma_start3A_108 = arith.constant 0 : i32
          %dma_start3A_109 = arith.constant 0 : i32
          %dma_start3A_110 = tpu.memref_slice %arg5[%dma_start3A_108, %dma_start3A_109] : memref<10240x128xf32, #tpu.memory_space<hbm>> -> memref<10240x128xf32, #tpu.memory_space<hbm>>
          tpu.enqueue_indirect_dma source(%dma_start3A_110 : memref<10240x128xf32, #tpu.memory_space<hbm>>) target(%dma_start3A_104 : memref<125x128xf32, #tpu.memory_space<vmem>>) offsets(%dma_start3A_107 : memref<125xi32, #tpu.memory_space<vmem>>) semaphore(%arg13 : memref<!tpu.dma_semaphore, #tpu.memory_space<semaphore_mem>>)
          %add3A_111 = arith.constant 1 : i32
          %add3A_112 = arith.addi %mul3A_90, %add3A_111 : i32
          %dma_wait3A_113 = arith.constant 0 : i32
          %dma_wait3A_114 = arith.constant 0 : i32
          %dma_wait3A_115 = tpu.memref_slice %arg11[%dma_wait3A_113, %dma_wait3A_114] : memref<128x128xf32, #tpu.memory_space<vmem>> -> memref<125x128xf32, #tpu.memory_space<vmem>>
          %dma_wait3A_116 = arith.constant 0 : i32
          %dma_wait3A_117 = tpu.memref_slice %arg8[%add3A_112, %dma_wait3A_116] : memref<32x125xi32, #tpu.memory_space<vmem>> -> memref<1x125xi32, #tpu.memory_space<vmem>>
          %dma_wait3A_118 = tpu.memref_squeeze %dma_wait3A_117 : memref<1x125xi32, #tpu.memory_space<vmem>> -> memref<125xi32, #tpu.memory_space<vmem>>
          %dma_wait3A_119 = arith.constant 0 : i32
          %dma_wait3A_120 = arith.constant 0 : i32
          %dma_wait3A_121 = tpu.memref_slice %arg5[%dma_wait3A_119, %dma_wait3A_120] : memref<10240x128xf32, #tpu.memory_space<hbm>> -> memref<10240x128xf32, #tpu.memory_space<hbm>>
          tpu.wait_indirect_dma semaphore(%arg14 : memref<!tpu.dma_semaphore, #tpu.memory_space<semaphore_mem>>) src(%dma_wait3A_121 : memref<10240x128xf32, #tpu.memory_space<hbm>>) dst(%dma_wait3A_115 : memref<125x128xf32, #tpu.memory_space<vmem>>)
          %add3A_122 = arith.constant 1 : i32
          %add3A_123 = arith.addi %mul3A_90, %add3A_122 : i32
          "tpu.region"() ({
            %run_scoped3A_135 = tpu.sem_alloc : memref<!tpu.dma_semaphore, #tpu.memory_space<semaphore_mem>>
            %dma_start3A_136 = arith.constant 0 : i32
            %dma_start3A_137 = arith.constant 0 : i32
            %dma_start3A_138 = tpu.memref_slice %arg11[%dma_start3A_136, %dma_start3A_137] : memref<128x128xf32, #tpu.memory_space<vmem>> -> memref<125x128xf32, #tpu.memory_space<vmem>>
            %dma_start3A_139 = arith.constant 0 : i32
            %dma_start3A_140 = tpu.memref_slice %arg9[%add3A_123, %dma_start3A_139] : memref<32x125xi32, #tpu.memory_space<vmem>> -> memref<1x125xi32, #tpu.memory_space<vmem>>
            %dma_start3A_141 = tpu.memref_squeeze %dma_start3A_140 : memref<1x125xi32, #tpu.memory_space<vmem>> -> memref<125xi32, #tpu.memory_space<vmem>>
            %dma_start3A_142 = arith.constant 0 : i32
            %dma_start3A_143 = arith.constant 0 : i32
            %dma_start3A_144 = tpu.memref_slice %arg12[%dma_start3A_142, %dma_start3A_143] : memref<10240x128xf32, #tpu.memory_space<vmem_shared>> -> memref<10240x128xf32, #tpu.memory_space<vmem_shared>>
            tpu.enqueue_indirect_dma source(%dma_start3A_138 : memref<125x128xf32, #tpu.memory_space<vmem>>) target(%dma_start3A_144 : memref<10240x128xf32, #tpu.memory_space<vmem_shared>>) offsets(%dma_start3A_141 : memref<125xi32, #tpu.memory_space<vmem>>) semaphore(%run_scoped3A_135 : memref<!tpu.dma_semaphore, #tpu.memory_space<semaphore_mem>>) {add = true}
            %dma_wait3A_145 = arith.constant 0 : i32
            %dma_wait3A_146 = arith.constant 0 : i32
            %dma_wait3A_147 = tpu.memref_slice %arg11[%dma_wait3A_145, %dma_wait3A_146] : memref<128x128xf32, #tpu.memory_space<vmem>> -> memref<125x128xf32, #tpu.memory_space<vmem>>
            %dma_wait3A_148 = arith.constant 0 : i32
            %dma_wait3A_149 = tpu.memref_slice %arg9[%add3A_123, %dma_wait3A_148] : memref<32x125xi32, #tpu.memory_space<vmem>> -> memref<1x125xi32, #tpu.memory_space<vmem>>
            %dma_wait3A_150 = tpu.memref_squeeze %dma_wait3A_149 : memref<1x125xi32, #tpu.memory_space<vmem>> -> memref<125xi32, #tpu.memory_space<vmem>>
            %dma_wait3A_151 = arith.constant 0 : i32
            %dma_wait3A_152 = arith.constant 0 : i32
            %dma_wait3A_153 = tpu.memref_slice %arg12[%dma_wait3A_151, %dma_wait3A_152] : memref<10240x128xf32, #tpu.memory_space<vmem_shared>> -> memref<10240x128xf32, #tpu.memory_space<vmem_shared>>
            tpu.wait_indirect_dma semaphore(%run_scoped3A_135 : memref<!tpu.dma_semaphore, #tpu.memory_space<semaphore_mem>>) src(%dma_wait3A_147 : memref<125x128xf32, #tpu.memory_space<vmem>>) dst(%dma_wait3A_153 : memref<10240x128xf32, #tpu.memory_space<vmem_shared>>)
            tpu.yield
          }) : () -> ()
          %add3A_124 = arith.constant 3 : i32
          %add3A_125 = arith.addi %mul3A_90, %add3A_124 : i32
          %dma_start3A_126 = arith.constant 0 : i32
          %dma_start3A_127 = arith.constant 0 : i32
          %dma_start3A_128 = tpu.memref_slice %arg11[%dma_start3A_126, %dma_start3A_127] : memref<128x128xf32, #tpu.memory_space<vmem>> -> memref<125x128xf32, #tpu.memory_space<vmem>>
          %dma_start3A_129 = arith.constant 0 : i32
          %dma_start3A_130 = tpu.memref_slice %arg8[%add3A_125, %dma_start3A_129] : memref<32x125xi32, #tpu.memory_space<vmem>> -> memref<1x125xi32, #tpu.memory_space<vmem>>
          %dma_start3A_131 = tpu.memref_squeeze %dma_start3A_130 : memref<1x125xi32, #tpu.memory_space<vmem>> -> memref<125xi32, #tpu.memory_space<vmem>>
          %dma_start3A_132 = arith.constant 0 : i32
          %dma_start3A_133 = arith.constant 0 : i32
          %dma_start3A_134 = tpu.memref_slice %arg5[%dma_start3A_132, %dma_start3A_133] : memref<10240x128xf32, #tpu.memory_space<hbm>> -> memref<10240x128xf32, #tpu.memory_space<hbm>>
          tpu.enqueue_indirect_dma source(%dma_start3A_134 : memref<10240x128xf32, #tpu.memory_space<hbm>>) target(%dma_start3A_128 : memref<125x128xf32, #tpu.memory_space<vmem>>) offsets(%dma_start3A_131 : memref<125xi32, #tpu.memory_space<vmem>>) semaphore(%arg14 : memref<!tpu.dma_semaphore, #tpu.memory_space<semaphore_mem>>)
        }
        %scan3A_63 = arith.constant 15 : i32
        %dma_wait3A = arith.constant 30 : i32
        %dma_wait3A_64 = arith.constant 0 : i32
        %dma_wait3A_65 = arith.constant 0 : i32
        %dma_wait3A_66 = tpu.memref_slice %arg10[%dma_wait3A_64, %dma_wait3A_65] : memref<128x128xf32, #tpu.memory_space<vmem>> -> memref<125x128xf32, #tpu.memory_space<vmem>>
        %dma_wait3A_67 = arith.constant 0 : i32
        %dma_wait3A_68 = tpu.memref_slice %arg8[%dma_wait3A, %dma_wait3A_67] : memref<32x125xi32, #tpu.memory_space<vmem>> -> memref<1x125xi32, #tpu.memory_space<vmem>>
        %dma_wait3A_69 = tpu.memref_squeeze %dma_wait3A_68 : memref<1x125xi32, #tpu.memory_space<vmem>> -> memref<125xi32, #tpu.memory_space<vmem>>
        %dma_wait3A_70 = arith.constant 0 : i32
        %dma_wait3A_71 = arith.constant 0 : i32
        %dma_wait3A_72 = tpu.memref_slice %arg5[%dma_wait3A_70, %dma_wait3A_71] : memref<10240x128xf32, #tpu.memory_space<hbm>> -> memref<10240x128xf32, #tpu.memory_space<hbm>>
        tpu.wait_indirect_dma semaphore(%arg13 : memref<!tpu.dma_semaphore, #tpu.memory_space<semaphore_mem>>) src(%dma_wait3A_72 : memref<10240x128xf32, #tpu.memory_space<hbm>>) dst(%dma_wait3A_66 : memref<125x128xf32, #tpu.memory_space<vmem>>)
        %run_scoped3A = arith.constant 30 : i32
        "tpu.region"() ({
          %run_scoped3A_84 = tpu.sem_alloc : memref<!tpu.dma_semaphore, #tpu.memory_space<semaphore_mem>>
          %dma_start3A_85 = arith.constant 0 : i32
          %dma_start3A_86 = arith.constant 0 : i32
          %dma_start3A_87 = tpu.memref_slice %arg10[%dma_start3A_85, %dma_start3A_86] : memref<128x128xf32, #tpu.memory_space<vmem>> -> memref<125x128xf32, #tpu.memory_space<vmem>>
          %dma_start3A_88 = arith.constant 0 : i32
          %dma_start3A_89 = tpu.memref_slice %arg9[%run_scoped3A, %dma_start3A_88] : memref<32x125xi32, #tpu.memory_space<vmem>> -> memref<1x125xi32, #tpu.memory_space<vmem>>
          %dma_start3A_90 = tpu.memref_squeeze %dma_start3A_89 : memref<1x125xi32, #tpu.memory_space<vmem>> -> memref<125xi32, #tpu.memory_space<vmem>>
          %dma_start3A_91 = arith.constant 0 : i32
          %dma_start3A_92 = arith.constant 0 : i32
          %dma_start3A_93 = tpu.memref_slice %arg12[%dma_start3A_91, %dma_start3A_92] : memref<10240x128xf32, #tpu.memory_space<vmem_shared>> -> memref<10240x128xf32, #tpu.memory_space<vmem_shared>>
          tpu.enqueue_indirect_dma source(%dma_start3A_87 : memref<125x128xf32, #tpu.memory_space<vmem>>) target(%dma_start3A_93 : memref<10240x128xf32, #tpu.memory_space<vmem_shared>>) offsets(%dma_start3A_90 : memref<125xi32, #tpu.memory_space<vmem>>) semaphore(%run_scoped3A_84 : memref<!tpu.dma_semaphore, #tpu.memory_space<semaphore_mem>>) {add = true}
          %dma_wait3A_94 = arith.constant 0 : i32
          %dma_wait3A_95 = arith.constant 0 : i32
          %dma_wait3A_96 = tpu.memref_slice %arg10[%dma_wait3A_94, %dma_wait3A_95] : memref<128x128xf32, #tpu.memory_space<vmem>> -> memref<125x128xf32, #tpu.memory_space<vmem>>
          %dma_wait3A_97 = arith.constant 0 : i32
          %dma_wait3A_98 = tpu.memref_slice %arg9[%run_scoped3A, %dma_wait3A_97] : memref<32x125xi32, #tpu.memory_space<vmem>> -> memref<1x125xi32, #tpu.memory_space<vmem>>
          %dma_wait3A_99 = tpu.memref_squeeze %dma_wait3A_98 : memref<1x125xi32, #tpu.memory_space<vmem>> -> memref<125xi32, #tpu.memory_space<vmem>>
          %dma_wait3A_100 = arith.constant 0 : i32
          %dma_wait3A_101 = arith.constant 0 : i32
          %dma_wait3A_102 = tpu.memref_slice %arg12[%dma_wait3A_100, %dma_wait3A_101] : memref<10240x128xf32, #tpu.memory_space<vmem_shared>> -> memref<10240x128xf32, #tpu.memory_space<vmem_shared>>
          tpu.wait_indirect_dma semaphore(%run_scoped3A_84 : memref<!tpu.dma_semaphore, #tpu.memory_space<semaphore_mem>>) src(%dma_wait3A_96 : memref<125x128xf32, #tpu.memory_space<vmem>>) dst(%dma_wait3A_102 : memref<10240x128xf32, #tpu.memory_space<vmem_shared>>)
          tpu.yield
        }) : () -> ()
        %dma_wait3A_73 = arith.constant 31 : i32
        %dma_wait3A_74 = arith.constant 0 : i32
        %dma_wait3A_75 = arith.constant 0 : i32
        %dma_wait3A_76 = tpu.memref_slice %arg11[%dma_wait3A_74, %dma_wait3A_75] : memref<128x128xf32, #tpu.memory_space<vmem>> -> memref<125x128xf32, #tpu.memory_space<vmem>>
        %dma_wait3A_77 = arith.constant 0 : i32
        %dma_wait3A_78 = tpu.memref_slice %arg8[%dma_wait3A_73, %dma_wait3A_77] : memref<32x125xi32, #tpu.memory_space<vmem>> -> memref<1x125xi32, #tpu.memory_space<vmem>>
        %dma_wait3A_79 = tpu.memref_squeeze %dma_wait3A_78 : memref<1x125xi32, #tpu.memory_space<vmem>> -> memref<125xi32, #tpu.memory_space<vmem>>
        %dma_wait3A_80 = arith.constant 0 : i32
        %dma_wait3A_81 = arith.constant 0 : i32
        %dma_wait3A_82 = tpu.memref_slice %arg5[%dma_wait3A_80, %dma_wait3A_81] : memref<10240x128xf32, #tpu.memory_space<hbm>> -> memref<10240x128xf32, #tpu.memory_space<hbm>>
        tpu.wait_indirect_dma semaphore(%arg14 : memref<!tpu.dma_semaphore, #tpu.memory_space<semaphore_mem>>) src(%dma_wait3A_82 : memref<10240x128xf32, #tpu.memory_space<hbm>>) dst(%dma_wait3A_76 : memref<125x128xf32, #tpu.memory_space<vmem>>)
        %run_scoped3A_83 = arith.constant 31 : i32
        "tpu.region"() ({
          %run_scoped3A_84 = tpu.sem_alloc : memref<!tpu.dma_semaphore, #tpu.memory_space<semaphore_mem>>
          %dma_start3A_85 = arith.constant 0 : i32
          %dma_start3A_86 = arith.constant 0 : i32
          %dma_start3A_87 = tpu.memref_slice %arg11[%dma_start3A_85, %dma_start3A_86] : memref<128x128xf32, #tpu.memory_space<vmem>> -> memref<125x128xf32, #tpu.memory_space<vmem>>
          %dma_start3A_88 = arith.constant 0 : i32
          %dma_start3A_89 = tpu.memref_slice %arg9[%run_scoped3A_83, %dma_start3A_88] : memref<32x125xi32, #tpu.memory_space<vmem>> -> memref<1x125xi32, #tpu.memory_space<vmem>>
          %dma_start3A_90 = tpu.memref_squeeze %dma_start3A_89 : memref<1x125xi32, #tpu.memory_space<vmem>> -> memref<125xi32, #tpu.memory_space<vmem>>
          %dma_start3A_91 = arith.constant 0 : i32
          %dma_start3A_92 = arith.constant 0 : i32
          %dma_start3A_93 = tpu.memref_slice %arg12[%dma_start3A_91, %dma_start3A_92] : memref<10240x128xf32, #tpu.memory_space<vmem_shared>> -> memref<10240x128xf32, #tpu.memory_space<vmem_shared>>
          tpu.enqueue_indirect_dma source(%dma_start3A_87 : memref<125x128xf32, #tpu.memory_space<vmem>>) target(%dma_start3A_93 : memref<10240x128xf32, #tpu.memory_space<vmem_shared>>) offsets(%dma_start3A_90 : memref<125xi32, #tpu.memory_space<vmem>>) semaphore(%run_scoped3A_84 : memref<!tpu.dma_semaphore, #tpu.memory_space<semaphore_mem>>) {add = true}
          %dma_wait3A_94 = arith.constant 0 : i32
          %dma_wait3A_95 = arith.constant 0 : i32
          %dma_wait3A_96 = tpu.memref_slice %arg11[%dma_wait3A_94, %dma_wait3A_95] : memref<128x128xf32, #tpu.memory_space<vmem>> -> memref<125x128xf32, #tpu.memory_space<vmem>>
          %dma_wait3A_97 = arith.constant 0 : i32
          %dma_wait3A_98 = tpu.memref_slice %arg9[%run_scoped3A_83, %dma_wait3A_97] : memref<32x125xi32, #tpu.memory_space<vmem>> -> memref<1x125xi32, #tpu.memory_space<vmem>>
          %dma_wait3A_99 = tpu.memref_squeeze %dma_wait3A_98 : memref<1x125xi32, #tpu.memory_space<vmem>> -> memref<125xi32, #tpu.memory_space<vmem>>
          %dma_wait3A_100 = arith.constant 0 : i32
          %dma_wait3A_101 = arith.constant 0 : i32
          %dma_wait3A_102 = tpu.memref_slice %arg12[%dma_wait3A_100, %dma_wait3A_101] : memref<10240x128xf32, #tpu.memory_space<vmem_shared>> -> memref<10240x128xf32, #tpu.memory_space<vmem_shared>>
          tpu.wait_indirect_dma semaphore(%run_scoped3A_84 : memref<!tpu.dma_semaphore, #tpu.memory_space<semaphore_mem>>) src(%dma_wait3A_96 : memref<125x128xf32, #tpu.memory_space<vmem>>) dst(%dma_wait3A_102 : memref<10240x128xf32, #tpu.memory_space<vmem_shared>>)
          tpu.yield
        }) : () -> ()
      } else {
      }
    }
    %scan3A_13 = arith.constant 5 : i32
    %barrier3A_14 = arith.constant 0 : index
    tpu.barrier barrier_id(%barrier3A_14)
    %eq3A = arith.constant 0 : i32
    %eq3A_15 = arith.cmpi eq, %arg0, %eq3A : i32
    %convert_element_type3A = arith.extui %eq3A_15 : i1 to i32
    %cond3A = arith.constant 0 : i32
    %cond3A_16 = arith.cmpi ne, %convert_element_type3A, %cond3A : i32
    scf.if %cond3A_16 {
      %mul3A = arith.constant 640 : i32
      %mul3A_22 = arith.muli %arg1, %mul3A : i32
      %mul3A_23 = arith.constant 640 : i32
      %mul3A_24 = arith.muli %arg1, %mul3A_23 : i32
      "tpu.region"() ({
        %run_scoped3A = tpu.sem_alloc : memref<!tpu.dma_semaphore, #tpu.memory_space<semaphore_mem>>
        %dma_start3A = arith.constant 0 : i32
        %dma_start3A_25 = tpu.memref_slice %arg6[%mul3A_24, %dma_start3A] : memref<10240x128xf32, #tpu.memory_space<hbm>> -> memref<640x128xf32, #tpu.memory_space<hbm>>
        %dma_start3A_26 = arith.constant 0 : i32
        %dma_start3A_27 = tpu.memref_slice %arg12[%mul3A_22, %dma_start3A_26] : memref<10240x128xf32, #tpu.memory_space<vmem_shared>> -> memref<640x128xf32, #tpu.memory_space<vmem_shared>>
        tpu.enqueue_dma source(%dma_start3A_27 : memref<640x128xf32, #tpu.memory_space<vmem_shared>>) target(%dma_start3A_25 : memref<640x128xf32, #tpu.memory_space<hbm>>) target_semaphore(%run_scoped3A : memref<!tpu.dma_semaphore, #tpu.memory_space<semaphore_mem>>)
        %dma_wait3A = arith.constant 0 : i32
        %dma_wait3A_28 = tpu.memref_slice %arg6[%mul3A_24, %dma_wait3A] : memref<10240x128xf32, #tpu.memory_space<hbm>> -> memref<640x128xf32, #tpu.memory_space<hbm>>
        %dma_wait3A_29 = arith.constant 0 : i32
        %dma_wait3A_30 = tpu.memref_slice %arg12[%mul3A_22, %dma_wait3A_29] : memref<10240x128xf32, #tpu.memory_space<vmem_shared>> -> memref<640x128xf32, #tpu.memory_space<vmem_shared>>
        tpu.wait_dma2 semaphore(%run_scoped3A : memref<!tpu.dma_semaphore, #tpu.memory_space<semaphore_mem>>) src(%dma_wait3A_30 : memref<640x128xf32, #tpu.memory_space<vmem_shared>>) dst(%dma_wait3A_28 : memref<640x128xf32, #tpu.memory_space<hbm>>)
        tpu.yield
      }) : () -> ()
    } else {
    }
    %eq3A_17 = arith.constant 1 : i32
    %eq3A_18 = arith.cmpi eq, %arg0, %eq3A_17 : i32
    %convert_element_type3A_19 = arith.extui %eq3A_18 : i1 to i32
    %cond3A_20 = arith.constant 0 : i32
    %cond3A_21 = arith.cmpi ne, %convert_element_type3A_19, %cond3A_20 : i32
    scf.if %cond3A_21 {
      %mul3A = arith.constant 640 : i32
      %mul3A_22 = arith.muli %arg1, %mul3A : i32
      %mul3A_23 = arith.constant 640 : i32
      %mul3A_24 = arith.muli %arg1, %mul3A_23 : i32
      "tpu.region"() ({
        %run_scoped3A = tpu.sem_alloc : memref<!tpu.dma_semaphore, #tpu.memory_space<semaphore_mem>>
        %dma_start3A = arith.constant 0 : i32
        %dma_start3A_25 = tpu.memref_slice %arg7[%mul3A_24, %dma_start3A] : memref<10240x128xf32, #tpu.memory_space<hbm>> -> memref<640x128xf32, #tpu.memory_space<hbm>>
        %dma_start3A_26 = arith.constant 0 : i32
        %dma_start3A_27 = tpu.memref_slice %arg12[%mul3A_22, %dma_start3A_26] : memref<10240x128xf32, #tpu.memory_space<vmem_shared>> -> memref<640x128xf32, #tpu.memory_space<vmem_shared>>
        tpu.enqueue_dma source(%dma_start3A_27 : memref<640x128xf32, #tpu.memory_space<vmem_shared>>) target(%dma_start3A_25 : memref<640x128xf32, #tpu.memory_space<hbm>>) target_semaphore(%run_scoped3A : memref<!tpu.dma_semaphore, #tpu.memory_space<semaphore_mem>>)
        %dma_wait3A = arith.constant 0 : i32
        %dma_wait3A_28 = tpu.memref_slice %arg7[%mul3A_24, %dma_wait3A] : memref<10240x128xf32, #tpu.memory_space<hbm>> -> memref<640x128xf32, #tpu.memory_space<hbm>>
        %dma_wait3A_29 = arith.constant 0 : i32
        %dma_wait3A_30 = tpu.memref_slice %arg12[%mul3A_22, %dma_wait3A_29] : memref<10240x128xf32, #tpu.memory_space<vmem_shared>> -> memref<640x128xf32, #tpu.memory_space<vmem_shared>>
        tpu.wait_dma2 semaphore(%run_scoped3A : memref<!tpu.dma_semaphore, #tpu.memory_space<semaphore_mem>>) src(%dma_wait3A_30 : memref<640x128xf32, #tpu.memory_space<vmem_shared>>) dst(%dma_wait3A_28 : memref<640x128xf32, #tpu.memory_space<hbm>>)
        tpu.yield
      }) : () -> ()
    } else {
    }
    return
  }
}

#map = affine_map<(d0, d1) -> (0, 0)>
module attributes {stable_mosaic.version = 14 : i64} {
  func.func @scat_kernel(%arg0: i32, %arg1: i32, %arg2: memref<2560x125xi32, #tpu.memory_space<hbm>>, %arg3: memref<2560x125xi32, #tpu.memory_space<hbm>>, %arg4: memref<10240x128xf32, #tpu.memory_space<hbm>>, %arg5: memref<10240x128xf32, #tpu.memory_space<hbm>>, %arg6: memref<10240x128xf32, #tpu.memory_space<hbm>>, %arg7: memref<10240x128xf32, #tpu.memory_space<hbm>>, %arg8: memref<32x125xi32, #tpu.memory_space<vmem>>, %arg9: memref<32x125xi32, #tpu.memory_space<vmem>>, %arg10: memref<128x128xf32, #tpu.memory_space<vmem>>, %arg11: memref<128x128xf32, #tpu.memory_space<vmem>>, %arg12: memref<10240x128xf32, #tpu.memory_space<vmem_shared>>, %arg13: memref<!tpu.dma_semaphore, #tpu.memory_space<semaphore_mem>>, %arg14: memref<!tpu.dma_semaphore, #tpu.memory_space<semaphore_mem>>) attributes {dimension_semantics = [#tpu.dimension_semantics<core_parallel>, #tpu.dimension_semantics<subcore_parallel>], iteration_bounds = array<i64: 2, 16>, scalar_prefetch = 0 : i64, scratch_operands = 7 : i64, tpu.core_type = #tpu.core_type<sc_vector_subcore>, window_params = [{transform_indices = #map}, {transform_indices = #map}, {transform_indices = #map}, {transform_indices = #map}, {transform_indices = #map}, {transform_indices = #map}]} {
    %scan3A = arith.constant 0 : i32
    %scan3A_0 = arith.constant 128 : i32
    %scan3A_1 = arith.addi %scan3A, %scan3A_0 : i32
    %scan3A_2 = arith.constant 1 : i32
    scf.for %scan3A_22 = %scan3A to %scan3A_1 step %scan3A_2  : i32 {
      %mul3A = arith.constant 1 : i32
      %mul3A_23 = arith.muli %scan3A_22, %mul3A : i32
      %add3A = arith.constant 0 : i32
      %add3A_24 = arith.addi %add3A, %mul3A_23 : i32
      %broadcast_in_dim3A = arith.constant 0.000000e+00 : f32
      %broadcast_in_dim3A_25 = vector.broadcast %broadcast_in_dim3A : f32 to vector<16xf32>
      %swap3A = arith.index_cast %add3A_24 : i32 to index
      %swap3A_26 = arith.constant 0 : index
      %swap3A_27 = tpu.vector_load %arg10[%swap3A, %swap3A_26] {strides = array<i32>} : memref<128x128xf32, #tpu.memory_space<vmem>>, vector<1x16xf32>,
      %swap3A_28 = vector.shape_cast %swap3A_27 : vector<1x16xf32> to vector<16xf32>
      %swap3A_29 = vector.shape_cast %broadcast_in_dim3A_25 : vector<16xf32> to vector<1x16xf32>
      tpu.vector_store %arg10[%swap3A, %swap3A_26], %swap3A_29 {strides = array<i32>} : memref<128x128xf32, #tpu.memory_space<vmem>>, vector<1x16xf32>,
      %broadcast_in_dim3A_30 = arith.constant 0.000000e+00 : f32
      %broadcast_in_dim3A_31 = vector.broadcast %broadcast_in_dim3A_30 : f32 to vector<16xf32>
      %swap3A_32 = arith.index_cast %add3A_24 : i32 to index
      %swap3A_33 = arith.constant 16 : index
      %swap3A_34 = tpu.vector_load %arg10[%swap3A_32, %swap3A_33] {strides = array<i32>} : memref<128x128xf32, #tpu.memory_space<vmem>>, vector<1x16xf32>,
      %swap3A_35 = vector.shape_cast %swap3A_34 : vector<1x16xf32> to vector<16xf32>
      %swap3A_36 = vector.shape_cast %broadcast_in_dim3A_31 : vector<16xf32> to vector<1x16xf32>
      tpu.vector_store %arg10[%swap3A_32, %swap3A_33], %swap3A_36 {strides = array<i32>} : memref<128x128xf32, #tpu.memory_space<vmem>>, vector<1x16xf32>,
      %broadcast_in_dim3A_37 = arith.constant 0.000000e+00 : f32
      %broadcast_in_dim3A_38 = vector.broadcast %broadcast_in_dim3A_37 : f32 to vector<16xf32>
      %swap3A_39 = arith.index_cast %add3A_24 : i32 to index
      %swap3A_40 = arith.constant 32 : index
      %swap3A_41 = tpu.vector_load %arg10[%swap3A_39, %swap3A_40] {strides = array<i32>} : memref<128x128xf32, #tpu.memory_space<vmem>>, vector<1x16xf32>,
      %swap3A_42 = vector.shape_cast %swap3A_41 : vector<1x16xf32> to vector<16xf32>
      %swap3A_43 = vector.shape_cast %broadcast_in_dim3A_38 : vector<16xf32> to vector<1x16xf32>
      tpu.vector_store %arg10[%swap3A_39, %swap3A_40], %swap3A_43 {strides = array<i32>} : memref<128x128xf32, #tpu.memory_space<vmem>>, vector<1x16xf32>,
      %broadcast_in_dim3A_44 = arith.constant 0.000000e+00 : f32
      %broadcast_in_dim3A_45 = vector.broadcast %broadcast_in_dim3A_44 : f32 to vector<16xf32>
      %swap3A_46 = arith.index_cast %add3A_24 : i32 to index
      %swap3A_47 = arith.constant 48 : index
      %swap3A_48 = tpu.vector_load %arg10[%swap3A_46, %swap3A_47] {strides = array<i32>} : memref<128x128xf32, #tpu.memory_space<vmem>>, vector<1x16xf32>,
      %swap3A_49 = vector.shape_cast %swap3A_48 : vector<1x16xf32> to vector<16xf32>
      %swap3A_50 = vector.shape_cast %broadcast_in_dim3A_45 : vector<16xf32> to vector<1x16xf32>
      tpu.vector_store %arg10[%swap3A_46, %swap3A_47], %swap3A_50 {strides = array<i32>} : memref<128x128xf32, #tpu.memory_space<vmem>>, vector<1x16xf32>,
      %broadcast_in_dim3A_51 = arith.constant 0.000000e+00 : f32
      %broadcast_in_dim3A_52 = vector.broadcast %broadcast_in_dim3A_51 : f32 to vector<16xf32>
      %swap3A_53 = arith.index_cast %add3A_24 : i32 to index
      %swap3A_54 = arith.constant 64 : index
      %swap3A_55 = tpu.vector_load %arg10[%swap3A_53, %swap3A_54] {strides = array<i32>} : memref<128x128xf32, #tpu.memory_space<vmem>>, vector<1x16xf32>,
      %swap3A_56 = vector.shape_cast %swap3A_55 : vector<1x16xf32> to vector<16xf32>
      %swap3A_57 = vector.shape_cast %broadcast_in_dim3A_52 : vector<16xf32> to vector<1x16xf32>
      tpu.vector_store %arg10[%swap3A_53, %swap3A_54], %swap3A_57 {strides = array<i32>} : memref<128x128xf32, #tpu.memory_space<vmem>>, vector<1x16xf32>,
      %broadcast_in_dim3A_58 = arith.constant 0.000000e+00 : f32
      %broadcast_in_dim3A_59 = vector.broadcast %broadcast_in_dim3A_58 : f32 to vector<16xf32>
      %swap3A_60 = arith.index_cast %add3A_24 : i32 to index
      %swap3A_61 = arith.constant 80 : index
      %swap3A_62 = tpu.vector_load %arg10[%swap3A_60, %swap3A_61] {strides = array<i32>} : memref<128x128xf32, #tpu.memory_space<vmem>>, vector<1x16xf32>,
      %swap3A_63 = vector.shape_cast %swap3A_62 : vector<1x16xf32> to vector<16xf32>
      %swap3A_64 = vector.shape_cast %broadcast_in_dim3A_59 : vector<16xf32> to vector<1x16xf32>
      tpu.vector_store %arg10[%swap3A_60, %swap3A_61], %swap3A_64 {strides = array<i32>} : memref<128x128xf32, #tpu.memory_space<vmem>>, vector<1x16xf32>,
      %broadcast_in_dim3A_65 = arith.constant 0.000000e+00 : f32
      %broadcast_in_dim3A_66 = vector.broadcast %broadcast_in_dim3A_65 : f32 to vector<16xf32>
      %swap3A_67 = arith.index_cast %add3A_24 : i32 to index
      %swap3A_68 = arith.constant 96 : index
      %swap3A_69 = tpu.vector_load %arg10[%swap3A_67, %swap3A_68] {strides = array<i32>} : memref<128x128xf32, #tpu.memory_space<vmem>>, vector<1x16xf32>,
      %swap3A_70 = vector.shape_cast %swap3A_69 : vector<1x16xf32> to vector<16xf32>
      %swap3A_71 = vector.shape_cast %broadcast_in_dim3A_66 : vector<16xf32> to vector<1x16xf32>
      tpu.vector_store %arg10[%swap3A_67, %swap3A_68], %swap3A_71 {strides = array<i32>} : memref<128x128xf32, #tpu.memory_space<vmem>>, vector<1x16xf32>,
      %broadcast_in_dim3A_72 = arith.constant 0.000000e+00 : f32
      %broadcast_in_dim3A_73 = vector.broadcast %broadcast_in_dim3A_72 : f32 to vector<16xf32>
      %swap3A_74 = arith.index_cast %add3A_24 : i32 to index
      %swap3A_75 = arith.constant 112 : index
      %swap3A_76 = tpu.vector_load %arg10[%swap3A_74, %swap3A_75] {strides = array<i32>} : memref<128x128xf32, #tpu.memory_space<vmem>>, vector<1x16xf32>,
      %swap3A_77 = vector.shape_cast %swap3A_76 : vector<1x16xf32> to vector<16xf32>
      %swap3A_78 = vector.shape_cast %broadcast_in_dim3A_73 : vector<16xf32> to vector<1x16xf32>
      tpu.vector_store %arg10[%swap3A_74, %swap3A_75], %swap3A_78 {strides = array<i32>} : memref<128x128xf32, #tpu.memory_space<vmem>>, vector<1x16xf32>,
    }
    %scan3A_3 = arith.constant 128 : i32
    %scan3A_4 = arith.constant 0 : i32
    %scan3A_5 = arith.constant 5 : i32
    %scan3A_6 = arith.addi %scan3A_4, %scan3A_5 : i32
    %scan3A_7 = arith.constant 1 : i32
    scf.for %scan3A_22 = %scan3A_4 to %scan3A_6 step %scan3A_7  : i32 {
      %mul3A = arith.constant 1 : i32
      %mul3A_23 = arith.muli %scan3A_22, %mul3A : i32
      %add3A = arith.constant 0 : i32
      %add3A_24 = arith.addi %add3A, %mul3A_23 : i32
      %mul3A_25 = arith.constant 640 : i32
      %mul3A_26 = arith.muli %arg1, %mul3A_25 : i32
      %mul3A_27 = arith.constant 128 : i32
      %mul3A_28 = arith.muli %add3A_24, %mul3A_27 : i32
      %add3A_29 = arith.addi %mul3A_26, %mul3A_28 : i32
      "tpu.region"() ({
        %run_scoped3A = tpu.sem_alloc : memref<!tpu.dma_semaphore, #tpu.memory_space<semaphore_mem>>
        %dma_start3A = arith.constant 0 : i32
        %dma_start3A_30 = tpu.memref_slice %arg12[%add3A_29, %dma_start3A] : memref<10240x128xf32, #tpu.memory_space<vmem_shared>> -> memref<128x128xf32, #tpu.memory_space<vmem_shared>>
        %dma_start3A_31 = arith.constant 0 : i32
        %dma_start3A_32 = tpu.memref_slice %arg12[%add3A_29, %dma_start3A_31] : memref<10240x128xf32, #tpu.memory_space<vmem_shared>> -> memref<128x128xf32, #tpu.memory_space<vmem_shared>>
        tpu.enqueue_dma source(%arg10 : memref<128x128xf32, #tpu.memory_space<vmem>>) target(%dma_start3A_32 : memref<128x128xf32, #tpu.memory_space<vmem_shared>>) target_semaphore(%run_scoped3A : memref<!tpu.dma_semaphore, #tpu.memory_space<semaphore_mem>>)
        %dma_wait3A = arith.constant 0 : i32
        %dma_wait3A_33 = tpu.memref_slice %arg12[%add3A_29, %dma_wait3A] : memref<10240x128xf32, #tpu.memory_space<vmem_shared>> -> memref<128x128xf32, #tpu.memory_space<vmem_shared>>
        %dma_wait3A_34 = arith.constant 0 : i32
        %dma_wait3A_35 = tpu.memref_slice %arg12[%add3A_29, %dma_wait3A_34] : memref<10240x128xf32, #tpu.memory_space<vmem_shared>> -> memref<128x128xf32, #tpu.memory_space<vmem_shared>>
        tpu.wait_dma2 semaphore(%run_scoped3A : memref<!tpu.dma_semaphore, #tpu.memory_space<semaphore_mem>>) src(%arg10 : memref<128x128xf32, #tpu.memory_space<vmem>>) dst(%dma_wait3A_35 : memref<128x128xf32, #tpu.memory_space<vmem_shared>>)
        tpu.yield
      }) : () -> ()
    }
    %scan3A_8 = arith.constant 5 : i32
    %barrier3A = arith.constant 0 : index
    tpu.barrier barrier_id(%barrier3A)
    %scan3A_9 = arith.constant 0 : i32
    %scan3A_10 = arith.constant 5 : i32
    %scan3A_11 = arith.addi %scan3A_9, %scan3A_10 : i32
    %scan3A_12 = arith.constant 1 : i32
    scf.for %scan3A_22 = %scan3A_9 to %scan3A_11 step %scan3A_12  : i32 {
      %mul3A = arith.constant 1 : i32
      %mul3A_23 = arith.muli %scan3A_22, %mul3A : i32
      %add3A = arith.constant 0 : i32
      %add3A_24 = arith.addi %add3A, %mul3A_23 : i32
      %mul3A_25 = arith.constant 160 : i32
      %mul3A_26 = arith.muli %arg1, %mul3A_25 : i32
      %mul3A_27 = arith.constant 32 : i32
      %mul3A_28 = arith.muli %add3A_24, %mul3A_27 : i32
      %add3A_29 = arith.addi %mul3A_26, %mul3A_28 : i32
      "tpu.region"() ({
        %run_scoped3A = tpu.sem_alloc : memref<!tpu.dma_semaphore, #tpu.memory_space<semaphore_mem>>
        %dma_start3A = arith.constant 0 : i32
        %dma_start3A_40 = tpu.memref_slice %arg2[%add3A_29, %dma_start3A] : memref<2560x125xi32, #tpu.memory_space<hbm>> -> memref<32x125xi32, #tpu.memory_space<hbm>>
        %dma_start3A_41 = arith.constant 0 : i32
        %dma_start3A_42 = tpu.memref_slice %arg2[%add3A_29, %dma_start3A_41] : memref<2560x125xi32, #tpu.memory_space<hbm>> -> memref<32x125xi32, #tpu.memory_space<hbm>>
        tpu.enqueue_dma source(%dma_start3A_42 : memref<32x125xi32, #tpu.memory_space<hbm>>) target(%arg8 : memref<32x125xi32, #tpu.memory_space<vmem>>) target_semaphore(%run_scoped3A : memref<!tpu.dma_semaphore, #tpu.memory_space<semaphore_mem>>)
        %dma_wait3A = arith.constant 0 : i32
        %dma_wait3A_43 = tpu.memref_slice %arg2[%add3A_29, %dma_wait3A] : memref<2560x125xi32, #tpu.memory_space<hbm>> -> memref<32x125xi32, #tpu.memory_space<hbm>>
        %dma_wait3A_44 = arith.constant 0 : i32
        %dma_wait3A_45 = tpu.memref_slice %arg2[%add3A_29, %dma_wait3A_44] : memref<2560x125xi32, #tpu.memory_space<hbm>> -> memref<32x125xi32, #tpu.memory_space<hbm>>
        tpu.wait_dma2 semaphore(%run_scoped3A : memref<!tpu.dma_semaphore, #tpu.memory_space<semaphore_mem>>) src(%dma_wait3A_45 : memref<32x125xi32, #tpu.memory_space<hbm>>) dst(%arg8 : memref<32x125xi32, #tpu.memory_space<vmem>>)
        tpu.yield
      }) : () -> ()
      "tpu.region"() ({
        %run_scoped3A = tpu.sem_alloc : memref<!tpu.dma_semaphore, #tpu.memory_space<semaphore_mem>>
        %dma_start3A = arith.constant 0 : i32
        %dma_start3A_40 = tpu.memref_slice %arg3[%add3A_29, %dma_start3A] : memref<2560x125xi32, #tpu.memory_space<hbm>> -> memref<32x125xi32, #tpu.memory_space<hbm>>
        %dma_start3A_41 = arith.constant 0 : i32
        %dma_start3A_42 = tpu.memref_slice %arg3[%add3A_29, %dma_start3A_41] : memref<2560x125xi32, #tpu.memory_space<hbm>> -> memref<32x125xi32, #tpu.memory_space<hbm>>
        tpu.enqueue_dma source(%dma_start3A_42 : memref<32x125xi32, #tpu.memory_space<hbm>>) target(%arg9 : memref<32x125xi32, #tpu.memory_space<vmem>>) target_semaphore(%run_scoped3A : memref<!tpu.dma_semaphore, #tpu.memory_space<semaphore_mem>>)
        %dma_wait3A = arith.constant 0 : i32
        %dma_wait3A_43 = tpu.memref_slice %arg3[%add3A_29, %dma_wait3A] : memref<2560x125xi32, #tpu.memory_space<hbm>> -> memref<32x125xi32, #tpu.memory_space<hbm>>
        %dma_wait3A_44 = arith.constant 0 : i32
        %dma_wait3A_45 = tpu.memref_slice %arg3[%add3A_29, %dma_wait3A_44] : memref<2560x125xi32, #tpu.memory_space<hbm>> -> memref<32x125xi32, #tpu.memory_space<hbm>>
        tpu.wait_dma2 semaphore(%run_scoped3A : memref<!tpu.dma_semaphore, #tpu.memory_space<semaphore_mem>>) src(%dma_wait3A_45 : memref<32x125xi32, #tpu.memory_space<hbm>>) dst(%arg9 : memref<32x125xi32, #tpu.memory_space<vmem>>)
        tpu.yield
      }) : () -> ()
      %eq3A_30 = arith.constant 0 : i32
      %eq3A_31 = arith.cmpi eq, %arg0, %eq3A_30 : i32
      %convert_element_type3A_32 = arith.extui %eq3A_31 : i1 to i32
      %cond3A_33 = arith.constant 0 : i32
      %cond3A_34 = arith.cmpi ne, %convert_element_type3A_32, %cond3A_33 : i32
      scf.if %cond3A_34 {
        %dma_start3A = arith.constant 0 : i32
        %dma_start3A_40 = arith.constant 0 : i32
        %dma_start3A_41 = arith.constant 0 : i32
        %dma_start3A_42 = tpu.memref_slice %arg10[%dma_start3A_40, %dma_start3A_41] : memref<128x128xf32, #tpu.memory_space<vmem>> -> memref<125x128xf32, #tpu.memory_space<vmem>>
        %dma_start3A_43 = arith.constant 0 : i32
        %dma_start3A_44 = tpu.memref_slice %arg8[%dma_start3A, %dma_start3A_43] : memref<32x125xi32, #tpu.memory_space<vmem>> -> memref<1x125xi32, #tpu.memory_space<vmem>>
        %dma_start3A_45 = tpu.memref_squeeze %dma_start3A_44 : memref<1x125xi32, #tpu.memory_space<vmem>> -> memref<125xi32, #tpu.memory_space<vmem>>
        %dma_start3A_46 = arith.constant 0 : i32
        %dma_start3A_47 = arith.constant 0 : i32
        %dma_start3A_48 = tpu.memref_slice %arg4[%dma_start3A_46, %dma_start3A_47] : memref<10240x128xf32, #tpu.memory_space<hbm>> -> memref<10240x128xf32, #tpu.memory_space<hbm>>
        tpu.enqueue_indirect_dma source(%dma_start3A_48 : memref<10240x128xf32, #tpu.memory_space<hbm>>) target(%dma_start3A_42 : memref<125x128xf32, #tpu.memory_space<vmem>>) offsets(%dma_start3A_45 : memref<125xi32, #tpu.memory_space<vmem>>) semaphore(%arg13 : memref<!tpu.dma_semaphore, #tpu.memory_space<semaphore_mem>>)
        %dma_start3A_49 = arith.constant 1 : i32
        %dma_start3A_50 = arith.constant 0 : i32
        %dma_start3A_51 = arith.constant 0 : i32
        %dma_start3A_52 = tpu.memref_slice %arg11[%dma_start3A_50, %dma_start3A_51] : memref<128x128xf32, #tpu.memory_space<vmem>> -> memref<125x128xf32, #tpu.memory_space<vmem>>
        %dma_start3A_53 = arith.constant 0 : i32
        %dma_start3A_54 = tpu.memref_slice %arg8[%dma_start3A_49, %dma_start3A_53] : memref<32x125xi32, #tpu.memory_space<vmem>> -> memref<1x125xi32, #tpu.memory_space<vmem>>
        %dma_start3A_55 = tpu.memref_squeeze %dma_start3A_54 : memref<1x125xi32, #tpu.memory_space<vmem>> -> memref<125xi32, #tpu.memory_space<vmem>>
        %dma_start3A_56 = arith.constant 0 : i32
        %dma_start3A_57 = arith.constant 0 : i32
        %dma_start3A_58 = tpu.memref_slice %arg4[%dma_start3A_56, %dma_start3A_57] : memref<10240x128xf32, #tpu.memory_space<hbm>> -> memref<10240x128xf32, #tpu.memory_space<hbm>>
        tpu.enqueue_indirect_dma source(%dma_start3A_58 : memref<10240x128xf32, #tpu.memory_space<hbm>>) target(%dma_start3A_52 : memref<125x128xf32, #tpu.memory_space<vmem>>) offsets(%dma_start3A_55 : memref<125xi32, #tpu.memory_space<vmem>>) semaphore(%arg14 : memref<!tpu.dma_semaphore, #tpu.memory_space<semaphore_mem>>)
        %scan3A_59 = arith.constant 0 : i32
        %scan3A_60 = arith.constant 15 : i32
        %scan3A_61 = arith.addi %scan3A_59, %scan3A_60 : i32
        %scan3A_62 = arith.constant 1 : i32
        scf.for %scan3A_84 = %scan3A_59 to %scan3A_61 step %scan3A_62  : i32 {
          %mul3A_85 = arith.constant 1 : i32
          %mul3A_86 = arith.muli %scan3A_84, %mul3A_85 : i32
          %add3A_87 = arith.constant 0 : i32
          %add3A_88 = arith.addi %add3A_87, %mul3A_86 : i32
          %mul3A_89 = arith.constant 2 : i32
          %mul3A_90 = arith.muli %mul3A_89, %add3A_88 : i32
          %dma_wait3A_91 = arith.constant 0 : i32
          %dma_wait3A_92 = arith.constant 0 : i32
          %dma_wait3A_93 = tpu.memref_slice %arg10[%dma_wait3A_91, %dma_wait3A_92] : memref<128x128xf32, #tpu.memory_space<vmem>> -> memref<125x128xf32, #tpu.memory_space<vmem>>
          %dma_wait3A_94 = arith.constant 0 : i32
          %dma_wait3A_95 = tpu.memref_slice %arg8[%mul3A_90, %dma_wait3A_94] : memref<32x125xi32, #tpu.memory_space<vmem>> -> memref<1x125xi32, #tpu.memory_space<vmem>>
          %dma_wait3A_96 = tpu.memref_squeeze %dma_wait3A_95 : memref<1x125xi32, #tpu.memory_space<vmem>> -> memref<125xi32, #tpu.memory_space<vmem>>
          %dma_wait3A_97 = arith.constant 0 : i32
          %dma_wait3A_98 = arith.constant 0 : i32
          %dma_wait3A_99 = tpu.memref_slice %arg4[%dma_wait3A_97, %dma_wait3A_98] : memref<10240x128xf32, #tpu.memory_space<hbm>> -> memref<10240x128xf32, #tpu.memory_space<hbm>>
          tpu.wait_indirect_dma semaphore(%arg13 : memref<!tpu.dma_semaphore, #tpu.memory_space<semaphore_mem>>) src(%dma_wait3A_99 : memref<10240x128xf32, #tpu.memory_space<hbm>>) dst(%dma_wait3A_93 : memref<125x128xf32, #tpu.memory_space<vmem>>)
          "tpu.region"() ({
            %run_scoped3A_135 = tpu.sem_alloc : memref<!tpu.dma_semaphore, #tpu.memory_space<semaphore_mem>>
            %dma_start3A_136 = arith.constant 0 : i32
            %dma_start3A_137 = arith.constant 0 : i32
            %dma_start3A_138 = tpu.memref_slice %arg10[%dma_start3A_136, %dma_start3A_137] : memref<128x128xf32, #tpu.memory_space<vmem>> -> memref<125x128xf32, #tpu.memory_space<vmem>>
            %dma_start3A_139 = arith.constant 0 : i32
            %dma_start3A_140 = tpu.memref_slice %arg9[%mul3A_90, %dma_start3A_139] : memref<32x125xi32, #tpu.memory_space<vmem>> -> memref<1x125xi32, #tpu.memory_space<vmem>>
            %dma_start3A_141 = tpu.memref_squeeze %dma_start3A_140 : memref<1x125xi32, #tpu.memory_space<vmem>> -> memref<125xi32, #tpu.memory_space<vmem>>
            %dma_start3A_142 = arith.constant 0 : i32
            %dma_start3A_143 = arith.constant 0 : i32
            %dma_start3A_144 = tpu.memref_slice %arg12[%dma_start3A_142, %dma_start3A_143] : memref<10240x128xf32, #tpu.memory_space<vmem_shared>> -> memref<10240x128xf32, #tpu.memory_space<vmem_shared>>
            tpu.enqueue_indirect_dma source(%dma_start3A_138 : memref<125x128xf32, #tpu.memory_space<vmem>>) target(%dma_start3A_144 : memref<10240x128xf32, #tpu.memory_space<vmem_shared>>) offsets(%dma_start3A_141 : memref<125xi32, #tpu.memory_space<vmem>>) semaphore(%run_scoped3A_135 : memref<!tpu.dma_semaphore, #tpu.memory_space<semaphore_mem>>) {add = true}
            %dma_wait3A_145 = arith.constant 0 : i32
            %dma_wait3A_146 = arith.constant 0 : i32
            %dma_wait3A_147 = tpu.memref_slice %arg10[%dma_wait3A_145, %dma_wait3A_146] : memref<128x128xf32, #tpu.memory_space<vmem>> -> memref<125x128xf32, #tpu.memory_space<vmem>>
            %dma_wait3A_148 = arith.constant 0 : i32
            %dma_wait3A_149 = tpu.memref_slice %arg9[%mul3A_90, %dma_wait3A_148] : memref<32x125xi32, #tpu.memory_space<vmem>> -> memref<1x125xi32, #tpu.memory_space<vmem>>
            %dma_wait3A_150 = tpu.memref_squeeze %dma_wait3A_149 : memref<1x125xi32, #tpu.memory_space<vmem>> -> memref<125xi32, #tpu.memory_space<vmem>>
            %dma_wait3A_151 = arith.constant 0 : i32
            %dma_wait3A_152 = arith.constant 0 : i32
            %dma_wait3A_153 = tpu.memref_slice %arg12[%dma_wait3A_151, %dma_wait3A_152] : memref<10240x128xf32, #tpu.memory_space<vmem_shared>> -> memref<10240x128xf32, #tpu.memory_space<vmem_shared>>
            tpu.wait_indirect_dma semaphore(%run_scoped3A_135 : memref<!tpu.dma_semaphore, #tpu.memory_space<semaphore_mem>>) src(%dma_wait3A_147 : memref<125x128xf32, #tpu.memory_space<vmem>>) dst(%dma_wait3A_153 : memref<10240x128xf32, #tpu.memory_space<vmem_shared>>)
            tpu.yield
          }) : () -> ()
          %add3A_100 = arith.constant 2 : i32
          %add3A_101 = arith.addi %mul3A_90, %add3A_100 : i32
          %dma_start3A_102 = arith.constant 0 : i32
          %dma_start3A_103 = arith.constant 0 : i32
          %dma_start3A_104 = tpu.memref_slice %arg10[%dma_start3A_102, %dma_start3A_103] : memref<128x128xf32, #tpu.memory_space<vmem>> -> memref<125x128xf32, #tpu.memory_space<vmem>>
          %dma_start3A_105 = arith.constant 0 : i32
          %dma_start3A_106 = tpu.memref_slice %arg8[%add3A_101, %dma_start3A_105] : memref<32x125xi32, #tpu.memory_space<vmem>> -> memref<1x125xi32, #tpu.memory_space<vmem>>
          %dma_start3A_107 = tpu.memref_squeeze %dma_start3A_106 : memref<1x125xi32, #tpu.memory_space<vmem>> -> memref<125xi32, #tpu.memory_space<vmem>>
          %dma_start3A_108 = arith.constant 0 : i32
          %dma_start3A_109 = arith.constant 0 : i32
          %dma_start3A_110 = tpu.memref_slice %arg4[%dma_start3A_108, %dma_start3A_109] : memref<10240x128xf32, #tpu.memory_space<hbm>> -> memref<10240x128xf32, #tpu.memory_space<hbm>>
          tpu.enqueue_indirect_dma source(%dma_start3A_110 : memref<10240x128xf32, #tpu.memory_space<hbm>>) target(%dma_start3A_104 : memref<125x128xf32, #tpu.memory_space<vmem>>) offsets(%dma_start3A_107 : memref<125xi32, #tpu.memory_space<vmem>>) semaphore(%arg13 : memref<!tpu.dma_semaphore, #tpu.memory_space<semaphore_mem>>)
          %add3A_111 = arith.constant 1 : i32
          %add3A_112 = arith.addi %mul3A_90, %add3A_111 : i32
          %dma_wait3A_113 = arith.constant 0 : i32
          %dma_wait3A_114 = arith.constant 0 : i32
          %dma_wait3A_115 = tpu.memref_slice %arg11[%dma_wait3A_113, %dma_wait3A_114] : memref<128x128xf32, #tpu.memory_space<vmem>> -> memref<125x128xf32, #tpu.memory_space<vmem>>
          %dma_wait3A_116 = arith.constant 0 : i32
          %dma_wait3A_117 = tpu.memref_slice %arg8[%add3A_112, %dma_wait3A_116] : memref<32x125xi32, #tpu.memory_space<vmem>> -> memref<1x125xi32, #tpu.memory_space<vmem>>
          %dma_wait3A_118 = tpu.memref_squeeze %dma_wait3A_117 : memref<1x125xi32, #tpu.memory_space<vmem>> -> memref<125xi32, #tpu.memory_space<vmem>>
          %dma_wait3A_119 = arith.constant 0 : i32
          %dma_wait3A_120 = arith.constant 0 : i32
          %dma_wait3A_121 = tpu.memref_slice %arg4[%dma_wait3A_119, %dma_wait3A_120] : memref<10240x128xf32, #tpu.memory_space<hbm>> -> memref<10240x128xf32, #tpu.memory_space<hbm>>
          tpu.wait_indirect_dma semaphore(%arg14 : memref<!tpu.dma_semaphore, #tpu.memory_space<semaphore_mem>>) src(%dma_wait3A_121 : memref<10240x128xf32, #tpu.memory_space<hbm>>) dst(%dma_wait3A_115 : memref<125x128xf32, #tpu.memory_space<vmem>>)
          %add3A_122 = arith.constant 1 : i32
          %add3A_123 = arith.addi %mul3A_90, %add3A_122 : i32
          "tpu.region"() ({
            %run_scoped3A_135 = tpu.sem_alloc : memref<!tpu.dma_semaphore, #tpu.memory_space<semaphore_mem>>
            %dma_start3A_136 = arith.constant 0 : i32
            %dma_start3A_137 = arith.constant 0 : i32
            %dma_start3A_138 = tpu.memref_slice %arg11[%dma_start3A_136, %dma_start3A_137] : memref<128x128xf32, #tpu.memory_space<vmem>> -> memref<125x128xf32, #tpu.memory_space<vmem>>
            %dma_start3A_139 = arith.constant 0 : i32
            %dma_start3A_140 = tpu.memref_slice %arg9[%add3A_123, %dma_start3A_139] : memref<32x125xi32, #tpu.memory_space<vmem>> -> memref<1x125xi32, #tpu.memory_space<vmem>>
            %dma_start3A_141 = tpu.memref_squeeze %dma_start3A_140 : memref<1x125xi32, #tpu.memory_space<vmem>> -> memref<125xi32, #tpu.memory_space<vmem>>
            %dma_start3A_142 = arith.constant 0 : i32
            %dma_start3A_143 = arith.constant 0 : i32
            %dma_start3A_144 = tpu.memref_slice %arg12[%dma_start3A_142, %dma_start3A_143] : memref<10240x128xf32, #tpu.memory_space<vmem_shared>> -> memref<10240x128xf32, #tpu.memory_space<vmem_shared>>
            tpu.enqueue_indirect_dma source(%dma_start3A_138 : memref<125x128xf32, #tpu.memory_space<vmem>>) target(%dma_start3A_144 : memref<10240x128xf32, #tpu.memory_space<vmem_shared>>) offsets(%dma_start3A_141 : memref<125xi32, #tpu.memory_space<vmem>>) semaphore(%run_scoped3A_135 : memref<!tpu.dma_semaphore, #tpu.memory_space<semaphore_mem>>) {add = true}
            %dma_wait3A_145 = arith.constant 0 : i32
            %dma_wait3A_146 = arith.constant 0 : i32
            %dma_wait3A_147 = tpu.memref_slice %arg11[%dma_wait3A_145, %dma_wait3A_146] : memref<128x128xf32, #tpu.memory_space<vmem>> -> memref<125x128xf32, #tpu.memory_space<vmem>>
            %dma_wait3A_148 = arith.constant 0 : i32
            %dma_wait3A_149 = tpu.memref_slice %arg9[%add3A_123, %dma_wait3A_148] : memref<32x125xi32, #tpu.memory_space<vmem>> -> memref<1x125xi32, #tpu.memory_space<vmem>>
            %dma_wait3A_150 = tpu.memref_squeeze %dma_wait3A_149 : memref<1x125xi32, #tpu.memory_space<vmem>> -> memref<125xi32, #tpu.memory_space<vmem>>
            %dma_wait3A_151 = arith.constant 0 : i32
            %dma_wait3A_152 = arith.constant 0 : i32
            %dma_wait3A_153 = tpu.memref_slice %arg12[%dma_wait3A_151, %dma_wait3A_152] : memref<10240x128xf32, #tpu.memory_space<vmem_shared>> -> memref<10240x128xf32, #tpu.memory_space<vmem_shared>>
            tpu.wait_indirect_dma semaphore(%run_scoped3A_135 : memref<!tpu.dma_semaphore, #tpu.memory_space<semaphore_mem>>) src(%dma_wait3A_147 : memref<125x128xf32, #tpu.memory_space<vmem>>) dst(%dma_wait3A_153 : memref<10240x128xf32, #tpu.memory_space<vmem_shared>>)
            tpu.yield
          }) : () -> ()
          %add3A_124 = arith.constant 3 : i32
          %add3A_125 = arith.addi %mul3A_90, %add3A_124 : i32
          %dma_start3A_126 = arith.constant 0 : i32
          %dma_start3A_127 = arith.constant 0 : i32
          %dma_start3A_128 = tpu.memref_slice %arg11[%dma_start3A_126, %dma_start3A_127] : memref<128x128xf32, #tpu.memory_space<vmem>> -> memref<125x128xf32, #tpu.memory_space<vmem>>
          %dma_start3A_129 = arith.constant 0 : i32
          %dma_start3A_130 = tpu.memref_slice %arg8[%add3A_125, %dma_start3A_129] : memref<32x125xi32, #tpu.memory_space<vmem>> -> memref<1x125xi32, #tpu.memory_space<vmem>>
          %dma_start3A_131 = tpu.memref_squeeze %dma_start3A_130 : memref<1x125xi32, #tpu.memory_space<vmem>> -> memref<125xi32, #tpu.memory_space<vmem>>
          %dma_start3A_132 = arith.constant 0 : i32
          %dma_start3A_133 = arith.constant 0 : i32
          %dma_start3A_134 = tpu.memref_slice %arg4[%dma_start3A_132, %dma_start3A_133] : memref<10240x128xf32, #tpu.memory_space<hbm>> -> memref<10240x128xf32, #tpu.memory_space<hbm>>
          tpu.enqueue_indirect_dma source(%dma_start3A_134 : memref<10240x128xf32, #tpu.memory_space<hbm>>) target(%dma_start3A_128 : memref<125x128xf32, #tpu.memory_space<vmem>>) offsets(%dma_start3A_131 : memref<125xi32, #tpu.memory_space<vmem>>) semaphore(%arg14 : memref<!tpu.dma_semaphore, #tpu.memory_space<semaphore_mem>>)
        }
        %scan3A_63 = arith.constant 15 : i32
        %dma_wait3A = arith.constant 30 : i32
        %dma_wait3A_64 = arith.constant 0 : i32
        %dma_wait3A_65 = arith.constant 0 : i32
        %dma_wait3A_66 = tpu.memref_slice %arg10[%dma_wait3A_64, %dma_wait3A_65] : memref<128x128xf32, #tpu.memory_space<vmem>> -> memref<125x128xf32, #tpu.memory_space<vmem>>
        %dma_wait3A_67 = arith.constant 0 : i32
        %dma_wait3A_68 = tpu.memref_slice %arg8[%dma_wait3A, %dma_wait3A_67] : memref<32x125xi32, #tpu.memory_space<vmem>> -> memref<1x125xi32, #tpu.memory_space<vmem>>
        %dma_wait3A_69 = tpu.memref_squeeze %dma_wait3A_68 : memref<1x125xi32, #tpu.memory_space<vmem>> -> memref<125xi32, #tpu.memory_space<vmem>>
        %dma_wait3A_70 = arith.constant 0 : i32
        %dma_wait3A_71 = arith.constant 0 : i32
        %dma_wait3A_72 = tpu.memref_slice %arg4[%dma_wait3A_70, %dma_wait3A_71] : memref<10240x128xf32, #tpu.memory_space<hbm>> -> memref<10240x128xf32, #tpu.memory_space<hbm>>
        tpu.wait_indirect_dma semaphore(%arg13 : memref<!tpu.dma_semaphore, #tpu.memory_space<semaphore_mem>>) src(%dma_wait3A_72 : memref<10240x128xf32, #tpu.memory_space<hbm>>) dst(%dma_wait3A_66 : memref<125x128xf32, #tpu.memory_space<vmem>>)
        %run_scoped3A = arith.constant 30 : i32
        "tpu.region"() ({
          %run_scoped3A_84 = tpu.sem_alloc : memref<!tpu.dma_semaphore, #tpu.memory_space<semaphore_mem>>
          %dma_start3A_85 = arith.constant 0 : i32
          %dma_start3A_86 = arith.constant 0 : i32
          %dma_start3A_87 = tpu.memref_slice %arg10[%dma_start3A_85, %dma_start3A_86] : memref<128x128xf32, #tpu.memory_space<vmem>> -> memref<125x128xf32, #tpu.memory_space<vmem>>
          %dma_start3A_88 = arith.constant 0 : i32
          %dma_start3A_89 = tpu.memref_slice %arg9[%run_scoped3A, %dma_start3A_88] : memref<32x125xi32, #tpu.memory_space<vmem>> -> memref<1x125xi32, #tpu.memory_space<vmem>>
          %dma_start3A_90 = tpu.memref_squeeze %dma_start3A_89 : memref<1x125xi32, #tpu.memory_space<vmem>> -> memref<125xi32, #tpu.memory_space<vmem>>
          %dma_start3A_91 = arith.constant 0 : i32
          %dma_start3A_92 = arith.constant 0 : i32
          %dma_start3A_93 = tpu.memref_slice %arg12[%dma_start3A_91, %dma_start3A_92] : memref<10240x128xf32, #tpu.memory_space<vmem_shared>> -> memref<10240x128xf32, #tpu.memory_space<vmem_shared>>
          tpu.enqueue_indirect_dma source(%dma_start3A_87 : memref<125x128xf32, #tpu.memory_space<vmem>>) target(%dma_start3A_93 : memref<10240x128xf32, #tpu.memory_space<vmem_shared>>) offsets(%dma_start3A_90 : memref<125xi32, #tpu.memory_space<vmem>>) semaphore(%run_scoped3A_84 : memref<!tpu.dma_semaphore, #tpu.memory_space<semaphore_mem>>) {add = true}
          %dma_wait3A_94 = arith.constant 0 : i32
          %dma_wait3A_95 = arith.constant 0 : i32
          %dma_wait3A_96 = tpu.memref_slice %arg10[%dma_wait3A_94, %dma_wait3A_95] : memref<128x128xf32, #tpu.memory_space<vmem>> -> memref<125x128xf32, #tpu.memory_space<vmem>>
          %dma_wait3A_97 = arith.constant 0 : i32
          %dma_wait3A_98 = tpu.memref_slice %arg9[%run_scoped3A, %dma_wait3A_97] : memref<32x125xi32, #tpu.memory_space<vmem>> -> memref<1x125xi32, #tpu.memory_space<vmem>>
          %dma_wait3A_99 = tpu.memref_squeeze %dma_wait3A_98 : memref<1x125xi32, #tpu.memory_space<vmem>> -> memref<125xi32, #tpu.memory_space<vmem>>
          %dma_wait3A_100 = arith.constant 0 : i32
          %dma_wait3A_101 = arith.constant 0 : i32
          %dma_wait3A_102 = tpu.memref_slice %arg12[%dma_wait3A_100, %dma_wait3A_101] : memref<10240x128xf32, #tpu.memory_space<vmem_shared>> -> memref<10240x128xf32, #tpu.memory_space<vmem_shared>>
          tpu.wait_indirect_dma semaphore(%run_scoped3A_84 : memref<!tpu.dma_semaphore, #tpu.memory_space<semaphore_mem>>) src(%dma_wait3A_96 : memref<125x128xf32, #tpu.memory_space<vmem>>) dst(%dma_wait3A_102 : memref<10240x128xf32, #tpu.memory_space<vmem_shared>>)
          tpu.yield
        }) : () -> ()
        %dma_wait3A_73 = arith.constant 31 : i32
        %dma_wait3A_74 = arith.constant 0 : i32
        %dma_wait3A_75 = arith.constant 0 : i32
        %dma_wait3A_76 = tpu.memref_slice %arg11[%dma_wait3A_74, %dma_wait3A_75] : memref<128x128xf32, #tpu.memory_space<vmem>> -> memref<125x128xf32, #tpu.memory_space<vmem>>
        %dma_wait3A_77 = arith.constant 0 : i32
        %dma_wait3A_78 = tpu.memref_slice %arg8[%dma_wait3A_73, %dma_wait3A_77] : memref<32x125xi32, #tpu.memory_space<vmem>> -> memref<1x125xi32, #tpu.memory_space<vmem>>
        %dma_wait3A_79 = tpu.memref_squeeze %dma_wait3A_78 : memref<1x125xi32, #tpu.memory_space<vmem>> -> memref<125xi32, #tpu.memory_space<vmem>>
        %dma_wait3A_80 = arith.constant 0 : i32
        %dma_wait3A_81 = arith.constant 0 : i32
        %dma_wait3A_82 = tpu.memref_slice %arg4[%dma_wait3A_80, %dma_wait3A_81] : memref<10240x128xf32, #tpu.memory_space<hbm>> -> memref<10240x128xf32, #tpu.memory_space<hbm>>
        tpu.wait_indirect_dma semaphore(%arg14 : memref<!tpu.dma_semaphore, #tpu.memory_space<semaphore_mem>>) src(%dma_wait3A_82 : memref<10240x128xf32, #tpu.memory_space<hbm>>) dst(%dma_wait3A_76 : memref<125x128xf32, #tpu.memory_space<vmem>>)
        %run_scoped3A_83 = arith.constant 31 : i32
        "tpu.region"() ({
          %run_scoped3A_84 = tpu.sem_alloc : memref<!tpu.dma_semaphore, #tpu.memory_space<semaphore_mem>>
          %dma_start3A_85 = arith.constant 0 : i32
          %dma_start3A_86 = arith.constant 0 : i32
          %dma_start3A_87 = tpu.memref_slice %arg11[%dma_start3A_85, %dma_start3A_86] : memref<128x128xf32, #tpu.memory_space<vmem>> -> memref<125x128xf32, #tpu.memory_space<vmem>>
          %dma_start3A_88 = arith.constant 0 : i32
          %dma_start3A_89 = tpu.memref_slice %arg9[%run_scoped3A_83, %dma_start3A_88] : memref<32x125xi32, #tpu.memory_space<vmem>> -> memref<1x125xi32, #tpu.memory_space<vmem>>
          %dma_start3A_90 = tpu.memref_squeeze %dma_start3A_89 : memref<1x125xi32, #tpu.memory_space<vmem>> -> memref<125xi32, #tpu.memory_space<vmem>>
          %dma_start3A_91 = arith.constant 0 : i32
          %dma_start3A_92 = arith.constant 0 : i32
          %dma_start3A_93 = tpu.memref_slice %arg12[%dma_start3A_91, %dma_start3A_92] : memref<10240x128xf32, #tpu.memory_space<vmem_shared>> -> memref<10240x128xf32, #tpu.memory_space<vmem_shared>>
          tpu.enqueue_indirect_dma source(%dma_start3A_87 : memref<125x128xf32, #tpu.memory_space<vmem>>) target(%dma_start3A_93 : memref<10240x128xf32, #tpu.memory_space<vmem_shared>>) offsets(%dma_start3A_90 : memref<125xi32, #tpu.memory_space<vmem>>) semaphore(%run_scoped3A_84 : memref<!tpu.dma_semaphore, #tpu.memory_space<semaphore_mem>>) {add = true}
          %dma_wait3A_94 = arith.constant 0 : i32
          %dma_wait3A_95 = arith.constant 0 : i32
          %dma_wait3A_96 = tpu.memref_slice %arg11[%dma_wait3A_94, %dma_wait3A_95] : memref<128x128xf32, #tpu.memory_space<vmem>> -> memref<125x128xf32, #tpu.memory_space<vmem>>
          %dma_wait3A_97 = arith.constant 0 : i32
          %dma_wait3A_98 = tpu.memref_slice %arg9[%run_scoped3A_83, %dma_wait3A_97] : memref<32x125xi32, #tpu.memory_space<vmem>> -> memref<1x125xi32, #tpu.memory_space<vmem>>
          %dma_wait3A_99 = tpu.memref_squeeze %dma_wait3A_98 : memref<1x125xi32, #tpu.memory_space<vmem>> -> memref<125xi32, #tpu.memory_space<vmem>>
          %dma_wait3A_100 = arith.constant 0 : i32
          %dma_wait3A_101 = arith.constant 0 : i32
          %dma_wait3A_102 = tpu.memref_slice %arg12[%dma_wait3A_100, %dma_wait3A_101] : memref<10240x128xf32, #tpu.memory_space<vmem_shared>> -> memref<10240x128xf32, #tpu.memory_space<vmem_shared>>
          tpu.wait_indirect_dma semaphore(%run_scoped3A_84 : memref<!tpu.dma_semaphore, #tpu.memory_space<semaphore_mem>>) src(%dma_wait3A_96 : memref<125x128xf32, #tpu.memory_space<vmem>>) dst(%dma_wait3A_102 : memref<10240x128xf32, #tpu.memory_space<vmem_shared>>)
          tpu.yield
        }) : () -> ()
      } else {
      }
      %eq3A_35 = arith.constant 1 : i32
      %eq3A_36 = arith.cmpi eq, %arg0, %eq3A_35 : i32
      %convert_element_type3A_37 = arith.extui %eq3A_36 : i1 to i32
      %cond3A_38 = arith.constant 0 : i32
      %cond3A_39 = arith.cmpi ne, %convert_element_type3A_37, %cond3A_38 : i32
      scf.if %cond3A_39 {
        %dma_start3A = arith.constant 0 : i32
        %dma_start3A_40 = arith.constant 0 : i32
        %dma_start3A_41 = arith.constant 0 : i32
        %dma_start3A_42 = tpu.memref_slice %arg10[%dma_start3A_40, %dma_start3A_41] : memref<128x128xf32, #tpu.memory_space<vmem>> -> memref<125x128xf32, #tpu.memory_space<vmem>>
        %dma_start3A_43 = arith.constant 0 : i32
        %dma_start3A_44 = tpu.memref_slice %arg8[%dma_start3A, %dma_start3A_43] : memref<32x125xi32, #tpu.memory_space<vmem>> -> memref<1x125xi32, #tpu.memory_space<vmem>>
        %dma_start3A_45 = tpu.memref_squeeze %dma_start3A_44 : memref<1x125xi32, #tpu.memory_space<vmem>> -> memref<125xi32, #tpu.memory_space<vmem>>
        %dma_start3A_46 = arith.constant 0 : i32
        %dma_start3A_47 = arith.constant 0 : i32
        %dma_start3A_48 = tpu.memref_slice %arg5[%dma_start3A_46, %dma_start3A_47] : memref<10240x128xf32, #tpu.memory_space<hbm>> -> memref<10240x128xf32, #tpu.memory_space<hbm>>
        tpu.enqueue_indirect_dma source(%dma_start3A_48 : memref<10240x128xf32, #tpu.memory_space<hbm>>) target(%dma_start3A_42 : memref<125x128xf32, #tpu.memory_space<vmem>>) offsets(%dma_start3A_45 : memref<125xi32, #tpu.memory_space<vmem>>) semaphore(%arg13 : memref<!tpu.dma_semaphore, #tpu.memory_space<semaphore_mem>>)
        %dma_start3A_49 = arith.constant 1 : i32
        %dma_start3A_50 = arith.constant 0 : i32
        %dma_start3A_51 = arith.constant 0 : i32
        %dma_start3A_52 = tpu.memref_slice %arg11[%dma_start3A_50, %dma_start3A_51] : memref<128x128xf32, #tpu.memory_space<vmem>> -> memref<125x128xf32, #tpu.memory_space<vmem>>
        %dma_start3A_53 = arith.constant 0 : i32
        %dma_start3A_54 = tpu.memref_slice %arg8[%dma_start3A_49, %dma_start3A_53] : memref<32x125xi32, #tpu.memory_space<vmem>> -> memref<1x125xi32, #tpu.memory_space<vmem>>
        %dma_start3A_55 = tpu.memref_squeeze %dma_start3A_54 : memref<1x125xi32, #tpu.memory_space<vmem>> -> memref<125xi32, #tpu.memory_space<vmem>>
        %dma_start3A_56 = arith.constant 0 : i32
        %dma_start3A_57 = arith.constant 0 : i32
        %dma_start3A_58 = tpu.memref_slice %arg5[%dma_start3A_56, %dma_start3A_57] : memref<10240x128xf32, #tpu.memory_space<hbm>> -> memref<10240x128xf32, #tpu.memory_space<hbm>>
        tpu.enqueue_indirect_dma source(%dma_start3A_58 : memref<10240x128xf32, #tpu.memory_space<hbm>>) target(%dma_start3A_52 : memref<125x128xf32, #tpu.memory_space<vmem>>) offsets(%dma_start3A_55 : memref<125xi32, #tpu.memory_space<vmem>>) semaphore(%arg14 : memref<!tpu.dma_semaphore, #tpu.memory_space<semaphore_mem>>)
        %scan3A_59 = arith.constant 0 : i32
        %scan3A_60 = arith.constant 15 : i32
        %scan3A_61 = arith.addi %scan3A_59, %scan3A_60 : i32
        %scan3A_62 = arith.constant 1 : i32
        scf.for %scan3A_84 = %scan3A_59 to %scan3A_61 step %scan3A_62  : i32 {
          %mul3A_85 = arith.constant 1 : i32
          %mul3A_86 = arith.muli %scan3A_84, %mul3A_85 : i32
          %add3A_87 = arith.constant 0 : i32
          %add3A_88 = arith.addi %add3A_87, %mul3A_86 : i32
          %mul3A_89 = arith.constant 2 : i32
          %mul3A_90 = arith.muli %mul3A_89, %add3A_88 : i32
          %dma_wait3A_91 = arith.constant 0 : i32
          %dma_wait3A_92 = arith.constant 0 : i32
          %dma_wait3A_93 = tpu.memref_slice %arg10[%dma_wait3A_91, %dma_wait3A_92] : memref<128x128xf32, #tpu.memory_space<vmem>> -> memref<125x128xf32, #tpu.memory_space<vmem>>
          %dma_wait3A_94 = arith.constant 0 : i32
          %dma_wait3A_95 = tpu.memref_slice %arg8[%mul3A_90, %dma_wait3A_94] : memref<32x125xi32, #tpu.memory_space<vmem>> -> memref<1x125xi32, #tpu.memory_space<vmem>>
          %dma_wait3A_96 = tpu.memref_squeeze %dma_wait3A_95 : memref<1x125xi32, #tpu.memory_space<vmem>> -> memref<125xi32, #tpu.memory_space<vmem>>
          %dma_wait3A_97 = arith.constant 0 : i32
          %dma_wait3A_98 = arith.constant 0 : i32
          %dma_wait3A_99 = tpu.memref_slice %arg5[%dma_wait3A_97, %dma_wait3A_98] : memref<10240x128xf32, #tpu.memory_space<hbm>> -> memref<10240x128xf32, #tpu.memory_space<hbm>>
          tpu.wait_indirect_dma semaphore(%arg13 : memref<!tpu.dma_semaphore, #tpu.memory_space<semaphore_mem>>) src(%dma_wait3A_99 : memref<10240x128xf32, #tpu.memory_space<hbm>>) dst(%dma_wait3A_93 : memref<125x128xf32, #tpu.memory_space<vmem>>)
          "tpu.region"() ({
            %run_scoped3A_135 = tpu.sem_alloc : memref<!tpu.dma_semaphore, #tpu.memory_space<semaphore_mem>>
            %dma_start3A_136 = arith.constant 0 : i32
            %dma_start3A_137 = arith.constant 0 : i32
            %dma_start3A_138 = tpu.memref_slice %arg10[%dma_start3A_136, %dma_start3A_137] : memref<128x128xf32, #tpu.memory_space<vmem>> -> memref<125x128xf32, #tpu.memory_space<vmem>>
            %dma_start3A_139 = arith.constant 0 : i32
            %dma_start3A_140 = tpu.memref_slice %arg9[%mul3A_90, %dma_start3A_139] : memref<32x125xi32, #tpu.memory_space<vmem>> -> memref<1x125xi32, #tpu.memory_space<vmem>>
            %dma_start3A_141 = tpu.memref_squeeze %dma_start3A_140 : memref<1x125xi32, #tpu.memory_space<vmem>> -> memref<125xi32, #tpu.memory_space<vmem>>
            %dma_start3A_142 = arith.constant 0 : i32
            %dma_start3A_143 = arith.constant 0 : i32
            %dma_start3A_144 = tpu.memref_slice %arg12[%dma_start3A_142, %dma_start3A_143] : memref<10240x128xf32, #tpu.memory_space<vmem_shared>> -> memref<10240x128xf32, #tpu.memory_space<vmem_shared>>
            tpu.enqueue_indirect_dma source(%dma_start3A_138 : memref<125x128xf32, #tpu.memory_space<vmem>>) target(%dma_start3A_144 : memref<10240x128xf32, #tpu.memory_space<vmem_shared>>) offsets(%dma_start3A_141 : memref<125xi32, #tpu.memory_space<vmem>>) semaphore(%run_scoped3A_135 : memref<!tpu.dma_semaphore, #tpu.memory_space<semaphore_mem>>) {add = true}
            %dma_wait3A_145 = arith.constant 0 : i32
            %dma_wait3A_146 = arith.constant 0 : i32
            %dma_wait3A_147 = tpu.memref_slice %arg10[%dma_wait3A_145, %dma_wait3A_146] : memref<128x128xf32, #tpu.memory_space<vmem>> -> memref<125x128xf32, #tpu.memory_space<vmem>>
            %dma_wait3A_148 = arith.constant 0 : i32
            %dma_wait3A_149 = tpu.memref_slice %arg9[%mul3A_90, %dma_wait3A_148] : memref<32x125xi32, #tpu.memory_space<vmem>> -> memref<1x125xi32, #tpu.memory_space<vmem>>
            %dma_wait3A_150 = tpu.memref_squeeze %dma_wait3A_149 : memref<1x125xi32, #tpu.memory_space<vmem>> -> memref<125xi32, #tpu.memory_space<vmem>>
            %dma_wait3A_151 = arith.constant 0 : i32
            %dma_wait3A_152 = arith.constant 0 : i32
            %dma_wait3A_153 = tpu.memref_slice %arg12[%dma_wait3A_151, %dma_wait3A_152] : memref<10240x128xf32, #tpu.memory_space<vmem_shared>> -> memref<10240x128xf32, #tpu.memory_space<vmem_shared>>
            tpu.wait_indirect_dma semaphore(%run_scoped3A_135 : memref<!tpu.dma_semaphore, #tpu.memory_space<semaphore_mem>>) src(%dma_wait3A_147 : memref<125x128xf32, #tpu.memory_space<vmem>>) dst(%dma_wait3A_153 : memref<10240x128xf32, #tpu.memory_space<vmem_shared>>)
            tpu.yield
          }) : () -> ()
          %add3A_100 = arith.constant 2 : i32
          %add3A_101 = arith.addi %mul3A_90, %add3A_100 : i32
          %dma_start3A_102 = arith.constant 0 : i32
          %dma_start3A_103 = arith.constant 0 : i32
          %dma_start3A_104 = tpu.memref_slice %arg10[%dma_start3A_102, %dma_start3A_103] : memref<128x128xf32, #tpu.memory_space<vmem>> -> memref<125x128xf32, #tpu.memory_space<vmem>>
          %dma_start3A_105 = arith.constant 0 : i32
          %dma_start3A_106 = tpu.memref_slice %arg8[%add3A_101, %dma_start3A_105] : memref<32x125xi32, #tpu.memory_space<vmem>> -> memref<1x125xi32, #tpu.memory_space<vmem>>
          %dma_start3A_107 = tpu.memref_squeeze %dma_start3A_106 : memref<1x125xi32, #tpu.memory_space<vmem>> -> memref<125xi32, #tpu.memory_space<vmem>>
          %dma_start3A_108 = arith.constant 0 : i32
          %dma_start3A_109 = arith.constant 0 : i32
          %dma_start3A_110 = tpu.memref_slice %arg5[%dma_start3A_108, %dma_start3A_109] : memref<10240x128xf32, #tpu.memory_space<hbm>> -> memref<10240x128xf32, #tpu.memory_space<hbm>>
          tpu.enqueue_indirect_dma source(%dma_start3A_110 : memref<10240x128xf32, #tpu.memory_space<hbm>>) target(%dma_start3A_104 : memref<125x128xf32, #tpu.memory_space<vmem>>) offsets(%dma_start3A_107 : memref<125xi32, #tpu.memory_space<vmem>>) semaphore(%arg13 : memref<!tpu.dma_semaphore, #tpu.memory_space<semaphore_mem>>)
          %add3A_111 = arith.constant 1 : i32
          %add3A_112 = arith.addi %mul3A_90, %add3A_111 : i32
          %dma_wait3A_113 = arith.constant 0 : i32
          %dma_wait3A_114 = arith.constant 0 : i32
          %dma_wait3A_115 = tpu.memref_slice %arg11[%dma_wait3A_113, %dma_wait3A_114] : memref<128x128xf32, #tpu.memory_space<vmem>> -> memref<125x128xf32, #tpu.memory_space<vmem>>
          %dma_wait3A_116 = arith.constant 0 : i32
          %dma_wait3A_117 = tpu.memref_slice %arg8[%add3A_112, %dma_wait3A_116] : memref<32x125xi32, #tpu.memory_space<vmem>> -> memref<1x125xi32, #tpu.memory_space<vmem>>
          %dma_wait3A_118 = tpu.memref_squeeze %dma_wait3A_117 : memref<1x125xi32, #tpu.memory_space<vmem>> -> memref<125xi32, #tpu.memory_space<vmem>>
          %dma_wait3A_119 = arith.constant 0 : i32
          %dma_wait3A_120 = arith.constant 0 : i32
          %dma_wait3A_121 = tpu.memref_slice %arg5[%dma_wait3A_119, %dma_wait3A_120] : memref<10240x128xf32, #tpu.memory_space<hbm>> -> memref<10240x128xf32, #tpu.memory_space<hbm>>
          tpu.wait_indirect_dma semaphore(%arg14 : memref<!tpu.dma_semaphore, #tpu.memory_space<semaphore_mem>>) src(%dma_wait3A_121 : memref<10240x128xf32, #tpu.memory_space<hbm>>) dst(%dma_wait3A_115 : memref<125x128xf32, #tpu.memory_space<vmem>>)
          %add3A_122 = arith.constant 1 : i32
          %add3A_123 = arith.addi %mul3A_90, %add3A_122 : i32
          "tpu.region"() ({
            %run_scoped3A_135 = tpu.sem_alloc : memref<!tpu.dma_semaphore, #tpu.memory_space<semaphore_mem>>
            %dma_start3A_136 = arith.constant 0 : i32
            %dma_start3A_137 = arith.constant 0 : i32
            %dma_start3A_138 = tpu.memref_slice %arg11[%dma_start3A_136, %dma_start3A_137] : memref<128x128xf32, #tpu.memory_space<vmem>> -> memref<125x128xf32, #tpu.memory_space<vmem>>
            %dma_start3A_139 = arith.constant 0 : i32
            %dma_start3A_140 = tpu.memref_slice %arg9[%add3A_123, %dma_start3A_139] : memref<32x125xi32, #tpu.memory_space<vmem>> -> memref<1x125xi32, #tpu.memory_space<vmem>>
            %dma_start3A_141 = tpu.memref_squeeze %dma_start3A_140 : memref<1x125xi32, #tpu.memory_space<vmem>> -> memref<125xi32, #tpu.memory_space<vmem>>
            %dma_start3A_142 = arith.constant 0 : i32
            %dma_start3A_143 = arith.constant 0 : i32
            %dma_start3A_144 = tpu.memref_slice %arg12[%dma_start3A_142, %dma_start3A_143] : memref<10240x128xf32, #tpu.memory_space<vmem_shared>> -> memref<10240x128xf32, #tpu.memory_space<vmem_shared>>
            tpu.enqueue_indirect_dma source(%dma_start3A_138 : memref<125x128xf32, #tpu.memory_space<vmem>>) target(%dma_start3A_144 : memref<10240x128xf32, #tpu.memory_space<vmem_shared>>) offsets(%dma_start3A_141 : memref<125xi32, #tpu.memory_space<vmem>>) semaphore(%run_scoped3A_135 : memref<!tpu.dma_semaphore, #tpu.memory_space<semaphore_mem>>) {add = true}
            %dma_wait3A_145 = arith.constant 0 : i32
            %dma_wait3A_146 = arith.constant 0 : i32
            %dma_wait3A_147 = tpu.memref_slice %arg11[%dma_wait3A_145, %dma_wait3A_146] : memref<128x128xf32, #tpu.memory_space<vmem>> -> memref<125x128xf32, #tpu.memory_space<vmem>>
            %dma_wait3A_148 = arith.constant 0 : i32
            %dma_wait3A_149 = tpu.memref_slice %arg9[%add3A_123, %dma_wait3A_148] : memref<32x125xi32, #tpu.memory_space<vmem>> -> memref<1x125xi32, #tpu.memory_space<vmem>>
            %dma_wait3A_150 = tpu.memref_squeeze %dma_wait3A_149 : memref<1x125xi32, #tpu.memory_space<vmem>> -> memref<125xi32, #tpu.memory_space<vmem>>
            %dma_wait3A_151 = arith.constant 0 : i32
            %dma_wait3A_152 = arith.constant 0 : i32
            %dma_wait3A_153 = tpu.memref_slice %arg12[%dma_wait3A_151, %dma_wait3A_152] : memref<10240x128xf32, #tpu.memory_space<vmem_shared>> -> memref<10240x128xf32, #tpu.memory_space<vmem_shared>>
            tpu.wait_indirect_dma semaphore(%run_scoped3A_135 : memref<!tpu.dma_semaphore, #tpu.memory_space<semaphore_mem>>) src(%dma_wait3A_147 : memref<125x128xf32, #tpu.memory_space<vmem>>) dst(%dma_wait3A_153 : memref<10240x128xf32, #tpu.memory_space<vmem_shared>>)
            tpu.yield
          }) : () -> ()
          %add3A_124 = arith.constant 3 : i32
          %add3A_125 = arith.addi %mul3A_90, %add3A_124 : i32
          %dma_start3A_126 = arith.constant 0 : i32
          %dma_start3A_127 = arith.constant 0 : i32
          %dma_start3A_128 = tpu.memref_slice %arg11[%dma_start3A_126, %dma_start3A_127] : memref<128x128xf32, #tpu.memory_space<vmem>> -> memref<125x128xf32, #tpu.memory_space<vmem>>
          %dma_start3A_129 = arith.constant 0 : i32
          %dma_start3A_130 = tpu.memref_slice %arg8[%add3A_125, %dma_start3A_129] : memref<32x125xi32, #tpu.memory_space<vmem>> -> memref<1x125xi32, #tpu.memory_space<vmem>>
          %dma_start3A_131 = tpu.memref_squeeze %dma_start3A_130 : memref<1x125xi32, #tpu.memory_space<vmem>> -> memref<125xi32, #tpu.memory_space<vmem>>
          %dma_start3A_132 = arith.constant 0 : i32
          %dma_start3A_133 = arith.constant 0 : i32
          %dma_start3A_134 = tpu.memref_slice %arg5[%dma_start3A_132, %dma_start3A_133] : memref<10240x128xf32, #tpu.memory_space<hbm>> -> memref<10240x128xf32, #tpu.memory_space<hbm>>
          tpu.enqueue_indirect_dma source(%dma_start3A_134 : memref<10240x128xf32, #tpu.memory_space<hbm>>) target(%dma_start3A_128 : memref<125x128xf32, #tpu.memory_space<vmem>>) offsets(%dma_start3A_131 : memref<125xi32, #tpu.memory_space<vmem>>) semaphore(%arg14 : memref<!tpu.dma_semaphore, #tpu.memory_space<semaphore_mem>>)
        }
        %scan3A_63 = arith.constant 15 : i32
        %dma_wait3A = arith.constant 30 : i32
        %dma_wait3A_64 = arith.constant 0 : i32
        %dma_wait3A_65 = arith.constant 0 : i32
        %dma_wait3A_66 = tpu.memref_slice %arg10[%dma_wait3A_64, %dma_wait3A_65] : memref<128x128xf32, #tpu.memory_space<vmem>> -> memref<125x128xf32, #tpu.memory_space<vmem>>
        %dma_wait3A_67 = arith.constant 0 : i32
        %dma_wait3A_68 = tpu.memref_slice %arg8[%dma_wait3A, %dma_wait3A_67] : memref<32x125xi32, #tpu.memory_space<vmem>> -> memref<1x125xi32, #tpu.memory_space<vmem>>
        %dma_wait3A_69 = tpu.memref_squeeze %dma_wait3A_68 : memref<1x125xi32, #tpu.memory_space<vmem>> -> memref<125xi32, #tpu.memory_space<vmem>>
        %dma_wait3A_70 = arith.constant 0 : i32
        %dma_wait3A_71 = arith.constant 0 : i32
        %dma_wait3A_72 = tpu.memref_slice %arg5[%dma_wait3A_70, %dma_wait3A_71] : memref<10240x128xf32, #tpu.memory_space<hbm>> -> memref<10240x128xf32, #tpu.memory_space<hbm>>
        tpu.wait_indirect_dma semaphore(%arg13 : memref<!tpu.dma_semaphore, #tpu.memory_space<semaphore_mem>>) src(%dma_wait3A_72 : memref<10240x128xf32, #tpu.memory_space<hbm>>) dst(%dma_wait3A_66 : memref<125x128xf32, #tpu.memory_space<vmem>>)
        %run_scoped3A = arith.constant 30 : i32
        "tpu.region"() ({
          %run_scoped3A_84 = tpu.sem_alloc : memref<!tpu.dma_semaphore, #tpu.memory_space<semaphore_mem>>
          %dma_start3A_85 = arith.constant 0 : i32
          %dma_start3A_86 = arith.constant 0 : i32
          %dma_start3A_87 = tpu.memref_slice %arg10[%dma_start3A_85, %dma_start3A_86] : memref<128x128xf32, #tpu.memory_space<vmem>> -> memref<125x128xf32, #tpu.memory_space<vmem>>
          %dma_start3A_88 = arith.constant 0 : i32
          %dma_start3A_89 = tpu.memref_slice %arg9[%run_scoped3A, %dma_start3A_88] : memref<32x125xi32, #tpu.memory_space<vmem>> -> memref<1x125xi32, #tpu.memory_space<vmem>>
          %dma_start3A_90 = tpu.memref_squeeze %dma_start3A_89 : memref<1x125xi32, #tpu.memory_space<vmem>> -> memref<125xi32, #tpu.memory_space<vmem>>
          %dma_start3A_91 = arith.constant 0 : i32
          %dma_start3A_92 = arith.constant 0 : i32
          %dma_start3A_93 = tpu.memref_slice %arg12[%dma_start3A_91, %dma_start3A_92] : memref<10240x128xf32, #tpu.memory_space<vmem_shared>> -> memref<10240x128xf32, #tpu.memory_space<vmem_shared>>
          tpu.enqueue_indirect_dma source(%dma_start3A_87 : memref<125x128xf32, #tpu.memory_space<vmem>>) target(%dma_start3A_93 : memref<10240x128xf32, #tpu.memory_space<vmem_shared>>) offsets(%dma_start3A_90 : memref<125xi32, #tpu.memory_space<vmem>>) semaphore(%run_scoped3A_84 : memref<!tpu.dma_semaphore, #tpu.memory_space<semaphore_mem>>) {add = true}
          %dma_wait3A_94 = arith.constant 0 : i32
          %dma_wait3A_95 = arith.constant 0 : i32
          %dma_wait3A_96 = tpu.memref_slice %arg10[%dma_wait3A_94, %dma_wait3A_95] : memref<128x128xf32, #tpu.memory_space<vmem>> -> memref<125x128xf32, #tpu.memory_space<vmem>>
          %dma_wait3A_97 = arith.constant 0 : i32
          %dma_wait3A_98 = tpu.memref_slice %arg9[%run_scoped3A, %dma_wait3A_97] : memref<32x125xi32, #tpu.memory_space<vmem>> -> memref<1x125xi32, #tpu.memory_space<vmem>>
          %dma_wait3A_99 = tpu.memref_squeeze %dma_wait3A_98 : memref<1x125xi32, #tpu.memory_space<vmem>> -> memref<125xi32, #tpu.memory_space<vmem>>
          %dma_wait3A_100 = arith.constant 0 : i32
          %dma_wait3A_101 = arith.constant 0 : i32
          %dma_wait3A_102 = tpu.memref_slice %arg12[%dma_wait3A_100, %dma_wait3A_101] : memref<10240x128xf32, #tpu.memory_space<vmem_shared>> -> memref<10240x128xf32, #tpu.memory_space<vmem_shared>>
          tpu.wait_indirect_dma semaphore(%run_scoped3A_84 : memref<!tpu.dma_semaphore, #tpu.memory_space<semaphore_mem>>) src(%dma_wait3A_96 : memref<125x128xf32, #tpu.memory_space<vmem>>) dst(%dma_wait3A_102 : memref<10240x128xf32, #tpu.memory_space<vmem_shared>>)
          tpu.yield
        }) : () -> ()
        %dma_wait3A_73 = arith.constant 31 : i32
        %dma_wait3A_74 = arith.constant 0 : i32
        %dma_wait3A_75 = arith.constant 0 : i32
        %dma_wait3A_76 = tpu.memref_slice %arg11[%dma_wait3A_74, %dma_wait3A_75] : memref<128x128xf32, #tpu.memory_space<vmem>> -> memref<125x128xf32, #tpu.memory_space<vmem>>
        %dma_wait3A_77 = arith.constant 0 : i32
        %dma_wait3A_78 = tpu.memref_slice %arg8[%dma_wait3A_73, %dma_wait3A_77] : memref<32x125xi32, #tpu.memory_space<vmem>> -> memref<1x125xi32, #tpu.memory_space<vmem>>
        %dma_wait3A_79 = tpu.memref_squeeze %dma_wait3A_78 : memref<1x125xi32, #tpu.memory_space<vmem>> -> memref<125xi32, #tpu.memory_space<vmem>>
        %dma_wait3A_80 = arith.constant 0 : i32
        %dma_wait3A_81 = arith.constant 0 : i32
        %dma_wait3A_82 = tpu.memref_slice %arg5[%dma_wait3A_80, %dma_wait3A_81] : memref<10240x128xf32, #tpu.memory_space<hbm>> -> memref<10240x128xf32, #tpu.memory_space<hbm>>
        tpu.wait_indirect_dma semaphore(%arg14 : memref<!tpu.dma_semaphore, #tpu.memory_space<semaphore_mem>>) src(%dma_wait3A_82 : memref<10240x128xf32, #tpu.memory_space<hbm>>) dst(%dma_wait3A_76 : memref<125x128xf32, #tpu.memory_space<vmem>>)
        %run_scoped3A_83 = arith.constant 31 : i32
        "tpu.region"() ({
          %run_scoped3A_84 = tpu.sem_alloc : memref<!tpu.dma_semaphore, #tpu.memory_space<semaphore_mem>>
          %dma_start3A_85 = arith.constant 0 : i32
          %dma_start3A_86 = arith.constant 0 : i32
          %dma_start3A_87 = tpu.memref_slice %arg11[%dma_start3A_85, %dma_start3A_86] : memref<128x128xf32, #tpu.memory_space<vmem>> -> memref<125x128xf32, #tpu.memory_space<vmem>>
          %dma_start3A_88 = arith.constant 0 : i32
          %dma_start3A_89 = tpu.memref_slice %arg9[%run_scoped3A_83, %dma_start3A_88] : memref<32x125xi32, #tpu.memory_space<vmem>> -> memref<1x125xi32, #tpu.memory_space<vmem>>
          %dma_start3A_90 = tpu.memref_squeeze %dma_start3A_89 : memref<1x125xi32, #tpu.memory_space<vmem>> -> memref<125xi32, #tpu.memory_space<vmem>>
          %dma_start3A_91 = arith.constant 0 : i32
          %dma_start3A_92 = arith.constant 0 : i32
          %dma_start3A_93 = tpu.memref_slice %arg12[%dma_start3A_91, %dma_start3A_92] : memref<10240x128xf32, #tpu.memory_space<vmem_shared>> -> memref<10240x128xf32, #tpu.memory_space<vmem_shared>>
          tpu.enqueue_indirect_dma source(%dma_start3A_87 : memref<125x128xf32, #tpu.memory_space<vmem>>) target(%dma_start3A_93 : memref<10240x128xf32, #tpu.memory_space<vmem_shared>>) offsets(%dma_start3A_90 : memref<125xi32, #tpu.memory_space<vmem>>) semaphore(%run_scoped3A_84 : memref<!tpu.dma_semaphore, #tpu.memory_space<semaphore_mem>>) {add = true}
          %dma_wait3A_94 = arith.constant 0 : i32
          %dma_wait3A_95 = arith.constant 0 : i32
          %dma_wait3A_96 = tpu.memref_slice %arg11[%dma_wait3A_94, %dma_wait3A_95] : memref<128x128xf32, #tpu.memory_space<vmem>> -> memref<125x128xf32, #tpu.memory_space<vmem>>
          %dma_wait3A_97 = arith.constant 0 : i32
          %dma_wait3A_98 = tpu.memref_slice %arg9[%run_scoped3A_83, %dma_wait3A_97] : memref<32x125xi32, #tpu.memory_space<vmem>> -> memref<1x125xi32, #tpu.memory_space<vmem>>
          %dma_wait3A_99 = tpu.memref_squeeze %dma_wait3A_98 : memref<1x125xi32, #tpu.memory_space<vmem>> -> memref<125xi32, #tpu.memory_space<vmem>>
          %dma_wait3A_100 = arith.constant 0 : i32
          %dma_wait3A_101 = arith.constant 0 : i32
          %dma_wait3A_102 = tpu.memref_slice %arg12[%dma_wait3A_100, %dma_wait3A_101] : memref<10240x128xf32, #tpu.memory_space<vmem_shared>> -> memref<10240x128xf32, #tpu.memory_space<vmem_shared>>
          tpu.wait_indirect_dma semaphore(%run_scoped3A_84 : memref<!tpu.dma_semaphore, #tpu.memory_space<semaphore_mem>>) src(%dma_wait3A_96 : memref<125x128xf32, #tpu.memory_space<vmem>>) dst(%dma_wait3A_102 : memref<10240x128xf32, #tpu.memory_space<vmem_shared>>)
          tpu.yield
        }) : () -> ()
      } else {
      }
    }
    %scan3A_13 = arith.constant 5 : i32
    %barrier3A_14 = arith.constant 0 : index
    tpu.barrier barrier_id(%barrier3A_14)
    %eq3A = arith.constant 0 : i32
    %eq3A_15 = arith.cmpi eq, %arg0, %eq3A : i32
    %convert_element_type3A = arith.extui %eq3A_15 : i1 to i32
    %cond3A = arith.constant 0 : i32
    %cond3A_16 = arith.cmpi ne, %convert_element_type3A, %cond3A : i32
    scf.if %cond3A_16 {
      %mul3A = arith.constant 640 : i32
      %mul3A_22 = arith.muli %arg1, %mul3A : i32
      %mul3A_23 = arith.constant 640 : i32
      %mul3A_24 = arith.muli %arg1, %mul3A_23 : i32
      "tpu.region"() ({
        %run_scoped3A = tpu.sem_alloc : memref<!tpu.dma_semaphore, #tpu.memory_space<semaphore_mem>>
        %dma_start3A = arith.constant 0 : i32
        %dma_start3A_25 = tpu.memref_slice %arg6[%mul3A_24, %dma_start3A] : memref<10240x128xf32, #tpu.memory_space<hbm>> -> memref<640x128xf32, #tpu.memory_space<hbm>>
        %dma_start3A_26 = arith.constant 0 : i32
        %dma_start3A_27 = tpu.memref_slice %arg12[%mul3A_22, %dma_start3A_26] : memref<10240x128xf32, #tpu.memory_space<vmem_shared>> -> memref<640x128xf32, #tpu.memory_space<vmem_shared>>
        tpu.enqueue_dma source(%dma_start3A_27 : memref<640x128xf32, #tpu.memory_space<vmem_shared>>) target(%dma_start3A_25 : memref<640x128xf32, #tpu.memory_space<hbm>>) target_semaphore(%run_scoped3A : memref<!tpu.dma_semaphore, #tpu.memory_space<semaphore_mem>>)
        %dma_wait3A = arith.constant 0 : i32
        %dma_wait3A_28 = tpu.memref_slice %arg6[%mul3A_24, %dma_wait3A] : memref<10240x128xf32, #tpu.memory_space<hbm>> -> memref<640x128xf32, #tpu.memory_space<hbm>>
        %dma_wait3A_29 = arith.constant 0 : i32
        %dma_wait3A_30 = tpu.memref_slice %arg12[%mul3A_22, %dma_wait3A_29] : memref<10240x128xf32, #tpu.memory_space<vmem_shared>> -> memref<640x128xf32, #tpu.memory_space<vmem_shared>>
        tpu.wait_dma2 semaphore(%run_scoped3A : memref<!tpu.dma_semaphore, #tpu.memory_space<semaphore_mem>>) src(%dma_wait3A_30 : memref<640x128xf32, #tpu.memory_space<vmem_shared>>) dst(%dma_wait3A_28 : memref<640x128xf32, #tpu.memory_space<hbm>>)
        tpu.yield
      }) : () -> ()
    } else {
    }
    %eq3A_17 = arith.constant 1 : i32
    %eq3A_18 = arith.cmpi eq, %arg0, %eq3A_17 : i32
    %convert_element_type3A_19 = arith.extui %eq3A_18 : i1 to i32
    %cond3A_20 = arith.constant 0 : i32
    %cond3A_21 = arith.cmpi ne, %convert_element_type3A_19, %cond3A_20 : i32
    scf.if %cond3A_21 {
      %mul3A = arith.constant 640 : i32
      %mul3A_22 = arith.muli %arg1, %mul3A : i32
      %mul3A_23 = arith.constant 640 : i32
      %mul3A_24 = arith.muli %arg1, %mul3A_23 : i32
      "tpu.region"() ({
        %run_scoped3A = tpu.sem_alloc : memref<!tpu.dma_semaphore, #tpu.memory_space<semaphore_mem>>
        %dma_start3A = arith.constant 0 : i32
        %dma_start3A_25 = tpu.memref_slice %arg7[%mul3A_24, %dma_start3A] : memref<10240x128xf32, #tpu.memory_space<hbm>> -> memref<640x128xf32, #tpu.memory_space<hbm>>
        %dma_start3A_26 = arith.constant 0 : i32
        %dma_start3A_27 = tpu.memref_slice %arg12[%mul3A_22, %dma_start3A_26] : memref<10240x128xf32, #tpu.memory_space<vmem_shared>> -> memref<640x128xf32, #tpu.memory_space<vmem_shared>>
        tpu.enqueue_dma source(%dma_start3A_27 : memref<640x128xf32, #tpu.memory_space<vmem_shared>>) target(%dma_start3A_25 : memref<640x128xf32, #tpu.memory_space<hbm>>) target_semaphore(%run_scoped3A : memref<!tpu.dma_semaphore, #tpu.memory_space<semaphore_mem>>)
        %dma_wait3A = arith.constant 0 : i32
        %dma_wait3A_28 = tpu.memref_slice %arg7[%mul3A_24, %dma_wait3A] : memref<10240x128xf32, #tpu.memory_space<hbm>> -> memref<640x128xf32, #tpu.memory_space<hbm>>
        %dma_wait3A_29 = arith.constant 0 : i32
        %dma_wait3A_30 = tpu.memref_slice %arg12[%mul3A_22, %dma_wait3A_29] : memref<10240x128xf32, #tpu.memory_space<vmem_shared>> -> memref<640x128xf32, #tpu.memory_space<vmem_shared>>
        tpu.wait_dma2 semaphore(%run_scoped3A : memref<!tpu.dma_semaphore, #tpu.memory_space<semaphore_mem>>) src(%dma_wait3A_30 : memref<640x128xf32, #tpu.memory_space<vmem_shared>>) dst(%dma_wait3A_28 : memref<640x128xf32, #tpu.memory_space<hbm>>)
        tpu.yield
      }) : () -> ()
    } else {
    }
    return
  }
}

#map = affine_map<(d0, d1) -> (0, 0)>
module attributes {stable_mosaic.version = 14 : i64} {
  func.func @scat_kernel(%arg0: i32, %arg1: i32, %arg2: memref<2560x125xi32, #tpu.memory_space<hbm>>, %arg3: memref<2560x125xi32, #tpu.memory_space<hbm>>, %arg4: memref<10240x128xf32, #tpu.memory_space<hbm>>, %arg5: memref<10240x128xf32, #tpu.memory_space<hbm>>, %arg6: memref<10240x128xf32, #tpu.memory_space<hbm>>, %arg7: memref<10240x128xf32, #tpu.memory_space<hbm>>, %arg8: memref<32x125xi32, #tpu.memory_space<vmem>>, %arg9: memref<32x125xi32, #tpu.memory_space<vmem>>, %arg10: memref<128x128xf32, #tpu.memory_space<vmem>>, %arg11: memref<128x128xf32, #tpu.memory_space<vmem>>, %arg12: memref<10240x128xf32, #tpu.memory_space<vmem_shared>>, %arg13: memref<!tpu.dma_semaphore, #tpu.memory_space<semaphore_mem>>, %arg14: memref<!tpu.dma_semaphore, #tpu.memory_space<semaphore_mem>>) attributes {dimension_semantics = [#tpu.dimension_semantics<core_parallel>, #tpu.dimension_semantics<subcore_parallel>], iteration_bounds = array<i64: 2, 16>, scalar_prefetch = 0 : i64, scratch_operands = 7 : i64, tpu.core_type = #tpu.core_type<sc_vector_subcore>, window_params = [{transform_indices = #map}, {transform_indices = #map}, {transform_indices = #map}, {transform_indices = #map}, {transform_indices = #map}, {transform_indices = #map}]} {
    %scan3A = arith.constant 0 : i32
    %scan3A_0 = arith.constant 128 : i32
    %scan3A_1 = arith.addi %scan3A, %scan3A_0 : i32
    %scan3A_2 = arith.constant 1 : i32
    scf.for %scan3A_22 = %scan3A to %scan3A_1 step %scan3A_2  : i32 {
      %mul3A = arith.constant 1 : i32
      %mul3A_23 = arith.muli %scan3A_22, %mul3A : i32
      %add3A = arith.constant 0 : i32
      %add3A_24 = arith.addi %add3A, %mul3A_23 : i32
      %broadcast_in_dim3A = arith.constant 0.000000e+00 : f32
      %broadcast_in_dim3A_25 = vector.broadcast %broadcast_in_dim3A : f32 to vector<16xf32>
      %swap3A = arith.index_cast %add3A_24 : i32 to index
      %swap3A_26 = arith.constant 0 : index
      %swap3A_27 = tpu.vector_load %arg10[%swap3A, %swap3A_26] {strides = array<i32>} : memref<128x128xf32, #tpu.memory_space<vmem>>, vector<1x16xf32>,
      %swap3A_28 = vector.shape_cast %swap3A_27 : vector<1x16xf32> to vector<16xf32>
      %swap3A_29 = vector.shape_cast %broadcast_in_dim3A_25 : vector<16xf32> to vector<1x16xf32>
      tpu.vector_store %arg10[%swap3A, %swap3A_26], %swap3A_29 {strides = array<i32>} : memref<128x128xf32, #tpu.memory_space<vmem>>, vector<1x16xf32>,
      %broadcast_in_dim3A_30 = arith.constant 0.000000e+00 : f32
      %broadcast_in_dim3A_31 = vector.broadcast %broadcast_in_dim3A_30 : f32 to vector<16xf32>
      %swap3A_32 = arith.index_cast %add3A_24 : i32 to index
      %swap3A_33 = arith.constant 16 : index
      %swap3A_34 = tpu.vector_load %arg10[%swap3A_32, %swap3A_33] {strides = array<i32>} : memref<128x128xf32, #tpu.memory_space<vmem>>, vector<1x16xf32>,
      %swap3A_35 = vector.shape_cast %swap3A_34 : vector<1x16xf32> to vector<16xf32>
      %swap3A_36 = vector.shape_cast %broadcast_in_dim3A_31 : vector<16xf32> to vector<1x16xf32>
      tpu.vector_store %arg10[%swap3A_32, %swap3A_33], %swap3A_36 {strides = array<i32>} : memref<128x128xf32, #tpu.memory_space<vmem>>, vector<1x16xf32>,
      %broadcast_in_dim3A_37 = arith.constant 0.000000e+00 : f32
      %broadcast_in_dim3A_38 = vector.broadcast %broadcast_in_dim3A_37 : f32 to vector<16xf32>
      %swap3A_39 = arith.index_cast %add3A_24 : i32 to index
      %swap3A_40 = arith.constant 32 : index
      %swap3A_41 = tpu.vector_load %arg10[%swap3A_39, %swap3A_40] {strides = array<i32>} : memref<128x128xf32, #tpu.memory_space<vmem>>, vector<1x16xf32>,
      %swap3A_42 = vector.shape_cast %swap3A_41 : vector<1x16xf32> to vector<16xf32>
      %swap3A_43 = vector.shape_cast %broadcast_in_dim3A_38 : vector<16xf32> to vector<1x16xf32>
      tpu.vector_store %arg10[%swap3A_39, %swap3A_40], %swap3A_43 {strides = array<i32>} : memref<128x128xf32, #tpu.memory_space<vmem>>, vector<1x16xf32>,
      %broadcast_in_dim3A_44 = arith.constant 0.000000e+00 : f32
      %broadcast_in_dim3A_45 = vector.broadcast %broadcast_in_dim3A_44 : f32 to vector<16xf32>
      %swap3A_46 = arith.index_cast %add3A_24 : i32 to index
      %swap3A_47 = arith.constant 48 : index
      %swap3A_48 = tpu.vector_load %arg10[%swap3A_46, %swap3A_47] {strides = array<i32>} : memref<128x128xf32, #tpu.memory_space<vmem>>, vector<1x16xf32>,
      %swap3A_49 = vector.shape_cast %swap3A_48 : vector<1x16xf32> to vector<16xf32>
      %swap3A_50 = vector.shape_cast %broadcast_in_dim3A_45 : vector<16xf32> to vector<1x16xf32>
      tpu.vector_store %arg10[%swap3A_46, %swap3A_47], %swap3A_50 {strides = array<i32>} : memref<128x128xf32, #tpu.memory_space<vmem>>, vector<1x16xf32>,
      %broadcast_in_dim3A_51 = arith.constant 0.000000e+00 : f32
      %broadcast_in_dim3A_52 = vector.broadcast %broadcast_in_dim3A_51 : f32 to vector<16xf32>
      %swap3A_53 = arith.index_cast %add3A_24 : i32 to index
      %swap3A_54 = arith.constant 64 : index
      %swap3A_55 = tpu.vector_load %arg10[%swap3A_53, %swap3A_54] {strides = array<i32>} : memref<128x128xf32, #tpu.memory_space<vmem>>, vector<1x16xf32>,
      %swap3A_56 = vector.shape_cast %swap3A_55 : vector<1x16xf32> to vector<16xf32>
      %swap3A_57 = vector.shape_cast %broadcast_in_dim3A_52 : vector<16xf32> to vector<1x16xf32>
      tpu.vector_store %arg10[%swap3A_53, %swap3A_54], %swap3A_57 {strides = array<i32>} : memref<128x128xf32, #tpu.memory_space<vmem>>, vector<1x16xf32>,
      %broadcast_in_dim3A_58 = arith.constant 0.000000e+00 : f32
      %broadcast_in_dim3A_59 = vector.broadcast %broadcast_in_dim3A_58 : f32 to vector<16xf32>
      %swap3A_60 = arith.index_cast %add3A_24 : i32 to index
      %swap3A_61 = arith.constant 80 : index
      %swap3A_62 = tpu.vector_load %arg10[%swap3A_60, %swap3A_61] {strides = array<i32>} : memref<128x128xf32, #tpu.memory_space<vmem>>, vector<1x16xf32>,
      %swap3A_63 = vector.shape_cast %swap3A_62 : vector<1x16xf32> to vector<16xf32>
      %swap3A_64 = vector.shape_cast %broadcast_in_dim3A_59 : vector<16xf32> to vector<1x16xf32>
      tpu.vector_store %arg10[%swap3A_60, %swap3A_61], %swap3A_64 {strides = array<i32>} : memref<128x128xf32, #tpu.memory_space<vmem>>, vector<1x16xf32>,
      %broadcast_in_dim3A_65 = arith.constant 0.000000e+00 : f32
      %broadcast_in_dim3A_66 = vector.broadcast %broadcast_in_dim3A_65 : f32 to vector<16xf32>
      %swap3A_67 = arith.index_cast %add3A_24 : i32 to index
      %swap3A_68 = arith.constant 96 : index
      %swap3A_69 = tpu.vector_load %arg10[%swap3A_67, %swap3A_68] {strides = array<i32>} : memref<128x128xf32, #tpu.memory_space<vmem>>, vector<1x16xf32>,
      %swap3A_70 = vector.shape_cast %swap3A_69 : vector<1x16xf32> to vector<16xf32>
      %swap3A_71 = vector.shape_cast %broadcast_in_dim3A_66 : vector<16xf32> to vector<1x16xf32>
      tpu.vector_store %arg10[%swap3A_67, %swap3A_68], %swap3A_71 {strides = array<i32>} : memref<128x128xf32, #tpu.memory_space<vmem>>, vector<1x16xf32>,
      %broadcast_in_dim3A_72 = arith.constant 0.000000e+00 : f32
      %broadcast_in_dim3A_73 = vector.broadcast %broadcast_in_dim3A_72 : f32 to vector<16xf32>
      %swap3A_74 = arith.index_cast %add3A_24 : i32 to index
      %swap3A_75 = arith.constant 112 : index
      %swap3A_76 = tpu.vector_load %arg10[%swap3A_74, %swap3A_75] {strides = array<i32>} : memref<128x128xf32, #tpu.memory_space<vmem>>, vector<1x16xf32>,
      %swap3A_77 = vector.shape_cast %swap3A_76 : vector<1x16xf32> to vector<16xf32>
      %swap3A_78 = vector.shape_cast %broadcast_in_dim3A_73 : vector<16xf32> to vector<1x16xf32>
      tpu.vector_store %arg10[%swap3A_74, %swap3A_75], %swap3A_78 {strides = array<i32>} : memref<128x128xf32, #tpu.memory_space<vmem>>, vector<1x16xf32>,
    }
    %scan3A_3 = arith.constant 128 : i32
    %scan3A_4 = arith.constant 0 : i32
    %scan3A_5 = arith.constant 5 : i32
    %scan3A_6 = arith.addi %scan3A_4, %scan3A_5 : i32
    %scan3A_7 = arith.constant 1 : i32
    scf.for %scan3A_22 = %scan3A_4 to %scan3A_6 step %scan3A_7  : i32 {
      %mul3A = arith.constant 1 : i32
      %mul3A_23 = arith.muli %scan3A_22, %mul3A : i32
      %add3A = arith.constant 0 : i32
      %add3A_24 = arith.addi %add3A, %mul3A_23 : i32
      %mul3A_25 = arith.constant 640 : i32
      %mul3A_26 = arith.muli %arg1, %mul3A_25 : i32
      %mul3A_27 = arith.constant 128 : i32
      %mul3A_28 = arith.muli %add3A_24, %mul3A_27 : i32
      %add3A_29 = arith.addi %mul3A_26, %mul3A_28 : i32
      "tpu.region"() ({
        %run_scoped3A = tpu.sem_alloc : memref<!tpu.dma_semaphore, #tpu.memory_space<semaphore_mem>>
        %dma_start3A = arith.constant 0 : i32
        %dma_start3A_30 = tpu.memref_slice %arg12[%add3A_29, %dma_start3A] : memref<10240x128xf32, #tpu.memory_space<vmem_shared>> -> memref<128x128xf32, #tpu.memory_space<vmem_shared>>
        %dma_start3A_31 = arith.constant 0 : i32
        %dma_start3A_32 = tpu.memref_slice %arg12[%add3A_29, %dma_start3A_31] : memref<10240x128xf32, #tpu.memory_space<vmem_shared>> -> memref<128x128xf32, #tpu.memory_space<vmem_shared>>
        tpu.enqueue_dma source(%arg10 : memref<128x128xf32, #tpu.memory_space<vmem>>) target(%dma_start3A_32 : memref<128x128xf32, #tpu.memory_space<vmem_shared>>) target_semaphore(%run_scoped3A : memref<!tpu.dma_semaphore, #tpu.memory_space<semaphore_mem>>)
        %dma_wait3A = arith.constant 0 : i32
        %dma_wait3A_33 = tpu.memref_slice %arg12[%add3A_29, %dma_wait3A] : memref<10240x128xf32, #tpu.memory_space<vmem_shared>> -> memref<128x128xf32, #tpu.memory_space<vmem_shared>>
        %dma_wait3A_34 = arith.constant 0 : i32
        %dma_wait3A_35 = tpu.memref_slice %arg12[%add3A_29, %dma_wait3A_34] : memref<10240x128xf32, #tpu.memory_space<vmem_shared>> -> memref<128x128xf32, #tpu.memory_space<vmem_shared>>
        tpu.wait_dma2 semaphore(%run_scoped3A : memref<!tpu.dma_semaphore, #tpu.memory_space<semaphore_mem>>) src(%arg10 : memref<128x128xf32, #tpu.memory_space<vmem>>) dst(%dma_wait3A_35 : memref<128x128xf32, #tpu.memory_space<vmem_shared>>)
        tpu.yield
      }) : () -> ()
    }
    %scan3A_8 = arith.constant 5 : i32
    %barrier3A = arith.constant 0 : index
    tpu.barrier barrier_id(%barrier3A)
    %scan3A_9 = arith.constant 0 : i32
    %scan3A_10 = arith.constant 5 : i32
    %scan3A_11 = arith.addi %scan3A_9, %scan3A_10 : i32
    %scan3A_12 = arith.constant 1 : i32
    scf.for %scan3A_22 = %scan3A_9 to %scan3A_11 step %scan3A_12  : i32 {
      %mul3A = arith.constant 1 : i32
      %mul3A_23 = arith.muli %scan3A_22, %mul3A : i32
      %add3A = arith.constant 0 : i32
      %add3A_24 = arith.addi %add3A, %mul3A_23 : i32
      %mul3A_25 = arith.constant 160 : i32
      %mul3A_26 = arith.muli %arg1, %mul3A_25 : i32
      %mul3A_27 = arith.constant 32 : i32
      %mul3A_28 = arith.muli %add3A_24, %mul3A_27 : i32
      %add3A_29 = arith.addi %mul3A_26, %mul3A_28 : i32
      "tpu.region"() ({
        %run_scoped3A = tpu.sem_alloc : memref<!tpu.dma_semaphore, #tpu.memory_space<semaphore_mem>>
        %dma_start3A = arith.constant 0 : i32
        %dma_start3A_40 = tpu.memref_slice %arg2[%add3A_29, %dma_start3A] : memref<2560x125xi32, #tpu.memory_space<hbm>> -> memref<32x125xi32, #tpu.memory_space<hbm>>
        %dma_start3A_41 = arith.constant 0 : i32
        %dma_start3A_42 = tpu.memref_slice %arg2[%add3A_29, %dma_start3A_41] : memref<2560x125xi32, #tpu.memory_space<hbm>> -> memref<32x125xi32, #tpu.memory_space<hbm>>
        tpu.enqueue_dma source(%dma_start3A_42 : memref<32x125xi32, #tpu.memory_space<hbm>>) target(%arg8 : memref<32x125xi32, #tpu.memory_space<vmem>>) target_semaphore(%run_scoped3A : memref<!tpu.dma_semaphore, #tpu.memory_space<semaphore_mem>>)
        %dma_wait3A = arith.constant 0 : i32
        %dma_wait3A_43 = tpu.memref_slice %arg2[%add3A_29, %dma_wait3A] : memref<2560x125xi32, #tpu.memory_space<hbm>> -> memref<32x125xi32, #tpu.memory_space<hbm>>
        %dma_wait3A_44 = arith.constant 0 : i32
        %dma_wait3A_45 = tpu.memref_slice %arg2[%add3A_29, %dma_wait3A_44] : memref<2560x125xi32, #tpu.memory_space<hbm>> -> memref<32x125xi32, #tpu.memory_space<hbm>>
        tpu.wait_dma2 semaphore(%run_scoped3A : memref<!tpu.dma_semaphore, #tpu.memory_space<semaphore_mem>>) src(%dma_wait3A_45 : memref<32x125xi32, #tpu.memory_space<hbm>>) dst(%arg8 : memref<32x125xi32, #tpu.memory_space<vmem>>)
        tpu.yield
      }) : () -> ()
      "tpu.region"() ({
        %run_scoped3A = tpu.sem_alloc : memref<!tpu.dma_semaphore, #tpu.memory_space<semaphore_mem>>
        %dma_start3A = arith.constant 0 : i32
        %dma_start3A_40 = tpu.memref_slice %arg3[%add3A_29, %dma_start3A] : memref<2560x125xi32, #tpu.memory_space<hbm>> -> memref<32x125xi32, #tpu.memory_space<hbm>>
        %dma_start3A_41 = arith.constant 0 : i32
        %dma_start3A_42 = tpu.memref_slice %arg3[%add3A_29, %dma_start3A_41] : memref<2560x125xi32, #tpu.memory_space<hbm>> -> memref<32x125xi32, #tpu.memory_space<hbm>>
        tpu.enqueue_dma source(%dma_start3A_42 : memref<32x125xi32, #tpu.memory_space<hbm>>) target(%arg9 : memref<32x125xi32, #tpu.memory_space<vmem>>) target_semaphore(%run_scoped3A : memref<!tpu.dma_semaphore, #tpu.memory_space<semaphore_mem>>)
        %dma_wait3A = arith.constant 0 : i32
        %dma_wait3A_43 = tpu.memref_slice %arg3[%add3A_29, %dma_wait3A] : memref<2560x125xi32, #tpu.memory_space<hbm>> -> memref<32x125xi32, #tpu.memory_space<hbm>>
        %dma_wait3A_44 = arith.constant 0 : i32
        %dma_wait3A_45 = tpu.memref_slice %arg3[%add3A_29, %dma_wait3A_44] : memref<2560x125xi32, #tpu.memory_space<hbm>> -> memref<32x125xi32, #tpu.memory_space<hbm>>
        tpu.wait_dma2 semaphore(%run_scoped3A : memref<!tpu.dma_semaphore, #tpu.memory_space<semaphore_mem>>) src(%dma_wait3A_45 : memref<32x125xi32, #tpu.memory_space<hbm>>) dst(%arg9 : memref<32x125xi32, #tpu.memory_space<vmem>>)
        tpu.yield
      }) : () -> ()
      %eq3A_30 = arith.constant 0 : i32
      %eq3A_31 = arith.cmpi eq, %arg0, %eq3A_30 : i32
      %convert_element_type3A_32 = arith.extui %eq3A_31 : i1 to i32
      %cond3A_33 = arith.constant 0 : i32
      %cond3A_34 = arith.cmpi ne, %convert_element_type3A_32, %cond3A_33 : i32
      scf.if %cond3A_34 {
        %dma_start3A = arith.constant 0 : i32
        %dma_start3A_40 = arith.constant 0 : i32
        %dma_start3A_41 = arith.constant 0 : i32
        %dma_start3A_42 = tpu.memref_slice %arg10[%dma_start3A_40, %dma_start3A_41] : memref<128x128xf32, #tpu.memory_space<vmem>> -> memref<125x128xf32, #tpu.memory_space<vmem>>
        %dma_start3A_43 = arith.constant 0 : i32
        %dma_start3A_44 = tpu.memref_slice %arg8[%dma_start3A, %dma_start3A_43] : memref<32x125xi32, #tpu.memory_space<vmem>> -> memref<1x125xi32, #tpu.memory_space<vmem>>
        %dma_start3A_45 = tpu.memref_squeeze %dma_start3A_44 : memref<1x125xi32, #tpu.memory_space<vmem>> -> memref<125xi32, #tpu.memory_space<vmem>>
        %dma_start3A_46 = arith.constant 0 : i32
        %dma_start3A_47 = arith.constant 0 : i32
        %dma_start3A_48 = tpu.memref_slice %arg4[%dma_start3A_46, %dma_start3A_47] : memref<10240x128xf32, #tpu.memory_space<hbm>> -> memref<10240x128xf32, #tpu.memory_space<hbm>>
        tpu.enqueue_indirect_dma source(%dma_start3A_48 : memref<10240x128xf32, #tpu.memory_space<hbm>>) target(%dma_start3A_42 : memref<125x128xf32, #tpu.memory_space<vmem>>) offsets(%dma_start3A_45 : memref<125xi32, #tpu.memory_space<vmem>>) semaphore(%arg13 : memref<!tpu.dma_semaphore, #tpu.memory_space<semaphore_mem>>)
        %dma_start3A_49 = arith.constant 1 : i32
        %dma_start3A_50 = arith.constant 0 : i32
        %dma_start3A_51 = arith.constant 0 : i32
        %dma_start3A_52 = tpu.memref_slice %arg11[%dma_start3A_50, %dma_start3A_51] : memref<128x128xf32, #tpu.memory_space<vmem>> -> memref<125x128xf32, #tpu.memory_space<vmem>>
        %dma_start3A_53 = arith.constant 0 : i32
        %dma_start3A_54 = tpu.memref_slice %arg8[%dma_start3A_49, %dma_start3A_53] : memref<32x125xi32, #tpu.memory_space<vmem>> -> memref<1x125xi32, #tpu.memory_space<vmem>>
        %dma_start3A_55 = tpu.memref_squeeze %dma_start3A_54 : memref<1x125xi32, #tpu.memory_space<vmem>> -> memref<125xi32, #tpu.memory_space<vmem>>
        %dma_start3A_56 = arith.constant 0 : i32
        %dma_start3A_57 = arith.constant 0 : i32
        %dma_start3A_58 = tpu.memref_slice %arg4[%dma_start3A_56, %dma_start3A_57] : memref<10240x128xf32, #tpu.memory_space<hbm>> -> memref<10240x128xf32, #tpu.memory_space<hbm>>
        tpu.enqueue_indirect_dma source(%dma_start3A_58 : memref<10240x128xf32, #tpu.memory_space<hbm>>) target(%dma_start3A_52 : memref<125x128xf32, #tpu.memory_space<vmem>>) offsets(%dma_start3A_55 : memref<125xi32, #tpu.memory_space<vmem>>) semaphore(%arg14 : memref<!tpu.dma_semaphore, #tpu.memory_space<semaphore_mem>>)
        %scan3A_59 = arith.constant 0 : i32
        %scan3A_60 = arith.constant 15 : i32
        %scan3A_61 = arith.addi %scan3A_59, %scan3A_60 : i32
        %scan3A_62 = arith.constant 1 : i32
        scf.for %scan3A_84 = %scan3A_59 to %scan3A_61 step %scan3A_62  : i32 {
          %mul3A_85 = arith.constant 1 : i32
          %mul3A_86 = arith.muli %scan3A_84, %mul3A_85 : i32
          %add3A_87 = arith.constant 0 : i32
          %add3A_88 = arith.addi %add3A_87, %mul3A_86 : i32
          %mul3A_89 = arith.constant 2 : i32
          %mul3A_90 = arith.muli %mul3A_89, %add3A_88 : i32
          %dma_wait3A_91 = arith.constant 0 : i32
          %dma_wait3A_92 = arith.constant 0 : i32
          %dma_wait3A_93 = tpu.memref_slice %arg10[%dma_wait3A_91, %dma_wait3A_92] : memref<128x128xf32, #tpu.memory_space<vmem>> -> memref<125x128xf32, #tpu.memory_space<vmem>>
          %dma_wait3A_94 = arith.constant 0 : i32
          %dma_wait3A_95 = tpu.memref_slice %arg8[%mul3A_90, %dma_wait3A_94] : memref<32x125xi32, #tpu.memory_space<vmem>> -> memref<1x125xi32, #tpu.memory_space<vmem>>
          %dma_wait3A_96 = tpu.memref_squeeze %dma_wait3A_95 : memref<1x125xi32, #tpu.memory_space<vmem>> -> memref<125xi32, #tpu.memory_space<vmem>>
          %dma_wait3A_97 = arith.constant 0 : i32
          %dma_wait3A_98 = arith.constant 0 : i32
          %dma_wait3A_99 = tpu.memref_slice %arg4[%dma_wait3A_97, %dma_wait3A_98] : memref<10240x128xf32, #tpu.memory_space<hbm>> -> memref<10240x128xf32, #tpu.memory_space<hbm>>
          tpu.wait_indirect_dma semaphore(%arg13 : memref<!tpu.dma_semaphore, #tpu.memory_space<semaphore_mem>>) src(%dma_wait3A_99 : memref<10240x128xf32, #tpu.memory_space<hbm>>) dst(%dma_wait3A_93 : memref<125x128xf32, #tpu.memory_space<vmem>>)
          "tpu.region"() ({
            %run_scoped3A_135 = tpu.sem_alloc : memref<!tpu.dma_semaphore, #tpu.memory_space<semaphore_mem>>
            %dma_start3A_136 = arith.constant 0 : i32
            %dma_start3A_137 = arith.constant 0 : i32
            %dma_start3A_138 = tpu.memref_slice %arg10[%dma_start3A_136, %dma_start3A_137] : memref<128x128xf32, #tpu.memory_space<vmem>> -> memref<125x128xf32, #tpu.memory_space<vmem>>
            %dma_start3A_139 = arith.constant 0 : i32
            %dma_start3A_140 = tpu.memref_slice %arg9[%mul3A_90, %dma_start3A_139] : memref<32x125xi32, #tpu.memory_space<vmem>> -> memref<1x125xi32, #tpu.memory_space<vmem>>
            %dma_start3A_141 = tpu.memref_squeeze %dma_start3A_140 : memref<1x125xi32, #tpu.memory_space<vmem>> -> memref<125xi32, #tpu.memory_space<vmem>>
            %dma_start3A_142 = arith.constant 0 : i32
            %dma_start3A_143 = arith.constant 0 : i32
            %dma_start3A_144 = tpu.memref_slice %arg12[%dma_start3A_142, %dma_start3A_143] : memref<10240x128xf32, #tpu.memory_space<vmem_shared>> -> memref<10240x128xf32, #tpu.memory_space<vmem_shared>>
            tpu.enqueue_indirect_dma source(%dma_start3A_138 : memref<125x128xf32, #tpu.memory_space<vmem>>) target(%dma_start3A_144 : memref<10240x128xf32, #tpu.memory_space<vmem_shared>>) offsets(%dma_start3A_141 : memref<125xi32, #tpu.memory_space<vmem>>) semaphore(%run_scoped3A_135 : memref<!tpu.dma_semaphore, #tpu.memory_space<semaphore_mem>>) {add = true}
            %dma_wait3A_145 = arith.constant 0 : i32
            %dma_wait3A_146 = arith.constant 0 : i32
            %dma_wait3A_147 = tpu.memref_slice %arg10[%dma_wait3A_145, %dma_wait3A_146] : memref<128x128xf32, #tpu.memory_space<vmem>> -> memref<125x128xf32, #tpu.memory_space<vmem>>
            %dma_wait3A_148 = arith.constant 0 : i32
            %dma_wait3A_149 = tpu.memref_slice %arg9[%mul3A_90, %dma_wait3A_148] : memref<32x125xi32, #tpu.memory_space<vmem>> -> memref<1x125xi32, #tpu.memory_space<vmem>>
            %dma_wait3A_150 = tpu.memref_squeeze %dma_wait3A_149 : memref<1x125xi32, #tpu.memory_space<vmem>> -> memref<125xi32, #tpu.memory_space<vmem>>
            %dma_wait3A_151 = arith.constant 0 : i32
            %dma_wait3A_152 = arith.constant 0 : i32
            %dma_wait3A_153 = tpu.memref_slice %arg12[%dma_wait3A_151, %dma_wait3A_152] : memref<10240x128xf32, #tpu.memory_space<vmem_shared>> -> memref<10240x128xf32, #tpu.memory_space<vmem_shared>>
            tpu.wait_indirect_dma semaphore(%run_scoped3A_135 : memref<!tpu.dma_semaphore, #tpu.memory_space<semaphore_mem>>) src(%dma_wait3A_147 : memref<125x128xf32, #tpu.memory_space<vmem>>) dst(%dma_wait3A_153 : memref<10240x128xf32, #tpu.memory_space<vmem_shared>>)
            tpu.yield
          }) : () -> ()
          %add3A_100 = arith.constant 2 : i32
          %add3A_101 = arith.addi %mul3A_90, %add3A_100 : i32
          %dma_start3A_102 = arith.constant 0 : i32
          %dma_start3A_103 = arith.constant 0 : i32
          %dma_start3A_104 = tpu.memref_slice %arg10[%dma_start3A_102, %dma_start3A_103] : memref<128x128xf32, #tpu.memory_space<vmem>> -> memref<125x128xf32, #tpu.memory_space<vmem>>
          %dma_start3A_105 = arith.constant 0 : i32
          %dma_start3A_106 = tpu.memref_slice %arg8[%add3A_101, %dma_start3A_105] : memref<32x125xi32, #tpu.memory_space<vmem>> -> memref<1x125xi32, #tpu.memory_space<vmem>>
          %dma_start3A_107 = tpu.memref_squeeze %dma_start3A_106 : memref<1x125xi32, #tpu.memory_space<vmem>> -> memref<125xi32, #tpu.memory_space<vmem>>
          %dma_start3A_108 = arith.constant 0 : i32
          %dma_start3A_109 = arith.constant 0 : i32
          %dma_start3A_110 = tpu.memref_slice %arg4[%dma_start3A_108, %dma_start3A_109] : memref<10240x128xf32, #tpu.memory_space<hbm>> -> memref<10240x128xf32, #tpu.memory_space<hbm>>
          tpu.enqueue_indirect_dma source(%dma_start3A_110 : memref<10240x128xf32, #tpu.memory_space<hbm>>) target(%dma_start3A_104 : memref<125x128xf32, #tpu.memory_space<vmem>>) offsets(%dma_start3A_107 : memref<125xi32, #tpu.memory_space<vmem>>) semaphore(%arg13 : memref<!tpu.dma_semaphore, #tpu.memory_space<semaphore_mem>>)
          %add3A_111 = arith.constant 1 : i32
          %add3A_112 = arith.addi %mul3A_90, %add3A_111 : i32
          %dma_wait3A_113 = arith.constant 0 : i32
          %dma_wait3A_114 = arith.constant 0 : i32
          %dma_wait3A_115 = tpu.memref_slice %arg11[%dma_wait3A_113, %dma_wait3A_114] : memref<128x128xf32, #tpu.memory_space<vmem>> -> memref<125x128xf32, #tpu.memory_space<vmem>>
          %dma_wait3A_116 = arith.constant 0 : i32
          %dma_wait3A_117 = tpu.memref_slice %arg8[%add3A_112, %dma_wait3A_116] : memref<32x125xi32, #tpu.memory_space<vmem>> -> memref<1x125xi32, #tpu.memory_space<vmem>>
          %dma_wait3A_118 = tpu.memref_squeeze %dma_wait3A_117 : memref<1x125xi32, #tpu.memory_space<vmem>> -> memref<125xi32, #tpu.memory_space<vmem>>
          %dma_wait3A_119 = arith.constant 0 : i32
          %dma_wait3A_120 = arith.constant 0 : i32
          %dma_wait3A_121 = tpu.memref_slice %arg4[%dma_wait3A_119, %dma_wait3A_120] : memref<10240x128xf32, #tpu.memory_space<hbm>> -> memref<10240x128xf32, #tpu.memory_space<hbm>>
          tpu.wait_indirect_dma semaphore(%arg14 : memref<!tpu.dma_semaphore, #tpu.memory_space<semaphore_mem>>) src(%dma_wait3A_121 : memref<10240x128xf32, #tpu.memory_space<hbm>>) dst(%dma_wait3A_115 : memref<125x128xf32, #tpu.memory_space<vmem>>)
          %add3A_122 = arith.constant 1 : i32
          %add3A_123 = arith.addi %mul3A_90, %add3A_122 : i32
          "tpu.region"() ({
            %run_scoped3A_135 = tpu.sem_alloc : memref<!tpu.dma_semaphore, #tpu.memory_space<semaphore_mem>>
            %dma_start3A_136 = arith.constant 0 : i32
            %dma_start3A_137 = arith.constant 0 : i32
            %dma_start3A_138 = tpu.memref_slice %arg11[%dma_start3A_136, %dma_start3A_137] : memref<128x128xf32, #tpu.memory_space<vmem>> -> memref<125x128xf32, #tpu.memory_space<vmem>>
            %dma_start3A_139 = arith.constant 0 : i32
            %dma_start3A_140 = tpu.memref_slice %arg9[%add3A_123, %dma_start3A_139] : memref<32x125xi32, #tpu.memory_space<vmem>> -> memref<1x125xi32, #tpu.memory_space<vmem>>
            %dma_start3A_141 = tpu.memref_squeeze %dma_start3A_140 : memref<1x125xi32, #tpu.memory_space<vmem>> -> memref<125xi32, #tpu.memory_space<vmem>>
            %dma_start3A_142 = arith.constant 0 : i32
            %dma_start3A_143 = arith.constant 0 : i32
            %dma_start3A_144 = tpu.memref_slice %arg12[%dma_start3A_142, %dma_start3A_143] : memref<10240x128xf32, #tpu.memory_space<vmem_shared>> -> memref<10240x128xf32, #tpu.memory_space<vmem_shared>>
            tpu.enqueue_indirect_dma source(%dma_start3A_138 : memref<125x128xf32, #tpu.memory_space<vmem>>) target(%dma_start3A_144 : memref<10240x128xf32, #tpu.memory_space<vmem_shared>>) offsets(%dma_start3A_141 : memref<125xi32, #tpu.memory_space<vmem>>) semaphore(%run_scoped3A_135 : memref<!tpu.dma_semaphore, #tpu.memory_space<semaphore_mem>>) {add = true}
            %dma_wait3A_145 = arith.constant 0 : i32
            %dma_wait3A_146 = arith.constant 0 : i32
            %dma_wait3A_147 = tpu.memref_slice %arg11[%dma_wait3A_145, %dma_wait3A_146] : memref<128x128xf32, #tpu.memory_space<vmem>> -> memref<125x128xf32, #tpu.memory_space<vmem>>
            %dma_wait3A_148 = arith.constant 0 : i32
            %dma_wait3A_149 = tpu.memref_slice %arg9[%add3A_123, %dma_wait3A_148] : memref<32x125xi32, #tpu.memory_space<vmem>> -> memref<1x125xi32, #tpu.memory_space<vmem>>
            %dma_wait3A_150 = tpu.memref_squeeze %dma_wait3A_149 : memref<1x125xi32, #tpu.memory_space<vmem>> -> memref<125xi32, #tpu.memory_space<vmem>>
            %dma_wait3A_151 = arith.constant 0 : i32
            %dma_wait3A_152 = arith.constant 0 : i32
            %dma_wait3A_153 = tpu.memref_slice %arg12[%dma_wait3A_151, %dma_wait3A_152] : memref<10240x128xf32, #tpu.memory_space<vmem_shared>> -> memref<10240x128xf32, #tpu.memory_space<vmem_shared>>
            tpu.wait_indirect_dma semaphore(%run_scoped3A_135 : memref<!tpu.dma_semaphore, #tpu.memory_space<semaphore_mem>>) src(%dma_wait3A_147 : memref<125x128xf32, #tpu.memory_space<vmem>>) dst(%dma_wait3A_153 : memref<10240x128xf32, #tpu.memory_space<vmem_shared>>)
            tpu.yield
          }) : () -> ()
          %add3A_124 = arith.constant 3 : i32
          %add3A_125 = arith.addi %mul3A_90, %add3A_124 : i32
          %dma_start3A_126 = arith.constant 0 : i32
          %dma_start3A_127 = arith.constant 0 : i32
          %dma_start3A_128 = tpu.memref_slice %arg11[%dma_start3A_126, %dma_start3A_127] : memref<128x128xf32, #tpu.memory_space<vmem>> -> memref<125x128xf32, #tpu.memory_space<vmem>>
          %dma_start3A_129 = arith.constant 0 : i32
          %dma_start3A_130 = tpu.memref_slice %arg8[%add3A_125, %dma_start3A_129] : memref<32x125xi32, #tpu.memory_space<vmem>> -> memref<1x125xi32, #tpu.memory_space<vmem>>
          %dma_start3A_131 = tpu.memref_squeeze %dma_start3A_130 : memref<1x125xi32, #tpu.memory_space<vmem>> -> memref<125xi32, #tpu.memory_space<vmem>>
          %dma_start3A_132 = arith.constant 0 : i32
          %dma_start3A_133 = arith.constant 0 : i32
          %dma_start3A_134 = tpu.memref_slice %arg4[%dma_start3A_132, %dma_start3A_133] : memref<10240x128xf32, #tpu.memory_space<hbm>> -> memref<10240x128xf32, #tpu.memory_space<hbm>>
          tpu.enqueue_indirect_dma source(%dma_start3A_134 : memref<10240x128xf32, #tpu.memory_space<hbm>>) target(%dma_start3A_128 : memref<125x128xf32, #tpu.memory_space<vmem>>) offsets(%dma_start3A_131 : memref<125xi32, #tpu.memory_space<vmem>>) semaphore(%arg14 : memref<!tpu.dma_semaphore, #tpu.memory_space<semaphore_mem>>)
        }
        %scan3A_63 = arith.constant 15 : i32
        %dma_wait3A = arith.constant 30 : i32
        %dma_wait3A_64 = arith.constant 0 : i32
        %dma_wait3A_65 = arith.constant 0 : i32
        %dma_wait3A_66 = tpu.memref_slice %arg10[%dma_wait3A_64, %dma_wait3A_65] : memref<128x128xf32, #tpu.memory_space<vmem>> -> memref<125x128xf32, #tpu.memory_space<vmem>>
        %dma_wait3A_67 = arith.constant 0 : i32
        %dma_wait3A_68 = tpu.memref_slice %arg8[%dma_wait3A, %dma_wait3A_67] : memref<32x125xi32, #tpu.memory_space<vmem>> -> memref<1x125xi32, #tpu.memory_space<vmem>>
        %dma_wait3A_69 = tpu.memref_squeeze %dma_wait3A_68 : memref<1x125xi32, #tpu.memory_space<vmem>> -> memref<125xi32, #tpu.memory_space<vmem>>
        %dma_wait3A_70 = arith.constant 0 : i32
        %dma_wait3A_71 = arith.constant 0 : i32
        %dma_wait3A_72 = tpu.memref_slice %arg4[%dma_wait3A_70, %dma_wait3A_71] : memref<10240x128xf32, #tpu.memory_space<hbm>> -> memref<10240x128xf32, #tpu.memory_space<hbm>>
        tpu.wait_indirect_dma semaphore(%arg13 : memref<!tpu.dma_semaphore, #tpu.memory_space<semaphore_mem>>) src(%dma_wait3A_72 : memref<10240x128xf32, #tpu.memory_space<hbm>>) dst(%dma_wait3A_66 : memref<125x128xf32, #tpu.memory_space<vmem>>)
        %run_scoped3A = arith.constant 30 : i32
        "tpu.region"() ({
          %run_scoped3A_84 = tpu.sem_alloc : memref<!tpu.dma_semaphore, #tpu.memory_space<semaphore_mem>>
          %dma_start3A_85 = arith.constant 0 : i32
          %dma_start3A_86 = arith.constant 0 : i32
          %dma_start3A_87 = tpu.memref_slice %arg10[%dma_start3A_85, %dma_start3A_86] : memref<128x128xf32, #tpu.memory_space<vmem>> -> memref<125x128xf32, #tpu.memory_space<vmem>>
          %dma_start3A_88 = arith.constant 0 : i32
          %dma_start3A_89 = tpu.memref_slice %arg9[%run_scoped3A, %dma_start3A_88] : memref<32x125xi32, #tpu.memory_space<vmem>> -> memref<1x125xi32, #tpu.memory_space<vmem>>
          %dma_start3A_90 = tpu.memref_squeeze %dma_start3A_89 : memref<1x125xi32, #tpu.memory_space<vmem>> -> memref<125xi32, #tpu.memory_space<vmem>>
          %dma_start3A_91 = arith.constant 0 : i32
          %dma_start3A_92 = arith.constant 0 : i32
          %dma_start3A_93 = tpu.memref_slice %arg12[%dma_start3A_91, %dma_start3A_92] : memref<10240x128xf32, #tpu.memory_space<vmem_shared>> -> memref<10240x128xf32, #tpu.memory_space<vmem_shared>>
          tpu.enqueue_indirect_dma source(%dma_start3A_87 : memref<125x128xf32, #tpu.memory_space<vmem>>) target(%dma_start3A_93 : memref<10240x128xf32, #tpu.memory_space<vmem_shared>>) offsets(%dma_start3A_90 : memref<125xi32, #tpu.memory_space<vmem>>) semaphore(%run_scoped3A_84 : memref<!tpu.dma_semaphore, #tpu.memory_space<semaphore_mem>>) {add = true}
          %dma_wait3A_94 = arith.constant 0 : i32
          %dma_wait3A_95 = arith.constant 0 : i32
          %dma_wait3A_96 = tpu.memref_slice %arg10[%dma_wait3A_94, %dma_wait3A_95] : memref<128x128xf32, #tpu.memory_space<vmem>> -> memref<125x128xf32, #tpu.memory_space<vmem>>
          %dma_wait3A_97 = arith.constant 0 : i32
          %dma_wait3A_98 = tpu.memref_slice %arg9[%run_scoped3A, %dma_wait3A_97] : memref<32x125xi32, #tpu.memory_space<vmem>> -> memref<1x125xi32, #tpu.memory_space<vmem>>
          %dma_wait3A_99 = tpu.memref_squeeze %dma_wait3A_98 : memref<1x125xi32, #tpu.memory_space<vmem>> -> memref<125xi32, #tpu.memory_space<vmem>>
          %dma_wait3A_100 = arith.constant 0 : i32
          %dma_wait3A_101 = arith.constant 0 : i32
          %dma_wait3A_102 = tpu.memref_slice %arg12[%dma_wait3A_100, %dma_wait3A_101] : memref<10240x128xf32, #tpu.memory_space<vmem_shared>> -> memref<10240x128xf32, #tpu.memory_space<vmem_shared>>
          tpu.wait_indirect_dma semaphore(%run_scoped3A_84 : memref<!tpu.dma_semaphore, #tpu.memory_space<semaphore_mem>>) src(%dma_wait3A_96 : memref<125x128xf32, #tpu.memory_space<vmem>>) dst(%dma_wait3A_102 : memref<10240x128xf32, #tpu.memory_space<vmem_shared>>)
          tpu.yield
        }) : () -> ()
        %dma_wait3A_73 = arith.constant 31 : i32
        %dma_wait3A_74 = arith.constant 0 : i32
        %dma_wait3A_75 = arith.constant 0 : i32
        %dma_wait3A_76 = tpu.memref_slice %arg11[%dma_wait3A_74, %dma_wait3A_75] : memref<128x128xf32, #tpu.memory_space<vmem>> -> memref<125x128xf32, #tpu.memory_space<vmem>>
        %dma_wait3A_77 = arith.constant 0 : i32
        %dma_wait3A_78 = tpu.memref_slice %arg8[%dma_wait3A_73, %dma_wait3A_77] : memref<32x125xi32, #tpu.memory_space<vmem>> -> memref<1x125xi32, #tpu.memory_space<vmem>>
        %dma_wait3A_79 = tpu.memref_squeeze %dma_wait3A_78 : memref<1x125xi32, #tpu.memory_space<vmem>> -> memref<125xi32, #tpu.memory_space<vmem>>
        %dma_wait3A_80 = arith.constant 0 : i32
        %dma_wait3A_81 = arith.constant 0 : i32
        %dma_wait3A_82 = tpu.memref_slice %arg4[%dma_wait3A_80, %dma_wait3A_81] : memref<10240x128xf32, #tpu.memory_space<hbm>> -> memref<10240x128xf32, #tpu.memory_space<hbm>>
        tpu.wait_indirect_dma semaphore(%arg14 : memref<!tpu.dma_semaphore, #tpu.memory_space<semaphore_mem>>) src(%dma_wait3A_82 : memref<10240x128xf32, #tpu.memory_space<hbm>>) dst(%dma_wait3A_76 : memref<125x128xf32, #tpu.memory_space<vmem>>)
        %run_scoped3A_83 = arith.constant 31 : i32
        "tpu.region"() ({
          %run_scoped3A_84 = tpu.sem_alloc : memref<!tpu.dma_semaphore, #tpu.memory_space<semaphore_mem>>
          %dma_start3A_85 = arith.constant 0 : i32
          %dma_start3A_86 = arith.constant 0 : i32
          %dma_start3A_87 = tpu.memref_slice %arg11[%dma_start3A_85, %dma_start3A_86] : memref<128x128xf32, #tpu.memory_space<vmem>> -> memref<125x128xf32, #tpu.memory_space<vmem>>
          %dma_start3A_88 = arith.constant 0 : i32
          %dma_start3A_89 = tpu.memref_slice %arg9[%run_scoped3A_83, %dma_start3A_88] : memref<32x125xi32, #tpu.memory_space<vmem>> -> memref<1x125xi32, #tpu.memory_space<vmem>>
          %dma_start3A_90 = tpu.memref_squeeze %dma_start3A_89 : memref<1x125xi32, #tpu.memory_space<vmem>> -> memref<125xi32, #tpu.memory_space<vmem>>
          %dma_start3A_91 = arith.constant 0 : i32
          %dma_start3A_92 = arith.constant 0 : i32
          %dma_start3A_93 = tpu.memref_slice %arg12[%dma_start3A_91, %dma_start3A_92] : memref<10240x128xf32, #tpu.memory_space<vmem_shared>> -> memref<10240x128xf32, #tpu.memory_space<vmem_shared>>
          tpu.enqueue_indirect_dma source(%dma_start3A_87 : memref<125x128xf32, #tpu.memory_space<vmem>>) target(%dma_start3A_93 : memref<10240x128xf32, #tpu.memory_space<vmem_shared>>) offsets(%dma_start3A_90 : memref<125xi32, #tpu.memory_space<vmem>>) semaphore(%run_scoped3A_84 : memref<!tpu.dma_semaphore, #tpu.memory_space<semaphore_mem>>) {add = true}
          %dma_wait3A_94 = arith.constant 0 : i32
          %dma_wait3A_95 = arith.constant 0 : i32
          %dma_wait3A_96 = tpu.memref_slice %arg11[%dma_wait3A_94, %dma_wait3A_95] : memref<128x128xf32, #tpu.memory_space<vmem>> -> memref<125x128xf32, #tpu.memory_space<vmem>>
          %dma_wait3A_97 = arith.constant 0 : i32
          %dma_wait3A_98 = tpu.memref_slice %arg9[%run_scoped3A_83, %dma_wait3A_97] : memref<32x125xi32, #tpu.memory_space<vmem>> -> memref<1x125xi32, #tpu.memory_space<vmem>>
          %dma_wait3A_99 = tpu.memref_squeeze %dma_wait3A_98 : memref<1x125xi32, #tpu.memory_space<vmem>> -> memref<125xi32, #tpu.memory_space<vmem>>
          %dma_wait3A_100 = arith.constant 0 : i32
          %dma_wait3A_101 = arith.constant 0 : i32
          %dma_wait3A_102 = tpu.memref_slice %arg12[%dma_wait3A_100, %dma_wait3A_101] : memref<10240x128xf32, #tpu.memory_space<vmem_shared>> -> memref<10240x128xf32, #tpu.memory_space<vmem_shared>>
          tpu.wait_indirect_dma semaphore(%run_scoped3A_84 : memref<!tpu.dma_semaphore, #tpu.memory_space<semaphore_mem>>) src(%dma_wait3A_96 : memref<125x128xf32, #tpu.memory_space<vmem>>) dst(%dma_wait3A_102 : memref<10240x128xf32, #tpu.memory_space<vmem_shared>>)
          tpu.yield
        }) : () -> ()
      } else {
      }
      %eq3A_35 = arith.constant 1 : i32
      %eq3A_36 = arith.cmpi eq, %arg0, %eq3A_35 : i32
      %convert_element_type3A_37 = arith.extui %eq3A_36 : i1 to i32
      %cond3A_38 = arith.constant 0 : i32
      %cond3A_39 = arith.cmpi ne, %convert_element_type3A_37, %cond3A_38 : i32
      scf.if %cond3A_39 {
        %dma_start3A = arith.constant 0 : i32
        %dma_start3A_40 = arith.constant 0 : i32
        %dma_start3A_41 = arith.constant 0 : i32
        %dma_start3A_42 = tpu.memref_slice %arg10[%dma_start3A_40, %dma_start3A_41] : memref<128x128xf32, #tpu.memory_space<vmem>> -> memref<125x128xf32, #tpu.memory_space<vmem>>
        %dma_start3A_43 = arith.constant 0 : i32
        %dma_start3A_44 = tpu.memref_slice %arg8[%dma_start3A, %dma_start3A_43] : memref<32x125xi32, #tpu.memory_space<vmem>> -> memref<1x125xi32, #tpu.memory_space<vmem>>
        %dma_start3A_45 = tpu.memref_squeeze %dma_start3A_44 : memref<1x125xi32, #tpu.memory_space<vmem>> -> memref<125xi32, #tpu.memory_space<vmem>>
        %dma_start3A_46 = arith.constant 0 : i32
        %dma_start3A_47 = arith.constant 0 : i32
        %dma_start3A_48 = tpu.memref_slice %arg5[%dma_start3A_46, %dma_start3A_47] : memref<10240x128xf32, #tpu.memory_space<hbm>> -> memref<10240x128xf32, #tpu.memory_space<hbm>>
        tpu.enqueue_indirect_dma source(%dma_start3A_48 : memref<10240x128xf32, #tpu.memory_space<hbm>>) target(%dma_start3A_42 : memref<125x128xf32, #tpu.memory_space<vmem>>) offsets(%dma_start3A_45 : memref<125xi32, #tpu.memory_space<vmem>>) semaphore(%arg13 : memref<!tpu.dma_semaphore, #tpu.memory_space<semaphore_mem>>)
        %dma_start3A_49 = arith.constant 1 : i32
        %dma_start3A_50 = arith.constant 0 : i32
        %dma_start3A_51 = arith.constant 0 : i32
        %dma_start3A_52 = tpu.memref_slice %arg11[%dma_start3A_50, %dma_start3A_51] : memref<128x128xf32, #tpu.memory_space<vmem>> -> memref<125x128xf32, #tpu.memory_space<vmem>>
        %dma_start3A_53 = arith.constant 0 : i32
        %dma_start3A_54 = tpu.memref_slice %arg8[%dma_start3A_49, %dma_start3A_53] : memref<32x125xi32, #tpu.memory_space<vmem>> -> memref<1x125xi32, #tpu.memory_space<vmem>>
        %dma_start3A_55 = tpu.memref_squeeze %dma_start3A_54 : memref<1x125xi32, #tpu.memory_space<vmem>> -> memref<125xi32, #tpu.memory_space<vmem>>
        %dma_start3A_56 = arith.constant 0 : i32
        %dma_start3A_57 = arith.constant 0 : i32
        %dma_start3A_58 = tpu.memref_slice %arg5[%dma_start3A_56, %dma_start3A_57] : memref<10240x128xf32, #tpu.memory_space<hbm>> -> memref<10240x128xf32, #tpu.memory_space<hbm>>
        tpu.enqueue_indirect_dma source(%dma_start3A_58 : memref<10240x128xf32, #tpu.memory_space<hbm>>) target(%dma_start3A_52 : memref<125x128xf32, #tpu.memory_space<vmem>>) offsets(%dma_start3A_55 : memref<125xi32, #tpu.memory_space<vmem>>) semaphore(%arg14 : memref<!tpu.dma_semaphore, #tpu.memory_space<semaphore_mem>>)
        %scan3A_59 = arith.constant 0 : i32
        %scan3A_60 = arith.constant 15 : i32
        %scan3A_61 = arith.addi %scan3A_59, %scan3A_60 : i32
        %scan3A_62 = arith.constant 1 : i32
        scf.for %scan3A_84 = %scan3A_59 to %scan3A_61 step %scan3A_62  : i32 {
          %mul3A_85 = arith.constant 1 : i32
          %mul3A_86 = arith.muli %scan3A_84, %mul3A_85 : i32
          %add3A_87 = arith.constant 0 : i32
          %add3A_88 = arith.addi %add3A_87, %mul3A_86 : i32
          %mul3A_89 = arith.constant 2 : i32
          %mul3A_90 = arith.muli %mul3A_89, %add3A_88 : i32
          %dma_wait3A_91 = arith.constant 0 : i32
          %dma_wait3A_92 = arith.constant 0 : i32
          %dma_wait3A_93 = tpu.memref_slice %arg10[%dma_wait3A_91, %dma_wait3A_92] : memref<128x128xf32, #tpu.memory_space<vmem>> -> memref<125x128xf32, #tpu.memory_space<vmem>>
          %dma_wait3A_94 = arith.constant 0 : i32
          %dma_wait3A_95 = tpu.memref_slice %arg8[%mul3A_90, %dma_wait3A_94] : memref<32x125xi32, #tpu.memory_space<vmem>> -> memref<1x125xi32, #tpu.memory_space<vmem>>
          %dma_wait3A_96 = tpu.memref_squeeze %dma_wait3A_95 : memref<1x125xi32, #tpu.memory_space<vmem>> -> memref<125xi32, #tpu.memory_space<vmem>>
          %dma_wait3A_97 = arith.constant 0 : i32
          %dma_wait3A_98 = arith.constant 0 : i32
          %dma_wait3A_99 = tpu.memref_slice %arg5[%dma_wait3A_97, %dma_wait3A_98] : memref<10240x128xf32, #tpu.memory_space<hbm>> -> memref<10240x128xf32, #tpu.memory_space<hbm>>
          tpu.wait_indirect_dma semaphore(%arg13 : memref<!tpu.dma_semaphore, #tpu.memory_space<semaphore_mem>>) src(%dma_wait3A_99 : memref<10240x128xf32, #tpu.memory_space<hbm>>) dst(%dma_wait3A_93 : memref<125x128xf32, #tpu.memory_space<vmem>>)
          "tpu.region"() ({
            %run_scoped3A_135 = tpu.sem_alloc : memref<!tpu.dma_semaphore, #tpu.memory_space<semaphore_mem>>
            %dma_start3A_136 = arith.constant 0 : i32
            %dma_start3A_137 = arith.constant 0 : i32
            %dma_start3A_138 = tpu.memref_slice %arg10[%dma_start3A_136, %dma_start3A_137] : memref<128x128xf32, #tpu.memory_space<vmem>> -> memref<125x128xf32, #tpu.memory_space<vmem>>
            %dma_start3A_139 = arith.constant 0 : i32
            %dma_start3A_140 = tpu.memref_slice %arg9[%mul3A_90, %dma_start3A_139] : memref<32x125xi32, #tpu.memory_space<vmem>> -> memref<1x125xi32, #tpu.memory_space<vmem>>
            %dma_start3A_141 = tpu.memref_squeeze %dma_start3A_140 : memref<1x125xi32, #tpu.memory_space<vmem>> -> memref<125xi32, #tpu.memory_space<vmem>>
            %dma_start3A_142 = arith.constant 0 : i32
            %dma_start3A_143 = arith.constant 0 : i32
            %dma_start3A_144 = tpu.memref_slice %arg12[%dma_start3A_142, %dma_start3A_143] : memref<10240x128xf32, #tpu.memory_space<vmem_shared>> -> memref<10240x128xf32, #tpu.memory_space<vmem_shared>>
            tpu.enqueue_indirect_dma source(%dma_start3A_138 : memref<125x128xf32, #tpu.memory_space<vmem>>) target(%dma_start3A_144 : memref<10240x128xf32, #tpu.memory_space<vmem_shared>>) offsets(%dma_start3A_141 : memref<125xi32, #tpu.memory_space<vmem>>) semaphore(%run_scoped3A_135 : memref<!tpu.dma_semaphore, #tpu.memory_space<semaphore_mem>>) {add = true}
            %dma_wait3A_145 = arith.constant 0 : i32
            %dma_wait3A_146 = arith.constant 0 : i32
            %dma_wait3A_147 = tpu.memref_slice %arg10[%dma_wait3A_145, %dma_wait3A_146] : memref<128x128xf32, #tpu.memory_space<vmem>> -> memref<125x128xf32, #tpu.memory_space<vmem>>
            %dma_wait3A_148 = arith.constant 0 : i32
            %dma_wait3A_149 = tpu.memref_slice %arg9[%mul3A_90, %dma_wait3A_148] : memref<32x125xi32, #tpu.memory_space<vmem>> -> memref<1x125xi32, #tpu.memory_space<vmem>>
            %dma_wait3A_150 = tpu.memref_squeeze %dma_wait3A_149 : memref<1x125xi32, #tpu.memory_space<vmem>> -> memref<125xi32, #tpu.memory_space<vmem>>
            %dma_wait3A_151 = arith.constant 0 : i32
            %dma_wait3A_152 = arith.constant 0 : i32
            %dma_wait3A_153 = tpu.memref_slice %arg12[%dma_wait3A_151, %dma_wait3A_152] : memref<10240x128xf32, #tpu.memory_space<vmem_shared>> -> memref<10240x128xf32, #tpu.memory_space<vmem_shared>>
            tpu.wait_indirect_dma semaphore(%run_scoped3A_135 : memref<!tpu.dma_semaphore, #tpu.memory_space<semaphore_mem>>) src(%dma_wait3A_147 : memref<125x128xf32, #tpu.memory_space<vmem>>) dst(%dma_wait3A_153 : memref<10240x128xf32, #tpu.memory_space<vmem_shared>>)
            tpu.yield
          }) : () -> ()
          %add3A_100 = arith.constant 2 : i32
          %add3A_101 = arith.addi %mul3A_90, %add3A_100 : i32
          %dma_start3A_102 = arith.constant 0 : i32
          %dma_start3A_103 = arith.constant 0 : i32
          %dma_start3A_104 = tpu.memref_slice %arg10[%dma_start3A_102, %dma_start3A_103] : memref<128x128xf32, #tpu.memory_space<vmem>> -> memref<125x128xf32, #tpu.memory_space<vmem>>
          %dma_start3A_105 = arith.constant 0 : i32
          %dma_start3A_106 = tpu.memref_slice %arg8[%add3A_101, %dma_start3A_105] : memref<32x125xi32, #tpu.memory_space<vmem>> -> memref<1x125xi32, #tpu.memory_space<vmem>>
          %dma_start3A_107 = tpu.memref_squeeze %dma_start3A_106 : memref<1x125xi32, #tpu.memory_space<vmem>> -> memref<125xi32, #tpu.memory_space<vmem>>
          %dma_start3A_108 = arith.constant 0 : i32
          %dma_start3A_109 = arith.constant 0 : i32
          %dma_start3A_110 = tpu.memref_slice %arg5[%dma_start3A_108, %dma_start3A_109] : memref<10240x128xf32, #tpu.memory_space<hbm>> -> memref<10240x128xf32, #tpu.memory_space<hbm>>
          tpu.enqueue_indirect_dma source(%dma_start3A_110 : memref<10240x128xf32, #tpu.memory_space<hbm>>) target(%dma_start3A_104 : memref<125x128xf32, #tpu.memory_space<vmem>>) offsets(%dma_start3A_107 : memref<125xi32, #tpu.memory_space<vmem>>) semaphore(%arg13 : memref<!tpu.dma_semaphore, #tpu.memory_space<semaphore_mem>>)
          %add3A_111 = arith.constant 1 : i32
          %add3A_112 = arith.addi %mul3A_90, %add3A_111 : i32
          %dma_wait3A_113 = arith.constant 0 : i32
          %dma_wait3A_114 = arith.constant 0 : i32
          %dma_wait3A_115 = tpu.memref_slice %arg11[%dma_wait3A_113, %dma_wait3A_114] : memref<128x128xf32, #tpu.memory_space<vmem>> -> memref<125x128xf32, #tpu.memory_space<vmem>>
          %dma_wait3A_116 = arith.constant 0 : i32
          %dma_wait3A_117 = tpu.memref_slice %arg8[%add3A_112, %dma_wait3A_116] : memref<32x125xi32, #tpu.memory_space<vmem>> -> memref<1x125xi32, #tpu.memory_space<vmem>>
          %dma_wait3A_118 = tpu.memref_squeeze %dma_wait3A_117 : memref<1x125xi32, #tpu.memory_space<vmem>> -> memref<125xi32, #tpu.memory_space<vmem>>
          %dma_wait3A_119 = arith.constant 0 : i32
          %dma_wait3A_120 = arith.constant 0 : i32
          %dma_wait3A_121 = tpu.memref_slice %arg5[%dma_wait3A_119, %dma_wait3A_120] : memref<10240x128xf32, #tpu.memory_space<hbm>> -> memref<10240x128xf32, #tpu.memory_space<hbm>>
          tpu.wait_indirect_dma semaphore(%arg14 : memref<!tpu.dma_semaphore, #tpu.memory_space<semaphore_mem>>) src(%dma_wait3A_121 : memref<10240x128xf32, #tpu.memory_space<hbm>>) dst(%dma_wait3A_115 : memref<125x128xf32, #tpu.memory_space<vmem>>)
          %add3A_122 = arith.constant 1 : i32
          %add3A_123 = arith.addi %mul3A_90, %add3A_122 : i32
          "tpu.region"() ({
            %run_scoped3A_135 = tpu.sem_alloc : memref<!tpu.dma_semaphore, #tpu.memory_space<semaphore_mem>>
            %dma_start3A_136 = arith.constant 0 : i32
            %dma_start3A_137 = arith.constant 0 : i32
            %dma_start3A_138 = tpu.memref_slice %arg11[%dma_start3A_136, %dma_start3A_137] : memref<128x128xf32, #tpu.memory_space<vmem>> -> memref<125x128xf32, #tpu.memory_space<vmem>>
            %dma_start3A_139 = arith.constant 0 : i32
            %dma_start3A_140 = tpu.memref_slice %arg9[%add3A_123, %dma_start3A_139] : memref<32x125xi32, #tpu.memory_space<vmem>> -> memref<1x125xi32, #tpu.memory_space<vmem>>
            %dma_start3A_141 = tpu.memref_squeeze %dma_start3A_140 : memref<1x125xi32, #tpu.memory_space<vmem>> -> memref<125xi32, #tpu.memory_space<vmem>>
            %dma_start3A_142 = arith.constant 0 : i32
            %dma_start3A_143 = arith.constant 0 : i32
            %dma_start3A_144 = tpu.memref_slice %arg12[%dma_start3A_142, %dma_start3A_143] : memref<10240x128xf32, #tpu.memory_space<vmem_shared>> -> memref<10240x128xf32, #tpu.memory_space<vmem_shared>>
            tpu.enqueue_indirect_dma source(%dma_start3A_138 : memref<125x128xf32, #tpu.memory_space<vmem>>) target(%dma_start3A_144 : memref<10240x128xf32, #tpu.memory_space<vmem_shared>>) offsets(%dma_start3A_141 : memref<125xi32, #tpu.memory_space<vmem>>) semaphore(%run_scoped3A_135 : memref<!tpu.dma_semaphore, #tpu.memory_space<semaphore_mem>>) {add = true}
            %dma_wait3A_145 = arith.constant 0 : i32
            %dma_wait3A_146 = arith.constant 0 : i32
            %dma_wait3A_147 = tpu.memref_slice %arg11[%dma_wait3A_145, %dma_wait3A_146] : memref<128x128xf32, #tpu.memory_space<vmem>> -> memref<125x128xf32, #tpu.memory_space<vmem>>
            %dma_wait3A_148 = arith.constant 0 : i32
            %dma_wait3A_149 = tpu.memref_slice %arg9[%add3A_123, %dma_wait3A_148] : memref<32x125xi32, #tpu.memory_space<vmem>> -> memref<1x125xi32, #tpu.memory_space<vmem>>
            %dma_wait3A_150 = tpu.memref_squeeze %dma_wait3A_149 : memref<1x125xi32, #tpu.memory_space<vmem>> -> memref<125xi32, #tpu.memory_space<vmem>>
            %dma_wait3A_151 = arith.constant 0 : i32
            %dma_wait3A_152 = arith.constant 0 : i32
            %dma_wait3A_153 = tpu.memref_slice %arg12[%dma_wait3A_151, %dma_wait3A_152] : memref<10240x128xf32, #tpu.memory_space<vmem_shared>> -> memref<10240x128xf32, #tpu.memory_space<vmem_shared>>
            tpu.wait_indirect_dma semaphore(%run_scoped3A_135 : memref<!tpu.dma_semaphore, #tpu.memory_space<semaphore_mem>>) src(%dma_wait3A_147 : memref<125x128xf32, #tpu.memory_space<vmem>>) dst(%dma_wait3A_153 : memref<10240x128xf32, #tpu.memory_space<vmem_shared>>)
            tpu.yield
          }) : () -> ()
          %add3A_124 = arith.constant 3 : i32
          %add3A_125 = arith.addi %mul3A_90, %add3A_124 : i32
          %dma_start3A_126 = arith.constant 0 : i32
          %dma_start3A_127 = arith.constant 0 : i32
          %dma_start3A_128 = tpu.memref_slice %arg11[%dma_start3A_126, %dma_start3A_127] : memref<128x128xf32, #tpu.memory_space<vmem>> -> memref<125x128xf32, #tpu.memory_space<vmem>>
          %dma_start3A_129 = arith.constant 0 : i32
          %dma_start3A_130 = tpu.memref_slice %arg8[%add3A_125, %dma_start3A_129] : memref<32x125xi32, #tpu.memory_space<vmem>> -> memref<1x125xi32, #tpu.memory_space<vmem>>
          %dma_start3A_131 = tpu.memref_squeeze %dma_start3A_130 : memref<1x125xi32, #tpu.memory_space<vmem>> -> memref<125xi32, #tpu.memory_space<vmem>>
          %dma_start3A_132 = arith.constant 0 : i32
          %dma_start3A_133 = arith.constant 0 : i32
          %dma_start3A_134 = tpu.memref_slice %arg5[%dma_start3A_132, %dma_start3A_133] : memref<10240x128xf32, #tpu.memory_space<hbm>> -> memref<10240x128xf32, #tpu.memory_space<hbm>>
          tpu.enqueue_indirect_dma source(%dma_start3A_134 : memref<10240x128xf32, #tpu.memory_space<hbm>>) target(%dma_start3A_128 : memref<125x128xf32, #tpu.memory_space<vmem>>) offsets(%dma_start3A_131 : memref<125xi32, #tpu.memory_space<vmem>>) semaphore(%arg14 : memref<!tpu.dma_semaphore, #tpu.memory_space<semaphore_mem>>)
        }
        %scan3A_63 = arith.constant 15 : i32
        %dma_wait3A = arith.constant 30 : i32
        %dma_wait3A_64 = arith.constant 0 : i32
        %dma_wait3A_65 = arith.constant 0 : i32
        %dma_wait3A_66 = tpu.memref_slice %arg10[%dma_wait3A_64, %dma_wait3A_65] : memref<128x128xf32, #tpu.memory_space<vmem>> -> memref<125x128xf32, #tpu.memory_space<vmem>>
        %dma_wait3A_67 = arith.constant 0 : i32
        %dma_wait3A_68 = tpu.memref_slice %arg8[%dma_wait3A, %dma_wait3A_67] : memref<32x125xi32, #tpu.memory_space<vmem>> -> memref<1x125xi32, #tpu.memory_space<vmem>>
        %dma_wait3A_69 = tpu.memref_squeeze %dma_wait3A_68 : memref<1x125xi32, #tpu.memory_space<vmem>> -> memref<125xi32, #tpu.memory_space<vmem>>
        %dma_wait3A_70 = arith.constant 0 : i32
        %dma_wait3A_71 = arith.constant 0 : i32
        %dma_wait3A_72 = tpu.memref_slice %arg5[%dma_wait3A_70, %dma_wait3A_71] : memref<10240x128xf32, #tpu.memory_space<hbm>> -> memref<10240x128xf32, #tpu.memory_space<hbm>>
        tpu.wait_indirect_dma semaphore(%arg13 : memref<!tpu.dma_semaphore, #tpu.memory_space<semaphore_mem>>) src(%dma_wait3A_72 : memref<10240x128xf32, #tpu.memory_space<hbm>>) dst(%dma_wait3A_66 : memref<125x128xf32, #tpu.memory_space<vmem>>)
        %run_scoped3A = arith.constant 30 : i32
        "tpu.region"() ({
          %run_scoped3A_84 = tpu.sem_alloc : memref<!tpu.dma_semaphore, #tpu.memory_space<semaphore_mem>>
          %dma_start3A_85 = arith.constant 0 : i32
          %dma_start3A_86 = arith.constant 0 : i32
          %dma_start3A_87 = tpu.memref_slice %arg10[%dma_start3A_85, %dma_start3A_86] : memref<128x128xf32, #tpu.memory_space<vmem>> -> memref<125x128xf32, #tpu.memory_space<vmem>>
          %dma_start3A_88 = arith.constant 0 : i32
          %dma_start3A_89 = tpu.memref_slice %arg9[%run_scoped3A, %dma_start3A_88] : memref<32x125xi32, #tpu.memory_space<vmem>> -> memref<1x125xi32, #tpu.memory_space<vmem>>
          %dma_start3A_90 = tpu.memref_squeeze %dma_start3A_89 : memref<1x125xi32, #tpu.memory_space<vmem>> -> memref<125xi32, #tpu.memory_space<vmem>>
          %dma_start3A_91 = arith.constant 0 : i32
          %dma_start3A_92 = arith.constant 0 : i32
          %dma_start3A_93 = tpu.memref_slice %arg12[%dma_start3A_91, %dma_start3A_92] : memref<10240x128xf32, #tpu.memory_space<vmem_shared>> -> memref<10240x128xf32, #tpu.memory_space<vmem_shared>>
          tpu.enqueue_indirect_dma source(%dma_start3A_87 : memref<125x128xf32, #tpu.memory_space<vmem>>) target(%dma_start3A_93 : memref<10240x128xf32, #tpu.memory_space<vmem_shared>>) offsets(%dma_start3A_90 : memref<125xi32, #tpu.memory_space<vmem>>) semaphore(%run_scoped3A_84 : memref<!tpu.dma_semaphore, #tpu.memory_space<semaphore_mem>>) {add = true}
          %dma_wait3A_94 = arith.constant 0 : i32
          %dma_wait3A_95 = arith.constant 0 : i32
          %dma_wait3A_96 = tpu.memref_slice %arg10[%dma_wait3A_94, %dma_wait3A_95] : memref<128x128xf32, #tpu.memory_space<vmem>> -> memref<125x128xf32, #tpu.memory_space<vmem>>
          %dma_wait3A_97 = arith.constant 0 : i32
          %dma_wait3A_98 = tpu.memref_slice %arg9[%run_scoped3A, %dma_wait3A_97] : memref<32x125xi32, #tpu.memory_space<vmem>> -> memref<1x125xi32, #tpu.memory_space<vmem>>
          %dma_wait3A_99 = tpu.memref_squeeze %dma_wait3A_98 : memref<1x125xi32, #tpu.memory_space<vmem>> -> memref<125xi32, #tpu.memory_space<vmem>>
          %dma_wait3A_100 = arith.constant 0 : i32
          %dma_wait3A_101 = arith.constant 0 : i32
          %dma_wait3A_102 = tpu.memref_slice %arg12[%dma_wait3A_100, %dma_wait3A_101] : memref<10240x128xf32, #tpu.memory_space<vmem_shared>> -> memref<10240x128xf32, #tpu.memory_space<vmem_shared>>
          tpu.wait_indirect_dma semaphore(%run_scoped3A_84 : memref<!tpu.dma_semaphore, #tpu.memory_space<semaphore_mem>>) src(%dma_wait3A_96 : memref<125x128xf32, #tpu.memory_space<vmem>>) dst(%dma_wait3A_102 : memref<10240x128xf32, #tpu.memory_space<vmem_shared>>)
          tpu.yield
        }) : () -> ()
        %dma_wait3A_73 = arith.constant 31 : i32
        %dma_wait3A_74 = arith.constant 0 : i32
        %dma_wait3A_75 = arith.constant 0 : i32
        %dma_wait3A_76 = tpu.memref_slice %arg11[%dma_wait3A_74, %dma_wait3A_75] : memref<128x128xf32, #tpu.memory_space<vmem>> -> memref<125x128xf32, #tpu.memory_space<vmem>>
        %dma_wait3A_77 = arith.constant 0 : i32
        %dma_wait3A_78 = tpu.memref_slice %arg8[%dma_wait3A_73, %dma_wait3A_77] : memref<32x125xi32, #tpu.memory_space<vmem>> -> memref<1x125xi32, #tpu.memory_space<vmem>>
        %dma_wait3A_79 = tpu.memref_squeeze %dma_wait3A_78 : memref<1x125xi32, #tpu.memory_space<vmem>> -> memref<125xi32, #tpu.memory_space<vmem>>
        %dma_wait3A_80 = arith.constant 0 : i32
        %dma_wait3A_81 = arith.constant 0 : i32
        %dma_wait3A_82 = tpu.memref_slice %arg5[%dma_wait3A_80, %dma_wait3A_81] : memref<10240x128xf32, #tpu.memory_space<hbm>> -> memref<10240x128xf32, #tpu.memory_space<hbm>>
        tpu.wait_indirect_dma semaphore(%arg14 : memref<!tpu.dma_semaphore, #tpu.memory_space<semaphore_mem>>) src(%dma_wait3A_82 : memref<10240x128xf32, #tpu.memory_space<hbm>>) dst(%dma_wait3A_76 : memref<125x128xf32, #tpu.memory_space<vmem>>)
        %run_scoped3A_83 = arith.constant 31 : i32
        "tpu.region"() ({
          %run_scoped3A_84 = tpu.sem_alloc : memref<!tpu.dma_semaphore, #tpu.memory_space<semaphore_mem>>
          %dma_start3A_85 = arith.constant 0 : i32
          %dma_start3A_86 = arith.constant 0 : i32
          %dma_start3A_87 = tpu.memref_slice %arg11[%dma_start3A_85, %dma_start3A_86] : memref<128x128xf32, #tpu.memory_space<vmem>> -> memref<125x128xf32, #tpu.memory_space<vmem>>
          %dma_start3A_88 = arith.constant 0 : i32
          %dma_start3A_89 = tpu.memref_slice %arg9[%run_scoped3A_83, %dma_start3A_88] : memref<32x125xi32, #tpu.memory_space<vmem>> -> memref<1x125xi32, #tpu.memory_space<vmem>>
          %dma_start3A_90 = tpu.memref_squeeze %dma_start3A_89 : memref<1x125xi32, #tpu.memory_space<vmem>> -> memref<125xi32, #tpu.memory_space<vmem>>
          %dma_start3A_91 = arith.constant 0 : i32
          %dma_start3A_92 = arith.constant 0 : i32
          %dma_start3A_93 = tpu.memref_slice %arg12[%dma_start3A_91, %dma_start3A_92] : memref<10240x128xf32, #tpu.memory_space<vmem_shared>> -> memref<10240x128xf32, #tpu.memory_space<vmem_shared>>
          tpu.enqueue_indirect_dma source(%dma_start3A_87 : memref<125x128xf32, #tpu.memory_space<vmem>>) target(%dma_start3A_93 : memref<10240x128xf32, #tpu.memory_space<vmem_shared>>) offsets(%dma_start3A_90 : memref<125xi32, #tpu.memory_space<vmem>>) semaphore(%run_scoped3A_84 : memref<!tpu.dma_semaphore, #tpu.memory_space<semaphore_mem>>) {add = true}
          %dma_wait3A_94 = arith.constant 0 : i32
          %dma_wait3A_95 = arith.constant 0 : i32
          %dma_wait3A_96 = tpu.memref_slice %arg11[%dma_wait3A_94, %dma_wait3A_95] : memref<128x128xf32, #tpu.memory_space<vmem>> -> memref<125x128xf32, #tpu.memory_space<vmem>>
          %dma_wait3A_97 = arith.constant 0 : i32
          %dma_wait3A_98 = tpu.memref_slice %arg9[%run_scoped3A_83, %dma_wait3A_97] : memref<32x125xi32, #tpu.memory_space<vmem>> -> memref<1x125xi32, #tpu.memory_space<vmem>>
          %dma_wait3A_99 = tpu.memref_squeeze %dma_wait3A_98 : memref<1x125xi32, #tpu.memory_space<vmem>> -> memref<125xi32, #tpu.memory_space<vmem>>
          %dma_wait3A_100 = arith.constant 0 : i32
          %dma_wait3A_101 = arith.constant 0 : i32
          %dma_wait3A_102 = tpu.memref_slice %arg12[%dma_wait3A_100, %dma_wait3A_101] : memref<10240x128xf32, #tpu.memory_space<vmem_shared>> -> memref<10240x128xf32, #tpu.memory_space<vmem_shared>>
          tpu.wait_indirect_dma semaphore(%run_scoped3A_84 : memref<!tpu.dma_semaphore, #tpu.memory_space<semaphore_mem>>) src(%dma_wait3A_96 : memref<125x128xf32, #tpu.memory_space<vmem>>) dst(%dma_wait3A_102 : memref<10240x128xf32, #tpu.memory_space<vmem_shared>>)
          tpu.yield
        }) : () -> ()
      } else {
      }
    }
    %scan3A_13 = arith.constant 5 : i32
    %barrier3A_14 = arith.constant 0 : index
    tpu.barrier barrier_id(%barrier3A_14)
    %eq3A = arith.constant 0 : i32
    %eq3A_15 = arith.cmpi eq, %arg0, %eq3A : i32
    %convert_element_type3A = arith.extui %eq3A_15 : i1 to i32
    %cond3A = arith.constant 0 : i32
    %cond3A_16 = arith.cmpi ne, %convert_element_type3A, %cond3A : i32
    scf.if %cond3A_16 {
      %mul3A = arith.constant 640 : i32
      %mul3A_22 = arith.muli %arg1, %mul3A : i32
      %mul3A_23 = arith.constant 640 : i32
      %mul3A_24 = arith.muli %arg1, %mul3A_23 : i32
      "tpu.region"() ({
        %run_scoped3A = tpu.sem_alloc : memref<!tpu.dma_semaphore, #tpu.memory_space<semaphore_mem>>
        %dma_start3A = arith.constant 0 : i32
        %dma_start3A_25 = tpu.memref_slice %arg6[%mul3A_24, %dma_start3A] : memref<10240x128xf32, #tpu.memory_space<hbm>> -> memref<640x128xf32, #tpu.memory_space<hbm>>
        %dma_start3A_26 = arith.constant 0 : i32
        %dma_start3A_27 = tpu.memref_slice %arg12[%mul3A_22, %dma_start3A_26] : memref<10240x128xf32, #tpu.memory_space<vmem_shared>> -> memref<640x128xf32, #tpu.memory_space<vmem_shared>>
        tpu.enqueue_dma source(%dma_start3A_27 : memref<640x128xf32, #tpu.memory_space<vmem_shared>>) target(%dma_start3A_25 : memref<640x128xf32, #tpu.memory_space<hbm>>) target_semaphore(%run_scoped3A : memref<!tpu.dma_semaphore, #tpu.memory_space<semaphore_mem>>)
        %dma_wait3A = arith.constant 0 : i32
        %dma_wait3A_28 = tpu.memref_slice %arg6[%mul3A_24, %dma_wait3A] : memref<10240x128xf32, #tpu.memory_space<hbm>> -> memref<640x128xf32, #tpu.memory_space<hbm>>
        %dma_wait3A_29 = arith.constant 0 : i32
        %dma_wait3A_30 = tpu.memref_slice %arg12[%mul3A_22, %dma_wait3A_29] : memref<10240x128xf32, #tpu.memory_space<vmem_shared>> -> memref<640x128xf32, #tpu.memory_space<vmem_shared>>
        tpu.wait_dma2 semaphore(%run_scoped3A : memref<!tpu.dma_semaphore, #tpu.memory_space<semaphore_mem>>) src(%dma_wait3A_30 : memref<640x128xf32, #tpu.memory_space<vmem_shared>>) dst(%dma_wait3A_28 : memref<640x128xf32, #tpu.memory_space<hbm>>)
        tpu.yield
      }) : () -> ()
    } else {
    }
    %eq3A_17 = arith.constant 1 : i32
    %eq3A_18 = arith.cmpi eq, %arg0, %eq3A_17 : i32
    %convert_element_type3A_19 = arith.extui %eq3A_18 : i1 to i32
    %cond3A_20 = arith.constant 0 : i32
    %cond3A_21 = arith.cmpi ne, %convert_element_type3A_19, %cond3A_20 : i32
    scf.if %cond3A_21 {
      %mul3A = arith.constant 640 : i32
      %mul3A_22 = arith.muli %arg1, %mul3A : i32
      %mul3A_23 = arith.constant 640 : i32
      %mul3A_24 = arith.muli %arg1, %mul3A_23 : i32
      "tpu.region"() ({
        %run_scoped3A = tpu.sem_alloc : memref<!tpu.dma_semaphore, #tpu.memory_space<semaphore_mem>>
        %dma_start3A = arith.constant 0 : i32
        %dma_start3A_25 = tpu.memref_slice %arg7[%mul3A_24, %dma_start3A] : memref<10240x128xf32, #tpu.memory_space<hbm>> -> memref<640x128xf32, #tpu.memory_space<hbm>>
        %dma_start3A_26 = arith.constant 0 : i32
        %dma_start3A_27 = tpu.memref_slice %arg12[%mul3A_22, %dma_start3A_26] : memref<10240x128xf32, #tpu.memory_space<vmem_shared>> -> memref<640x128xf32, #tpu.memory_space<vmem_shared>>
        tpu.enqueue_dma source(%dma_start3A_27 : memref<640x128xf32, #tpu.memory_space<vmem_shared>>) target(%dma_start3A_25 : memref<640x128xf32, #tpu.memory_space<hbm>>) target_semaphore(%run_scoped3A : memref<!tpu.dma_semaphore, #tpu.memory_space<semaphore_mem>>)
        %dma_wait3A = arith.constant 0 : i32
        %dma_wait3A_28 = tpu.memref_slice %arg7[%mul3A_24, %dma_wait3A] : memref<10240x128xf32, #tpu.memory_space<hbm>> -> memref<640x128xf32, #tpu.memory_space<hbm>>
        %dma_wait3A_29 = arith.constant 0 : i32
        %dma_wait3A_30 = tpu.memref_slice %arg12[%mul3A_22, %dma_wait3A_29] : memref<10240x128xf32, #tpu.memory_space<vmem_shared>> -> memref<640x128xf32, #tpu.memory_space<vmem_shared>>
        tpu.wait_dma2 semaphore(%run_scoped3A : memref<!tpu.dma_semaphore, #tpu.memory_space<semaphore_mem>>) src(%dma_wait3A_30 : memref<640x128xf32, #tpu.memory_space<vmem_shared>>) dst(%dma_wait3A_28 : memref<640x128xf32, #tpu.memory_space<hbm>>)
        tpu.yield
      }) : () -> ()
    } else {
    }
    return
  }
}

module attributes {stable_mosaic.version = 14 : i64} {
  func.func @body(%arg0: i32, %arg1: memref<1024x128xf32, #tpu.memory_space<vmem>>, %arg2: memref<128x256xf32, #tpu.memory_space<vmem>>, %arg3: memref<1024x256xf32, #tpu.memory_space<vmem>>) attributes {dimension_semantics = [#tpu.dimension_semantics<arbitrary>], iteration_bounds = array<i64: 10>, scalar_prefetch = 0 : i64, scratch_operands = 0 : i64, tpu.core_type = #tpu.core_type<tc>, window_params = [{transform_indices = @transform_0, window_bounds = array<i64: 1024, 128>}, {pipeline_mode = #tpu.pipeline_mode<synchronous>, transform_indices = @transform_1, window_bounds = array<i64: 128, 256>}, {transform_indices = @transform_2, window_bounds = array<i64: 1024, 256>}]} {
    %get3A = arith.constant 0 : index
    %get3A_0 = arith.constant 0 : index
    %get3A_1 = vector.load %arg1[%get3A, %get3A_0] : memref<1024x128xf32, #tpu.memory_space<vmem>>, vector<1024x128xf32>
    %get3A_2 = arith.constant 0 : index
    %get3A_3 = arith.constant 0 : index
    %get3A_4 = vector.load %arg2[%get3A_2, %get3A_3] : memref<128x256xf32, #tpu.memory_space<vmem>>, vector<128x256xf32>
    %dot_general3A = arith.constant dense<0.000000e+00> : vector<1024x256xf32>
    %dot_general3A_5 = tpu.matmul %get3A_1, %get3A_4, %dot_general3A {dimension_numbers = #tpu.dot_dimension_numbers<[1], [0], [0], [1], [0, 0, 1, 1], [], []>, precision = #tpu.contract_precision<fp32>, transpose_lhs_hint = false} : vector<1024x128xf32>, vector<128x256xf32>, vector<1024x256xf32> -> vector<1024x256xf32>
    %swap3A = arith.constant 0 : index
    %swap3A_6 = arith.constant 0 : index
    %swap3A_7 = vector.load %arg3[%swap3A, %swap3A_6] : memref<1024x256xf32, #tpu.memory_space<vmem>>, vector<1024x256xf32>
    tpu.vector_store %arg3[%swap3A, %swap3A_6], %dot_general3A_5 {strides = array<i32>} : memref<1024x256xf32, #tpu.memory_space<vmem>>, vector<1024x256xf32>,
    return
  }
  func.func @transform_0(%arg0: i32) -> (i32, i32) {
    %c0_i32 = arith.constant 0 : i32
    %c0_i32_0 = arith.constant 0 : i32
    return %arg0, %c0_i32 : i32, i32
  }
  func.func @transform_1(%arg0: i32) -> (i32, i32) {
    %c0_i32 = arith.constant 0 : i32
    %c0_i32_0 = arith.constant 0 : i32
    %c0_i32_1 = arith.constant 0 : i32
    return %c0_i32, %c0_i32_0 : i32, i32
  }
  func.func @transform_2(%arg0: i32) -> (i32, i32) {
    %c0_i32 = arith.constant 0 : i32
    %c0_i32_0 = arith.constant 0 : i32
    return %arg0, %c0_i32 : i32, i32
  }
}

module attributes {stable_mosaic.version = 14 : i64} {
  func.func @body(%arg0: i32, %arg1: memref<1024x256xf32, #tpu.memory_space<vmem>>, %arg2: memref<1024x16xf32, #tpu.memory_space<vmem>>, %arg3: memref<1024x16xf32, #tpu.memory_space<vmem>>, %arg4: memref<1024x128xf32, #tpu.memory_space<vmem>>, %arg5: memref<1024x128xf32, #tpu.memory_space<vmem>>) attributes {dimension_semantics = [#tpu.dimension_semantics<arbitrary>], iteration_bounds = array<i64: 10>, scalar_prefetch = 0 : i64, scratch_operands = 0 : i64, tpu.core_type = #tpu.core_type<tc>, window_params = [{transform_indices = @transform_0, window_bounds = array<i64: 1024, 256>}, {transform_indices = @transform_1, window_bounds = array<i64: 1024, 16>}, {transform_indices = @transform_2, window_bounds = array<i64: 1024, 16>}, {transform_indices = @transform_3, window_bounds = array<i64: 1024, 128>}, {transform_indices = @transform_4, window_bounds = array<i64: 1024, 128>}]} {
    %get3A = arith.constant 0 : index
    %get3A_0 = arith.constant 0 : index
    %get3A_1 = vector.load %arg2[%get3A, %get3A_0] : memref<1024x16xf32, #tpu.memory_space<vmem>>, vector<1024x1xf32>
    %get3A_2 = arith.constant 0 : index
    %get3A_3 = arith.constant 0 : index
    %get3A_4 = vector.load %arg3[%get3A_2, %get3A_3] : memref<1024x16xf32, #tpu.memory_space<vmem>>, vector<1024x1xf32>
    %add3A = arith.addf %get3A_1, %get3A_4 : vector<1024x1xf32>
    %add3A_5 = arith.constant 1.000000e+00 : f32
    %add3A_6 = vector.broadcast %add3A_5 : f32 to vector<1024x1xf32>
    %add3A_7 = arith.addf %add3A, %add3A_6 : vector<1024x1xf32>
    %rsqrt3A = math.rsqrt %add3A_7 : vector<1024x1xf32>
    %get3A_8 = arith.constant 0 : index
    %get3A_9 = arith.constant 0 : index
    %get3A_10 = vector.load %arg1[%get3A_8, %get3A_9] : memref<1024x256xf32, #tpu.memory_space<vmem>>, vector<1024x256xf32>
    %mul3A = vector.broadcast %rsqrt3A : vector<1024x1xf32> to vector<1024x256xf32>
    %mul3A_11 = arith.mulf %get3A_10, %mul3A : vector<1024x256xf32>
    %slice3A = vector.extract_strided_slice %mul3A_11 {offsets = [0, 0], sizes = [1024, 128], strides = [1, 1]} : vector<1024x256xf32> to vector<1024x128xf32>
    %swap3A = arith.constant 0 : index
    %swap3A_12 = arith.constant 0 : index
    %swap3A_13 = vector.load %arg4[%swap3A, %swap3A_12] : memref<1024x128xf32, #tpu.memory_space<vmem>>, vector<1024x128xf32>
    tpu.vector_store %arg4[%swap3A, %swap3A_12], %slice3A {strides = array<i32>} : memref<1024x128xf32, #tpu.memory_space<vmem>>, vector<1024x128xf32>,
    %slice3A_14 = vector.extract_strided_slice %mul3A_11 {offsets = [0, 128], sizes = [1024, 128], strides = [1, 1]} : vector<1024x256xf32> to vector<1024x128xf32>
    %swap3A_15 = arith.constant 0 : index
    %swap3A_16 = arith.constant 0 : index
    %swap3A_17 = vector.load %arg5[%swap3A_15, %swap3A_16] : memref<1024x128xf32, #tpu.memory_space<vmem>>, vector<1024x128xf32>
    tpu.vector_store %arg5[%swap3A_15, %swap3A_16], %slice3A_14 {strides = array<i32>} : memref<1024x128xf32, #tpu.memory_space<vmem>>, vector<1024x128xf32>,
    return
  }
  func.func @transform_0(%arg0: i32) -> (i32, i32) {
    %c0_i32 = arith.constant 0 : i32
    %c0_i32_0 = arith.constant 0 : i32
    return %arg0, %c0_i32 : i32, i32
  }
  func.func @transform_1(%arg0: i32) -> (i32, i32) {
    %c0_i32 = arith.constant 0 : i32
    %c0_i32_0 = arith.constant 0 : i32
    return %arg0, %c0_i32 : i32, i32
  }
  func.func @transform_2(%arg0: i32) -> (i32, i32) {
    %c0_i32 = arith.constant 0 : i32
    %c0_i32_0 = arith.constant 0 : i32
    return %arg0, %c0_i32 : i32, i32
  }
  func.func @transform_3(%arg0: i32) -> (i32, i32) {
    %c0_i32 = arith.constant 0 : i32
    %c0_i32_0 = arith.constant 0 : i32
    return %arg0, %c0_i32 : i32, i32
  }
  func.func @transform_4(%arg0: i32) -> (i32, i32) {
    %c0_i32 = arith.constant 0 : i32
    %c0_i32_0 = arith.constant 0 : i32
    return %arg0, %c0_i32 : i32, i32
  }
}

module attributes {stable_mosaic.version = 14 : i64} {
  func.func @body(%arg0: i32, %arg1: memref<1024x128xf32, #tpu.memory_space<vmem>>, %arg2: memref<1024x128xf32, #tpu.memory_space<vmem>>, %arg3: memref<1024x128xf32, #tpu.memory_space<vmem>>, %arg4: memref<1024x128xf32, #tpu.memory_space<vmem>>, %arg5: memref<1024x16xf32, #tpu.memory_space<vmem>>, %arg6: memref<1024x16xf32, #tpu.memory_space<vmem>>, %arg7: memref<1x256xf32, #tpu.memory_space<vmem>>, %arg8: memref<256x256xf32, #tpu.memory_space<vmem>>, %arg9: memref<1024x128xf32, #tpu.memory_space<vmem>>, %arg10: memref<1024x128xf32, #tpu.memory_space<vmem>>) attributes {dimension_semantics = [#tpu.dimension_semantics<arbitrary>], iteration_bounds = array<i64: 10>, scalar_prefetch = 0 : i64, scratch_operands = 0 : i64, tpu.core_type = #tpu.core_type<tc>, window_params = [{transform_indices = @transform_0, window_bounds = array<i64: 1024, 128>}, {transform_indices = @transform_1, window_bounds = array<i64: 1024, 128>}, {transform_indices = @transform_2, window_bounds = array<i64: 1024, 128>}, {transform_indices = @transform_3, window_bounds = array<i64: 1024, 128>}, {transform_indices = @transform_4, window_bounds = array<i64: 1024, 16>}, {transform_indices = @transform_5, window_bounds = array<i64: 1024, 16>}, {pipeline_mode = #tpu.pipeline_mode<synchronous>, transform_indices = @transform_6, window_bounds = array<i64: 1, 256>}, {pipeline_mode = #tpu.pipeline_mode<synchronous>, transform_indices = @transform_7, window_bounds = array<i64: 256, 256>}, {transform_indices = @transform_8, window_bounds = array<i64: 1024, 128>}, {transform_indices = @transform_9, window_bounds = array<i64: 1024, 128>}]} {
    %get3A = arith.constant 0 : index
    %get3A_0 = arith.constant 0 : index
    %get3A_1 = vector.load %arg5[%get3A, %get3A_0] : memref<1024x16xf32, #tpu.memory_space<vmem>>, vector<1024x1xf32>
    %get3A_2 = arith.constant 0 : index
    %get3A_3 = arith.constant 0 : index
    %get3A_4 = vector.load %arg6[%get3A_2, %get3A_3] : memref<1024x16xf32, #tpu.memory_space<vmem>>, vector<1024x1xf32>
    %add3A = arith.addf %get3A_1, %get3A_4 : vector<1024x1xf32>
    %add3A_5 = arith.constant 1.000000e+00 : f32
    %add3A_6 = vector.broadcast %add3A_5 : f32 to vector<1024x1xf32>
    %add3A_7 = arith.addf %add3A, %add3A_6 : vector<1024x1xf32>
    %rsqrt3A = math.rsqrt %add3A_7 : vector<1024x1xf32>
    %get3A_8 = arith.constant 0 : index
    %get3A_9 = arith.constant 0 : index
    %get3A_10 = vector.load %arg1[%get3A_8, %get3A_9] : memref<1024x128xf32, #tpu.memory_space<vmem>>, vector<1024x128xf32>
    %get3A_11 = arith.constant 0 : index
    %get3A_12 = arith.constant 0 : index
    %get3A_13 = vector.load %arg3[%get3A_11, %get3A_12] : memref<1024x128xf32, #tpu.memory_space<vmem>>, vector<1024x128xf32>
    %add3A_14 = arith.addf %get3A_10, %get3A_13 : vector<1024x128xf32>
    %mul3A = vector.broadcast %rsqrt3A : vector<1024x1xf32> to vector<1024x128xf32>
    %mul3A_15 = arith.mulf %add3A_14, %mul3A : vector<1024x128xf32>
    %get3A_16 = arith.constant 0 : index
    %get3A_17 = arith.constant 0 : index
    %get3A_18 = vector.load %arg7[%get3A_16, %get3A_17] : memref<1x256xf32, #tpu.memory_space<vmem>>, vector<1x128xf32>
    %add3A_19 = vector.broadcast %get3A_18 : vector<1x128xf32> to vector<1024x128xf32>
    %add3A_20 = arith.addf %mul3A_15, %add3A_19 : vector<1024x128xf32>
    %max3A = arith.constant 0.000000e+00 : f32
    %max3A_21 = vector.broadcast %max3A : f32 to vector<1024x128xf32>
    %max3A_22 = arith.maximumf %add3A_20, %max3A_21 : vector<1024x128xf32>
    %get3A_23 = arith.constant 0 : index
    %get3A_24 = arith.constant 0 : index
    %get3A_25 = vector.load %arg2[%get3A_23, %get3A_24] : memref<1024x128xf32, #tpu.memory_space<vmem>>, vector<1024x128xf32>
    %get3A_26 = arith.constant 0 : index
    %get3A_27 = arith.constant 0 : index
    %get3A_28 = vector.load %arg4[%get3A_26, %get3A_27] : memref<1024x128xf32, #tpu.memory_space<vmem>>, vector<1024x128xf32>
    %add3A_29 = arith.addf %get3A_25, %get3A_28 : vector<1024x128xf32>
    %mul3A_30 = vector.broadcast %rsqrt3A : vector<1024x1xf32> to vector<1024x128xf32>
    %mul3A_31 = arith.mulf %add3A_29, %mul3A_30 : vector<1024x128xf32>
    %get3A_32 = arith.constant 0 : index
    %get3A_33 = arith.constant 128 : index
    %get3A_34 = vector.load %arg7[%get3A_32, %get3A_33] : memref<1x256xf32, #tpu.memory_space<vmem>>, vector<1x128xf32>
    %add3A_35 = vector.broadcast %get3A_34 : vector<1x128xf32> to vector<1024x128xf32>
    %add3A_36 = arith.addf %mul3A_31, %add3A_35 : vector<1024x128xf32>
    %max3A_37 = arith.constant 0.000000e+00 : f32
    %max3A_38 = vector.broadcast %max3A_37 : f32 to vector<1024x128xf32>
    %max3A_39 = arith.maximumf %add3A_36, %max3A_38 : vector<1024x128xf32>
    %get3A_40 = arith.constant 0 : index
    %get3A_41 = arith.constant 0 : index
    %get3A_42 = vector.load %arg8[%get3A_40, %get3A_41] : memref<256x256xf32, #tpu.memory_space<vmem>>, vector<128x256xf32>
    %dot_general3A = arith.constant dense<0.000000e+00> : vector<1024x256xf32>
    %dot_general3A_43 = tpu.matmul %max3A_22, %get3A_42, %dot_general3A {dimension_numbers = #tpu.dot_dimension_numbers<[1], [0], [0], [1], [0, 0, 1, 1], [], []>, precision = #tpu.contract_precision<fp32>, transpose_lhs_hint = false} : vector<1024x128xf32>, vector<128x256xf32>, vector<1024x256xf32> -> vector<1024x256xf32>
    %get3A_44 = arith.constant 128 : index
    %get3A_45 = arith.constant 0 : index
    %get3A_46 = vector.load %arg8[%get3A_44, %get3A_45] : memref<256x256xf32, #tpu.memory_space<vmem>>, vector<128x256xf32>
    %dot_general3A_47 = arith.constant dense<0.000000e+00> : vector<1024x256xf32>
    %dot_general3A_48 = tpu.matmul %max3A_39, %get3A_46, %dot_general3A_47 {dimension_numbers = #tpu.dot_dimension_numbers<[1], [0], [0], [1], [0, 0, 1, 1], [], []>, precision = #tpu.contract_precision<fp32>, transpose_lhs_hint = false} : vector<1024x128xf32>, vector<128x256xf32>, vector<1024x256xf32> -> vector<1024x256xf32>
    %add3A_49 = arith.addf %dot_general3A_43, %dot_general3A_48 : vector<1024x256xf32>
    %mul3A_50 = vector.broadcast %rsqrt3A : vector<1024x1xf32> to vector<1024x256xf32>
    %mul3A_51 = arith.mulf %add3A_49, %mul3A_50 : vector<1024x256xf32>
    %slice3A = vector.extract_strided_slice %mul3A_51 {offsets = [0, 0], sizes = [1024, 128], strides = [1, 1]} : vector<1024x256xf32> to vector<1024x128xf32>
    %swap3A = arith.constant 0 : index
    %swap3A_52 = arith.constant 0 : index
    %swap3A_53 = vector.load %arg9[%swap3A, %swap3A_52] : memref<1024x128xf32, #tpu.memory_space<vmem>>, vector<1024x128xf32>
    tpu.vector_store %arg9[%swap3A, %swap3A_52], %slice3A {strides = array<i32>} : memref<1024x128xf32, #tpu.memory_space<vmem>>, vector<1024x128xf32>,
    %slice3A_54 = vector.extract_strided_slice %mul3A_51 {offsets = [0, 128], sizes = [1024, 128], strides = [1, 1]} : vector<1024x256xf32> to vector<1024x128xf32>
    %swap3A_55 = arith.constant 0 : index
    %swap3A_56 = arith.constant 0 : index
    %swap3A_57 = vector.load %arg10[%swap3A_55, %swap3A_56] : memref<1024x128xf32, #tpu.memory_space<vmem>>, vector<1024x128xf32>
    tpu.vector_store %arg10[%swap3A_55, %swap3A_56], %slice3A_54 {strides = array<i32>} : memref<1024x128xf32, #tpu.memory_space<vmem>>, vector<1024x128xf32>,
    return
  }
  func.func @transform_0(%arg0: i32) -> (i32, i32) {
    %c0_i32 = arith.constant 0 : i32
    %c0_i32_0 = arith.constant 0 : i32
    return %arg0, %c0_i32 : i32, i32
  }
  func.func @transform_1(%arg0: i32) -> (i32, i32) {
    %c0_i32 = arith.constant 0 : i32
    %c0_i32_0 = arith.constant 0 : i32
    return %arg0, %c0_i32 : i32, i32
  }
  func.func @transform_2(%arg0: i32) -> (i32, i32) {
    %c0_i32 = arith.constant 0 : i32
    %c0_i32_0 = arith.constant 0 : i32
    return %arg0, %c0_i32 : i32, i32
  }
  func.func @transform_3(%arg0: i32) -> (i32, i32) {
    %c0_i32 = arith.constant 0 : i32
    %c0_i32_0 = arith.constant 0 : i32
    return %arg0, %c0_i32 : i32, i32
  }
  func.func @transform_4(%arg0: i32) -> (i32, i32) {
    %c0_i32 = arith.constant 0 : i32
    %c0_i32_0 = arith.constant 0 : i32
    return %arg0, %c0_i32 : i32, i32
  }
  func.func @transform_5(%arg0: i32) -> (i32, i32) {
    %c0_i32 = arith.constant 0 : i32
    %c0_i32_0 = arith.constant 0 : i32
    return %arg0, %c0_i32 : i32, i32
  }
  func.func @transform_6(%arg0: i32) -> (i32, i32) {
    %c0_i32 = arith.constant 0 : i32
    %c0_i32_0 = arith.constant 0 : i32
    %c0_i32_1 = arith.constant 0 : i32
    return %c0_i32, %c0_i32_0 : i32, i32
  }
  func.func @transform_7(%arg0: i32) -> (i32, i32) {
    %c0_i32 = arith.constant 0 : i32
    %c0_i32_0 = arith.constant 0 : i32
    %c0_i32_1 = arith.constant 0 : i32
    return %c0_i32, %c0_i32_0 : i32, i32
  }
  func.func @transform_8(%arg0: i32) -> (i32, i32) {
    %c0_i32 = arith.constant 0 : i32
    %c0_i32_0 = arith.constant 0 : i32
    return %arg0, %c0_i32 : i32, i32
  }
  func.func @transform_9(%arg0: i32) -> (i32, i32) {
    %c0_i32 = arith.constant 0 : i32
    %c0_i32_0 = arith.constant 0 : i32
    return %arg0, %c0_i32 : i32, i32
  }
}

module attributes {stable_mosaic.version = 14 : i64} {
  func.func @body(%arg0: i32, %arg1: memref<1024x128xf32, #tpu.memory_space<vmem>>, %arg2: memref<1024x128xf32, #tpu.memory_space<vmem>>, %arg3: memref<1024x128xf32, #tpu.memory_space<vmem>>, %arg4: memref<1024x128xf32, #tpu.memory_space<vmem>>, %arg5: memref<1024x16xf32, #tpu.memory_space<vmem>>, %arg6: memref<1024x16xf32, #tpu.memory_space<vmem>>, %arg7: memref<1x256xf32, #tpu.memory_space<vmem>>, %arg8: memref<1024x1xi32, #tpu.memory_space<vmem>>, %arg9: memref<256x128xf32, #tpu.memory_space<vmem>>, %arg10: memref<1x128xf32, #tpu.memory_space<vmem>>, %arg11: memref<64x128xf32, #tpu.memory_space<vmem>>, %arg12: memref<64x128xf32, #tpu.memory_space<vmem>>, %arg13: memref<64x128xf32, #tpu.memory_space<vmem>>) attributes {dimension_semantics = [#tpu.dimension_semantics<arbitrary>], iteration_bounds = array<i64: 10>, scalar_prefetch = 0 : i64, scratch_operands = 2 : i64, tpu.core_type = #tpu.core_type<tc>, window_params = [{transform_indices = @transform_0, window_bounds = array<i64: 1024, 128>}, {transform_indices = @transform_1, window_bounds = array<i64: 1024, 128>}, {transform_indices = @transform_2, window_bounds = array<i64: 1024, 128>}, {transform_indices = @transform_3, window_bounds = array<i64: 1024, 128>}, {transform_indices = @transform_4, window_bounds = array<i64: 1024, 16>}, {transform_indices = @transform_5, window_bounds = array<i64: 1024, 16>}, {pipeline_mode = #tpu.pipeline_mode<synchronous>, transform_indices = @transform_6, window_bounds = array<i64: 1, 256>}, {transform_indices = @transform_7, window_bounds = array<i64: 1024, 1>}, {pipeline_mode = #tpu.pipeline_mode<synchronous>, transform_indices = @transform_8, window_bounds = array<i64: 256, 128>}, {pipeline_mode = #tpu.pipeline_mode<synchronous>, transform_indices = @transform_9, window_bounds = array<i64: 1, 128>}, {pipeline_mode = #tpu.pipeline_mode<synchronous>, transform_indices = @transform_10, window_bounds = array<i64: 64, 128>}]} {
    %eq3A = arith.constant 0 : i32
    %eq3A_0 = arith.cmpi eq, %arg0, %eq3A : i32
    %convert_element_type3A = arith.extui %eq3A_0 : i1 to i32
    %cond3A = arith.constant 0 : i32
    %cond3A_1 = arith.cmpi ne, %convert_element_type3A, %cond3A : i32
    scf.if %cond3A_1 {
      %broadcast_in_dim3A = arith.constant 0.000000e+00 : f32
      %broadcast_in_dim3A_71 = vector.broadcast %broadcast_in_dim3A : f32 to vector<64x128xf32>
      %swap3A_72 = arith.constant 0 : index
      %swap3A_73 = arith.constant 0 : index
      %swap3A_74 = vector.load %arg12[%swap3A_72, %swap3A_73] : memref<64x128xf32, #tpu.memory_space<vmem>>, vector<64x128xf32>
      tpu.vector_store %arg12[%swap3A_72, %swap3A_73], %broadcast_in_dim3A_71 {strides = array<i32>} : memref<64x128xf32, #tpu.memory_space<vmem>>, vector<64x128xf32>,
      %broadcast_in_dim3A_75 = arith.constant 0.000000e+00 : f32
      %broadcast_in_dim3A_76 = vector.broadcast %broadcast_in_dim3A_75 : f32 to vector<64x128xf32>
      %swap3A_77 = arith.constant 0 : index
      %swap3A_78 = arith.constant 0 : index
      %swap3A_79 = vector.load %arg13[%swap3A_77, %swap3A_78] : memref<64x128xf32, #tpu.memory_space<vmem>>, vector<64x128xf32>
      tpu.vector_store %arg13[%swap3A_77, %swap3A_78], %broadcast_in_dim3A_76 {strides = array<i32>} : memref<64x128xf32, #tpu.memory_space<vmem>>, vector<64x128xf32>,
    } else {
    }
    %get3A = arith.constant 0 : index
    %get3A_2 = arith.constant 0 : index
    %get3A_3 = vector.load %arg5[%get3A, %get3A_2] : memref<1024x16xf32, #tpu.memory_space<vmem>>, vector<1024x1xf32>
    %get3A_4 = arith.constant 0 : index
    %get3A_5 = arith.constant 0 : index
    %get3A_6 = vector.load %arg6[%get3A_4, %get3A_5] : memref<1024x16xf32, #tpu.memory_space<vmem>>, vector<1024x1xf32>
    %add3A = arith.addf %get3A_3, %get3A_6 : vector<1024x1xf32>
    %add3A_7 = arith.constant 1.000000e+00 : f32
    %add3A_8 = vector.broadcast %add3A_7 : f32 to vector<1024x1xf32>
    %add3A_9 = arith.addf %add3A, %add3A_8 : vector<1024x1xf32>
    %rsqrt3A = math.rsqrt %add3A_9 : vector<1024x1xf32>
    %get3A_10 = arith.constant 0 : index
    %get3A_11 = arith.constant 0 : index
    %get3A_12 = vector.load %arg1[%get3A_10, %get3A_11] : memref<1024x128xf32, #tpu.memory_space<vmem>>, vector<1024x128xf32>
    %get3A_13 = arith.constant 0 : index
    %get3A_14 = arith.constant 0 : index
    %get3A_15 = vector.load %arg3[%get3A_13, %get3A_14] : memref<1024x128xf32, #tpu.memory_space<vmem>>, vector<1024x128xf32>
    %add3A_16 = arith.addf %get3A_12, %get3A_15 : vector<1024x128xf32>
    %mul3A = vector.broadcast %rsqrt3A : vector<1024x1xf32> to vector<1024x128xf32>
    %mul3A_17 = arith.mulf %add3A_16, %mul3A : vector<1024x128xf32>
    %get3A_18 = arith.constant 0 : index
    %get3A_19 = arith.constant 0 : index
    %get3A_20 = vector.load %arg7[%get3A_18, %get3A_19] : memref<1x256xf32, #tpu.memory_space<vmem>>, vector<1x128xf32>
    %add3A_21 = vector.broadcast %get3A_20 : vector<1x128xf32> to vector<1024x128xf32>
    %add3A_22 = arith.addf %mul3A_17, %add3A_21 : vector<1024x128xf32>
    %max3A = arith.constant 0.000000e+00 : f32
    %max3A_23 = vector.broadcast %max3A : f32 to vector<1024x128xf32>
    %max3A_24 = arith.maximumf %add3A_22, %max3A_23 : vector<1024x128xf32>
    %get3A_25 = arith.constant 0 : index
    %get3A_26 = arith.constant 0 : index
    %get3A_27 = vector.load %arg2[%get3A_25, %get3A_26] : memref<1024x128xf32, #tpu.memory_space<vmem>>, vector<1024x128xf32>
    %get3A_28 = arith.constant 0 : index
    %get3A_29 = arith.constant 0 : index
    %get3A_30 = vector.load %arg4[%get3A_28, %get3A_29] : memref<1024x128xf32, #tpu.memory_space<vmem>>, vector<1024x128xf32>
    %add3A_31 = arith.addf %get3A_27, %get3A_30 : vector<1024x128xf32>
    %mul3A_32 = vector.broadcast %rsqrt3A : vector<1024x1xf32> to vector<1024x128xf32>
    %mul3A_33 = arith.mulf %add3A_31, %mul3A_32 : vector<1024x128xf32>
    %get3A_34 = arith.constant 0 : index
    %get3A_35 = arith.constant 128 : index
    %get3A_36 = vector.load %arg7[%get3A_34, %get3A_35] : memref<1x256xf32, #tpu.memory_space<vmem>>, vector<1x128xf32>
    %add3A_37 = vector.broadcast %get3A_36 : vector<1x128xf32> to vector<1024x128xf32>
    %add3A_38 = arith.addf %mul3A_33, %add3A_37 : vector<1024x128xf32>
    %max3A_39 = arith.constant 0.000000e+00 : f32
    %max3A_40 = vector.broadcast %max3A_39 : f32 to vector<1024x128xf32>
    %max3A_41 = arith.maximumf %add3A_38, %max3A_40 : vector<1024x128xf32>
    %iota3A = tpu.iota {dimensions = array<i32: 1>} : vector<1x64xi32>
    %get3A_42 = arith.constant 0 : index
    %get3A_43 = arith.constant 0 : index
    %get3A_44 = vector.load %arg8[%get3A_42, %get3A_43] : memref<1024x1xi32, #tpu.memory_space<vmem>>, vector<1024x1xi32>
    %eq3A_45 = vector.broadcast %get3A_44 : vector<1024x1xi32> to vector<1024x64xi32>
    %eq3A_46 = vector.broadcast %iota3A : vector<1x64xi32> to vector<1024x64xi32>
    %eq3A_47 = arith.cmpi eq, %eq3A_45, %eq3A_46 : vector<1024x64xi32>
    %convert_element_type3A_48 = arith.extui %eq3A_47 : vector<1024x64xi1> to vector<1024x64xi32>
    %convert_element_type3A_49 = arith.sitofp %convert_element_type3A_48 : vector<1024x64xi32> to vector<1024x64xf32>
    %get3A_50 = arith.constant 0 : index
    %get3A_51 = arith.constant 0 : index
    %get3A_52 = vector.load %arg12[%get3A_50, %get3A_51] : memref<64x128xf32, #tpu.memory_space<vmem>>, vector<64x128xf32>
    %dot_general3A = arith.constant dense<0.000000e+00> : vector<64x128xf32>
    %dot_general3A_53 = tpu.matmul %convert_element_type3A_49, %max3A_24, %dot_general3A {dimension_numbers = #tpu.dot_dimension_numbers<[0], [0], [1], [1], [0, 1, 1, 1], [], []>, precision = #tpu.contract_precision<fp32>, transpose_lhs_hint = false} : vector<1024x64xf32>, vector<1024x128xf32>, vector<64x128xf32> -> vector<64x128xf32>
    %add3A_54 = arith.addf %get3A_52, %dot_general3A_53 : vector<64x128xf32>
    %swap3A = arith.constant 0 : index
    %swap3A_55 = arith.constant 0 : index
    %swap3A_56 = vector.load %arg12[%swap3A, %swap3A_55] : memref<64x128xf32, #tpu.memory_space<vmem>>, vector<64x128xf32>
    tpu.vector_store %arg12[%swap3A, %swap3A_55], %add3A_54 {strides = array<i32>} : memref<64x128xf32, #tpu.memory_space<vmem>>, vector<64x128xf32>,
    %get3A_57 = arith.constant 0 : index
    %get3A_58 = arith.constant 0 : index
    %get3A_59 = vector.load %arg13[%get3A_57, %get3A_58] : memref<64x128xf32, #tpu.memory_space<vmem>>, vector<64x128xf32>
    %dot_general3A_60 = arith.constant dense<0.000000e+00> : vector<64x128xf32>
    %dot_general3A_61 = tpu.matmul %convert_element_type3A_49, %max3A_41, %dot_general3A_60 {dimension_numbers = #tpu.dot_dimension_numbers<[0], [0], [1], [1], [0, 1, 1, 1], [], []>, precision = #tpu.contract_precision<fp32>, transpose_lhs_hint = false} : vector<1024x64xf32>, vector<1024x128xf32>, vector<64x128xf32> -> vector<64x128xf32>
    %add3A_62 = arith.addf %get3A_59, %dot_general3A_61 : vector<64x128xf32>
    %swap3A_63 = arith.constant 0 : index
    %swap3A_64 = arith.constant 0 : index
    %swap3A_65 = vector.load %arg13[%swap3A_63, %swap3A_64] : memref<64x128xf32, #tpu.memory_space<vmem>>, vector<64x128xf32>
    tpu.vector_store %arg13[%swap3A_63, %swap3A_64], %add3A_62 {strides = array<i32>} : memref<64x128xf32, #tpu.memory_space<vmem>>, vector<64x128xf32>,
    %eq3A_66 = arith.constant 9 : i32
    %eq3A_67 = arith.cmpi eq, %arg0, %eq3A_66 : i32
    %convert_element_type3A_68 = arith.extui %eq3A_67 : i1 to i32
    %cond3A_69 = arith.constant 0 : i32
    %cond3A_70 = arith.cmpi ne, %convert_element_type3A_68, %cond3A_69 : i32
    scf.if %cond3A_70 {
      %get3A_71 = arith.constant 0 : index
      %get3A_72 = arith.constant 0 : index
      %get3A_73 = vector.load %arg12[%get3A_71, %get3A_72] : memref<64x128xf32, #tpu.memory_space<vmem>>, vector<64x128xf32>
      %get3A_74 = arith.constant 0 : index
      %get3A_75 = arith.constant 0 : index
      %get3A_76 = vector.load %arg9[%get3A_74, %get3A_75] : memref<256x128xf32, #tpu.memory_space<vmem>>, vector<128x128xf32>
      %dot_general3A_77 = arith.constant dense<0.000000e+00> : vector<64x128xf32>
      %dot_general3A_78 = tpu.matmul %get3A_73, %get3A_76, %dot_general3A_77 {dimension_numbers = #tpu.dot_dimension_numbers<[1], [0], [0], [1], [0, 0, 1, 1], [], []>, precision = #tpu.contract_precision<fp32>, transpose_lhs_hint = false} : vector<64x128xf32>, vector<128x128xf32>, vector<64x128xf32> -> vector<64x128xf32>
      %get3A_79 = arith.constant 0 : index
      %get3A_80 = arith.constant 0 : index
      %get3A_81 = vector.load %arg13[%get3A_79, %get3A_80] : memref<64x128xf32, #tpu.memory_space<vmem>>, vector<64x128xf32>
      %get3A_82 = arith.constant 128 : index
      %get3A_83 = arith.constant 0 : index
      %get3A_84 = vector.load %arg9[%get3A_82, %get3A_83] : memref<256x128xf32, #tpu.memory_space<vmem>>, vector<128x128xf32>
      %dot_general3A_85 = arith.constant dense<0.000000e+00> : vector<64x128xf32>
      %dot_general3A_86 = tpu.matmul %get3A_81, %get3A_84, %dot_general3A_85 {dimension_numbers = #tpu.dot_dimension_numbers<[1], [0], [0], [1], [0, 0, 1, 1], [], []>, precision = #tpu.contract_precision<fp32>, transpose_lhs_hint = false} : vector<64x128xf32>, vector<128x128xf32>, vector<64x128xf32> -> vector<64x128xf32>
      %add3A_87 = arith.addf %dot_general3A_78, %dot_general3A_86 : vector<64x128xf32>
      %get3A_88 = arith.constant 0 : index
      %get3A_89 = arith.constant 0 : index
      %get3A_90 = vector.load %arg10[%get3A_88, %get3A_89] : memref<1x128xf32, #tpu.memory_space<vmem>>, vector<1x128xf32>
      %add3A_91 = vector.broadcast %get3A_90 : vector<1x128xf32> to vector<64x128xf32>
      %add3A_92 = arith.addf %add3A_87, %add3A_91 : vector<64x128xf32>
      %swap3A_93 = arith.constant 0 : index
      %swap3A_94 = arith.constant 0 : index
      %swap3A_95 = vector.load %arg11[%swap3A_93, %swap3A_94] : memref<64x128xf32, #tpu.memory_space<vmem>>, vector<64x128xf32>
      tpu.vector_store %arg11[%swap3A_93, %swap3A_94], %add3A_92 {strides = array<i32>} : memref<64x128xf32, #tpu.memory_space<vmem>>, vector<64x128xf32>,
    } else {
    }
    return
  }
  func.func @transform_0(%arg0: i32) -> (i32, i32) {
    %c0_i32 = arith.constant 0 : i32
    %c0_i32_0 = arith.constant 0 : i32
    return %arg0, %c0_i32 : i32, i32
  }
  func.func @transform_1(%arg0: i32) -> (i32, i32) {
    %c0_i32 = arith.constant 0 : i32
    %c0_i32_0 = arith.constant 0 : i32
    return %arg0, %c0_i32 : i32, i32
  }
  func.func @transform_2(%arg0: i32) -> (i32, i32) {
    %c0_i32 = arith.constant 0 : i32
    %c0_i32_0 = arith.constant 0 : i32
    return %arg0, %c0_i32 : i32, i32
  }
  func.func @transform_3(%arg0: i32) -> (i32, i32) {
    %c0_i32 = arith.constant 0 : i32
    %c0_i32_0 = arith.constant 0 : i32
    return %arg0, %c0_i32 : i32, i32
  }
  func.func @transform_4(%arg0: i32) -> (i32, i32) {
    %c0_i32 = arith.constant 0 : i32
    %c0_i32_0 = arith.constant 0 : i32
    return %arg0, %c0_i32 : i32, i32
  }
  func.func @transform_5(%arg0: i32) -> (i32, i32) {
    %c0_i32 = arith.constant 0 : i32
    %c0_i32_0 = arith.constant 0 : i32
    return %arg0, %c0_i32 : i32, i32
  }
  func.func @transform_6(%arg0: i32) -> (i32, i32) {
    %c0_i32 = arith.constant 0 : i32
    %c0_i32_0 = arith.constant 0 : i32
    %c0_i32_1 = arith.constant 0 : i32
    return %c0_i32, %c0_i32_0 : i32, i32
  }
  func.func @transform_7(%arg0: i32) -> (i32, i32) {
    %c0_i32 = arith.constant 0 : i32
    %c0_i32_0 = arith.constant 0 : i32
    return %arg0, %c0_i32 : i32, i32
  }
  func.func @transform_8(%arg0: i32) -> (i32, i32) {
    %c0_i32 = arith.constant 0 : i32
    %c0_i32_0 = arith.constant 0 : i32
    %c0_i32_1 = arith.constant 0 : i32
    return %c0_i32, %c0_i32_0 : i32, i32
  }
  func.func @transform_9(%arg0: i32) -> (i32, i32) {
    %c0_i32 = arith.constant 0 : i32
    %c0_i32_0 = arith.constant 0 : i32
    %c0_i32_1 = arith.constant 0 : i32
    return %c0_i32, %c0_i32_0 : i32, i32
  }
  func.func @transform_10(%arg0: i32) -> (i32, i32) {
    %c0_i32 = arith.constant 0 : i32
    %c0_i32_0 = arith.constant 0 : i32
    %c0_i32_1 = arith.constant 0 : i32
    return %c0_i32, %c0_i32_0 : i32, i32
  }
}

</mosaic_0001>

<sc_bundles>
// kernel: kernel.11.cloned.1.call-start
scs
__scs_entry_jumppad:
0x0: {  	(pc) =	sbr.rel $0x88, $3  }
0x1: {  	(tag) =	ssettag $0x0;
	lr =	simm.s32 $0x1  }
0x2: {  	[smem:$0x3F96] =	sst lr;
	_ =	strace $0xD0000000  }
0x3: {  	_ = 	snop  }
0x4: {  	_ = 	snop  }
0x5: {  	_ = 	snop  }
0x6: {  	_ = 	snop  }
0x7: {  	_ = 	snop  }
__scs_overlays_trampoline_lowered:
0x8: {  	[smem:$0x3FA5] =	sst s0  }
0x9: {  	[smem:$0x3FA6] =	sst s1  }
0xa: {  	[smem:$0x3FA7] =	sst s2  }
0xb: {  	[smem:$0x3FA8] =	sst s3  }
0xc: {  	[smem:$0x3FA9] =	sst s4  }
0xd: {  	[smem:$0x3FAA] =	sst s5  }
0xe: {  	[smem:$0x3FAB] =	sst s6  }
0xf: {  	[smem:$0x3FAC] =	sst s7  }
0x10: {  	[smem:$0x3FAD] =	sst s8  }
0x11: {  	[smem:$0x3FAE] =	sst s9;
	s0 =	simm.s32 @!p0 $0x0  }
0x12: {  	s1 =	sld [smem:$0x3F94];
	s0 =	simm.s32 @p0 $0x1  }
0x13: {  	[smem:$0x3FAF] =	sst s0;
	s0 =	simm.s32 @!p1 $0x0  }
0x14: {  	s2 =	sld [smem:$0x3F93];
	s0 =	simm.s32 @p1 $0x1  }
0x15: {  	[smem:$0x3FB0] =	sst s0;
	s0 =	simm.s32 @!p2 $0x0  }
0x16: {  	s3 =	sld [smem:$0x3FDB];
	s0 =	simm.s32 @p2 $0x1  }
0x17: {  	s4 =	simm.s32 $0x1BF5;
	[smem:$0x3FB2] =	sst s0  }
0x18: {  	s0 =	sld [smem:$0x3F95];
	_ =	swait.ge [sflag:s4], $0x0  }
0x19: {  	s7 =	sld [smem:$0x3F96]  }
0x1a: {  	s8 =	sadd.s32 $0xFFFFE003, lr  }
0x1b: {  	s9 =	sadd.s32 $0xFFFFFEF7, lr;
	s5 =	simm.s32 $0xFFFFFFFF;
	p2 =	slt.u32 s8, $0xFFFFF086  }
0x1c: {  	p1 =	slt.u32 s9, $0xF7A;
	s5 =	simm.s32 @!p2 $0x0  }
0x1d: {  	s5 =	simm.s32 @p1 $0x1;
	p0 =	seq.s32 s7, s2  }
0x1e: {  	s7 =	smul.u32 @!p0 $0xF7A, s2;
	p2 =	seq.s32 @!p0 s5, $0x0  }
0x1f: {  	s9 =	smul.u32 $0xF7A, s1;
	s8 =	simm.s32 @!p0 $0x1BF5;
	p2 =	por !p2, p0  }
0x20: {  	[sflag:s8] =	ssyncset.s32 @!p0 $0xFFFFF086;
	s6 =	sadd.s32 @!p0 s3, s7;
	s7 =	simm.s32 @!p0 $0x108  }
0x21: {  	s3 =	sadd.s32 s3, s9;
	s6 =	sadd.s32 @!p0 $0x88, s6;
	s7 =	simm.s32 @p2 $0x1082  }
0x22: {  	[simem:s7], [sflag:s8] =	dma.local @!p0 [hbm:s6], $0xF7A  }
0x23: {  	s9 =	sor.u32 $0xD0000000, s2;
	s6 =	simm.s32 $0x108;
	_ =	swait.ge @!p0 [sflag:s8], $0x0  }
0x24: {  	s3 =	sadd.s32 $0x88, s3;
	s6 =	simm.s32 @!p1 $0x1082;
	[sflag:s4] =	ssyncset.s32 $0xFFFFF086  }
0x25: {  	[simem:s6], [sflag:s4] =	dma.local [hbm:s3], $0xF7A  }
0x26: {  	[smem:$0x3F96] =	sst s1;
	(tag) =	ssettag s2;
	_ =	strace s9  }
0x27: {  	s1 =	sld [smem:$0x3FA6]  }
0x28: {  	s2 =	sld [smem:$0x3FA7]  }
0x29: {  	s4 =	sld [smem:$0x3FA9]  }
0x2a: {  	p0 =	seq.s32 s5, $0x0;
	s5 =	sld [smem:$0x3FAA]  }
0x2b: {  	s6 =	sld [smem:$0x3FAB]  }
0x2c: {  	s7 =	sld [smem:$0x3FAC]  }
0x2d: {  	s3 =	simm.s32 $0x108;
	s8 =	sld [smem:$0x3FAD]  }
0x2e: {  	s3 =	simm.s32 @!p0 $0x1082;
	s9 =	sld [smem:$0x3FAE]  }
0x2f: {  	lr =	sadd.s32 s0, s3;
	s0 =	sld [smem:$0x3FA5]  }
0x30: {  	s3 =	sld [smem:$0x3FA8]  }
0x31: {  	[smem:$0x3FB1] =	sst s10  }
0x32: {  	s10 =	sld [smem:$0x3FAF];
	_ =	sdelay $0x3  }
0x33: {  	p0 =	seq.s32 s10, $0x1;
	s10 =	sld [smem:$0x3FB1];
	_ =	sdelay $0x3  }
0x34: {  	[smem:$0x3FB1] =	sst s10  }
0x35: {  	s10 =	sld [smem:$0x3FB0];
	_ =	sdelay $0x3  }
0x36: {  	p1 =	seq.s32 s10, $0x1;
	s10 =	sld [smem:$0x3FB1];
	_ =	sdelay $0x3  }
0x37: {  	[smem:$0x3FB1] =	sst s10  }
0x38: {  	s10 =	sld [smem:$0x3FB2]  }
0x39: {  	_ = 	snop;
	(pc) =	sbr.ind lr, $3  }
0x3a: {  	_ = 	snop  }
0x3b: {  	_ = 	snop  }
0x3c: {  	p2 =	seq.s32 s10, $0x1;
	s10 =	sld [smem:$0x3FB1]  }
0x3d: {  	_ =	shalt  }
0x3e: {  	_ =	shalt  }
0x3f: {  	_ =	shalt  }
0x40: {  	_ =	shalt  }
0x41: {  	_ =	shalt  }
0x42: {  	_ =	shalt  }
0x43: {  	_ =	shalt  }
0x44: {  	_ =	shalt  }
0x45: {  	_ =	shalt  }
0x46: {  	_ =	shalt  }
0x47: {  	_ =	shalt  }
0x48: {  	_ =	shalt  }
0x49: {  	_ =	shalt  }
0x4a: {  	_ =	shalt  }
0x4b: {  	_ =	shalt  }
0x4c: {  	_ =	shalt  }
0x4d: {  	_ =	shalt  }
0x4e: {  	_ =	shalt  }
0x4f: {  	_ =	shalt  }
0x50: {  	_ =	shalt  }
0x51: {  	_ =	shalt  }
0x52: {  	_ =	shalt  }
0x53: {  	_ =	shalt  }
0x54: {  	_ =	shalt  }
0x55: {  	_ =	shalt  }
0x56: {  	_ =	shalt  }
0x57: {  	_ =	shalt  }
0x58: {  	_ =	shalt  }
0x59: {  	_ =	shalt  }
0x5a: {  	_ =	shalt  }
0x5b: {  	_ =	shalt  }
0x5c: {  	_ =	shalt  }
0x5d: {  	_ =	shalt  }
0x5e: {  	_ =	shalt  }
0x5f: {  	_ =	shalt  }
0x60: {  	_ =	shalt  }
0x61: {  	_ =	shalt  }
0x62: {  	_ =	shalt  }
0x63: {  	_ =	shalt  }
0x64: {  	_ =	shalt  }
0x65: {  	_ =	shalt  }
0x66: {  	_ =	shalt  }
0x67: {  	_ =	shalt  }
0x68: {  	_ =	shalt  }
0x69: {  	_ =	shalt  }
0x6a: {  	_ =	shalt  }
0x6b: {  	_ =	shalt  }
0x6c: {  	_ =	shalt  }
0x6d: {  	_ =	shalt  }
0x6e: {  	_ =	shalt  }
0x6f: {  	_ =	shalt  }
0x70: {  	_ =	shalt  }
0x71: {  	_ =	shalt  }
0x72: {  	_ =	shalt  }
0x73: {  	_ =	shalt  }
0x74: {  	_ =	shalt  }
0x75: {  	_ =	shalt  }
0x76: {  	_ =	shalt  }
0x77: {  	_ =	shalt  }
0x78: {  	_ =	shalt  }
0x79: {  	_ =	shalt  }
0x7a: {  	_ =	shalt  }
0x7b: {  	_ =	shalt  }
0x7c: {  	_ =	shalt  }
0x7d: {  	_ =	shalt  }
0x7e: {  	_ =	shalt  }
0x7f: {  	_ =	shalt  }
0x80: {  	_ =	shalt  }
0x81: {  	_ =	shalt  }
0x82: {  	_ =	shalt  }
0x83: {  	_ =	shalt  }
0x84: {  	_ =	shalt  }
0x85: {  	_ =	shalt  }
0x86: {  	_ =	shalt  }
0x87: {  	_ =	shalt  }
.Lfunc_end0:
.L_simem_size_0:
called_computation_lowered:
.L_overlay_start_0:
0x88: {  	s2 =	sld [smem:$0x3FD9]  }
0x89: {  	s3 =	sld [smem:$0x3FFE];
	_ =	sdelay $0x1  }
0x8a: {  	s1 =	srdreg.scid  }
0x8b: {  	s0 =	sand.u32 $0x1, s1  }
0x8c: {  	s16 =	sshll.u32 s0, $0xA;
	s2 =	sadd.s32 s3, s2  }
0x8d: {  	s2 =	sadd.s32 s2, s16  }
0x8e: {  	[smem:$0x3FBD] =	sst s2  }
0x8f: {  	_ = 	snop  }
0x90: {  	(tm) =	ssettm $0x1  }
0x91: {  	s17 =	sld [smem:$0x3FFB];
	_ =	sdelay $0x3  }
0x92: {  	_ =	strace s17  }
0x93: {  	s2 =	sld [smem:$0x3FFC];
	_ =	sdelay $0x3  }
0x94: {  	_ =	strace s2  }
0x95: {  	s2 =	sld [smem:$0x3FFD];
	_ =	sdelay $0x3  }
0x96: {  	_ =	strace s2  }
0x97: {  	_ =	strace $0x8FFFFFFF  }
0x98: {  	s18 =	sld [smem:$0x3FDB];
	_ =	sdelay $0x1  }
0x99: {  	s19 =	simm.s32 $_scs_section_size  }
0x9a: {  	s4 =	simm.s32 $_size__tile_overlayer_lowered;
	s5 =	simm.s32 $_tile_overlayer_lowered  }
0x9b: {  	s22 =	simm.s32 $0x1BFF;
	s21 =	sshll.u32 s5, $0x1;
	s2 =	sadd.s32 s19, s18  }
0x9c: {  	s6 =	simm.s32 $0x0;
	s20 =	sshll.u32 s4, $0x1;
	s4 =	sadd.s32 s21, s2  }
0x9d: {  	[timem:s6], [sflag:s22] =	dma.local [hbm:s4], s20  }
0x9e: {  	_ =	swait.ge [sflag:s22], s20  }
0x9f: {  	s3 =	ssub.s32 $0x0, s20;
	[sflag:s22] =	ssyncset.done $0x0  }
0xa0: {  	[sflag:s22] =	ssyncadd.s32 s3;
	_ =	sdelay $0x1  }
0xa1: {  	s23 =	simm.s32 $0x1B8B  }
0xa2: {  	_ =	swait.ge [sflag:s23], $0x1  }
0xa3: {  	[sflag:s23] =	ssyncset.done $0x0  }
0xa4: {  	s25 =	simm.s32 $0x1B8E;
	s24 =	sld [smem:$0x3FFE];
	[sflag:s23] =	ssyncadd.s32 $0xFFFFFFFF  }
0xa5: {  	s26 =	simm.s32 $execute0_lowered;
	[smem:$0x3FD2] =	sst s25  }
0xa6: {  	s4 =	sshll.u32 s26, $0x1;
	_ =	strace $0x80000046;
	[dreg:$0x1] =	wrdreg $0xFFFFFFFF  }
0xa7: {  	s28 =	simm.s32 $_size_execute0_lowered;
	s2 =	sadd.s32 s2, s4;
	[dreg:$0x0] =	wrdreg $0x0  }
0xa8: {  	s4 =	sshll.u32 s28, $0x1;
	[dreg:$0x2] =	wrdreg s2  }
0xa9: {  	[dreg:$0x3] =	wrdreg s4  }
0xaa: {  	[dreg:$0x4] =	wrdreg $0xC0  }
0xab: {  	_ =	task [dreg:s6], $0x5FFFF  }
0xac: {  	[dreg:$0x1] =	wrdreg $0xFFFFFFFF  }
0xad: {  	[dreg:$0x0] =	wrdreg $0x60  }
0xae: {  	[dreg:$0x2] =	wrdreg s24  }
0xaf: {  	[dreg:$0x3] =	wrdreg $0x68000  }
0xb0: {  	[dreg:$0x4] =	wrdreg $0x9  }
0xb1: {  	_ =	task.clear_ibuf [dreg:s6], $0x5FFFF;
	_ =	strace $0x90000046  }
0xb2: {  	s29 =	simm.s32 $0x9;
	_ =	strace $0x80000048  }
0xb3: {  	_ =	swait.ge [sflag:s29], $0x1  }
0xb4: {  	[sflag:s29] =	ssyncadd.s32 $0xFFFFFFFF  }
0xb5: {  	_ =	strace $0x90000048  }
0xb6: {  	_ =	sfence  }
0xb7: {  	s30 =	sld [smem:$0x0];
	_ =	sdelay $0x2  }
0xb8: {  	s31 =	sshll.u32 s1, $0xD;
	s1 =	sshrl.u32 s1, $0x2  }
0xb9: {  	s3 =	sand.u32 $0x4000, s31;
	s1 =	sadd.s32 s1, s30  }
0xba: {  	s0 =	sor.u32 s3, s0;
	s1 =	sshll.u32 s1, $0x11  }
0xbb: {  	s0 =	sor.u32 s1, s0  }
0xbc: {  	s0 =	sadd.s32 $0x8F2B, s0  }
0xbd: {  	[sflag:s0] =	ssyncadd.remote.s32 $0x1  }
0xbe: {  	_ =	sfence.sel $0xFFFF  }
0xbf: {  	[dreg:$0x0] =	wrdreg $0xFFFFFFFF;
	(pc) =	sbr.abs _section_cstart, $3  }
0xc0: {  	[dreg:$0x1] =	wrdreg $0xFFFFFFFF  }
0xc1: {  	_ =	task.clear_ibuf [dreg:s6], $0x2FFFF;
	_ =	strace $0x9FFFFFFF  }
0xc2: {  	(tm) =	ssettm $0x7FFFFFFF  }
0xc3: {  	_ =	shalt  }
tec
execute0_lowered:
.L_overlay_start_1:
0x0: {  	(tag) =	ssettag $0x1  }
0x1: {  	s4 =	rddreg [dreg:$0x0];
	s2 =	srdreg.scid  }
0x2: {  	s1 =	rddreg [dreg:$0x1];
	s5 =	sand.u32 $0x1, s2  }
0x3: {  	s2 =	stileid.u32;
	s6 =	smul.u32 $0x5000, s5  }
0x4: {  	s0 =	rddreg [dreg:$0x2];
	s3 =	simm.s32 $0x0;
	s7 =	smul.u32 $0x500, s2  }
0x5: {  	s12 =	simm.s32 $0x7D;
	[smem:$0x7FF] =	sst s3;
	s8 =	smul.u32 $0x50000, s2  }
0x6: {  	s13 =	simm.s32 $0x2800;
	_ =	strace $0x80000047;
	s29 =	smul.u32 $0x2800, s2  }
0x7: {  	s9 =	ssub.s32 $0x2, s5;
	s14 =	sshll.u32 s2, $0x6;
	p0 =	seq.s32 s5, $0x1  }
0x8: {  	s10 =	sshrl.u32 s9, $0x1;
	s5 =	sor.u32 $0x1C01, s14;
	s14 =	sor.u32 $0x1C02, s14  }
0x9: {  	s6 =	sadd.s32 s7, s6;
	s8 =	sshrl.u32 s8, $0x2;
	s11 =	sadd.s32 s29, s4  }
0xa: {  	s30 =	ssub.s32 s9, s10;
	s10 =	simm.s32 $0x1;
	s6 =	sadd.s32 s6, s4  }
0xb: {  	s31 =	sadd.s32 s8, s1;
	s8 =	simm.s32 $0x60600;
	s4 =	sadd.s32 $0x10600, s11  }
0xc: {  	s7 =	smax.u32 s30, $0x1;
	s8 =	simm.s32 @!p0 $0x38600;
	s6 =	sadd.s32 $0x6600, s6  }
0xd: {  	v0 =	vimm.f32 $1.000000000e+00;
	s9 =	sshrl.u32 s31, $0x3;
	s8 =	sadd.s32 s8, s11;
	s11 =	simm.s32 $0x2  }
.LBB2_1:
0xe: {  	s15 =	simm.s32 $0x200;
	s16 =	simm.s32 $0x0  }
.LBB2_2:
0xf: {  	p0 =	sne.s32 s15, $0xF800;
	[tilespmem:s16+$0x2800] =	vst v0;
	s16 =	smov.u32 s15;
	s15 =	sadd.s32 $0x200, s15  }
.Ltmp0:
0x10: {  	(pc) =	sbr.rel @p0 .LBB2_2-.Ltmp0, $2  }
0x11: {  	_ =	sdelay $0x2  }
0x12: {  	s16 =	sshra.s32 s16, $0x2  }
0x13: {  	[tilespmem:s16+$0x2800] =	vst v0  }
0x14: {  	[spmem:s9], [sflag:s5] =	dma.local [hbm:s4], $0x2800  }
0x15: {  	_ =	swait.ge [sflag:s10], $0x2800  }
0x16: {  	[sflag:s10] =	ssyncset.done $0x0  }
0x17: {  	s15 =	simm.s32 $0x0;
	[sflag:s10] =	ssyncadd.s32 $0xFFFFD800  }
0x18: {  	[tilespmem:s15], [sflag:$0x2] =	stream.linear.gather [hbm4b:s6+s15], $0x2800, $0x38;
	[tilespmem:$0x9000] =	vst v63  }
0x19: {  	_ =	swait.ge [sflag:s11], $0x2800  }
0x1a: {  	[sflag:s11] =	ssyncset.done $0x0  }
0x1b: {  	[sflag:s11] =	ssyncadd.s32 $0xFFFFD800  }
0x1c: {  	s31 =	simm.s32 $0x0;
	[bflag:$0x0] =	sbarrier.arrive $0xFFFF  }
0x1d: {  	[spmem:s1] =	stream.indirect.scatter.add.f32 [tilespmem:s13], [sflag:$0x2], $0x10, s31, s12, $0xb8;
	[tilespmem:$0x9000] =	vst v63  }
0x1e: {  	_ =	swait.ge [sflag:s11], $0x7D0  }
0x1f: {  	s15 =	simm.s32 $0x200;
	[sflag:s11] =	ssyncset.done $0x0  }
.LBB2_4:
0x20: {  	s16 =	sshra.s32 s15, $0x2;
	[sflag:s11] =	ssyncadd.s32 $0xFFFFF830;
	p0 =	sne.s32 s15, $0x9E00  }
0x21: {  	[spmem:s1] =	stream.indirect.scatter.add.f32 [tilespmem:s13], [sflag:$0x2], $0x10, s16, s12, $0xb8;
	[tilespmem:$0x9000] =	vst v63  }
.Ltmp1:
0x22: {  	_ = 	snop;
	(pc) =	sbr.rel @p0 .LBB2_4-.Ltmp1, $4  }
0x23: {  	_ = 	snop  }
0x24: {  	s15 =	sadd.s32 $0x200, s15  }
0x25: {  	_ =	swait.ge [sflag:s11], $0x7D0  }
0x26: {  	[sflag:s11] =	ssyncset.done $0x0  }
0x27: {  	s3 =	sadd.s32 $0x1, s3  }
0x28: {  	[sflag:s11] =	ssyncadd.s32 $0xFFFFF830;
	p0 =	sne.s32 s3, s7  }
.Ltmp2:
0x29: {  	[bflag:$0x0] =	sbarrier.arrive $0xFFFF;
	(pc) =	sbr.rel @p0 .LBB2_1-.Ltmp2, $4  }
0x2a: {  	[hbm:s8], [sflag:s14] =	dma.local [spmem:s9], $0x2800  }
0x2b: {  	_ =	swait.ge [sflag:s11], $0x2800  }
0x2c: {  	[sflag:s11] =	ssyncset.done $0x0  }
0x2d: {  	[sflag:s11] =	ssyncadd.s32 $0xFFFFD800  }
0x2e: {  	_ =	sfence.sel $0x180000  }
0x2f: {  	[bflag:$0x0] =	sbarrier.arrive $0xFFFF  }
0x30: {  	p0 =	sne.s32 s2, $0x0;
	_ =	strace $0x90000047  }
0x31: {  	s0 =	sadd.s32 @!p0 $0x100000, s0;
	[bflag:$0x2] =	sbarrier.arrive $0xFFFF  }
0x32: {  	[sflag:s0] =	ssyncadd.tile.s32 @!p0 $0x1;
	_ =	shalt  }
.Lfunc_end2:
_tile_overlayer_lowered:
.L_overlay_start_2:
0x33: {  	(tag) =	ssettag $0x2  }
0x34: {  	s0 =	rddreg [dreg:$0x0];
	s2 =	stileid.u32  }
0x35: {  	s1 =	rddreg [dreg:$0x1];
	p0 =	sne.s32 s2, $0x0  }
0x36: {  	s3 =	rddreg [dreg:$0x2];
	[bflag:$0x3] =	sbarrier.arrive $0xFFFF;
	s2 =	simm.s32 @!p0 $0x1C02  }
0x37: {  	[timem:s3], [sflag:s2] =	dma.local @!p0 [hbm:s0], s1  }
0x38: {  	s0 =	simm.s32 @!p0 $0x2  }
0x39: {  	_ =	swait.ge @!p0 [sflag:s0], s1  }
0x3a: {  	s1 =	ssub.s32 @!p0 $0x0, s1;
	[sflag:s0] =	ssyncset.done @!p0 $0x0  }
0x3b: {  	[sflag:s0] =	ssyncadd.s32 @!p0 s1  }
0x3c: {  	[bflag:$0x3] =	sbarrier.arrive $0xFFFF  }
0x3d: {  	_ =	shalt  }

// kernel: kernel.14.cloned.1.call-start
scs
__scs_entry_jumppad:
0x0: {  	(pc) =	sbr.rel $0x88, $3  }
0x1: {  	(tag) =	ssettag $0x0;
	lr =	simm.s32 $0x1  }
0x2: {  	[smem:$0x3F96] =	sst lr;
	_ =	strace $0xD0000000  }
0x3: {  	_ = 	snop  }
0x4: {  	_ = 	snop  }
0x5: {  	_ = 	snop  }
0x6: {  	_ = 	snop  }
0x7: {  	_ = 	snop  }
__scs_overlays_trampoline_lowered:
0x8: {  	[smem:$0x3FA5] =	sst s0  }
0x9: {  	[smem:$0x3FA6] =	sst s1  }
0xa: {  	[smem:$0x3FA7] =	sst s2  }
0xb: {  	[smem:$0x3FA8] =	sst s3  }
0xc: {  	[smem:$0x3FA9] =	sst s4  }
0xd: {  	[smem:$0x3FAA] =	sst s5  }
0xe: {  	[smem:$0x3FAB] =	sst s6  }
0xf: {  	[smem:$0x3FAC] =	sst s7  }
0x10: {  	[smem:$0x3FAD] =	sst s8  }
0x11: {  	[smem:$0x3FAE] =	sst s9;
	s0 =	simm.s32 @!p0 $0x0  }
0x12: {  	s1 =	sld [smem:$0x3F94];
	s0 =	simm.s32 @p0 $0x1  }
0x13: {  	[smem:$0x3FAF] =	sst s0;
	s0 =	simm.s32 @!p1 $0x0  }
0x14: {  	s2 =	sld [smem:$0x3F93];
	s0 =	simm.s32 @p1 $0x1  }
0x15: {  	[smem:$0x3FB0] =	sst s0;
	s0 =	simm.s32 @!p2 $0x0  }
0x16: {  	s3 =	sld [smem:$0x3FDB];
	s0 =	simm.s32 @p2 $0x1  }
0x17: {  	s4 =	simm.s32 $0x1BF5;
	[smem:$0x3FB2] =	sst s0  }
0x18: {  	s0 =	sld [smem:$0x3F95];
	_ =	swait.ge [sflag:s4], $0x0  }
0x19: {  	s7 =	sld [smem:$0x3F96]  }
0x1a: {  	s8 =	sadd.s32 $0xFFFFE003, lr  }
0x1b: {  	s9 =	sadd.s32 $0xFFFFFEF7, lr;
	s5 =	simm.s32 $0xFFFFFFFF;
	p2 =	slt.u32 s8, $0xFFFFF086  }
0x1c: {  	p1 =	slt.u32 s9, $0xF7A;
	s5 =	simm.s32 @!p2 $0x0  }
0x1d: {  	s5 =	simm.s32 @p1 $0x1;
	p0 =	seq.s32 s7, s2  }
0x1e: {  	s7 =	smul.u32 @!p0 $0xF7A, s2;
	p2 =	seq.s32 @!p0 s5, $0x0  }
0x1f: {  	s9 =	smul.u32 $0xF7A, s1;
	s8 =	simm.s32 @!p0 $0x1BF5;
	p2 =	por !p2, p0  }
0x20: {  	[sflag:s8] =	ssyncset.s32 @!p0 $0xFFFFF086;
	s6 =	sadd.s32 @!p0 s3, s7;
	s7 =	simm.s32 @!p0 $0x108  }
0x21: {  	s3 =	sadd.s32 s3, s9;
	s6 =	sadd.s32 @!p0 $0x88, s6;
	s7 =	simm.s32 @p2 $0x1082  }
0x22: {  	[simem:s7], [sflag:s8] =	dma.local @!p0 [hbm:s6], $0xF7A  }
0x23: {  	s9 =	sor.u32 $0xD0000000, s2;
	s6 =	simm.s32 $0x108;
	_ =	swait.ge @!p0 [sflag:s8], $0x0  }
0x24: {  	s3 =	sadd.s32 $0x88, s3;
	s6 =	simm.s32 @!p1 $0x1082;
	[sflag:s4] =	ssyncset.s32 $0xFFFFF086  }
0x25: {  	[simem:s6], [sflag:s4] =	dma.local [hbm:s3], $0xF7A  }
0x26: {  	[smem:$0x3F96] =	sst s1;
	(tag) =	ssettag s2;
	_ =	strace s9  }
0x27: {  	s1 =	sld [smem:$0x3FA6]  }
0x28: {  	s2 =	sld [smem:$0x3FA7]  }
0x29: {  	s4 =	sld [smem:$0x3FA9]  }
0x2a: {  	p0 =	seq.s32 s5, $0x0;
	s5 =	sld [smem:$0x3FAA]  }
0x2b: {  	s6 =	sld [smem:$0x3FAB]  }
0x2c: {  	s7 =	sld [smem:$0x3FAC]  }
0x2d: {  	s3 =	simm.s32 $0x108;
	s8 =	sld [smem:$0x3FAD]  }
0x2e: {  	s3 =	simm.s32 @!p0 $0x1082;
	s9 =	sld [smem:$0x3FAE]  }
0x2f: {  	lr =	sadd.s32 s0, s3;
	s0 =	sld [smem:$0x3FA5]  }
0x30: {  	s3 =	sld [smem:$0x3FA8]  }
0x31: {  	[smem:$0x3FB1] =	sst s10  }
0x32: {  	s10 =	sld [smem:$0x3FAF];
	_ =	sdelay $0x3  }
0x33: {  	p0 =	seq.s32 s10, $0x1;
	s10 =	sld [smem:$0x3FB1];
	_ =	sdelay $0x3  }
0x34: {  	[smem:$0x3FB1] =	sst s10  }
0x35: {  	s10 =	sld [smem:$0x3FB0];
	_ =	sdelay $0x3  }
0x36: {  	p1 =	seq.s32 s10, $0x1;
	s10 =	sld [smem:$0x3FB1];
	_ =	sdelay $0x3  }
0x37: {  	[smem:$0x3FB1] =	sst s10  }
0x38: {  	s10 =	sld [smem:$0x3FB2]  }
0x39: {  	_ = 	snop;
	(pc) =	sbr.ind lr, $3  }
0x3a: {  	_ = 	snop  }
0x3b: {  	_ = 	snop  }
0x3c: {  	p2 =	seq.s32 s10, $0x1;
	s10 =	sld [smem:$0x3FB1]  }
0x3d: {  	_ =	shalt  }
0x3e: {  	_ =	shalt  }
0x3f: {  	_ =	shalt  }
0x40: {  	_ =	shalt  }
0x41: {  	_ =	shalt  }
0x42: {  	_ =	shalt  }
0x43: {  	_ =	shalt  }
0x44: {  	_ =	shalt  }
0x45: {  	_ =	shalt  }
0x46: {  	_ =	shalt  }
0x47: {  	_ =	shalt  }
0x48: {  	_ =	shalt  }
0x49: {  	_ =	shalt  }
0x4a: {  	_ =	shalt  }
0x4b: {  	_ =	shalt  }
0x4c: {  	_ =	shalt  }
0x4d: {  	_ =	shalt  }
0x4e: {  	_ =	shalt  }
0x4f: {  	_ =	shalt  }
0x50: {  	_ =	shalt  }
0x51: {  	_ =	shalt  }
0x52: {  	_ =	shalt  }
0x53: {  	_ =	shalt  }
0x54: {  	_ =	shalt  }
0x55: {  	_ =	shalt  }
0x56: {  	_ =	shalt  }
0x57: {  	_ =	shalt  }
0x58: {  	_ =	shalt  }
0x59: {  	_ =	shalt  }
0x5a: {  	_ =	shalt  }
0x5b: {  	_ =	shalt  }
0x5c: {  	_ =	shalt  }
0x5d: {  	_ =	shalt  }
0x5e: {  	_ =	shalt  }
0x5f: {  	_ =	shalt  }
0x60: {  	_ =	shalt  }
0x61: {  	_ =	shalt  }
0x62: {  	_ =	shalt  }
0x63: {  	_ =	shalt  }
0x64: {  	_ =	shalt  }
0x65: {  	_ =	shalt  }
0x66: {  	_ =	shalt  }
0x67: {  	_ =	shalt  }
0x68: {  	_ =	shalt  }
0x69: {  	_ =	shalt  }
0x6a: {  	_ =	shalt  }
0x6b: {  	_ =	shalt  }
0x6c: {  	_ =	shalt  }
0x6d: {  	_ =	shalt  }
0x6e: {  	_ =	shalt  }
0x6f: {  	_ =	shalt  }
0x70: {  	_ =	shalt  }
0x71: {  	_ =	shalt  }
0x72: {  	_ =	shalt  }
0x73: {  	_ =	shalt  }
0x74: {  	_ =	shalt  }
0x75: {  	_ =	shalt  }
0x76: {  	_ =	shalt  }
0x77: {  	_ =	shalt  }
0x78: {  	_ =	shalt  }
0x79: {  	_ =	shalt  }
0x7a: {  	_ =	shalt  }
0x7b: {  	_ =	shalt  }
0x7c: {  	_ =	shalt  }
0x7d: {  	_ =	shalt  }
0x7e: {  	_ =	shalt  }
0x7f: {  	_ =	shalt  }
0x80: {  	_ =	shalt  }
0x81: {  	_ =	shalt  }
0x82: {  	_ =	shalt  }
0x83: {  	_ =	shalt  }
0x84: {  	_ =	shalt  }
0x85: {  	_ =	shalt  }
0x86: {  	_ =	shalt  }
0x87: {  	_ =	shalt  }
.Lfunc_end0:
.L_simem_size_0:
called_computation.1_lowered:
.L_overlay_start_0:
0x88: {  	s2 =	sld [smem:$0x3FD9]  }
0x89: {  	s3 =	sld [smem:$0x3FFE];
	_ =	sdelay $0x1  }
0x8a: {  	s1 =	srdreg.scid  }
0x8b: {  	s0 =	sand.u32 $0x1, s1  }
0x8c: {  	s16 =	sshll.u32 s0, $0xA;
	s2 =	sadd.s32 s3, s2  }
0x8d: {  	s2 =	sadd.s32 s2, s16  }
0x8e: {  	[smem:$0x3FBD] =	sst s2  }
0x8f: {  	_ = 	snop  }
0x90: {  	(tm) =	ssettm $0x1  }
0x91: {  	s17 =	sld [smem:$0x3FFB];
	_ =	sdelay $0x3  }
0x92: {  	_ =	strace s17  }
0x93: {  	s2 =	sld [smem:$0x3FFC];
	_ =	sdelay $0x3  }
0x94: {  	_ =	strace s2  }
0x95: {  	s2 =	sld [smem:$0x3FFD];
	_ =	sdelay $0x3  }
0x96: {  	_ =	strace s2  }
0x97: {  	_ =	strace $0x8FFFFFFF  }
0x98: {  	s18 =	sld [smem:$0x3FDB];
	_ =	sdelay $0x1  }
0x99: {  	s19 =	simm.s32 $_scs_section_size  }
0x9a: {  	s4 =	simm.s32 $_size__tile_overlayer_lowered;
	s5 =	simm.s32 $_tile_overlayer_lowered  }
0x9b: {  	s22 =	simm.s32 $0x1BFF;
	s21 =	sshll.u32 s5, $0x1;
	s2 =	sadd.s32 s19, s18  }
0x9c: {  	s6 =	simm.s32 $0x0;
	s20 =	sshll.u32 s4, $0x1;
	s4 =	sadd.s32 s21, s2  }
0x9d: {  	[timem:s6], [sflag:s22] =	dma.local [hbm:s4], s20  }
0x9e: {  	_ =	swait.ge [sflag:s22], s20  }
0x9f: {  	s3 =	ssub.s32 $0x0, s20;
	[sflag:s22] =	ssyncset.done $0x0  }
0xa0: {  	[sflag:s22] =	ssyncadd.s32 s3;
	_ =	sdelay $0x1  }
0xa1: {  	s23 =	simm.s32 $0x1B8B  }
0xa2: {  	_ =	swait.ge [sflag:s23], $0x1  }
0xa3: {  	[sflag:s23] =	ssyncset.done $0x0  }
0xa4: {  	s25 =	simm.s32 $0x1B8E;
	s24 =	sld [smem:$0x3FFE];
	[sflag:s23] =	ssyncadd.s32 $0xFFFFFFFF  }
0xa5: {  	s26 =	simm.s32 $execute0_lowered;
	[smem:$0x3FD2] =	sst s25  }
0xa6: {  	s4 =	sshll.u32 s26, $0x1;
	_ =	strace $0x80000049;
	[dreg:$0x1] =	wrdreg $0xFFFFFFFF  }
0xa7: {  	s28 =	simm.s32 $_size_execute0_lowered;
	s2 =	sadd.s32 s2, s4;
	[dreg:$0x0] =	wrdreg $0x0  }
0xa8: {  	s4 =	sshll.u32 s28, $0x1;
	[dreg:$0x2] =	wrdreg s2  }
0xa9: {  	[dreg:$0x3] =	wrdreg s4  }
0xaa: {  	[dreg:$0x4] =	wrdreg $0xC0  }
0xab: {  	_ =	task [dreg:s6], $0x5FFFF  }
0xac: {  	[dreg:$0x1] =	wrdreg $0xFFFFFFFF  }
0xad: {  	[dreg:$0x0] =	wrdreg $0x60  }
0xae: {  	[dreg:$0x2] =	wrdreg s24  }
0xaf: {  	[dreg:$0x3] =	wrdreg $0xA0000  }
0xb0: {  	[dreg:$0x4] =	wrdreg $0x9  }
0xb1: {  	_ =	task.clear_ibuf [dreg:s6], $0x5FFFF;
	_ =	strace $0x90000049  }
0xb2: {  	s29 =	simm.s32 $0x9;
	_ =	strace $0x8000004B  }
0xb3: {  	_ =	swait.ge [sflag:s29], $0x1  }
0xb4: {  	[sflag:s29] =	ssyncadd.s32 $0xFFFFFFFF  }
0xb5: {  	_ =	strace $0x9000004B  }
0xb6: {  	_ =	sfence  }
0xb7: {  	s30 =	sld [smem:$0x0];
	_ =	sdelay $0x2  }
0xb8: {  	s31 =	sshll.u32 s1, $0xD;
	s1 =	sshrl.u32 s1, $0x2  }
0xb9: {  	s3 =	sand.u32 $0x4000, s31;
	s1 =	sadd.s32 s1, s30  }
0xba: {  	s0 =	sor.u32 s3, s0;
	s1 =	sshll.u32 s1, $0x11  }
0xbb: {  	s0 =	sor.u32 s1, s0  }
0xbc: {  	s0 =	sadd.s32 $0x8F2B, s0  }
0xbd: {  	[sflag:s0] =	ssyncadd.remote.s32 $0x1  }
0xbe: {  	_ =	sfence.sel $0xFFFF  }
0xbf: {  	[dreg:$0x0] =	wrdreg $0xFFFFFFFF;
	(pc) =	sbr.abs _section_cstart, $3  }
0xc0: {  	[dreg:$0x1] =	wrdreg $0xFFFFFFFF  }
0xc1: {  	_ =	task.clear_ibuf [dreg:s6], $0x2FFFF;
	_ =	strace $0x9FFFFFFF  }
0xc2: {  	(tm) =	ssettm $0x7FFFFFFF  }
0xc3: {  	_ =	shalt  }
tec
execute0_lowered:
.L_overlay_start_1:
0x0: {  	(tag) =	ssettag $0x1  }
0x1: {  	s0 =	rddreg [dreg:$0x0]  }
0x2: {  	s1 =	rddreg [dreg:$0x1]  }
0x3: {  	s3 =	simm.s32 $0x0;
	s5 =	srdreg.scid;
	s2 =	stileid.u32  }
0x4: {  	s14 =	simm.s32 $0xE2600;
	s16 =	simm.s32 $0x2000;
	s17 =	simm.s32 $0x3  }
0x5: {  	s19 =	simm.s32 $0x1000;
	s20 =	simm.s32 $0x7D;
	s21 =	simm.s32 $0x80  }
0x6: {  	s22 =	simm.s32 $0x6000;
	s23 =	simm.s32 $0x1;
	s24 =	simm.s32 $0x2  }
0x7: {  	s25 =	simm.s32 $0x1F00;
	s26 =	simm.s32 $0x1F80;
	s28 =	simm.s32 $0x0  }
0x8: {  	[smem:$0x7FF] =	sst s3;
	s4 =	sadd.s32 $0x88600, s0;
	s18 =	sand.u32 $0x1, s5  }
0x9: {  	s8 =	smul.u32 $0x50000, s2;
	s5 =	sadd.s32 $0x6600, s0;
	s6 =	sadd.s32 $0x10600, s0  }
0xa: {  	s7 =	sadd.s32 $0x92600, s0;
	s15 =	smul.u32 $0x2800, s2;
	s9 =	ssub.s32 $0x2, s18  }
0xb: {  	_ =	strace $0x8000004A;
	p0 =	seq.s32 s18, $0x1;
	s10 =	sshrl.u32 s9, $0x1  }
.Ltmp0:
0xc: {  	s8 =	sshrl.u32 s8, $0x2;
	s14 =	simm.s32 @!p0 $0xBA600;
	(pc) =	sbr.rel .LBB2_1-.Ltmp0, $4  }
0xd: {  	p0 =	seq.s32 s18, $0x0;
	s18 =	simm.s32 $0x4;
	s10 =	ssub.s32 s9, s10  }
0xe: {  	s8 =	sadd.s32 s8, s1;
	s9 =	smul.u32 $0x5000, s2;
	s0 =	sadd.s32 s14, s0  }
0xf: {  	s10 =	smax.u32 s10, $0x1;
	s11 =	sadd.s32 $0x4000, s8;
	s12 =	sadd.s32 $0x8000, s8  }
0x10: {  	v0 =	vimm.f32 $0.0e+00;
	s13 =	sadd.s32 $0xC000, s8;
	s14 =	sadd.s32 $0x10000, s8;
	s15 =	sadd.s32 s0, s15  }
.LBB2_12:
0x11: {  	s0 =	stileid.u32;
	s28 =	sadd.s32 $0x1, s28  }
0x12: {  	[bflag:$0x0] =	sbarrier.arrive $0xFFFF;
	s0 =	sshll.u32 s0, $0x6;
	p1 =	sne.s32 s28, s10  }
.Ltmp1:
0x13: {  	s2 =	sshrl.u32 s8, $0x3;
	s0 =	sor.u32 $0x1C03, s0;
	(pc) =	sbr.rel @!p1 .LBB2_13-.Ltmp1, $4  }
0x14: {  	[hbm:s15], [sflag:s0] =	dma.local [spmem:s2], $0x2800  }
0x15: {  	_ =	swait.ge [sflag:s17], $0x2800  }
0x16: {  	[sflag:s17] =	ssyncset.done $0x0  }
0x17: {  	[sflag:s17] =	ssyncadd.s32 $0xFFFFD800  }
.LBB2_1:
0x18: {  	s29 =	simm.s32 $0x0;
	s30 =	simm.s32 $0x200  }
.LBB2_2:
0x19: {  	p1 =	sne.s32 s30, $0xFE00;
	[tilespmem:s29+$0x2070] =	vst v0  }
0x1a: {  	[tilespmem:s29+$0x2000] =	vst v0  }
0x1b: {  	[tilespmem:s29+$0x2010] =	vst v0  }
.Ltmp2:
0x1c: {  	[tilespmem:s29+$0x2020] =	vst v0;
	(pc) =	sbr.rel @p1 .LBB2_2-.Ltmp2, $4  }
0x1d: {  	[tilespmem:s29+$0x2030] =	vst v0  }
0x1e: {  	[tilespmem:s29+$0x2040] =	vst v0  }
0x1f: {  	[tilespmem:s29+$0x2050] =	vst v0  }
0x20: {  	[tilespmem:s29+$0x2060] =	vst v0;
	s29 =	sshra.s32 s30, $0x2;
	s30 =	sadd.s32 $0x200, s30  }
0x21: {  	[tilespmem:s29+$0x2070] =	vst v0  }
0x22: {  	[tilespmem:s29+$0x2000] =	vst v0  }
0x23: {  	[tilespmem:s29+$0x2010] =	vst v0  }
0x24: {  	[tilespmem:s29+$0x2020] =	vst v0  }
0x25: {  	[tilespmem:s29+$0x2030] =	vst v0  }
0x26: {  	[tilespmem:s29+$0x2040] =	vst v0  }
0x27: {  	[tilespmem:s29+$0x2050] =	vst v0  }
0x28: {  	[tilespmem:s29+$0x2060] =	vst v0  }
0x29: {  	[spmem:s8] =	stream.linear.scatter [tilespmem:s16], [sflag:$0x3], $0x4000, $0x38;
	[tilespmem:$0x1E000] =	vst v63  }
0x2a: {  	_ =	swait.ge [sflag:s17], $0x4000  }
0x2b: {  	[sflag:s17] =	ssyncset.done $0x0  }
0x2c: {  	[sflag:s17] =	ssyncadd.s32 $0xFFFFC000  }
0x2d: {  	[spmem:s11] =	stream.linear.scatter [tilespmem:s16], [sflag:$0x3], $0x4000, $0x38;
	[tilespmem:$0x1E000] =	vst v63  }
0x2e: {  	_ =	swait.ge [sflag:s17], $0x4000  }
0x2f: {  	[sflag:s17] =	ssyncset.done $0x0  }
0x30: {  	[sflag:s17] =	ssyncadd.s32 $0xFFFFC000  }
0x31: {  	[spmem:s12] =	stream.linear.scatter [tilespmem:s16], [sflag:$0x3], $0x4000, $0x38;
	[tilespmem:$0x1E000] =	vst v63  }
0x32: {  	_ =	swait.ge [sflag:s17], $0x4000  }
0x33: {  	[sflag:s17] =	ssyncset.done $0x0  }
0x34: {  	[sflag:s17] =	ssyncadd.s32 $0xFFFFC000  }
0x35: {  	[spmem:s13] =	stream.linear.scatter [tilespmem:s16], [sflag:$0x3], $0x4000, $0x38;
	[tilespmem:$0x1E000] =	vst v63  }
0x36: {  	_ =	swait.ge [sflag:s17], $0x4000  }
0x37: {  	[sflag:s17] =	ssyncset.done $0x0  }
0x38: {  	[sflag:s17] =	ssyncadd.s32 $0xFFFFC000  }
0x39: {  	[spmem:s14] =	stream.linear.scatter [tilespmem:s16], [sflag:$0x3], $0x4000, $0x38;
	[tilespmem:$0x1E000] =	vst v63  }
.Ltmp3:
0x3a: {  	_ =	swait.ge [sflag:s17], $0x4000;
	(pc) =	sbr.rel .LBB2_4-.Ltmp3, $4  }
0x3b: {  	[sflag:s17] =	ssyncset.done $0x0  }
0x3c: {  	[sflag:s17] =	ssyncadd.s32 $0xFFFFC000  }
0x3d: {  	[bflag:$0x0] =	sbarrier.arrive $0xFFFF  }
0x3e: {  	s29 =	simm.s32 $0x0  }
.LBB2_7:
0x3f: {  	[tilespmem:s22], [sflag:$0x2] =	stream.indirect.gather [hbm4b:s7+s20], $0x80, s0, s20, $0xb8;
	[tilespmem:$0x1E000] =	vst v63  }
0x40: {  	s30 =	simm.s32 $0x3  }
.LBB2_11:
0x41: {  	_ =	swait.ge [sflag:s23], $0x3E80  }
0x42: {  	[sflag:s23] =	ssyncset.done $0x0  }
0x43: {  	[sflag:s23] =	ssyncadd.s32 $0xFFFFC180  }
0x44: {  	[spmem:s1] =	stream.indirect.scatter.add.f32 [tilespmem:s16], [sflag:$0x4], $0x80, s25, s20, $0xb8;
	[tilespmem:$0x1E000] =	vst v63  }
0x45: {  	_ =	swait.ge [sflag:s18], $0x3E80  }
0x46: {  	[sflag:s18] =	ssyncset.done $0x0  }
0x47: {  	[sflag:s18] =	ssyncadd.s32 $0xFFFFC180  }
0x48: {  	s29 =	sadd.s32 $0x1, s29;
	_ =	swait.ge [sflag:s24], $0x3E80  }
0x49: {  	p1 =	sne.s32 s29, $0x5;
	[sflag:s24] =	ssyncset.done $0x0  }
.Ltmp4:
0x4a: {  	[sflag:s24] =	ssyncadd.s32 $0xFFFFC180;
	(pc) =	sbr.rel @!p1 .LBB2_12-.Ltmp4, $4  }
0x4b: {  	[spmem:s1] =	stream.indirect.scatter.add.f32 [tilespmem:s22], [sflag:s30], $0x80, s26, s20, $0xb8;
	[tilespmem:$0x1E000] =	vst v63  }
0x4c: {  	_ =	swait.ge [sflag:s30], $0x3E80  }
0x4d: {  	[sflag:s30] =	ssyncset.done $0x0  }
0x4e: {  	[sflag:s30] =	ssyncadd.s32 $0xFFFFC180  }
.LBB2_4:
0x4f: {  	s0 =	sshll.u32 s29, $0xC  }
0x50: {  	s0 =	sadd.s32 s9, s0  }
0x51: {  	s0 =	sshrl.u32 s0, $0x3  }
0x52: {  	s30 =	sadd.s32 s4, s0  }
0x53: {  	[tilespmem:s3], [sflag:$0x4] =	stream.linear.gather [hbm4b:s30+s3], $0x1000, $0x38;
	[tilespmem:$0x1E000] =	vst v63  }
0x54: {  	_ =	swait.ge [sflag:s18], $0x1000  }
0x55: {  	[sflag:s18] =	ssyncset.done $0x0  }
.Ltmp5:
0x56: {  	s0 =	sadd.s32 s5, s0;
	[sflag:s18] =	ssyncadd.s32 $0xFFFFF000;
	(pc) =	sbr.rel @!p0 .LBB2_5-.Ltmp5, $4  }
0x57: {  	[tilespmem:s19], [sflag:$0x4] =	stream.linear.gather [hbm4b:s0+s3], $0x1000, $0x38;
	[tilespmem:$0x1E000] =	vst v63  }
0x58: {  	_ =	swait.ge [sflag:s18], $0x1000  }
0x59: {  	[sflag:s18] =	ssyncset.done $0x0  }
0x5a: {  	s0 =	simm.s32 $0x0;
	[sflag:s18] =	ssyncadd.s32 $0xFFFFF000  }
0x5b: {  	[tilespmem:s16], [sflag:$0x1] =	stream.indirect.gather [hbm4b:s6+s20], $0x80, s0, s20, $0xb8;
	[tilespmem:$0x1E000] =	vst v63  }
0x5c: {  	_ = 	snop  }
0x5d: {  	[tilespmem:s22], [sflag:$0x2] =	stream.indirect.gather [hbm4b:s6+s20], $0x80, s21, s20, $0xb8;
	[tilespmem:$0x1E000] =	vst v63  }
0x5e: {  	_ =	swait.ge [sflag:s23], $0x3E80  }
0x5f: {  	[sflag:s23] =	ssyncset.done $0x0  }
0x60: {  	s2 =	simm.s32 $0x1000;
	s30 =	simm.s32 $0x4;
	[sflag:s23] =	ssyncadd.s32 $0xFFFFC180  }
0x61: {  	[spmem:s1] =	stream.indirect.scatter.add.f32 [tilespmem:s16], [sflag:$0x4], $0x80, s2, s20, $0xb8;
	[tilespmem:$0x1E000] =	vst v63  }
0x62: {  	_ =	swait.ge [sflag:s30], $0x3E80  }
0x63: {  	[sflag:s30] =	ssyncset.done $0x0  }
0x64: {  	s2 =	simm.s32 $0x100;
	[sflag:s30] =	ssyncadd.s32 $0xFFFFC180  }
0x65: {  	[tilespmem:s16], [sflag:$0x1] =	stream.indirect.gather [hbm4b:s6+s20], $0x80, s2, s20, $0xb8;
	[tilespmem:$0x1E000] =	vst v63  }
0x66: {  	_ =	swait.ge [sflag:s24], $0x3E80  }
0x67: {  	[sflag:s24] =	ssyncset.done $0x0  }
0x68: {  	s2 =	simm.s32 $0x1080;
	[sflag:s24] =	ssyncadd.s32 $0xFFFFC180  }
0x69: {  	[spmem:s1] =	stream.indirect.scatter.add.f32 [tilespmem:s22], [sflag:$0x4], $0x80, s2, s20, $0xb8;
	[tilespmem:$0x1E000] =	vst v63  }
0x6a: {  	_ =	swait.ge [sflag:s30], $0x3E80  }
0x6b: {  	[sflag:s30] =	ssyncset.done $0x0  }
0x6c: {  	s31 =	simm.s32 $0x400;
	s0 =	simm.s32 $0x180;
	[sflag:s30] =	ssyncadd.s32 $0xFFFFC180  }
.LBB2_9:
0x6d: {  	[tilespmem:s22], [sflag:$0x2] =	stream.indirect.gather [hbm4b:s6+s20], $0x80, s0, s20, $0xb8;
	[tilespmem:$0x1E000] =	vst v63  }
0x6e: {  	s0 =	smov.u32 s31  }
0x6f: {  	p1 =	seq.s32 s31, $0x3800;
	s31 =	sadd.s32 $0x400, s31;
	_ =	swait.ge [sflag:s23], $0x3E80  }
0x70: {  	s0 =	sshra.s32 s0, $0x2;
	[sflag:s23] =	ssyncset.done $0x0  }
0x71: {  	s2 =	sadd.s32 $0x1000, s0;
	[sflag:s23] =	ssyncadd.s32 $0xFFFFC180  }
0x72: {  	[spmem:s1] =	stream.indirect.scatter.add.f32 [tilespmem:s16], [sflag:$0x4], $0x80, s2, s20, $0xb8;
	[tilespmem:$0x1E000] =	vst v63  }
0x73: {  	_ =	swait.ge [sflag:s30], $0x3E80  }
0x74: {  	[sflag:s30] =	ssyncset.done $0x0  }
0x75: {  	s2 =	sadd.s32 $0x100, s0;
	[sflag:s30] =	ssyncadd.s32 $0xFFFFC180  }
0x76: {  	[tilespmem:s16], [sflag:$0x1] =	stream.indirect.gather [hbm4b:s6+s20], $0x80, s2, s20, $0xb8;
	[tilespmem:$0x1E000] =	vst v63  }
0x77: {  	_ =	swait.ge [sflag:s24], $0x3E80  }
0x78: {  	[sflag:s24] =	ssyncset.done $0x0  }
.Ltmp6:
0x79: {  	s2 =	sadd.s32 $0x1080, s0;
	[sflag:s24] =	ssyncadd.s32 $0xFFFFC180;
	(pc) =	sbr.rel @!p1 .LBB2_9-.Ltmp6, $4  }
0x7a: {  	[spmem:s1] =	stream.indirect.scatter.add.f32 [tilespmem:s22], [sflag:$0x4], $0x80, s2, s20, $0xb8;
	[tilespmem:$0x1E000] =	vst v63  }
0x7b: {  	_ =	swait.ge [sflag:s30], $0x3E80  }
0x7c: {  	[sflag:s30] =	ssyncset.done $0x0  }
0x7d: {  	s0 =	sadd.s32 $0x180, s0;
	[sflag:s30] =	ssyncadd.s32 $0xFFFFC180  }
.Ltmp7:
0x7e: {  	(pc) =	sbr.rel .LBB2_11-.Ltmp7, $2  }
0x7f: {  	_ =	sdelay $0x2  }
0x80: {  	[tilespmem:s22], [sflag:$0x2] =	stream.indirect.gather [hbm4b:s6+s20], $0x80, s0, s20, $0xb8;
	[tilespmem:$0x1E000] =	vst v63  }
.LBB2_5:
0x81: {  	[tilespmem:s16], [sflag:$0x1] =	stream.indirect.gather [hbm4b:s7+s20], $0x80, s0, s20, $0xb8;
	[tilespmem:$0x1E000] =	vst v63  }
0x82: {  	_ = 	snop  }
0x83: {  	[tilespmem:s22], [sflag:$0x2] =	stream.indirect.gather [hbm4b:s7+s20], $0x80, s21, s20, $0xb8;
	[tilespmem:$0x1E000] =	vst v63  }
0x84: {  	_ =	swait.ge [sflag:s23], $0x3E80  }
0x85: {  	[sflag:s23] =	ssyncset.done $0x0  }
0x86: {  	s31 =	simm.s32 $0x1000;
	[sflag:s23] =	ssyncadd.s32 $0xFFFFC180  }
0x87: {  	[spmem:s1] =	stream.indirect.scatter.add.f32 [tilespmem:s16], [sflag:$0x4], $0x80, s31, s20, $0xb8;
	[tilespmem:$0x1E000] =	vst v63  }
0x88: {  	_ =	swait.ge [sflag:s18], $0x3E80  }
0x89: {  	[sflag:s18] =	ssyncset.done $0x0  }
0x8a: {  	s2 =	simm.s32 $0x100;
	[sflag:s18] =	ssyncadd.s32 $0xFFFFC180  }
0x8b: {  	[tilespmem:s16], [sflag:$0x1] =	stream.indirect.gather [hbm4b:s7+s20], $0x80, s2, s20, $0xb8;
	[tilespmem:$0x1E000] =	vst v63  }
0x8c: {  	_ =	swait.ge [sflag:s24], $0x3E80  }
0x8d: {  	[sflag:s24] =	ssyncset.done $0x0  }
0x8e: {  	s31 =	simm.s32 $0x1080;
	[sflag:s24] =	ssyncadd.s32 $0xFFFFC180  }
0x8f: {  	[spmem:s1] =	stream.indirect.scatter.add.f32 [tilespmem:s22], [sflag:$0x4], $0x80, s31, s20, $0xb8;
	[tilespmem:$0x1E000] =	vst v63  }
0x90: {  	_ =	swait.ge [sflag:s18], $0x3E80  }
0x91: {  	[sflag:s18] =	ssyncset.done $0x0  }
0x92: {  	s30 =	simm.s32 $0x400;
	s0 =	simm.s32 $0x180;
	[sflag:s18] =	ssyncadd.s32 $0xFFFFC180  }
.LBB2_6:
0x93: {  	[tilespmem:s22], [sflag:$0x2] =	stream.indirect.gather [hbm4b:s7+s20], $0x80, s0, s20, $0xb8;
	[tilespmem:$0x1E000] =	vst v63  }
0x94: {  	s0 =	smov.u32 s30  }
0x95: {  	p1 =	sne.s32 s30, $0x3800;
	s30 =	sadd.s32 $0x400, s30;
	_ =	swait.ge [sflag:s23], $0x3E80  }
0x96: {  	s0 =	sshra.s32 s0, $0x2;
	[sflag:s23] =	ssyncset.done $0x0  }
0x97: {  	s2 =	sadd.s32 $0x1000, s0;
	[sflag:s23] =	ssyncadd.s32 $0xFFFFC180  }
0x98: {  	[spmem:s1] =	stream.indirect.scatter.add.f32 [tilespmem:s16], [sflag:$0x4], $0x80, s2, s20, $0xb8;
	[tilespmem:$0x1E000] =	vst v63  }
0x99: {  	_ =	swait.ge [sflag:s18], $0x3E80  }
0x9a: {  	[sflag:s18] =	ssyncset.done $0x0  }
0x9b: {  	s2 =	sadd.s32 $0x100, s0;
	[sflag:s18] =	ssyncadd.s32 $0xFFFFC180  }
0x9c: {  	[tilespmem:s16], [sflag:$0x1] =	stream.indirect.gather [hbm4b:s7+s20], $0x80, s2, s20, $0xb8;
	[tilespmem:$0x1E000] =	vst v63  }
0x9d: {  	_ =	swait.ge [sflag:s24], $0x3E80  }
0x9e: {  	[sflag:s24] =	ssyncset.done $0x0  }
.Ltmp8:
0x9f: {  	s2 =	sadd.s32 $0x1080, s0;
	[sflag:s24] =	ssyncadd.s32 $0xFFFFC180;
	(pc) =	sbr.rel @p1 .LBB2_6-.Ltmp8, $4  }
0xa0: {  	[spmem:s1] =	stream.indirect.scatter.add.f32 [tilespmem:s22], [sflag:$0x4], $0x80, s2, s20, $0xb8;
	[tilespmem:$0x1E000] =	vst v63  }
0xa1: {  	_ =	swait.ge [sflag:s18], $0x3E80  }
0xa2: {  	[sflag:s18] =	ssyncset.done $0x0  }
0xa3: {  	s0 =	sadd.s32 $0x180, s0;
	[sflag:s18] =	ssyncadd.s32 $0xFFFFC180  }
.Ltmp9:
0xa4: {  	_ = 	snop;
	(pc) =	sbr.rel .LBB2_7-.Ltmp9, $1  }
0xa5: {  	_ =	sdelay $0x3  }
.LBB2_13:
0xa6: {  	_ =	sfence.sel $0x180000  }
0xa7: {  	[bflag:$0x0] =	sbarrier.arrive $0xFFFF  }
0xa8: {  	_ =	strace $0x9000004A  }
0xa9: {  	s0 =	stileid.u32;
	[bflag:$0x2] =	sbarrier.arrive $0xFFFF  }
0xaa: {  	p0 =	sne.s32 s0, $0x0;
	s0 =	rddreg [dreg:$0x2]  }
0xab: {  	s0 =	sadd.s32 @!p0 $0x100000, s0  }
0xac: {  	[sflag:s0] =	ssyncadd.tile.s32 @!p0 $0x1;
	_ =	shalt  }
.Lfunc_end2:
_tile_overlayer_lowered:
.L_overlay_start_2:
0xad: {  	(tag) =	ssettag $0x2  }
0xae: {  	s0 =	rddreg [dreg:$0x0];
	s2 =	stileid.u32  }
0xaf: {  	s1 =	rddreg [dreg:$0x1];
	p0 =	sne.s32 s2, $0x0  }
0xb0: {  	s3 =	rddreg [dreg:$0x2];
	[bflag:$0x3] =	sbarrier.arrive $0xFFFF;
	s2 =	simm.s32 @!p0 $0x1C03  }
0xb1: {  	[timem:s3], [sflag:s2] =	dma.local @!p0 [hbm:s0], s1  }
0xb2: {  	s0 =	simm.s32 @!p0 $0x3  }
0xb3: {  	_ =	swait.ge @!p0 [sflag:s0], s1  }
0xb4: {  	s1 =	ssub.s32 @!p0 $0x0, s1;
	[sflag:s0] =	ssyncset.done @!p0 $0x0  }
0xb5: {  	[sflag:s0] =	ssyncadd.s32 @!p0 s1  }
0xb6: {  	[bflag:$0x3] =	sbarrier.arrive $0xFFFF  }
0xb7: {  	_ =	shalt  }

// kernel: kernel.17.cloned.1.call-start
scs
__scs_entry_jumppad:
0x0: {  	(pc) =	sbr.rel $0x88, $3  }
0x1: {  	(tag) =	ssettag $0x0;
	lr =	simm.s32 $0x1  }
0x2: {  	[smem:$0x3F96] =	sst lr;
	_ =	strace $0xD0000000  }
0x3: {  	_ = 	snop  }
0x4: {  	_ = 	snop  }
0x5: {  	_ = 	snop  }
0x6: {  	_ = 	snop  }
0x7: {  	_ = 	snop  }
__scs_overlays_trampoline_lowered:
0x8: {  	[smem:$0x3FA5] =	sst s0  }
0x9: {  	[smem:$0x3FA6] =	sst s1  }
0xa: {  	[smem:$0x3FA7] =	sst s2  }
0xb: {  	[smem:$0x3FA8] =	sst s3  }
0xc: {  	[smem:$0x3FA9] =	sst s4  }
0xd: {  	[smem:$0x3FAA] =	sst s5  }
0xe: {  	[smem:$0x3FAB] =	sst s6  }
0xf: {  	[smem:$0x3FAC] =	sst s7  }
0x10: {  	[smem:$0x3FAD] =	sst s8  }
0x11: {  	[smem:$0x3FAE] =	sst s9;
	s0 =	simm.s32 @!p0 $0x0  }
0x12: {  	s1 =	sld [smem:$0x3F94];
	s0 =	simm.s32 @p0 $0x1  }
0x13: {  	[smem:$0x3FAF] =	sst s0;
	s0 =	simm.s32 @!p1 $0x0  }
0x14: {  	s2 =	sld [smem:$0x3F93];
	s0 =	simm.s32 @p1 $0x1  }
0x15: {  	[smem:$0x3FB0] =	sst s0;
	s0 =	simm.s32 @!p2 $0x0  }
0x16: {  	s3 =	sld [smem:$0x3FDB];
	s0 =	simm.s32 @p2 $0x1  }
0x17: {  	s4 =	simm.s32 $0x1BF5;
	[smem:$0x3FB2] =	sst s0  }
0x18: {  	s0 =	sld [smem:$0x3F95];
	_ =	swait.ge [sflag:s4], $0x0  }
0x19: {  	s7 =	sld [smem:$0x3F96]  }
0x1a: {  	s8 =	sadd.s32 $0xFFFFE003, lr  }
0x1b: {  	s9 =	sadd.s32 $0xFFFFFEF7, lr;
	s5 =	simm.s32 $0xFFFFFFFF;
	p2 =	slt.u32 s8, $0xFFFFF086  }
0x1c: {  	p1 =	slt.u32 s9, $0xF7A;
	s5 =	simm.s32 @!p2 $0x0  }
0x1d: {  	s5 =	simm.s32 @p1 $0x1;
	p0 =	seq.s32 s7, s2  }
0x1e: {  	s7 =	smul.u32 @!p0 $0xF7A, s2;
	p2 =	seq.s32 @!p0 s5, $0x0  }
0x1f: {  	s9 =	smul.u32 $0xF7A, s1;
	s8 =	simm.s32 @!p0 $0x1BF5;
	p2 =	por !p2, p0  }
0x20: {  	[sflag:s8] =	ssyncset.s32 @!p0 $0xFFFFF086;
	s6 =	sadd.s32 @!p0 s3, s7;
	s7 =	simm.s32 @!p0 $0x108  }
0x21: {  	s3 =	sadd.s32 s3, s9;
	s6 =	sadd.s32 @!p0 $0x88, s6;
	s7 =	simm.s32 @p2 $0x1082  }
0x22: {  	[simem:s7], [sflag:s8] =	dma.local @!p0 [hbm:s6], $0xF7A  }
0x23: {  	s9 =	sor.u32 $0xD0000000, s2;
	s6 =	simm.s32 $0x108;
	_ =	swait.ge @!p0 [sflag:s8], $0x0  }
0x24: {  	s3 =	sadd.s32 $0x88, s3;
	s6 =	simm.s32 @!p1 $0x1082;
	[sflag:s4] =	ssyncset.s32 $0xFFFFF086  }
0x25: {  	[simem:s6], [sflag:s4] =	dma.local [hbm:s3], $0xF7A  }
0x26: {  	[smem:$0x3F96] =	sst s1;
	(tag) =	ssettag s2;
	_ =	strace s9  }
0x27: {  	s1 =	sld [smem:$0x3FA6]  }
0x28: {  	s2 =	sld [smem:$0x3FA7]  }
0x29: {  	s4 =	sld [smem:$0x3FA9]  }
0x2a: {  	p0 =	seq.s32 s5, $0x0;
	s5 =	sld [smem:$0x3FAA]  }
0x2b: {  	s6 =	sld [smem:$0x3FAB]  }
0x2c: {  	s7 =	sld [smem:$0x3FAC]  }
0x2d: {  	s3 =	simm.s32 $0x108;
	s8 =	sld [smem:$0x3FAD]  }
0x2e: {  	s3 =	simm.s32 @!p0 $0x1082;
	s9 =	sld [smem:$0x3FAE]  }
0x2f: {  	lr =	sadd.s32 s0, s3;
	s0 =	sld [smem:$0x3FA5]  }
0x30: {  	s3 =	sld [smem:$0x3FA8]  }
0x31: {  	[smem:$0x3FB1] =	sst s10  }
0x32: {  	s10 =	sld [smem:$0x3FAF];
	_ =	sdelay $0x3  }
0x33: {  	p0 =	seq.s32 s10, $0x1;
	s10 =	sld [smem:$0x3FB1];
	_ =	sdelay $0x3  }
0x34: {  	[smem:$0x3FB1] =	sst s10  }
0x35: {  	s10 =	sld [smem:$0x3FB0];
	_ =	sdelay $0x3  }
0x36: {  	p1 =	seq.s32 s10, $0x1;
	s10 =	sld [smem:$0x3FB1];
	_ =	sdelay $0x3  }
0x37: {  	[smem:$0x3FB1] =	sst s10  }
0x38: {  	s10 =	sld [smem:$0x3FB2]  }
0x39: {  	_ = 	snop;
	(pc) =	sbr.ind lr, $3  }
0x3a: {  	_ = 	snop  }
0x3b: {  	_ = 	snop  }
0x3c: {  	p2 =	seq.s32 s10, $0x1;
	s10 =	sld [smem:$0x3FB1]  }
0x3d: {  	_ =	shalt  }
0x3e: {  	_ =	shalt  }
0x3f: {  	_ =	shalt  }
0x40: {  	_ =	shalt  }
0x41: {  	_ =	shalt  }
0x42: {  	_ =	shalt  }
0x43: {  	_ =	shalt  }
0x44: {  	_ =	shalt  }
0x45: {  	_ =	shalt  }
0x46: {  	_ =	shalt  }
0x47: {  	_ =	shalt  }
0x48: {  	_ =	shalt  }
0x49: {  	_ =	shalt  }
0x4a: {  	_ =	shalt  }
0x4b: {  	_ =	shalt  }
0x4c: {  	_ =	shalt  }
0x4d: {  	_ =	shalt  }
0x4e: {  	_ =	shalt  }
0x4f: {  	_ =	shalt  }
0x50: {  	_ =	shalt  }
0x51: {  	_ =	shalt  }
0x52: {  	_ =	shalt  }
0x53: {  	_ =	shalt  }
0x54: {  	_ =	shalt  }
0x55: {  	_ =	shalt  }
0x56: {  	_ =	shalt  }
0x57: {  	_ =	shalt  }
0x58: {  	_ =	shalt  }
0x59: {  	_ =	shalt  }
0x5a: {  	_ =	shalt  }
0x5b: {  	_ =	shalt  }
0x5c: {  	_ =	shalt  }
0x5d: {  	_ =	shalt  }
0x5e: {  	_ =	shalt  }
0x5f: {  	_ =	shalt  }
0x60: {  	_ =	shalt  }
0x61: {  	_ =	shalt  }
0x62: {  	_ =	shalt  }
0x63: {  	_ =	shalt  }
0x64: {  	_ =	shalt  }
0x65: {  	_ =	shalt  }
0x66: {  	_ =	shalt  }
0x67: {  	_ =	shalt  }
0x68: {  	_ =	shalt  }
0x69: {  	_ =	shalt  }
0x6a: {  	_ =	shalt  }
0x6b: {  	_ =	shalt  }
0x6c: {  	_ =	shalt  }
0x6d: {  	_ =	shalt  }
0x6e: {  	_ =	shalt  }
0x6f: {  	_ =	shalt  }
0x70: {  	_ =	shalt  }
0x71: {  	_ =	shalt  }
0x72: {  	_ =	shalt  }
0x73: {  	_ =	shalt  }
0x74: {  	_ =	shalt  }
0x75: {  	_ =	shalt  }
0x76: {  	_ =	shalt  }
0x77: {  	_ =	shalt  }
0x78: {  	_ =	shalt  }
0x79: {  	_ =	shalt  }
0x7a: {  	_ =	shalt  }
0x7b: {  	_ =	shalt  }
0x7c: {  	_ =	shalt  }
0x7d: {  	_ =	shalt  }
0x7e: {  	_ =	shalt  }
0x7f: {  	_ =	shalt  }
0x80: {  	_ =	shalt  }
0x81: {  	_ =	shalt  }
0x82: {  	_ =	shalt  }
0x83: {  	_ =	shalt  }
0x84: {  	_ =	shalt  }
0x85: {  	_ =	shalt  }
0x86: {  	_ =	shalt  }
0x87: {  	_ =	shalt  }
.Lfunc_end0:
.L_simem_size_0:
called_computation.2_lowered:
.L_overlay_start_0:
0x88: {  	s2 =	sld [smem:$0x3FD9]  }
0x89: {  	s3 =	sld [smem:$0x3FFE];
	_ =	sdelay $0x1  }
0x8a: {  	s1 =	srdreg.scid  }
0x8b: {  	s0 =	sand.u32 $0x1, s1  }
0x8c: {  	s16 =	sshll.u32 s0, $0xA;
	s2 =	sadd.s32 s3, s2  }
0x8d: {  	s2 =	sadd.s32 s2, s16  }
0x8e: {  	[smem:$0x3FBD] =	sst s2  }
0x8f: {  	_ = 	snop  }
0x90: {  	(tm) =	ssettm $0x1  }
0x91: {  	s17 =	sld [smem:$0x3FFB];
	_ =	sdelay $0x3  }
0x92: {  	_ =	strace s17  }
0x93: {  	s2 =	sld [smem:$0x3FFC];
	_ =	sdelay $0x3  }
0x94: {  	_ =	strace s2  }
0x95: {  	s2 =	sld [smem:$0x3FFD];
	_ =	sdelay $0x3  }
0x96: {  	_ =	strace s2  }
0x97: {  	_ =	strace $0x8FFFFFFF  }
0x98: {  	s18 =	sld [smem:$0x3FDB];
	_ =	sdelay $0x1  }
0x99: {  	s19 =	simm.s32 $_scs_section_size  }
0x9a: {  	s4 =	simm.s32 $_size__tile_overlayer_lowered;
	s5 =	simm.s32 $_tile_overlayer_lowered  }
0x9b: {  	s22 =	simm.s32 $0x1BFF;
	s21 =	sshll.u32 s5, $0x1;
	s2 =	sadd.s32 s19, s18  }
0x9c: {  	s6 =	simm.s32 $0x0;
	s20 =	sshll.u32 s4, $0x1;
	s4 =	sadd.s32 s21, s2  }
0x9d: {  	[timem:s6], [sflag:s22] =	dma.local [hbm:s4], s20  }
0x9e: {  	_ =	swait.ge [sflag:s22], s20  }
0x9f: {  	s3 =	ssub.s32 $0x0, s20;
	[sflag:s22] =	ssyncset.done $0x0  }
0xa0: {  	[sflag:s22] =	ssyncadd.s32 s3;
	_ =	sdelay $0x1  }
0xa1: {  	s23 =	simm.s32 $0x1B8B  }
0xa2: {  	_ =	swait.ge [sflag:s23], $0x1  }
0xa3: {  	[sflag:s23] =	ssyncset.done $0x0  }
0xa4: {  	s25 =	simm.s32 $0x1B8E;
	s24 =	sld [smem:$0x3FFE];
	[sflag:s23] =	ssyncadd.s32 $0xFFFFFFFF  }
0xa5: {  	s26 =	simm.s32 $execute0_lowered;
	[smem:$0x3FD2] =	sst s25  }
0xa6: {  	s4 =	sshll.u32 s26, $0x1;
	_ =	strace $0x8000004C;
	[dreg:$0x1] =	wrdreg $0xFFFFFFFF  }
0xa7: {  	s28 =	simm.s32 $_size_execute0_lowered;
	s2 =	sadd.s32 s2, s4;
	[dreg:$0x0] =	wrdreg $0x0  }
0xa8: {  	s4 =	sshll.u32 s28, $0x1;
	[dreg:$0x2] =	wrdreg s2  }
0xa9: {  	[dreg:$0x3] =	wrdreg s4  }
0xaa: {  	[dreg:$0x4] =	wrdreg $0xC0  }
0xab: {  	_ =	task [dreg:s6], $0x5FFFF  }
0xac: {  	[dreg:$0x1] =	wrdreg $0xFFFFFFFF  }
0xad: {  	[dreg:$0x0] =	wrdreg $0x60  }
0xae: {  	[dreg:$0x2] =	wrdreg s24  }
0xaf: {  	[dreg:$0x3] =	wrdreg $0xA0000  }
0xb0: {  	[dreg:$0x4] =	wrdreg $0x9  }
0xb1: {  	_ =	task.clear_ibuf [dreg:s6], $0x5FFFF;
	_ =	strace $0x9000004C  }
0xb2: {  	s29 =	simm.s32 $0x9;
	_ =	strace $0x8000004E  }
0xb3: {  	_ =	swait.ge [sflag:s29], $0x1  }
0xb4: {  	[sflag:s29] =	ssyncadd.s32 $0xFFFFFFFF  }
0xb5: {  	_ =	strace $0x9000004E  }
0xb6: {  	_ =	sfence  }
0xb7: {  	s30 =	sld [smem:$0x0];
	_ =	sdelay $0x2  }
0xb8: {  	s31 =	sshll.u32 s1, $0xD;
	s1 =	sshrl.u32 s1, $0x2  }
0xb9: {  	s3 =	sand.u32 $0x4000, s31;
	s1 =	sadd.s32 s1, s30  }
0xba: {  	s0 =	sor.u32 s3, s0;
	s1 =	sshll.u32 s1, $0x11  }
0xbb: {  	s0 =	sor.u32 s1, s0  }
0xbc: {  	s0 =	sadd.s32 $0x8F2B, s0  }
0xbd: {  	[sflag:s0] =	ssyncadd.remote.s32 $0x1  }
0xbe: {  	_ =	sfence.sel $0xFFFF  }
0xbf: {  	[dreg:$0x0] =	wrdreg $0xFFFFFFFF;
	(pc) =	sbr.abs _section_cstart, $3  }
0xc0: {  	[dreg:$0x1] =	wrdreg $0xFFFFFFFF  }
0xc1: {  	_ =	task.clear_ibuf [dreg:s6], $0x2FFFF;
	_ =	strace $0x9FFFFFFF  }
0xc2: {  	(tm) =	ssettm $0x7FFFFFFF  }
0xc3: {  	_ =	shalt  }
tec
execute0_lowered:
.L_overlay_start_1:
0x0: {  	(tag) =	ssettag $0x1  }
0x1: {  	s0 =	rddreg [dreg:$0x0]  }
0x2: {  	s1 =	rddreg [dreg:$0x1]  }
0x3: {  	s3 =	simm.s32 $0x0;
	s5 =	srdreg.scid;
	s2 =	stileid.u32  }
0x4: {  	s14 =	simm.s32 $0xE2600;
	s16 =	simm.s32 $0x2000;
	s17 =	simm.s32 $0x3  }
0x5: {  	s19 =	simm.s32 $0x1000;
	s20 =	simm.s32 $0x7D;
	s21 =	simm.s32 $0x80  }
0x6: {  	s22 =	simm.s32 $0x6000;
	s23 =	simm.s32 $0x1;
	s24 =	simm.s32 $0x2  }
0x7: {  	s25 =	simm.s32 $0x1F00;
	s26 =	simm.s32 $0x1F80;
	s28 =	simm.s32 $0x0  }
0x8: {  	[smem:$0x7FF] =	sst s3;
	s4 =	sadd.s32 $0x88600, s0;
	s18 =	sand.u32 $0x1, s5  }
0x9: {  	s8 =	smul.u32 $0x50000, s2;
	s5 =	sadd.s32 $0x6600, s0;
	s6 =	sadd.s32 $0x10600, s0  }
0xa: {  	s7 =	sadd.s32 $0x92600, s0;
	s15 =	smul.u32 $0x2800, s2;
	s9 =	ssub.s32 $0x2, s18  }
0xb: {  	_ =	strace $0x8000004D;
	p0 =	seq.s32 s18, $0x1;
	s10 =	sshrl.u32 s9, $0x1  }
.Ltmp0:
0xc: {  	s8 =	sshrl.u32 s8, $0x2;
	s14 =	simm.s32 @!p0 $0xBA600;
	(pc) =	sbr.rel .LBB2_1-.Ltmp0, $4  }
0xd: {  	p0 =	seq.s32 s18, $0x0;
	s18 =	simm.s32 $0x4;
	s10 =	ssub.s32 s9, s10  }
0xe: {  	s8 =	sadd.s32 s8, s1;
	s9 =	smul.u32 $0x5000, s2;
	s0 =	sadd.s32 s14, s0  }
0xf: {  	s10 =	smax.u32 s10, $0x1;
	s11 =	sadd.s32 $0x4000, s8;
	s12 =	sadd.s32 $0x8000, s8  }
0x10: {  	v0 =	vimm.f32 $0.0e+00;
	s13 =	sadd.s32 $0xC000, s8;
	s14 =	sadd.s32 $0x10000, s8;
	s15 =	sadd.s32 s0, s15  }
.LBB2_12:
0x11: {  	s0 =	stileid.u32;
	s28 =	sadd.s32 $0x1, s28  }
0x12: {  	[bflag:$0x0] =	sbarrier.arrive $0xFFFF;
	s0 =	sshll.u32 s0, $0x6;
	p1 =	sne.s32 s28, s10  }
.Ltmp1:
0x13: {  	s2 =	sshrl.u32 s8, $0x3;
	s0 =	sor.u32 $0x1C03, s0;
	(pc) =	sbr.rel @!p1 .LBB2_13-.Ltmp1, $4  }
0x14: {  	[hbm:s15], [sflag:s0] =	dma.local [spmem:s2], $0x2800  }
0x15: {  	_ =	swait.ge [sflag:s17], $0x2800  }
0x16: {  	[sflag:s17] =	ssyncset.done $0x0  }
0x17: {  	[sflag:s17] =	ssyncadd.s32 $0xFFFFD800  }
.LBB2_1:
0x18: {  	s29 =	simm.s32 $0x0;
	s30 =	simm.s32 $0x200  }
.LBB2_2:
0x19: {  	p1 =	sne.s32 s30, $0xFE00;
	[tilespmem:s29+$0x2070] =	vst v0  }
0x1a: {  	[tilespmem:s29+$0x2000] =	vst v0  }
0x1b: {  	[tilespmem:s29+$0x2010] =	vst v0  }
.Ltmp2:
0x1c: {  	[tilespmem:s29+$0x2020] =	vst v0;
	(pc) =	sbr.rel @p1 .LBB2_2-.Ltmp2, $4  }
0x1d: {  	[tilespmem:s29+$0x2030] =	vst v0  }
0x1e: {  	[tilespmem:s29+$0x2040] =	vst v0  }
0x1f: {  	[tilespmem:s29+$0x2050] =	vst v0  }
0x20: {  	[tilespmem:s29+$0x2060] =	vst v0;
	s29 =	sshra.s32 s30, $0x2;
	s30 =	sadd.s32 $0x200, s30  }
0x21: {  	[tilespmem:s29+$0x2070] =	vst v0  }
0x22: {  	[tilespmem:s29+$0x2000] =	vst v0  }
0x23: {  	[tilespmem:s29+$0x2010] =	vst v0  }
0x24: {  	[tilespmem:s29+$0x2020] =	vst v0  }
0x25: {  	[tilespmem:s29+$0x2030] =	vst v0  }
0x26: {  	[tilespmem:s29+$0x2040] =	vst v0  }
0x27: {  	[tilespmem:s29+$0x2050] =	vst v0  }
0x28: {  	[tilespmem:s29+$0x2060] =	vst v0  }
0x29: {  	[spmem:s8] =	stream.linear.scatter [tilespmem:s16], [sflag:$0x3], $0x4000, $0x38;
	[tilespmem:$0x1E000] =	vst v63  }
0x2a: {  	_ =	swait.ge [sflag:s17], $0x4000  }
0x2b: {  	[sflag:s17] =	ssyncset.done $0x0  }
0x2c: {  	[sflag:s17] =	ssyncadd.s32 $0xFFFFC000  }
0x2d: {  	[spmem:s11] =	stream.linear.scatter [tilespmem:s16], [sflag:$0x3], $0x4000, $0x38;
	[tilespmem:$0x1E000] =	vst v63  }
0x2e: {  	_ =	swait.ge [sflag:s17], $0x4000  }
0x2f: {  	[sflag:s17] =	ssyncset.done $0x0  }
0x30: {  	[sflag:s17] =	ssyncadd.s32 $0xFFFFC000  }
0x31: {  	[spmem:s12] =	stream.linear.scatter [tilespmem:s16], [sflag:$0x3], $0x4000, $0x38;
	[tilespmem:$0x1E000] =	vst v63  }
0x32: {  	_ =	swait.ge [sflag:s17], $0x4000  }
0x33: {  	[sflag:s17] =	ssyncset.done $0x0  }
0x34: {  	[sflag:s17] =	ssyncadd.s32 $0xFFFFC000  }
0x35: {  	[spmem:s13] =	stream.linear.scatter [tilespmem:s16], [sflag:$0x3], $0x4000, $0x38;
	[tilespmem:$0x1E000] =	vst v63  }
0x36: {  	_ =	swait.ge [sflag:s17], $0x4000  }
0x37: {  	[sflag:s17] =	ssyncset.done $0x0  }
0x38: {  	[sflag:s17] =	ssyncadd.s32 $0xFFFFC000  }
0x39: {  	[spmem:s14] =	stream.linear.scatter [tilespmem:s16], [sflag:$0x3], $0x4000, $0x38;
	[tilespmem:$0x1E000] =	vst v63  }
.Ltmp3:
0x3a: {  	_ =	swait.ge [sflag:s17], $0x4000;
	(pc) =	sbr.rel .LBB2_4-.Ltmp3, $4  }
0x3b: {  	[sflag:s17] =	ssyncset.done $0x0  }
0x3c: {  	[sflag:s17] =	ssyncadd.s32 $0xFFFFC000  }
0x3d: {  	[bflag:$0x0] =	sbarrier.arrive $0xFFFF  }
0x3e: {  	s29 =	simm.s32 $0x0  }
.LBB2_7:
0x3f: {  	[tilespmem:s22], [sflag:$0x2] =	stream.indirect.gather [hbm4b:s7+s20], $0x80, s0, s20, $0xb8;
	[tilespmem:$0x1E000] =	vst v63  }
0x40: {  	s30 =	simm.s32 $0x3  }
.LBB2_11:
0x41: {  	_ =	swait.ge [sflag:s23], $0x3E80  }
0x42: {  	[sflag:s23] =	ssyncset.done $0x0  }
0x43: {  	[sflag:s23] =	ssyncadd.s32 $0xFFFFC180  }
0x44: {  	[spmem:s1] =	stream.indirect.scatter.add.f32 [tilespmem:s16], [sflag:$0x4], $0x80, s25, s20, $0xb8;
	[tilespmem:$0x1E000] =	vst v63  }
0x45: {  	_ =	swait.ge [sflag:s18], $0x3E80  }
0x46: {  	[sflag:s18] =	ssyncset.done $0x0  }
0x47: {  	[sflag:s18] =	ssyncadd.s32 $0xFFFFC180  }
0x48: {  	s29 =	sadd.s32 $0x1, s29;
	_ =	swait.ge [sflag:s24], $0x3E80  }
0x49: {  	p1 =	sne.s32 s29, $0x5;
	[sflag:s24] =	ssyncset.done $0x0  }
.Ltmp4:
0x4a: {  	[sflag:s24] =	ssyncadd.s32 $0xFFFFC180;
	(pc) =	sbr.rel @!p1 .LBB2_12-.Ltmp4, $4  }
0x4b: {  	[spmem:s1] =	stream.indirect.scatter.add.f32 [tilespmem:s22], [sflag:s30], $0x80, s26, s20, $0xb8;
	[tilespmem:$0x1E000] =	vst v63  }
0x4c: {  	_ =	swait.ge [sflag:s30], $0x3E80  }
0x4d: {  	[sflag:s30] =	ssyncset.done $0x0  }
0x4e: {  	[sflag:s30] =	ssyncadd.s32 $0xFFFFC180  }
.LBB2_4:
0x4f: {  	s0 =	sshll.u32 s29, $0xC  }
0x50: {  	s0 =	sadd.s32 s9, s0  }
0x51: {  	s0 =	sshrl.u32 s0, $0x3  }
0x52: {  	s30 =	sadd.s32 s4, s0  }
0x53: {  	[tilespmem:s3], [sflag:$0x4] =	stream.linear.gather [hbm4b:s30+s3], $0x1000, $0x38;
	[tilespmem:$0x1E000] =	vst v63  }
0x54: {  	_ =	swait.ge [sflag:s18], $0x1000  }
0x55: {  	[sflag:s18] =	ssyncset.done $0x0  }
.Ltmp5:
0x56: {  	s0 =	sadd.s32 s5, s0;
	[sflag:s18] =	ssyncadd.s32 $0xFFFFF000;
	(pc) =	sbr.rel @!p0 .LBB2_5-.Ltmp5, $4  }
0x57: {  	[tilespmem:s19], [sflag:$0x4] =	stream.linear.gather [hbm4b:s0+s3], $0x1000, $0x38;
	[tilespmem:$0x1E000] =	vst v63  }
0x58: {  	_ =	swait.ge [sflag:s18], $0x1000  }
0x59: {  	[sflag:s18] =	ssyncset.done $0x0  }
0x5a: {  	s0 =	simm.s32 $0x0;
	[sflag:s18] =	ssyncadd.s32 $0xFFFFF000  }
0x5b: {  	[tilespmem:s16], [sflag:$0x1] =	stream.indirect.gather [hbm4b:s6+s20], $0x80, s0, s20, $0xb8;
	[tilespmem:$0x1E000] =	vst v63  }
0x5c: {  	_ = 	snop  }
0x5d: {  	[tilespmem:s22], [sflag:$0x2] =	stream.indirect.gather [hbm4b:s6+s20], $0x80, s21, s20, $0xb8;
	[tilespmem:$0x1E000] =	vst v63  }
0x5e: {  	_ =	swait.ge [sflag:s23], $0x3E80  }
0x5f: {  	[sflag:s23] =	ssyncset.done $0x0  }
0x60: {  	s2 =	simm.s32 $0x1000;
	s30 =	simm.s32 $0x4;
	[sflag:s23] =	ssyncadd.s32 $0xFFFFC180  }
0x61: {  	[spmem:s1] =	stream.indirect.scatter.add.f32 [tilespmem:s16], [sflag:$0x4], $0x80, s2, s20, $0xb8;
	[tilespmem:$0x1E000] =	vst v63  }
0x62: {  	_ =	swait.ge [sflag:s30], $0x3E80  }
0x63: {  	[sflag:s30] =	ssyncset.done $0x0  }
0x64: {  	s2 =	simm.s32 $0x100;
	[sflag:s30] =	ssyncadd.s32 $0xFFFFC180  }
0x65: {  	[tilespmem:s16], [sflag:$0x1] =	stream.indirect.gather [hbm4b:s6+s20], $0x80, s2, s20, $0xb8;
	[tilespmem:$0x1E000] =	vst v63  }
0x66: {  	_ =	swait.ge [sflag:s24], $0x3E80  }
0x67: {  	[sflag:s24] =	ssyncset.done $0x0  }
0x68: {  	s2 =	simm.s32 $0x1080;
	[sflag:s24] =	ssyncadd.s32 $0xFFFFC180  }
0x69: {  	[spmem:s1] =	stream.indirect.scatter.add.f32 [tilespmem:s22], [sflag:$0x4], $0x80, s2, s20, $0xb8;
	[tilespmem:$0x1E000] =	vst v63  }
0x6a: {  	_ =	swait.ge [sflag:s30], $0x3E80  }
0x6b: {  	[sflag:s30] =	ssyncset.done $0x0  }
0x6c: {  	s31 =	simm.s32 $0x400;
	s0 =	simm.s32 $0x180;
	[sflag:s30] =	ssyncadd.s32 $0xFFFFC180  }
.LBB2_9:
0x6d: {  	[tilespmem:s22], [sflag:$0x2] =	stream.indirect.gather [hbm4b:s6+s20], $0x80, s0, s20, $0xb8;
	[tilespmem:$0x1E000] =	vst v63  }
0x6e: {  	s0 =	smov.u32 s31  }
0x6f: {  	p1 =	seq.s32 s31, $0x3800;
	s31 =	sadd.s32 $0x400, s31;
	_ =	swait.ge [sflag:s23], $0x3E80  }
0x70: {  	s0 =	sshra.s32 s0, $0x2;
	[sflag:s23] =	ssyncset.done $0x0  }
0x71: {  	s2 =	sadd.s32 $0x1000, s0;
	[sflag:s23] =	ssyncadd.s32 $0xFFFFC180  }
0x72: {  	[spmem:s1] =	stream.indirect.scatter.add.f32 [tilespmem:s16], [sflag:$0x4], $0x80, s2, s20, $0xb8;
	[tilespmem:$0x1E000] =	vst v63  }
0x73: {  	_ =	swait.ge [sflag:s30], $0x3E80  }
0x74: {  	[sflag:s30] =	ssyncset.done $0x0  }
0x75: {  	s2 =	sadd.s32 $0x100, s0;
	[sflag:s30] =	ssyncadd.s32 $0xFFFFC180  }
0x76: {  	[tilespmem:s16], [sflag:$0x1] =	stream.indirect.gather [hbm4b:s6+s20], $0x80, s2, s20, $0xb8;
	[tilespmem:$0x1E000] =	vst v63  }
0x77: {  	_ =	swait.ge [sflag:s24], $0x3E80  }
0x78: {  	[sflag:s24] =	ssyncset.done $0x0  }
.Ltmp6:
0x79: {  	s2 =	sadd.s32 $0x1080, s0;
	[sflag:s24] =	ssyncadd.s32 $0xFFFFC180;
	(pc) =	sbr.rel @!p1 .LBB2_9-.Ltmp6, $4  }
0x7a: {  	[spmem:s1] =	stream.indirect.scatter.add.f32 [tilespmem:s22], [sflag:$0x4], $0x80, s2, s20, $0xb8;
	[tilespmem:$0x1E000] =	vst v63  }
0x7b: {  	_ =	swait.ge [sflag:s30], $0x3E80  }
0x7c: {  	[sflag:s30] =	ssyncset.done $0x0  }
0x7d: {  	s0 =	sadd.s32 $0x180, s0;
	[sflag:s30] =	ssyncadd.s32 $0xFFFFC180  }
.Ltmp7:
0x7e: {  	(pc) =	sbr.rel .LBB2_11-.Ltmp7, $2  }
0x7f: {  	_ =	sdelay $0x2  }
0x80: {  	[tilespmem:s22], [sflag:$0x2] =	stream.indirect.gather [hbm4b:s6+s20], $0x80, s0, s20, $0xb8;
	[tilespmem:$0x1E000] =	vst v63  }
.LBB2_5:
0x81: {  	[tilespmem:s16], [sflag:$0x1] =	stream.indirect.gather [hbm4b:s7+s20], $0x80, s0, s20, $0xb8;
	[tilespmem:$0x1E000] =	vst v63  }
0x82: {  	_ = 	snop  }
0x83: {  	[tilespmem:s22], [sflag:$0x2] =	stream.indirect.gather [hbm4b:s7+s20], $0x80, s21, s20, $0xb8;
	[tilespmem:$0x1E000] =	vst v63  }
0x84: {  	_ =	swait.ge [sflag:s23], $0x3E80  }
0x85: {  	[sflag:s23] =	ssyncset.done $0x0  }
0x86: {  	s31 =	simm.s32 $0x1000;
	[sflag:s23] =	ssyncadd.s32 $0xFFFFC180  }
0x87: {  	[spmem:s1] =	stream.indirect.scatter.add.f32 [tilespmem:s16], [sflag:$0x4], $0x80, s31, s20, $0xb8;
	[tilespmem:$0x1E000] =	vst v63  }
0x88: {  	_ =	swait.ge [sflag:s18], $0x3E80  }
0x89: {  	[sflag:s18] =	ssyncset.done $0x0  }
0x8a: {  	s2 =	simm.s32 $0x100;
	[sflag:s18] =	ssyncadd.s32 $0xFFFFC180  }
0x8b: {  	[tilespmem:s16], [sflag:$0x1] =	stream.indirect.gather [hbm4b:s7+s20], $0x80, s2, s20, $0xb8;
	[tilespmem:$0x1E000] =	vst v63  }
0x8c: {  	_ =	swait.ge [sflag:s24], $0x3E80  }
0x8d: {  	[sflag:s24] =	ssyncset.done $0x0  }
0x8e: {  	s31 =	simm.s32 $0x1080;
	[sflag:s24] =	ssyncadd.s32 $0xFFFFC180  }
0x8f: {  	[spmem:s1] =	stream.indirect.scatter.add.f32 [tilespmem:s22], [sflag:$0x4], $0x80, s31, s20, $0xb8;
	[tilespmem:$0x1E000] =	vst v63  }
0x90: {  	_ =	swait.ge [sflag:s18], $0x3E80  }
0x91: {  	[sflag:s18] =	ssyncset.done $0x0  }
0x92: {  	s30 =	simm.s32 $0x400;
	s0 =	simm.s32 $0x180;
	[sflag:s18] =	ssyncadd.s32 $0xFFFFC180  }
.LBB2_6:
0x93: {  	[tilespmem:s22], [sflag:$0x2] =	stream.indirect.gather [hbm4b:s7+s20], $0x80, s0, s20, $0xb8;
	[tilespmem:$0x1E000] =	vst v63  }
0x94: {  	s0 =	smov.u32 s30  }
0x95: {  	p1 =	sne.s32 s30, $0x3800;
	s30 =	sadd.s32 $0x400, s30;
	_ =	swait.ge [sflag:s23], $0x3E80  }
0x96: {  	s0 =	sshra.s32 s0, $0x2;
	[sflag:s23] =	ssyncset.done $0x0  }
0x97: {  	s2 =	sadd.s32 $0x1000, s0;
	[sflag:s23] =	ssyncadd.s32 $0xFFFFC180  }
0x98: {  	[spmem:s1] =	stream.indirect.scatter.add.f32 [tilespmem:s16], [sflag:$0x4], $0x80, s2, s20, $0xb8;
	[tilespmem:$0x1E000] =	vst v63  }
0x99: {  	_ =	swait.ge [sflag:s18], $0x3E80  }
0x9a: {  	[sflag:s18] =	ssyncset.done $0x0  }
0x9b: {  	s2 =	sadd.s32 $0x100, s0;
	[sflag:s18] =	ssyncadd.s32 $0xFFFFC180  }
0x9c: {  	[tilespmem:s16], [sflag:$0x1] =	stream.indirect.gather [hbm4b:s7+s20], $0x80, s2, s20, $0xb8;
	[tilespmem:$0x1E000] =	vst v63  }
0x9d: {  	_ =	swait.ge [sflag:s24], $0x3E80  }
0x9e: {  	[sflag:s24] =	ssyncset.done $0x0  }
.Ltmp8:
0x9f: {  	s2 =	sadd.s32 $0x1080, s0;
	[sflag:s24] =	ssyncadd.s32 $0xFFFFC180;
	(pc) =	sbr.rel @p1 .LBB2_6-.Ltmp8, $4  }
0xa0: {  	[spmem:s1] =	stream.indirect.scatter.add.f32 [tilespmem:s22], [sflag:$0x4], $0x80, s2, s20, $0xb8;
	[tilespmem:$0x1E000] =	vst v63  }
0xa1: {  	_ =	swait.ge [sflag:s18], $0x3E80  }
0xa2: {  	[sflag:s18] =	ssyncset.done $0x0  }
0xa3: {  	s0 =	sadd.s32 $0x180, s0;
	[sflag:s18] =	ssyncadd.s32 $0xFFFFC180  }
.Ltmp9:
0xa4: {  	_ = 	snop;
	(pc) =	sbr.rel .LBB2_7-.Ltmp9, $1  }
0xa5: {  	_ =	sdelay $0x3  }
.LBB2_13:
0xa6: {  	_ =	sfence.sel $0x180000  }
0xa7: {  	[bflag:$0x0] =	sbarrier.arrive $0xFFFF  }
0xa8: {  	_ =	strace $0x9000004D  }
0xa9: {  	s0 =	stileid.u32;
	[bflag:$0x2] =	sbarrier.arrive $0xFFFF  }
0xaa: {  	p0 =	sne.s32 s0, $0x0;
	s0 =	rddreg [dreg:$0x2]  }
0xab: {  	s0 =	sadd.s32 @!p0 $0x100000, s0  }
0xac: {  	[sflag:s0] =	ssyncadd.tile.s32 @!p0 $0x1;
	_ =	shalt  }
.Lfunc_end2:
_tile_overlayer_lowered:
.L_overlay_start_2:
0xad: {  	(tag) =	ssettag $0x2  }
0xae: {  	s0 =	rddreg [dreg:$0x0];
	s2 =	stileid.u32  }
0xaf: {  	s1 =	rddreg [dreg:$0x1];
	p0 =	sne.s32 s2, $0x0  }
0xb0: {  	s3 =	rddreg [dreg:$0x2];
	[bflag:$0x3] =	sbarrier.arrive $0xFFFF;
	s2 =	simm.s32 @!p0 $0x1C03  }
0xb1: {  	[timem:s3], [sflag:s2] =	dma.local @!p0 [hbm:s0], s1  }
0xb2: {  	s0 =	simm.s32 @!p0 $0x3  }
0xb3: {  	_ =	swait.ge @!p0 [sflag:s0], s1  }
0xb4: {  	s1 =	ssub.s32 @!p0 $0x0, s1;
	[sflag:s0] =	ssyncset.done @!p0 $0x0  }
0xb5: {  	[sflag:s0] =	ssyncadd.s32 @!p0 s1  }
0xb6: {  	[bflag:$0x3] =	sbarrier.arrive $0xFFFF  }
0xb7: {  	_ =	shalt  }

// kernel: kernel.20.cloned.1.call-start
scs
__scs_entry_jumppad:
0x0: {  	(pc) =	sbr.rel $0x88, $3  }
0x1: {  	(tag) =	ssettag $0x0;
	lr =	simm.s32 $0x1  }
0x2: {  	[smem:$0x3F96] =	sst lr;
	_ =	strace $0xD0000000  }
0x3: {  	_ = 	snop  }
0x4: {  	_ = 	snop  }
0x5: {  	_ = 	snop  }
0x6: {  	_ = 	snop  }
0x7: {  	_ = 	snop  }
__scs_overlays_trampoline_lowered:
0x8: {  	[smem:$0x3FA5] =	sst s0  }
0x9: {  	[smem:$0x3FA6] =	sst s1  }
0xa: {  	[smem:$0x3FA7] =	sst s2  }
0xb: {  	[smem:$0x3FA8] =	sst s3  }
0xc: {  	[smem:$0x3FA9] =	sst s4  }
0xd: {  	[smem:$0x3FAA] =	sst s5  }
0xe: {  	[smem:$0x3FAB] =	sst s6  }
0xf: {  	[smem:$0x3FAC] =	sst s7  }
0x10: {  	[smem:$0x3FAD] =	sst s8  }
0x11: {  	[smem:$0x3FAE] =	sst s9;
	s0 =	simm.s32 @!p0 $0x0  }
0x12: {  	s1 =	sld [smem:$0x3F94];
	s0 =	simm.s32 @p0 $0x1  }
0x13: {  	[smem:$0x3FAF] =	sst s0;
	s0 =	simm.s32 @!p1 $0x0  }
0x14: {  	s2 =	sld [smem:$0x3F93];
	s0 =	simm.s32 @p1 $0x1  }
0x15: {  	[smem:$0x3FB0] =	sst s0;
	s0 =	simm.s32 @!p2 $0x0  }
0x16: {  	s3 =	sld [smem:$0x3FDB];
	s0 =	simm.s32 @p2 $0x1  }
0x17: {  	s4 =	simm.s32 $0x1BF5;
	[smem:$0x3FB2] =	sst s0  }
0x18: {  	s0 =	sld [smem:$0x3F95];
	_ =	swait.ge [sflag:s4], $0x0  }
0x19: {  	s7 =	sld [smem:$0x3F96]  }
0x1a: {  	s8 =	sadd.s32 $0xFFFFE003, lr  }
0x1b: {  	s9 =	sadd.s32 $0xFFFFFEF7, lr;
	s5 =	simm.s32 $0xFFFFFFFF;
	p2 =	slt.u32 s8, $0xFFFFF086  }
0x1c: {  	p1 =	slt.u32 s9, $0xF7A;
	s5 =	simm.s32 @!p2 $0x0  }
0x1d: {  	s5 =	simm.s32 @p1 $0x1;
	p0 =	seq.s32 s7, s2  }
0x1e: {  	s7 =	smul.u32 @!p0 $0xF7A, s2;
	p2 =	seq.s32 @!p0 s5, $0x0  }
0x1f: {  	s9 =	smul.u32 $0xF7A, s1;
	s8 =	simm.s32 @!p0 $0x1BF5;
	p2 =	por !p2, p0  }
0x20: {  	[sflag:s8] =	ssyncset.s32 @!p0 $0xFFFFF086;
	s6 =	sadd.s32 @!p0 s3, s7;
	s7 =	simm.s32 @!p0 $0x108  }
0x21: {  	s3 =	sadd.s32 s3, s9;
	s6 =	sadd.s32 @!p0 $0x88, s6;
	s7 =	simm.s32 @p2 $0x1082  }
0x22: {  	[simem:s7], [sflag:s8] =	dma.local @!p0 [hbm:s6], $0xF7A  }
0x23: {  	s9 =	sor.u32 $0xD0000000, s2;
	s6 =	simm.s32 $0x108;
	_ =	swait.ge @!p0 [sflag:s8], $0x0  }
0x24: {  	s3 =	sadd.s32 $0x88, s3;
	s6 =	simm.s32 @!p1 $0x1082;
	[sflag:s4] =	ssyncset.s32 $0xFFFFF086  }
0x25: {  	[simem:s6], [sflag:s4] =	dma.local [hbm:s3], $0xF7A  }
0x26: {  	[smem:$0x3F96] =	sst s1;
	(tag) =	ssettag s2;
	_ =	strace s9  }
0x27: {  	s1 =	sld [smem:$0x3FA6]  }
0x28: {  	s2 =	sld [smem:$0x3FA7]  }
0x29: {  	s4 =	sld [smem:$0x3FA9]  }
0x2a: {  	p0 =	seq.s32 s5, $0x0;
	s5 =	sld [smem:$0x3FAA]  }
0x2b: {  	s6 =	sld [smem:$0x3FAB]  }
0x2c: {  	s7 =	sld [smem:$0x3FAC]  }
0x2d: {  	s3 =	simm.s32 $0x108;
	s8 =	sld [smem:$0x3FAD]  }
0x2e: {  	s3 =	simm.s32 @!p0 $0x1082;
	s9 =	sld [smem:$0x3FAE]  }
0x2f: {  	lr =	sadd.s32 s0, s3;
	s0 =	sld [smem:$0x3FA5]  }
0x30: {  	s3 =	sld [smem:$0x3FA8]  }
0x31: {  	[smem:$0x3FB1] =	sst s10  }
0x32: {  	s10 =	sld [smem:$0x3FAF];
	_ =	sdelay $0x3  }
0x33: {  	p0 =	seq.s32 s10, $0x1;
	s10 =	sld [smem:$0x3FB1];
	_ =	sdelay $0x3  }
0x34: {  	[smem:$0x3FB1] =	sst s10  }
0x35: {  	s10 =	sld [smem:$0x3FB0];
	_ =	sdelay $0x3  }
0x36: {  	p1 =	seq.s32 s10, $0x1;
	s10 =	sld [smem:$0x3FB1];
	_ =	sdelay $0x3  }
0x37: {  	[smem:$0x3FB1] =	sst s10  }
0x38: {  	s10 =	sld [smem:$0x3FB2]  }
0x39: {  	_ = 	snop;
	(pc) =	sbr.ind lr, $3  }
0x3a: {  	_ = 	snop  }
0x3b: {  	_ = 	snop  }
0x3c: {  	p2 =	seq.s32 s10, $0x1;
	s10 =	sld [smem:$0x3FB1]  }
0x3d: {  	_ =	shalt  }
0x3e: {  	_ =	shalt  }
0x3f: {  	_ =	shalt  }
0x40: {  	_ =	shalt  }
0x41: {  	_ =	shalt  }
0x42: {  	_ =	shalt  }
0x43: {  	_ =	shalt  }
0x44: {  	_ =	shalt  }
0x45: {  	_ =	shalt  }
0x46: {  	_ =	shalt  }
0x47: {  	_ =	shalt  }
0x48: {  	_ =	shalt  }
0x49: {  	_ =	shalt  }
0x4a: {  	_ =	shalt  }
0x4b: {  	_ =	shalt  }
0x4c: {  	_ =	shalt  }
0x4d: {  	_ =	shalt  }
0x4e: {  	_ =	shalt  }
0x4f: {  	_ =	shalt  }
0x50: {  	_ =	shalt  }
0x51: {  	_ =	shalt  }
0x52: {  	_ =	shalt  }
0x53: {  	_ =	shalt  }
0x54: {  	_ =	shalt  }
0x55: {  	_ =	shalt  }
0x56: {  	_ =	shalt  }
0x57: {  	_ =	shalt  }
0x58: {  	_ =	shalt  }
0x59: {  	_ =	shalt  }
0x5a: {  	_ =	shalt  }
0x5b: {  	_ =	shalt  }
0x5c: {  	_ =	shalt  }
0x5d: {  	_ =	shalt  }
0x5e: {  	_ =	shalt  }
0x5f: {  	_ =	shalt  }
0x60: {  	_ =	shalt  }
0x61: {  	_ =	shalt  }
0x62: {  	_ =	shalt  }
0x63: {  	_ =	shalt  }
0x64: {  	_ =	shalt  }
0x65: {  	_ =	shalt  }
0x66: {  	_ =	shalt  }
0x67: {  	_ =	shalt  }
0x68: {  	_ =	shalt  }
0x69: {  	_ =	shalt  }
0x6a: {  	_ =	shalt  }
0x6b: {  	_ =	shalt  }
0x6c: {  	_ =	shalt  }
0x6d: {  	_ =	shalt  }
0x6e: {  	_ =	shalt  }
0x6f: {  	_ =	shalt  }
0x70: {  	_ =	shalt  }
0x71: {  	_ =	shalt  }
0x72: {  	_ =	shalt  }
0x73: {  	_ =	shalt  }
0x74: {  	_ =	shalt  }
0x75: {  	_ =	shalt  }
0x76: {  	_ =	shalt  }
0x77: {  	_ =	shalt  }
0x78: {  	_ =	shalt  }
0x79: {  	_ =	shalt  }
0x7a: {  	_ =	shalt  }
0x7b: {  	_ =	shalt  }
0x7c: {  	_ =	shalt  }
0x7d: {  	_ =	shalt  }
0x7e: {  	_ =	shalt  }
0x7f: {  	_ =	shalt  }
0x80: {  	_ =	shalt  }
0x81: {  	_ =	shalt  }
0x82: {  	_ =	shalt  }
0x83: {  	_ =	shalt  }
0x84: {  	_ =	shalt  }
0x85: {  	_ =	shalt  }
0x86: {  	_ =	shalt  }
0x87: {  	_ =	shalt  }
.Lfunc_end0:
.L_simem_size_0:
called_computation.3_lowered:
.L_overlay_start_0:
0x88: {  	s2 =	sld [smem:$0x3FD9]  }
0x89: {  	s3 =	sld [smem:$0x3FFE];
	_ =	sdelay $0x1  }
0x8a: {  	s1 =	srdreg.scid  }
0x8b: {  	s0 =	sand.u32 $0x1, s1  }
0x8c: {  	s16 =	sshll.u32 s0, $0xA;
	s2 =	sadd.s32 s3, s2  }
0x8d: {  	s2 =	sadd.s32 s2, s16  }
0x8e: {  	[smem:$0x3FBD] =	sst s2  }
0x8f: {  	_ = 	snop  }
0x90: {  	(tm) =	ssettm $0x1  }
0x91: {  	s17 =	sld [smem:$0x3FFB];
	_ =	sdelay $0x3  }
0x92: {  	_ =	strace s17  }
0x93: {  	s2 =	sld [smem:$0x3FFC];
	_ =	sdelay $0x3  }
0x94: {  	_ =	strace s2  }
0x95: {  	s2 =	sld [smem:$0x3FFD];
	_ =	sdelay $0x3  }
0x96: {  	_ =	strace s2  }
0x97: {  	_ =	strace $0x8FFFFFFF  }
0x98: {  	s18 =	sld [smem:$0x3FDB];
	_ =	sdelay $0x1  }
0x99: {  	s19 =	simm.s32 $_scs_section_size  }
0x9a: {  	s4 =	simm.s32 $_size__tile_overlayer_lowered;
	s5 =	simm.s32 $_tile_overlayer_lowered  }
0x9b: {  	s22 =	simm.s32 $0x1BFF;
	s21 =	sshll.u32 s5, $0x1;
	s2 =	sadd.s32 s19, s18  }
0x9c: {  	s6 =	simm.s32 $0x0;
	s20 =	sshll.u32 s4, $0x1;
	s4 =	sadd.s32 s21, s2  }
0x9d: {  	[timem:s6], [sflag:s22] =	dma.local [hbm:s4], s20  }
0x9e: {  	_ =	swait.ge [sflag:s22], s20  }
0x9f: {  	s3 =	ssub.s32 $0x0, s20;
	[sflag:s22] =	ssyncset.done $0x0  }
0xa0: {  	[sflag:s22] =	ssyncadd.s32 s3;
	_ =	sdelay $0x1  }
0xa1: {  	s23 =	simm.s32 $0x1B8B  }
0xa2: {  	_ =	swait.ge [sflag:s23], $0x1  }
0xa3: {  	[sflag:s23] =	ssyncset.done $0x0  }
0xa4: {  	s25 =	simm.s32 $0x1B8E;
	s24 =	sld [smem:$0x3FFE];
	[sflag:s23] =	ssyncadd.s32 $0xFFFFFFFF  }
0xa5: {  	s26 =	simm.s32 $execute0_lowered;
	[smem:$0x3FD2] =	sst s25  }
0xa6: {  	s4 =	sshll.u32 s26, $0x1;
	_ =	strace $0x8000004F;
	[dreg:$0x1] =	wrdreg $0xFFFFFFFF  }
0xa7: {  	s28 =	simm.s32 $_size_execute0_lowered;
	s2 =	sadd.s32 s2, s4;
	[dreg:$0x0] =	wrdreg $0x0  }
0xa8: {  	s4 =	sshll.u32 s28, $0x1;
	[dreg:$0x2] =	wrdreg s2  }
0xa9: {  	[dreg:$0x3] =	wrdreg s4  }
0xaa: {  	[dreg:$0x4] =	wrdreg $0xC0  }
0xab: {  	_ =	task [dreg:s6], $0x5FFFF  }
0xac: {  	[dreg:$0x1] =	wrdreg $0xFFFFFFFF  }
0xad: {  	[dreg:$0x0] =	wrdreg $0x60  }
0xae: {  	[dreg:$0x2] =	wrdreg s24  }
0xaf: {  	[dreg:$0x3] =	wrdreg $0xA0000  }
0xb0: {  	[dreg:$0x4] =	wrdreg $0x9  }
0xb1: {  	_ =	task.clear_ibuf [dreg:s6], $0x5FFFF;
	_ =	strace $0x9000004F  }
0xb2: {  	s29 =	simm.s32 $0x9;
	_ =	strace $0x80000051  }
0xb3: {  	_ =	swait.ge [sflag:s29], $0x1  }
0xb4: {  	[sflag:s29] =	ssyncadd.s32 $0xFFFFFFFF  }
0xb5: {  	_ =	strace $0x90000051  }
0xb6: {  	_ =	sfence  }
0xb7: {  	s30 =	sld [smem:$0x0];
	_ =	sdelay $0x2  }
0xb8: {  	s31 =	sshll.u32 s1, $0xD;
	s1 =	sshrl.u32 s1, $0x2  }
0xb9: {  	s3 =	sand.u32 $0x4000, s31;
	s1 =	sadd.s32 s1, s30  }
0xba: {  	s0 =	sor.u32 s3, s0;
	s1 =	sshll.u32 s1, $0x11  }
0xbb: {  	s0 =	sor.u32 s1, s0  }
0xbc: {  	s0 =	sadd.s32 $0x8F2B, s0  }
0xbd: {  	[sflag:s0] =	ssyncadd.remote.s32 $0x1  }
0xbe: {  	_ =	sfence.sel $0xFFFF  }
0xbf: {  	[dreg:$0x0] =	wrdreg $0xFFFFFFFF;
	(pc) =	sbr.abs _section_cstart, $3  }
0xc0: {  	[dreg:$0x1] =	wrdreg $0xFFFFFFFF  }
0xc1: {  	_ =	task.clear_ibuf [dreg:s6], $0x2FFFF;
	_ =	strace $0x9FFFFFFF  }
0xc2: {  	(tm) =	ssettm $0x7FFFFFFF  }
0xc3: {  	_ =	shalt  }
tec
execute0_lowered:
.L_overlay_start_1:
0x0: {  	(tag) =	ssettag $0x1  }
0x1: {  	s0 =	rddreg [dreg:$0x0]  }
0x2: {  	s1 =	rddreg [dreg:$0x1]  }
0x3: {  	s3 =	simm.s32 $0x0;
	s5 =	srdreg.scid;
	s2 =	stileid.u32  }
0x4: {  	s14 =	simm.s32 $0xE2600;
	s16 =	simm.s32 $0x2000;
	s17 =	simm.s32 $0x3  }
0x5: {  	s19 =	simm.s32 $0x1000;
	s20 =	simm.s32 $0x7D;
	s21 =	simm.s32 $0x80  }
0x6: {  	s22 =	simm.s32 $0x6000;
	s23 =	simm.s32 $0x1;
	s24 =	simm.s32 $0x2  }
0x7: {  	s25 =	simm.s32 $0x1F00;
	s26 =	simm.s32 $0x1F80;
	s28 =	simm.s32 $0x0  }
0x8: {  	[smem:$0x7FF] =	sst s3;
	s4 =	sadd.s32 $0x88600, s0;
	s18 =	sand.u32 $0x1, s5  }
0x9: {  	s8 =	smul.u32 $0x50000, s2;
	s5 =	sadd.s32 $0x6600, s0;
	s6 =	sadd.s32 $0x10600, s0  }
0xa: {  	s7 =	sadd.s32 $0x92600, s0;
	s15 =	smul.u32 $0x2800, s2;
	s9 =	ssub.s32 $0x2, s18  }
0xb: {  	_ =	strace $0x80000050;
	p0 =	seq.s32 s18, $0x1;
	s10 =	sshrl.u32 s9, $0x1  }
.Ltmp0:
0xc: {  	s8 =	sshrl.u32 s8, $0x2;
	s14 =	simm.s32 @!p0 $0xBA600;
	(pc) =	sbr.rel .LBB2_1-.Ltmp0, $4  }
0xd: {  	p0 =	seq.s32 s18, $0x0;
	s18 =	simm.s32 $0x4;
	s10 =	ssub.s32 s9, s10  }
0xe: {  	s8 =	sadd.s32 s8, s1;
	s9 =	smul.u32 $0x5000, s2;
	s0 =	sadd.s32 s14, s0  }
0xf: {  	s10 =	smax.u32 s10, $0x1;
	s11 =	sadd.s32 $0x4000, s8;
	s12 =	sadd.s32 $0x8000, s8  }
0x10: {  	v0 =	vimm.f32 $0.0e+00;
	s13 =	sadd.s32 $0xC000, s8;
	s14 =	sadd.s32 $0x10000, s8;
	s15 =	sadd.s32 s0, s15  }
.LBB2_12:
0x11: {  	s0 =	stileid.u32;
	s28 =	sadd.s32 $0x1, s28  }
0x12: {  	[bflag:$0x0] =	sbarrier.arrive $0xFFFF;
	s0 =	sshll.u32 s0, $0x6;
	p1 =	sne.s32 s28, s10  }
.Ltmp1:
0x13: {  	s2 =	sshrl.u32 s8, $0x3;
	s0 =	sor.u32 $0x1C03, s0;
	(pc) =	sbr.rel @!p1 .LBB2_13-.Ltmp1, $4  }
0x14: {  	[hbm:s15], [sflag:s0] =	dma.local [spmem:s2], $0x2800  }
0x15: {  	_ =	swait.ge [sflag:s17], $0x2800  }
0x16: {  	[sflag:s17] =	ssyncset.done $0x0  }
0x17: {  	[sflag:s17] =	ssyncadd.s32 $0xFFFFD800  }
.LBB2_1:
0x18: {  	s29 =	simm.s32 $0x0;
	s30 =	simm.s32 $0x200  }
.LBB2_2:
0x19: {  	p1 =	sne.s32 s30, $0xFE00;
	[tilespmem:s29+$0x2070] =	vst v0  }
0x1a: {  	[tilespmem:s29+$0x2000] =	vst v0  }
0x1b: {  	[tilespmem:s29+$0x2010] =	vst v0  }
.Ltmp2:
0x1c: {  	[tilespmem:s29+$0x2020] =	vst v0;
	(pc) =	sbr.rel @p1 .LBB2_2-.Ltmp2, $4  }
0x1d: {  	[tilespmem:s29+$0x2030] =	vst v0  }
0x1e: {  	[tilespmem:s29+$0x2040] =	vst v0  }
0x1f: {  	[tilespmem:s29+$0x2050] =	vst v0  }
0x20: {  	[tilespmem:s29+$0x2060] =	vst v0;
	s29 =	sshra.s32 s30, $0x2;
	s30 =	sadd.s32 $0x200, s30  }
0x21: {  	[tilespmem:s29+$0x2070] =	vst v0  }
0x22: {  	[tilespmem:s29+$0x2000] =	vst v0  }
0x23: {  	[tilespmem:s29+$0x2010] =	vst v0  }
0x24: {  	[tilespmem:s29+$0x2020] =	vst v0  }
0x25: {  	[tilespmem:s29+$0x2030] =	vst v0  }
0x26: {  	[tilespmem:s29+$0x2040] =	vst v0  }
0x27: {  	[tilespmem:s29+$0x2050] =	vst v0  }
0x28: {  	[tilespmem:s29+$0x2060] =	vst v0  }
0x29: {  	[spmem:s8] =	stream.linear.scatter [tilespmem:s16], [sflag:$0x3], $0x4000, $0x38;
	[tilespmem:$0x1E000] =	vst v63  }
0x2a: {  	_ =	swait.ge [sflag:s17], $0x4000  }
0x2b: {  	[sflag:s17] =	ssyncset.done $0x0  }
0x2c: {  	[sflag:s17] =	ssyncadd.s32 $0xFFFFC000  }
0x2d: {  	[spmem:s11] =	stream.linear.scatter [tilespmem:s16], [sflag:$0x3], $0x4000, $0x38;
	[tilespmem:$0x1E000] =	vst v63  }
0x2e: {  	_ =	swait.ge [sflag:s17], $0x4000  }
0x2f: {  	[sflag:s17] =	ssyncset.done $0x0  }
0x30: {  	[sflag:s17] =	ssyncadd.s32 $0xFFFFC000  }
0x31: {  	[spmem:s12] =	stream.linear.scatter [tilespmem:s16], [sflag:$0x3], $0x4000, $0x38;
	[tilespmem:$0x1E000] =	vst v63  }
0x32: {  	_ =	swait.ge [sflag:s17], $0x4000  }
0x33: {  	[sflag:s17] =	ssyncset.done $0x0  }
0x34: {  	[sflag:s17] =	ssyncadd.s32 $0xFFFFC000  }
0x35: {  	[spmem:s13] =	stream.linear.scatter [tilespmem:s16], [sflag:$0x3], $0x4000, $0x38;
	[tilespmem:$0x1E000] =	vst v63  }
0x36: {  	_ =	swait.ge [sflag:s17], $0x4000  }
0x37: {  	[sflag:s17] =	ssyncset.done $0x0  }
0x38: {  	[sflag:s17] =	ssyncadd.s32 $0xFFFFC000  }
0x39: {  	[spmem:s14] =	stream.linear.scatter [tilespmem:s16], [sflag:$0x3], $0x4000, $0x38;
	[tilespmem:$0x1E000] =	vst v63  }
.Ltmp3:
0x3a: {  	_ =	swait.ge [sflag:s17], $0x4000;
	(pc) =	sbr.rel .LBB2_4-.Ltmp3, $4  }
0x3b: {  	[sflag:s17] =	ssyncset.done $0x0  }
0x3c: {  	[sflag:s17] =	ssyncadd.s32 $0xFFFFC000  }
0x3d: {  	[bflag:$0x0] =	sbarrier.arrive $0xFFFF  }
0x3e: {  	s29 =	simm.s32 $0x0  }
.LBB2_7:
0x3f: {  	[tilespmem:s22], [sflag:$0x2] =	stream.indirect.gather [hbm4b:s7+s20], $0x80, s0, s20, $0xb8;
	[tilespmem:$0x1E000] =	vst v63  }
0x40: {  	s30 =	simm.s32 $0x3  }
.LBB2_11:
0x41: {  	_ =	swait.ge [sflag:s23], $0x3E80  }
0x42: {  	[sflag:s23] =	ssyncset.done $0x0  }
0x43: {  	[sflag:s23] =	ssyncadd.s32 $0xFFFFC180  }
0x44: {  	[spmem:s1] =	stream.indirect.scatter.add.f32 [tilespmem:s16], [sflag:$0x4], $0x80, s25, s20, $0xb8;
	[tilespmem:$0x1E000] =	vst v63  }
0x45: {  	_ =	swait.ge [sflag:s18], $0x3E80  }
0x46: {  	[sflag:s18] =	ssyncset.done $0x0  }
0x47: {  	[sflag:s18] =	ssyncadd.s32 $0xFFFFC180  }
0x48: {  	s29 =	sadd.s32 $0x1, s29;
	_ =	swait.ge [sflag:s24], $0x3E80  }
0x49: {  	p1 =	sne.s32 s29, $0x5;
	[sflag:s24] =	ssyncset.done $0x0  }
.Ltmp4:
0x4a: {  	[sflag:s24] =	ssyncadd.s32 $0xFFFFC180;
	(pc) =	sbr.rel @!p1 .LBB2_12-.Ltmp4, $4  }
0x4b: {  	[spmem:s1] =	stream.indirect.scatter.add.f32 [tilespmem:s22], [sflag:s30], $0x80, s26, s20, $0xb8;
	[tilespmem:$0x1E000] =	vst v63  }
0x4c: {  	_ =	swait.ge [sflag:s30], $0x3E80  }
0x4d: {  	[sflag:s30] =	ssyncset.done $0x0  }
0x4e: {  	[sflag:s30] =	ssyncadd.s32 $0xFFFFC180  }
.LBB2_4:
0x4f: {  	s0 =	sshll.u32 s29, $0xC  }
0x50: {  	s0 =	sadd.s32 s9, s0  }
0x51: {  	s0 =	sshrl.u32 s0, $0x3  }
0x52: {  	s30 =	sadd.s32 s4, s0  }
0x53: {  	[tilespmem:s3], [sflag:$0x4] =	stream.linear.gather [hbm4b:s30+s3], $0x1000, $0x38;
	[tilespmem:$0x1E000] =	vst v63  }
0x54: {  	_ =	swait.ge [sflag:s18], $0x1000  }
0x55: {  	[sflag:s18] =	ssyncset.done $0x0  }
.Ltmp5:
0x56: {  	s0 =	sadd.s32 s5, s0;
	[sflag:s18] =	ssyncadd.s32 $0xFFFFF000;
	(pc) =	sbr.rel @!p0 .LBB2_5-.Ltmp5, $4  }
0x57: {  	[tilespmem:s19], [sflag:$0x4] =	stream.linear.gather [hbm4b:s0+s3], $0x1000, $0x38;
	[tilespmem:$0x1E000] =	vst v63  }
0x58: {  	_ =	swait.ge [sflag:s18], $0x1000  }
0x59: {  	[sflag:s18] =	ssyncset.done $0x0  }
0x5a: {  	s0 =	simm.s32 $0x0;
	[sflag:s18] =	ssyncadd.s32 $0xFFFFF000  }
0x5b: {  	[tilespmem:s16], [sflag:$0x1] =	stream.indirect.gather [hbm4b:s6+s20], $0x80, s0, s20, $0xb8;
	[tilespmem:$0x1E000] =	vst v63  }
0x5c: {  	_ = 	snop  }
0x5d: {  	[tilespmem:s22], [sflag:$0x2] =	stream.indirect.gather [hbm4b:s6+s20], $0x80, s21, s20, $0xb8;
	[tilespmem:$0x1E000] =	vst v63  }
0x5e: {  	_ =	swait.ge [sflag:s23], $0x3E80  }
0x5f: {  	[sflag:s23] =	ssyncset.done $0x0  }
0x60: {  	s2 =	simm.s32 $0x1000;
	s30 =	simm.s32 $0x4;
	[sflag:s23] =	ssyncadd.s32 $0xFFFFC180  }
0x61: {  	[spmem:s1] =	stream.indirect.scatter.add.f32 [tilespmem:s16], [sflag:$0x4], $0x80, s2, s20, $0xb8;
	[tilespmem:$0x1E000] =	vst v63  }
0x62: {  	_ =	swait.ge [sflag:s30], $0x3E80  }
0x63: {  	[sflag:s30] =	ssyncset.done $0x0  }
0x64: {  	s2 =	simm.s32 $0x100;
	[sflag:s30] =	ssyncadd.s32 $0xFFFFC180  }
0x65: {  	[tilespmem:s16], [sflag:$0x1] =	stream.indirect.gather [hbm4b:s6+s20], $0x80, s2, s20, $0xb8;
	[tilespmem:$0x1E000] =	vst v63  }
0x66: {  	_ =	swait.ge [sflag:s24], $0x3E80  }
0x67: {  	[sflag:s24] =	ssyncset.done $0x0  }
0x68: {  	s2 =	simm.s32 $0x1080;
	[sflag:s24] =	ssyncadd.s32 $0xFFFFC180  }
0x69: {  	[spmem:s1] =	stream.indirect.scatter.add.f32 [tilespmem:s22], [sflag:$0x4], $0x80, s2, s20, $0xb8;
	[tilespmem:$0x1E000] =	vst v63  }
0x6a: {  	_ =	swait.ge [sflag:s30], $0x3E80  }
0x6b: {  	[sflag:s30] =	ssyncset.done $0x0  }
0x6c: {  	s31 =	simm.s32 $0x400;
	s0 =	simm.s32 $0x180;
	[sflag:s30] =	ssyncadd.s32 $0xFFFFC180  }
.LBB2_9:
0x6d: {  	[tilespmem:s22], [sflag:$0x2] =	stream.indirect.gather [hbm4b:s6+s20], $0x80, s0, s20, $0xb8;
	[tilespmem:$0x1E000] =	vst v63  }
0x6e: {  	s0 =	smov.u32 s31  }
0x6f: {  	p1 =	seq.s32 s31, $0x3800;
	s31 =	sadd.s32 $0x400, s31;
	_ =	swait.ge [sflag:s23], $0x3E80  }
0x70: {  	s0 =	sshra.s32 s0, $0x2;
	[sflag:s23] =	ssyncset.done $0x0  }
0x71: {  	s2 =	sadd.s32 $0x1000, s0;
	[sflag:s23] =	ssyncadd.s32 $0xFFFFC180  }
0x72: {  	[spmem:s1] =	stream.indirect.scatter.add.f32 [tilespmem:s16], [sflag:$0x4], $0x80, s2, s20, $0xb8;
	[tilespmem:$0x1E000] =	vst v63  }
0x73: {  	_ =	swait.ge [sflag:s30], $0x3E80  }
0x74: {  	[sflag:s30] =	ssyncset.done $0x0  }
0x75: {  	s2 =	sadd.s32 $0x100, s0;
	[sflag:s30] =	ssyncadd.s32 $0xFFFFC180  }
0x76: {  	[tilespmem:s16], [sflag:$0x1] =	stream.indirect.gather [hbm4b:s6+s20], $0x80, s2, s20, $0xb8;
	[tilespmem:$0x1E000] =	vst v63  }
0x77: {  	_ =	swait.ge [sflag:s24], $0x3E80  }
0x78: {  	[sflag:s24] =	ssyncset.done $0x0  }
.Ltmp6:
0x79: {  	s2 =	sadd.s32 $0x1080, s0;
	[sflag:s24] =	ssyncadd.s32 $0xFFFFC180;
	(pc) =	sbr.rel @!p1 .LBB2_9-.Ltmp6, $4  }
0x7a: {  	[spmem:s1] =	stream.indirect.scatter.add.f32 [tilespmem:s22], [sflag:$0x4], $0x80, s2, s20, $0xb8;
	[tilespmem:$0x1E000] =	vst v63  }
0x7b: {  	_ =	swait.ge [sflag:s30], $0x3E80  }
0x7c: {  	[sflag:s30] =	ssyncset.done $0x0  }
0x7d: {  	s0 =	sadd.s32 $0x180, s0;
	[sflag:s30] =	ssyncadd.s32 $0xFFFFC180  }
.Ltmp7:
0x7e: {  	(pc) =	sbr.rel .LBB2_11-.Ltmp7, $2  }
0x7f: {  	_ =	sdelay $0x2  }
0x80: {  	[tilespmem:s22], [sflag:$0x2] =	stream.indirect.gather [hbm4b:s6+s20], $0x80, s0, s20, $0xb8;
	[tilespmem:$0x1E000] =	vst v63  }
.LBB2_5:
0x81: {  	[tilespmem:s16], [sflag:$0x1] =	stream.indirect.gather [hbm4b:s7+s20], $0x80, s0, s20, $0xb8;
	[tilespmem:$0x1E000] =	vst v63  }
0x82: {  	_ = 	snop  }
0x83: {  	[tilespmem:s22], [sflag:$0x2] =	stream.indirect.gather [hbm4b:s7+s20], $0x80, s21, s20, $0xb8;
	[tilespmem:$0x1E000] =	vst v63  }
0x84: {  	_ =	swait.ge [sflag:s23], $0x3E80  }
0x85: {  	[sflag:s23] =	ssyncset.done $0x0  }
0x86: {  	s31 =	simm.s32 $0x1000;
	[sflag:s23] =	ssyncadd.s32 $0xFFFFC180  }
0x87: {  	[spmem:s1] =	stream.indirect.scatter.add.f32 [tilespmem:s16], [sflag:$0x4], $0x80, s31, s20, $0xb8;
	[tilespmem:$0x1E000] =	vst v63  }
0x88: {  	_ =	swait.ge [sflag:s18], $0x3E80  }
0x89: {  	[sflag:s18] =	ssyncset.done $0x0  }
0x8a: {  	s2 =	simm.s32 $0x100;
	[sflag:s18] =	ssyncadd.s32 $0xFFFFC180  }
0x8b: {  	[tilespmem:s16], [sflag:$0x1] =	stream.indirect.gather [hbm4b:s7+s20], $0x80, s2, s20, $0xb8;
	[tilespmem:$0x1E000] =	vst v63  }
0x8c: {  	_ =	swait.ge [sflag:s24], $0x3E80  }
0x8d: {  	[sflag:s24] =	ssyncset.done $0x0  }
0x8e: {  	s31 =	simm.s32 $0x1080;
	[sflag:s24] =	ssyncadd.s32 $0xFFFFC180  }
0x8f: {  	[spmem:s1] =	stream.indirect.scatter.add.f32 [tilespmem:s22], [sflag:$0x4], $0x80, s31, s20, $0xb8;
	[tilespmem:$0x1E000] =	vst v63  }
0x90: {  	_ =	swait.ge [sflag:s18], $0x3E80  }
0x91: {  	[sflag:s18] =	ssyncset.done $0x0  }
0x92: {  	s30 =	simm.s32 $0x400;
	s0 =	simm.s32 $0x180;
	[sflag:s18] =	ssyncadd.s32 $0xFFFFC180  }
.LBB2_6:
0x93: {  	[tilespmem:s22], [sflag:$0x2] =	stream.indirect.gather [hbm4b:s7+s20], $0x80, s0, s20, $0xb8;
	[tilespmem:$0x1E000] =	vst v63  }
0x94: {  	s0 =	smov.u32 s30  }
0x95: {  	p1 =	sne.s32 s30, $0x3800;
	s30 =	sadd.s32 $0x400, s30;
	_ =	swait.ge [sflag:s23], $0x3E80  }
0x96: {  	s0 =	sshra.s32 s0, $0x2;
	[sflag:s23] =	ssyncset.done $0x0  }
0x97: {  	s2 =	sadd.s32 $0x1000, s0;
	[sflag:s23] =	ssyncadd.s32 $0xFFFFC180  }
0x98: {  	[spmem:s1] =	stream.indirect.scatter.add.f32 [tilespmem:s16], [sflag:$0x4], $0x80, s2, s20, $0xb8;
	[tilespmem:$0x1E000] =	vst v63  }
0x99: {  	_ =	swait.ge [sflag:s18], $0x3E80  }
0x9a: {  	[sflag:s18] =	ssyncset.done $0x0  }
0x9b: {  	s2 =	sadd.s32 $0x100, s0;
	[sflag:s18] =	ssyncadd.s32 $0xFFFFC180  }
0x9c: {  	[tilespmem:s16], [sflag:$0x1] =	stream.indirect.gather [hbm4b:s7+s20], $0x80, s2, s20, $0xb8;
	[tilespmem:$0x1E000] =	vst v63  }
0x9d: {  	_ =	swait.ge [sflag:s24], $0x3E80  }
0x9e: {  	[sflag:s24] =	ssyncset.done $0x0  }
.Ltmp8:
0x9f: {  	s2 =	sadd.s32 $0x1080, s0;
	[sflag:s24] =	ssyncadd.s32 $0xFFFFC180;
	(pc) =	sbr.rel @p1 .LBB2_6-.Ltmp8, $4  }
0xa0: {  	[spmem:s1] =	stream.indirect.scatter.add.f32 [tilespmem:s22], [sflag:$0x4], $0x80, s2, s20, $0xb8;
	[tilespmem:$0x1E000] =	vst v63  }
0xa1: {  	_ =	swait.ge [sflag:s18], $0x3E80  }
0xa2: {  	[sflag:s18] =	ssyncset.done $0x0  }
0xa3: {  	s0 =	sadd.s32 $0x180, s0;
	[sflag:s18] =	ssyncadd.s32 $0xFFFFC180  }
.Ltmp9:
0xa4: {  	_ = 	snop;
	(pc) =	sbr.rel .LBB2_7-.Ltmp9, $1  }
0xa5: {  	_ =	sdelay $0x3  }
.LBB2_13:
0xa6: {  	_ =	sfence.sel $0x180000  }
0xa7: {  	[bflag:$0x0] =	sbarrier.arrive $0xFFFF  }
0xa8: {  	_ =	strace $0x90000050  }
0xa9: {  	s0 =	stileid.u32;
	[bflag:$0x2] =	sbarrier.arrive $0xFFFF  }
0xaa: {  	p0 =	sne.s32 s0, $0x0;
	s0 =	rddreg [dreg:$0x2]  }
0xab: {  	s0 =	sadd.s32 @!p0 $0x100000, s0  }
0xac: {  	[sflag:s0] =	ssyncadd.tile.s32 @!p0 $0x1;
	_ =	shalt  }
.Lfunc_end2:
_tile_overlayer_lowered:
.L_overlay_start_2:
0xad: {  	(tag) =	ssettag $0x2  }
0xae: {  	s0 =	rddreg [dreg:$0x0];
	s2 =	stileid.u32  }
0xaf: {  	s1 =	rddreg [dreg:$0x1];
	p0 =	sne.s32 s2, $0x0  }
0xb0: {  	s3 =	rddreg [dreg:$0x2];
	[bflag:$0x3] =	sbarrier.arrive $0xFFFF;
	s2 =	simm.s32 @!p0 $0x1C03  }
0xb1: {  	[timem:s3], [sflag:s2] =	dma.local @!p0 [hbm:s0], s1  }
0xb2: {  	s0 =	simm.s32 @!p0 $0x3  }
0xb3: {  	_ =	swait.ge @!p0 [sflag:s0], s1  }
0xb4: {  	s1 =	ssub.s32 @!p0 $0x0, s1;
	[sflag:s0] =	ssyncset.done @!p0 $0x0  }
0xb5: {  	[sflag:s0] =	ssyncadd.s32 @!p0 s1  }
0xb6: {  	[bflag:$0x3] =	sbarrier.arrive $0xFFFF  }
0xb7: {  	_ =	shalt  }

</sc_bundles>
